<compile_context>
chip_gen: v7x
topology: tpu7x:2x2x1
jax: 0.10.2.dev20260603
libtpu: 0.0.44.dev20260713+nightly
codegen_flags: <defaults>
</compile_context>

<pallas_src>
import functools

import jax
import jax.numpy as jnp
from jax import lax
from jax.experimental import pallas as pl
from jax.experimental.pallas import tpu as pltpu
from jax.experimental.pallas import tpu_sc as plsc


def _dot1(x, w):
  return jnp.dot(x.astype(jnp.bfloat16), w.astype(jnp.bfloat16),
                 preferred_element_type=jnp.float32)

N = 10000
E = 320000
A_DIM = 128
S_DIM = 64
A_HID = 64
S_HID = 32

NW = 32
K = 128
ETOT = E + N
S_STEPS = -(-ETOT // (NW * K))
EPAD = NW * K * S_STEPS
NACC = 10112
PAD_ROW = N + 1
ROWS_PER_SUB = NACC // 16


def _make_segsum(D):
  mesh = plsc.VectorSubcoreMesh(core_axis_name="c", subcore_axis_name="s")

  @functools.partial(
      pl.kernel,
      mesh=mesh,
      out_type=jax.ShapeDtypeStruct((2, NACC, D), jnp.float32),
      compiler_params=pltpu.CompilerParams(use_tc_tiling_on_sc=False),
      scratch_types=[
          pltpu.VMEM((S_STEPS, K), jnp.int32),
          pltpu.VMEM((S_STEPS, K), jnp.int32),
          pltpu.VMEM((K, D), jnp.float32),
          pltpu.VMEM_SHARED((NACC, D), jnp.float32),
          pltpu.SemaphoreType.DMA,
      ],
  )
  def seg(table_hbm, src_hbm, dst_hbm, zeros_hbm, out_hbm,
          src_v, dst_v, rows_v, acc_sh, sem):
    c = lax.axis_index("c")
    s = lax.axis_index("s")
    wid = c * 16 + s
    pltpu.sync_copy(zeros_hbm.at[pl.ds(s * ROWS_PER_SUB, ROWS_PER_SUB)],
                    acc_sh.at[pl.ds(s * ROWS_PER_SUB, ROWS_PER_SUB)])
    pltpu.sync_copy(src_hbm.at[wid], src_v)
    pltpu.sync_copy(dst_hbm.at[wid], dst_v)
    plsc.subcore_barrier()

    def body(j, carry):
      pltpu.async_copy(table_hbm.at[src_v.at[j]], rows_v, sem).wait()
      pltpu.sync_copy(rows_v, acc_sh.at[dst_v.at[j]], add=True)
      return carry

    lax.fori_loop(0, S_STEPS, body, 0)
    plsc.subcore_barrier()
    pltpu.sync_copy(acc_sh.at[pl.ds(s * ROWS_PER_SUB, ROWS_PER_SUB)],
                    out_hbm.at[c].at[pl.ds(s * ROWS_PER_SUB, ROWS_PER_SUB)])

  return seg


_SEGSUM = {}


def _segsum(table, src3, dst3):
  d = table.shape[1]
  if d not in _SEGSUM:
    _SEGSUM[d] = _make_segsum(d)
  zeros = jnp.zeros((NACC, d), jnp.float32)
  return _SEGSUM[d](table, src3, dst3, zeros)



NT = 10008
EBLK = 8192


def _make_gather2(D):
  mesh = plsc.VectorSubcoreMesh(core_axis_name="c", subcore_axis_name="s")

  @functools.partial(
      pl.kernel,
      mesh=mesh,
      out_type=(jax.ShapeDtypeStruct((EPAD, D), jnp.float32),
                jax.ShapeDtypeStruct((EPAD, D), jnp.float32)),
      compiler_params=pltpu.CompilerParams(use_tc_tiling_on_sc=False),
      scratch_types=[
          pltpu.VMEM((S_STEPS, K), jnp.int32),
          pltpu.VMEM((S_STEPS, K), jnp.int32),
          pltpu.VMEM((K, D), jnp.float32),
          pltpu.VMEM((K, D), jnp.float32),
          pltpu.SemaphoreType.DMA,
      ],
  )
  def gat(table_hbm, src_hbm, dst_hbm, hj_hbm, hi_hbm,
          src_v, dst_v, bufj, bufi, sem):
    c = lax.axis_index("c")
    s = lax.axis_index("s")
    wid = c * 16 + s
    base = wid * (S_STEPS * K)
    pltpu.sync_copy(src_hbm.at[wid], src_v)
    pltpu.sync_copy(dst_hbm.at[wid], dst_v)

    def body(j, carry):
      pltpu.async_copy(table_hbm.at[src_v.at[j]], bufj, sem).wait()
      pltpu.sync_copy(bufj, hj_hbm.at[pl.ds(base + j * K, K)])
      pltpu.async_copy(table_hbm.at[dst_v.at[j]], bufi, sem).wait()
      pltpu.sync_copy(bufi, hi_hbm.at[pl.ds(base + j * K, K)])
      return carry

    lax.fori_loop(0, S_STEPS, body, 0)

  return gat


_GATHER2 = {}


def _gather2(table, src3, dst3):
  d = table.shape[1]
  if d not in _GATHER2:
    _GATHER2[d] = _make_gather2(d)
  return _GATHER2[d](table, src3, dst3)



def _tc(fn, out_shapes, *ins):
  return pl.pallas_call(fn, out_shape=out_shapes)(*ins)


def _k_dinv(acc_ref, o_ref):
  deg = acc_ref[0, :N, :1] + acc_ref[1, :N, :1]
  o_ref[...] = 1.0 / jnp.sqrt(deg)


def _k_gcn_pre(x_ref, w_ref, dinv_ref, o_ref):
  h = _dot1(x_ref[...], w_ref[...])
  o_ref[...] = h * dinv_ref[...]


def _mk_gcn_post(relu):
  def _k(acc_ref, dinv_ref, b_ref, o_ref):
    t = acc_ref[0, :N, :] + acc_ref[1, :N, :]
    o = t * dinv_ref[...] + b_ref[...]
    o_ref[...] = jnp.maximum(o, 0.0) if relu else o
  return _k


def _mk_gna_pre(do):
  def _k(z_ref, w1_ref, b1_ref, w2_ref, b2_ref, a_ref, lin_ref, hpad_ref, c_ref):
    z = z_ref[...]
    h = jnp.dot(z, w2_ref[...], preferred_element_type=jnp.float32) + b2_ref[...]
    p = jnp.dot(h, a_ref[...], preferred_element_type=jnp.float32,
                precision=jax.lax.Precision.HIGHEST)
    c_ref[...] = jnp.reshape(jnp.max(p) - jnp.min(p) + 2.0, (1, 1))
    lin_ref[...] = jnp.dot(z, w1_ref[...], preferred_element_type=jnp.float32) + b1_ref[...]
    hpad_ref[...] = jnp.concatenate([h, jnp.zeros((NT - N, do), jnp.float32)], axis=0)
  return _k


def _mk_gna_edge(do, dp):
  def _k(hj_ref, hi_ref, a_ref, c_ref, pay_ref):
    hj = hj_ref[...]
    d = hi_ref[...] - hj
    alpha = _dot1(d, a_ref[...])
    w = jnp.exp(alpha - c_ref[...])
    pad = jnp.zeros((EBLK, dp - do - 1), jnp.float32)
    pay_ref[...] = jnp.concatenate([hj * w, w, pad], axis=1)
  return _k


def _mk_gna_post(do):
  def _k(acc_ref, lin_ref, o_ref):
    t = acc_ref[0, :N, :] + acc_ref[1, :N, :]
    numer = t[:, :do]
    den = t[:, do:do + 1]
    o_ref[...] = jnp.maximum(lin_ref[...] + numer / den, 0.0)
  return _k


def _gcn_layer(x, w, b, dinv, src3, dst3, relu):
  t = _tc(_k_gcn_pre, jax.ShapeDtypeStruct((N, w.shape[1]), jnp.float32),
          x, w, dinv)
  acc = _segsum(t, src3, dst3)
  return _tc(_mk_gcn_post(relu),
             jax.ShapeDtypeStruct((N, w.shape[1]), jnp.float32),
             acc, dinv, b)


def _gna_layer(z, w1, b1, w2, b2, a, src3, dst3, iota3):
  do = w1.shape[1]
  dp = {32: 48, 64: 80}[do]
  lin, hpad, cc = _tc(_mk_gna_pre(do),
                      (jax.ShapeDtypeStruct((N, do), jnp.float32),
                       jax.ShapeDtypeStruct((NT, do), jnp.float32),
                       jax.ShapeDtypeStruct((1, 1), jnp.float32)),
                      z, w1, b1, w2, b2, a)
  hj, hi = _gather2(hpad, src3, dst3)
  nblk = EPAD // EBLK
  payload = pl.pallas_call(
      _mk_gna_edge(do, dp),
      grid=(nblk,),
      in_specs=[pl.BlockSpec((EBLK, do), lambda i: (i, 0)),
                pl.BlockSpec((EBLK, do), lambda i: (i, 0)),
                pl.BlockSpec((do, 1), lambda i: (0, 0)),
                pl.BlockSpec((1, 1), lambda i: (0, 0))],
      out_specs=pl.BlockSpec((EBLK, dp), lambda i: (i, 0)),
      out_shape=jax.ShapeDtypeStruct((EPAD, dp), jnp.float32),
  )(hj, hi, a, cc)
  acc = _segsum(payload, iota3, dst3)
  return _tc(_mk_gna_post(do), jax.ShapeDtypeStruct((N, do), jnp.float32),
             acc, lin)


def kernel(x, s, edge_index, gW0, gb0, gW1, gb1, gW2, gb2,
           n1_w1, n1_b1, n1_w2, n1_b2, n1_a,
           n2_w1, n2_b1, n2_w2, n2_b2, n2_a,
           n3_w1, n3_b1, n3_w2, n3_b2, n3_a):
  loop = jnp.arange(N, dtype=jnp.int32)
  pad = EPAD - ETOT
  src = jnp.concatenate(
      [edge_index[0], loop, jnp.zeros((pad,), jnp.int32)])
  dst = jnp.concatenate(
      [edge_index[1], loop, jnp.full((pad,), PAD_ROW, jnp.int32)])
  src3 = src.reshape(NW, S_STEPS, K)
  iota3 = jnp.arange(EPAD, dtype=jnp.int32).reshape(NW, S_STEPS, K)
  dst3 = dst.reshape(NW, S_STEPS, K)

  ones_tab = jnp.ones((N, 16), jnp.float32)
  deg_acc = _segsum(ones_tab, src3, dst3)
  dinv = _tc(_k_dinv, jax.ShapeDtypeStruct((N, 1), jnp.float32), deg_acc)

  h = _gcn_layer(x, gW0, gb0, dinv, src3, dst3, relu=True)
  h = _gcn_layer(h, gW1, gb1, dinv, src3, dst3, relu=True)
  x_ = _gcn_layer(h, gW2, gb2, dinv, src3, dst3, relu=False)

  z = _gna_layer(s, n1_w1, n1_b1, n1_w2, n1_b2, n1_a, src3, dst3, iota3)
  z = _gna_layer(z, n2_w1, n2_b1, n2_w2, n2_b2, n2_a, src3, dst3, iota3)
  s_ = _gna_layer(z, n3_w1, n3_b1, n3_w2, n3_b2, n3_a, src3, dst3, iota3)
  return (x_, s_)

# --- scband reference (transcript-rebuilt; emitter-appended) ---
"""Pipeline reference for scband-guide-base-841813590022 (READ-ONLY COPY).

The authoritative reference and input builder live on the scoring server;
editing this copy changes nothing except your own understanding.
"""

import jax, jax.numpy as jnp
import numpy as np

N = 10000
E = 320000
A_DIM = 128
S_DIM = 64
A_HID = 64
S_HID = 32


def _p(k, shape, fan_in):
    return jax.random.normal(k, shape, jnp.float32) * (1.0 / np.sqrt(fan_in))


def setup_inputs(seed: int = 0) -> dict:
    key = jax.random.key(seed)
    ks = jax.random.split(key, 32)
    inp = {}
    inp["x"] = jax.random.normal(ks[0], (N, A_DIM), jnp.float32)
    inp["s"] = jax.random.normal(ks[1], (N, S_DIM), jnp.float32)
    inp["edge_index"] = jax.random.randint(ks[2], (2, E), 0, N, dtype=jnp.int32)
    inp["gW0"] = _p(ks[3], (A_DIM, A_HID), A_DIM)
    inp["gb0"] = jnp.zeros((A_HID,), jnp.float32)
    inp["gW1"] = _p(ks[4], (A_HID, A_HID), A_HID)
    inp["gb1"] = jnp.zeros((A_HID,), jnp.float32)
    inp["gW2"] = _p(ks[5], (A_HID, A_DIM), A_HID)
    inp["gb2"] = jnp.zeros((A_DIM,), jnp.float32)
    dims = [(S_DIM, S_HID), (S_HID, S_HID), (S_HID, S_DIM)]
    for i, (di, do) in enumerate(dims):
        inp[f"n{i+1}_w1"] = _p(ks[6 + 4 * i], (di, do), di)
        inp[f"n{i+1}_b1"] = jnp.zeros((do,), jnp.float32)
        inp[f"n{i+1}_w2"] = _p(ks[7 + 4 * i], (di, do), di)
        inp[f"n{i+1}_b2"] = jnp.zeros((do,), jnp.float32)
        inp[f"n{i+1}_a"] = jax.random.normal(ks[8 + 4 * i], (do, 1), jnp.float32)
    return inp


def _self_loops(edge_index, n):
    loop = jnp.arange(n, dtype=edge_index.dtype)
    src = jnp.concatenate([edge_index[0], loop])
    dst = jnp.concatenate([edge_index[1], loop])
    return src, dst


def _gcn_conv(x, src, dst, norm, W, b, n):
    h = x @ W
    out = jax.ops.segment_sum(norm[:, None] * h[src], dst, num_segments=n)
    return out + b


def _segment_softmax(alpha, seg, n):
    amax = jax.ops.segment_max(alpha, seg, num_segments=n)
    amax = jnp.where(jnp.isfinite(amax), amax, 0.0)
    e = jnp.exp(alpha - amax[seg])
    denom = jax.ops.segment_sum(e, seg, num_segments=n)
    return e / (denom[seg] + 1e-16)


def _gna_conv(s, src, dst, w1, b1, w2, b2, a, n):
    h = s @ w2 + b2
    hi = h[dst]
    hj = h[src]
    alpha = (hi - hj) @ a
    alpha = _segment_softmax(alpha, dst, n)
    out = jax.ops.segment_sum(alpha * hj, dst, num_segments=n)
    return (s @ w1 + b1) + out


def _forward(x, s, edge_index, gW0, gb0, gW1, gb1, gW2, gb2,
             n1_w1, n1_b1, n1_w2, n1_b2, n1_a,
             n2_w1, n2_b1, n2_w2, n2_b2, n2_a,
             n3_w1, n3_b1, n3_w2, n3_b2, n3_a):
    n = x.shape[0]
    src, dst = _self_loops(edge_index, n)
    deg = jax.ops.segment_sum(jnp.ones_like(src, dtype=x.dtype), dst, num_segments=n)
    dinv = jnp.where(deg > 0, 1.0 / jnp.sqrt(deg), 0.0)
    norm = dinv[src] * dinv[dst]
    # attribute autoencoder: GCN, 3 layers, relu between layers (none after last)
    h = _gcn_conv(x, src, dst, norm, gW0, gb0, n)
    h = jax.nn.relu(h)
    h = _gcn_conv(h, src, dst, norm, gW1, gb1, n)
    h = jax.nn.relu(h)
    x_ = _gcn_conv(h, src, dst, norm, gW2, gb2, n)
    # structure autoencoder: GNA, relu after every layer (dropout p=0.0 is identity)
    z = _gna_conv(s, src, dst, n1_w1, n1_b1, n1_w2, n1_b2, n1_a, n)
    z = jax.nn.relu(z)
    z = _gna_conv(z, src, dst, n2_w1, n2_b1, n2_w2, n2_b2, n2_a, n)
    z = jax.nn.relu(z)
    z = _gna_conv(z, src, dst, n3_w1, n3_b1, n3_w2, n3_b2, n3_a, n)
    s_ = jax.nn.relu(z)
    return (x_, s_)


def reference(x, s, edge_index, gW0, gb0, gW1, gb1, gW2, gb2,
              n1_w1, n1_b1, n1_w2, n1_b2, n1_a,
              n2_w1, n2_b1, n2_w2, n2_b2, n2_a,
              n3_w1, n3_b1, n3_w2, n3_b2, n3_a):
    return _forward(x, s, edge_index, gW0, gb0, gW1, gb1, gW2, gb2,
                    n1_w1, n1_b1, n1_w2, n1_b2, n1_a,
                    n2_w1, n2_b1, n2_w2, n2_b2, n2_a,
                    n3_w1, n3_b1, n3_w2, n3_b2, n3_a)

if __name__ == "__main__":
    import jax
    _d = setup_inputs()
    print(jax.jit(kernel)(*tuple(_d.values())))

</pallas_src>

<mosaic_0001>
#map = affine_map<(d0, d1) -> (0, 0)>
#map1 = affine_map<(d0, d1) -> (0, 0, 0)>
module attributes {stable_mosaic.version = 14 : i64} {
  func.func @gat(%arg0: i32, %arg1: i32, %arg2: memref<10008x32xf32, #tpu.memory_space<hbm>>, %arg3: memref<32x81x128xi32, #tpu.memory_space<hbm>>, %arg4: memref<32x81x128xi32, #tpu.memory_space<hbm>>, %arg5: memref<331776x32xf32, #tpu.memory_space<hbm>>, %arg6: memref<331776x32xf32, #tpu.memory_space<hbm>>, %arg7: memref<81x128xi32, #tpu.memory_space<vmem>>, %arg8: memref<81x128xi32, #tpu.memory_space<vmem>>, %arg9: memref<128x32xf32, #tpu.memory_space<vmem>>, %arg10: memref<128x32xf32, #tpu.memory_space<vmem>>, %arg11: memref<!tpu.dma_semaphore, #tpu.memory_space<semaphore_mem>>) attributes {dimension_semantics = [#tpu.dimension_semantics<core_parallel>, #tpu.dimension_semantics<subcore_parallel>], iteration_bounds = array<i64: 2, 16>, scalar_prefetch = 0 : i64, scratch_operands = 5 : i64, tpu.core_type = #tpu.core_type<sc_vector_subcore>, window_params = [{transform_indices = #map}, {transform_indices = #map1}, {transform_indices = #map1}, {transform_indices = #map}, {transform_indices = #map}]} {
    %mul3A = arith.constant 16 : i32
    %mul3A_0 = arith.muli %arg0, %mul3A : i32
    %add3A = arith.addi %mul3A_0, %arg1 : i32
    %mul3A_1 = arith.constant 10368 : i32
    %mul3A_2 = arith.muli %add3A, %mul3A_1 : i32
    "tpu.region"() ({
      %run_scoped3A = tpu.sem_alloc : memref<!tpu.dma_semaphore, #tpu.memory_space<semaphore_mem>>
      %dma_start3A = arith.constant 0 : i32
      %dma_start3A_8 = arith.constant 0 : i32
      %dma_start3A_9 = tpu.memref_slice %arg3[%add3A, %dma_start3A, %dma_start3A_8] : memref<32x81x128xi32, #tpu.memory_space<hbm>> -> memref<1x81x128xi32, #tpu.memory_space<hbm>>
      %dma_start3A_10 = tpu.memref_squeeze %dma_start3A_9 : memref<1x81x128xi32, #tpu.memory_space<hbm>> -> memref<81x128xi32, #tpu.memory_space<hbm>>
      %dma_start3A_11 = arith.constant 0 : i32
      %dma_start3A_12 = arith.constant 0 : i32
      %dma_start3A_13 = tpu.memref_slice %arg3[%add3A, %dma_start3A_11, %dma_start3A_12] : memref<32x81x128xi32, #tpu.memory_space<hbm>> -> memref<1x81x128xi32, #tpu.memory_space<hbm>>
      %dma_start3A_14 = tpu.memref_squeeze %dma_start3A_13 : memref<1x81x128xi32, #tpu.memory_space<hbm>> -> memref<81x128xi32, #tpu.memory_space<hbm>>
      tpu.enqueue_dma source(%dma_start3A_14 : memref<81x128xi32, #tpu.memory_space<hbm>>) target(%arg7 : memref<81x128xi32, #tpu.memory_space<vmem>>) target_semaphore(%run_scoped3A : memref<!tpu.dma_semaphore, #tpu.memory_space<semaphore_mem>>)
      %dma_wait3A = arith.constant 0 : i32
      %dma_wait3A_15 = arith.constant 0 : i32
      %dma_wait3A_16 = tpu.memref_slice %arg3[%add3A, %dma_wait3A, %dma_wait3A_15] : memref<32x81x128xi32, #tpu.memory_space<hbm>> -> memref<1x81x128xi32, #tpu.memory_space<hbm>>
      %dma_wait3A_17 = tpu.memref_squeeze %dma_wait3A_16 : memref<1x81x128xi32, #tpu.memory_space<hbm>> -> memref<81x128xi32, #tpu.memory_space<hbm>>
      %dma_wait3A_18 = arith.constant 0 : i32
      %dma_wait3A_19 = arith.constant 0 : i32
      %dma_wait3A_20 = tpu.memref_slice %arg3[%add3A, %dma_wait3A_18, %dma_wait3A_19] : memref<32x81x128xi32, #tpu.memory_space<hbm>> -> memref<1x81x128xi32, #tpu.memory_space<hbm>>
      %dma_wait3A_21 = tpu.memref_squeeze %dma_wait3A_20 : memref<1x81x128xi32, #tpu.memory_space<hbm>> -> memref<81x128xi32, #tpu.memory_space<hbm>>
      tpu.wait_dma2 semaphore(%run_scoped3A : memref<!tpu.dma_semaphore, #tpu.memory_space<semaphore_mem>>) src(%dma_wait3A_21 : memref<81x128xi32, #tpu.memory_space<hbm>>) dst(%arg7 : memref<81x128xi32, #tpu.memory_space<vmem>>)
      tpu.yield
    }) : () -> ()
    "tpu.region"() ({
      %run_scoped3A = tpu.sem_alloc : memref<!tpu.dma_semaphore, #tpu.memory_space<semaphore_mem>>
      %dma_start3A = arith.constant 0 : i32
      %dma_start3A_8 = arith.constant 0 : i32
      %dma_start3A_9 = tpu.memref_slice %arg4[%add3A, %dma_start3A, %dma_start3A_8] : memref<32x81x128xi32, #tpu.memory_space<hbm>> -> memref<1x81x128xi32, #tpu.memory_space<hbm>>
      %dma_start3A_10 = tpu.memref_squeeze %dma_start3A_9 : memref<1x81x128xi32, #tpu.memory_space<hbm>> -> memref<81x128xi32, #tpu.memory_space<hbm>>
      %dma_start3A_11 = arith.constant 0 : i32
      %dma_start3A_12 = arith.constant 0 : i32
      %dma_start3A_13 = tpu.memref_slice %arg4[%add3A, %dma_start3A_11, %dma_start3A_12] : memref<32x81x128xi32, #tpu.memory_space<hbm>> -> memref<1x81x128xi32, #tpu.memory_space<hbm>>
      %dma_start3A_14 = tpu.memref_squeeze %dma_start3A_13 : memref<1x81x128xi32, #tpu.memory_space<hbm>> -> memref<81x128xi32, #tpu.memory_space<hbm>>
      tpu.enqueue_dma source(%dma_start3A_14 : memref<81x128xi32, #tpu.memory_space<hbm>>) target(%arg8 : memref<81x128xi32, #tpu.memory_space<vmem>>) target_semaphore(%run_scoped3A : memref<!tpu.dma_semaphore, #tpu.memory_space<semaphore_mem>>)
      %dma_wait3A = arith.constant 0 : i32
      %dma_wait3A_15 = arith.constant 0 : i32
      %dma_wait3A_16 = tpu.memref_slice %arg4[%add3A, %dma_wait3A, %dma_wait3A_15] : memref<32x81x128xi32, #tpu.memory_space<hbm>> -> memref<1x81x128xi32, #tpu.memory_space<hbm>>
      %dma_wait3A_17 = tpu.memref_squeeze %dma_wait3A_16 : memref<1x81x128xi32, #tpu.memory_space<hbm>> -> memref<81x128xi32, #tpu.memory_space<hbm>>
      %dma_wait3A_18 = arith.constant 0 : i32
      %dma_wait3A_19 = arith.constant 0 : i32
      %dma_wait3A_20 = tpu.memref_slice %arg4[%add3A, %dma_wait3A_18, %dma_wait3A_19] : memref<32x81x128xi32, #tpu.memory_space<hbm>> -> memref<1x81x128xi32, #tpu.memory_space<hbm>>
      %dma_wait3A_21 = tpu.memref_squeeze %dma_wait3A_20 : memref<1x81x128xi32, #tpu.memory_space<hbm>> -> memref<81x128xi32, #tpu.memory_space<hbm>>
      tpu.wait_dma2 semaphore(%run_scoped3A : memref<!tpu.dma_semaphore, #tpu.memory_space<semaphore_mem>>) src(%dma_wait3A_21 : memref<81x128xi32, #tpu.memory_space<hbm>>) dst(%arg8 : memref<81x128xi32, #tpu.memory_space<vmem>>)
      tpu.yield
    }) : () -> ()
    %scan3A = arith.constant 0 : i32
    %scan3A_3 = arith.constant 0 : i32
    %scan3A_4 = arith.constant 81 : i32
    %scan3A_5 = arith.addi %scan3A_3, %scan3A_4 : i32
    %scan3A_6 = arith.constant 1 : i32
    scf.for %scan3A_8 = %scan3A_3 to %scan3A_5 step %scan3A_6  : i32 {
      %dma_start3A = arith.constant 0 : i32
      %dma_start3A_9 = tpu.memref_slice %arg7[%scan3A_8, %dma_start3A] : memref<81x128xi32, #tpu.memory_space<vmem>> -> memref<1x128xi32, #tpu.memory_space<vmem>>
      %dma_start3A_10 = tpu.memref_squeeze %dma_start3A_9 : memref<1x128xi32, #tpu.memory_space<vmem>> -> memref<128xi32, #tpu.memory_space<vmem>>
      %dma_start3A_11 = arith.constant 0 : i32
      %dma_start3A_12 = arith.constant 0 : i32
      %dma_start3A_13 = tpu.memref_slice %arg2[%dma_start3A_11, %dma_start3A_12] : memref<10008x32xf32, #tpu.memory_space<hbm>> -> memref<10008x32xf32, #tpu.memory_space<hbm>>
      tpu.enqueue_indirect_dma source(%dma_start3A_13 : memref<10008x32xf32, #tpu.memory_space<hbm>>) target(%arg9 : memref<128x32xf32, #tpu.memory_space<vmem>>) offsets(%dma_start3A_10 : memref<128xi32, #tpu.memory_space<vmem>>) semaphore(%arg11 : memref<!tpu.dma_semaphore, #tpu.memory_space<semaphore_mem>>)
      %dma_wait3A = arith.constant 0 : i32
      %dma_wait3A_14 = tpu.memref_slice %arg7[%scan3A_8, %dma_wait3A] : memref<81x128xi32, #tpu.memory_space<vmem>> -> memref<1x128xi32, #tpu.memory_space<vmem>>
      %dma_wait3A_15 = tpu.memref_squeeze %dma_wait3A_14 : memref<1x128xi32, #tpu.memory_space<vmem>> -> memref<128xi32, #tpu.memory_space<vmem>>
      %dma_wait3A_16 = arith.constant 0 : i32
      %dma_wait3A_17 = arith.constant 0 : i32
      %dma_wait3A_18 = tpu.memref_slice %arg2[%dma_wait3A_16, %dma_wait3A_17] : memref<10008x32xf32, #tpu.memory_space<hbm>> -> memref<10008x32xf32, #tpu.memory_space<hbm>>
      tpu.wait_indirect_dma semaphore(%arg11 : memref<!tpu.dma_semaphore, #tpu.memory_space<semaphore_mem>>) src(%dma_wait3A_18 : memref<10008x32xf32, #tpu.memory_space<hbm>>) dst(%arg9 : memref<128x32xf32, #tpu.memory_space<vmem>>)
      %mul3A_19 = arith.constant 128 : i32
      %mul3A_20 = arith.muli %scan3A_8, %mul3A_19 : i32
      %add3A_21 = arith.addi %mul3A_2, %mul3A_20 : i32
      "tpu.region"() ({
        %run_scoped3A = tpu.sem_alloc : memref<!tpu.dma_semaphore, #tpu.memory_space<semaphore_mem>>
        %dma_start3A_37 = arith.constant 0 : i32
        %dma_start3A_38 = tpu.memref_slice %arg5[%add3A_21, %dma_start3A_37] : memref<331776x32xf32, #tpu.memory_space<hbm>> -> memref<128x32xf32, #tpu.memory_space<hbm>>
        %dma_start3A_39 = arith.constant 0 : i32
        %dma_start3A_40 = tpu.memref_slice %arg5[%add3A_21, %dma_start3A_39] : memref<331776x32xf32, #tpu.memory_space<hbm>> -> memref<128x32xf32, #tpu.memory_space<hbm>>
        tpu.enqueue_dma source(%arg9 : memref<128x32xf32, #tpu.memory_space<vmem>>) target(%dma_start3A_40 : memref<128x32xf32, #tpu.memory_space<hbm>>) target_semaphore(%run_scoped3A : memref<!tpu.dma_semaphore, #tpu.memory_space<semaphore_mem>>)
        %dma_wait3A_41 = arith.constant 0 : i32
        %dma_wait3A_42 = tpu.memref_slice %arg5[%add3A_21, %dma_wait3A_41] : memref<331776x32xf32, #tpu.memory_space<hbm>> -> memref<128x32xf32, #tpu.memory_space<hbm>>
        %dma_wait3A_43 = arith.constant 0 : i32
        %dma_wait3A_44 = tpu.memref_slice %arg5[%add3A_21, %dma_wait3A_43] : memref<331776x32xf32, #tpu.memory_space<hbm>> -> memref<128x32xf32, #tpu.memory_space<hbm>>
        tpu.wait_dma2 semaphore(%run_scoped3A : memref<!tpu.dma_semaphore, #tpu.memory_space<semaphore_mem>>) src(%arg9 : memref<128x32xf32, #tpu.memory_space<vmem>>) dst(%dma_wait3A_44 : memref<128x32xf32, #tpu.memory_space<hbm>>)
        tpu.yield
      }) : () -> ()
      %dma_start3A_22 = arith.constant 0 : i32
      %dma_start3A_23 = tpu.memref_slice %arg8[%scan3A_8, %dma_start3A_22] : memref<81x128xi32, #tpu.memory_space<vmem>> -> memref<1x128xi32, #tpu.memory_space<vmem>>
      %dma_start3A_24 = tpu.memref_squeeze %dma_start3A_23 : memref<1x128xi32, #tpu.memory_space<vmem>> -> memref<128xi32, #tpu.memory_space<vmem>>
      %dma_start3A_25 = arith.constant 0 : i32
      %dma_start3A_26 = arith.constant 0 : i32
      %dma_start3A_27 = tpu.memref_slice %arg2[%dma_start3A_25, %dma_start3A_26] : memref<10008x32xf32, #tpu.memory_space<hbm>> -> memref<10008x32xf32, #tpu.memory_space<hbm>>
      tpu.enqueue_indirect_dma source(%dma_start3A_27 : memref<10008x32xf32, #tpu.memory_space<hbm>>) target(%arg10 : memref<128x32xf32, #tpu.memory_space<vmem>>) offsets(%dma_start3A_24 : memref<128xi32, #tpu.memory_space<vmem>>) semaphore(%arg11 : memref<!tpu.dma_semaphore, #tpu.memory_space<semaphore_mem>>)
      %dma_wait3A_28 = arith.constant 0 : i32
      %dma_wait3A_29 = tpu.memref_slice %arg8[%scan3A_8, %dma_wait3A_28] : memref<81x128xi32, #tpu.memory_space<vmem>> -> memref<1x128xi32, #tpu.memory_space<vmem>>
      %dma_wait3A_30 = tpu.memref_squeeze %dma_wait3A_29 : memref<1x128xi32, #tpu.memory_space<vmem>> -> memref<128xi32, #tpu.memory_space<vmem>>
      %dma_wait3A_31 = arith.constant 0 : i32
      %dma_wait3A_32 = arith.constant 0 : i32
      %dma_wait3A_33 = tpu.memref_slice %arg2[%dma_wait3A_31, %dma_wait3A_32] : memref<10008x32xf32, #tpu.memory_space<hbm>> -> memref<10008x32xf32, #tpu.memory_space<hbm>>
      tpu.wait_indirect_dma semaphore(%arg11 : memref<!tpu.dma_semaphore, #tpu.memory_space<semaphore_mem>>) src(%dma_wait3A_33 : memref<10008x32xf32, #tpu.memory_space<hbm>>) dst(%arg10 : memref<128x32xf32, #tpu.memory_space<vmem>>)
      %mul3A_34 = arith.constant 128 : i32
      %mul3A_35 = arith.muli %scan3A_8, %mul3A_34 : i32
      %add3A_36 = arith.addi %mul3A_2, %mul3A_35 : i32
      "tpu.region"() ({
        %run_scoped3A = tpu.sem_alloc : memref<!tpu.dma_semaphore, #tpu.memory_space<semaphore_mem>>
        %dma_start3A_37 = arith.constant 0 : i32
        %dma_start3A_38 = tpu.memref_slice %arg6[%add3A_36, %dma_start3A_37] : memref<331776x32xf32, #tpu.memory_space<hbm>> -> memref<128x32xf32, #tpu.memory_space<hbm>>
        %dma_start3A_39 = arith.constant 0 : i32
        %dma_start3A_40 = tpu.memref_slice %arg6[%add3A_36, %dma_start3A_39] : memref<331776x32xf32, #tpu.memory_space<hbm>> -> memref<128x32xf32, #tpu.memory_space<hbm>>
        tpu.enqueue_dma source(%arg10 : memref<128x32xf32, #tpu.memory_space<vmem>>) target(%dma_start3A_40 : memref<128x32xf32, #tpu.memory_space<hbm>>) target_semaphore(%run_scoped3A : memref<!tpu.dma_semaphore, #tpu.memory_space<semaphore_mem>>)
        %dma_wait3A_41 = arith.constant 0 : i32
        %dma_wait3A_42 = tpu.memref_slice %arg6[%add3A_36, %dma_wait3A_41] : memref<331776x32xf32, #tpu.memory_space<hbm>> -> memref<128x32xf32, #tpu.memory_space<hbm>>
        %dma_wait3A_43 = arith.constant 0 : i32
        %dma_wait3A_44 = tpu.memref_slice %arg6[%add3A_36, %dma_wait3A_43] : memref<331776x32xf32, #tpu.memory_space<hbm>> -> memref<128x32xf32, #tpu.memory_space<hbm>>
        tpu.wait_dma2 semaphore(%run_scoped3A : memref<!tpu.dma_semaphore, #tpu.memory_space<semaphore_mem>>) src(%arg10 : memref<128x32xf32, #tpu.memory_space<vmem>>) dst(%dma_wait3A_44 : memref<128x32xf32, #tpu.memory_space<hbm>>)
        tpu.yield
      }) : () -> ()
    }
    %scan3A_7 = arith.constant 81 : i32
    return
  }
}

#map = affine_map<(d0, d1) -> (0, 0)>
#map1 = affine_map<(d0, d1) -> (0, 0, 0)>
module attributes {stable_mosaic.version = 14 : i64} {
  func.func @seg(%arg0: i32, %arg1: i32, %arg2: memref<10000x16xf32, #tpu.memory_space<hbm>>, %arg3: memref<32x81x128xi32, #tpu.memory_space<hbm>>, %arg4: memref<32x81x128xi32, #tpu.memory_space<hbm>>, %arg5: memref<10112x16xf32, #tpu.memory_space<hbm>>, %arg6: memref<2x10112x16xf32, #tpu.memory_space<hbm>>, %arg7: memref<81x128xi32, #tpu.memory_space<vmem>>, %arg8: memref<81x128xi32, #tpu.memory_space<vmem>>, %arg9: memref<128x16xf32, #tpu.memory_space<vmem>>, %arg10: memref<10112x16xf32, #tpu.memory_space<vmem_shared>>, %arg11: memref<!tpu.dma_semaphore, #tpu.memory_space<semaphore_mem>>) attributes {dimension_semantics = [#tpu.dimension_semantics<core_parallel>, #tpu.dimension_semantics<subcore_parallel>], iteration_bounds = array<i64: 2, 16>, scalar_prefetch = 0 : i64, scratch_operands = 5 : i64, tpu.core_type = #tpu.core_type<sc_vector_subcore>, window_params = [{transform_indices = #map}, {transform_indices = #map1}, {transform_indices = #map1}, {transform_indices = #map}, {transform_indices = #map1}]} {
    %mul3A = arith.constant 16 : i32
    %mul3A_0 = arith.muli %arg0, %mul3A : i32
    %add3A = arith.addi %mul3A_0, %arg1 : i32
    %mul3A_1 = arith.constant 632 : i32
    %mul3A_2 = arith.muli %arg1, %mul3A_1 : i32
    %mul3A_3 = arith.constant 632 : i32
    %mul3A_4 = arith.muli %arg1, %mul3A_3 : i32
    "tpu.region"() ({
      %run_scoped3A = tpu.sem_alloc : memref<!tpu.dma_semaphore, #tpu.memory_space<semaphore_mem>>
      %dma_start3A = arith.constant 0 : i32
      %dma_start3A_15 = tpu.memref_slice %arg10[%mul3A_4, %dma_start3A] : memref<10112x16xf32, #tpu.memory_space<vmem_shared>> -> memref<632x16xf32, #tpu.memory_space<vmem_shared>>
      %dma_start3A_16 = arith.constant 0 : i32
      %dma_start3A_17 = tpu.memref_slice %arg5[%mul3A_2, %dma_start3A_16] : memref<10112x16xf32, #tpu.memory_space<hbm>> -> memref<632x16xf32, #tpu.memory_space<hbm>>
      tpu.enqueue_dma source(%dma_start3A_17 : memref<632x16xf32, #tpu.memory_space<hbm>>) target(%dma_start3A_15 : memref<632x16xf32, #tpu.memory_space<vmem_shared>>) target_semaphore(%run_scoped3A : memref<!tpu.dma_semaphore, #tpu.memory_space<semaphore_mem>>)
      %dma_wait3A = arith.constant 0 : i32
      %dma_wait3A_18 = tpu.memref_slice %arg10[%mul3A_4, %dma_wait3A] : memref<10112x16xf32, #tpu.memory_space<vmem_shared>> -> memref<632x16xf32, #tpu.memory_space<vmem_shared>>
      %dma_wait3A_19 = arith.constant 0 : i32
      %dma_wait3A_20 = tpu.memref_slice %arg5[%mul3A_2, %dma_wait3A_19] : memref<10112x16xf32, #tpu.memory_space<hbm>> -> memref<632x16xf32, #tpu.memory_space<hbm>>
      tpu.wait_dma2 semaphore(%run_scoped3A : memref<!tpu.dma_semaphore, #tpu.memory_space<semaphore_mem>>) src(%dma_wait3A_20 : memref<632x16xf32, #tpu.memory_space<hbm>>) dst(%dma_wait3A_18 : memref<632x16xf32, #tpu.memory_space<vmem_shared>>)
      tpu.yield
    }) : () -> ()
    "tpu.region"() ({
      %run_scoped3A = tpu.sem_alloc : memref<!tpu.dma_semaphore, #tpu.memory_space<semaphore_mem>>
      %dma_start3A = arith.constant 0 : i32
      %dma_start3A_15 = arith.constant 0 : i32
      %dma_start3A_16 = tpu.memref_slice %arg3[%add3A, %dma_start3A, %dma_start3A_15] : memref<32x81x128xi32, #tpu.memory_space<hbm>> -> memref<1x81x128xi32, #tpu.memory_space<hbm>>
      %dma_start3A_17 = tpu.memref_squeeze %dma_start3A_16 : memref<1x81x128xi32, #tpu.memory_space<hbm>> -> memref<81x128xi32, #tpu.memory_space<hbm>>
      %dma_start3A_18 = arith.constant 0 : i32
      %dma_start3A_19 = arith.constant 0 : i32
      %dma_start3A_20 = tpu.memref_slice %arg3[%add3A, %dma_start3A_18, %dma_start3A_19] : memref<32x81x128xi32, #tpu.memory_space<hbm>> -> memref<1x81x128xi32, #tpu.memory_space<hbm>>
      %dma_start3A_21 = tpu.memref_squeeze %dma_start3A_20 : memref<1x81x128xi32, #tpu.memory_space<hbm>> -> memref<81x128xi32, #tpu.memory_space<hbm>>
      tpu.enqueue_dma source(%dma_start3A_21 : memref<81x128xi32, #tpu.memory_space<hbm>>) target(%arg7 : memref<81x128xi32, #tpu.memory_space<vmem>>) target_semaphore(%run_scoped3A : memref<!tpu.dma_semaphore, #tpu.memory_space<semaphore_mem>>)
      %dma_wait3A = arith.constant 0 : i32
      %dma_wait3A_22 = arith.constant 0 : i32
      %dma_wait3A_23 = tpu.memref_slice %arg3[%add3A, %dma_wait3A, %dma_wait3A_22] : memref<32x81x128xi32, #tpu.memory_space<hbm>> -> memref<1x81x128xi32, #tpu.memory_space<hbm>>
      %dma_wait3A_24 = tpu.memref_squeeze %dma_wait3A_23 : memref<1x81x128xi32, #tpu.memory_space<hbm>> -> memref<81x128xi32, #tpu.memory_space<hbm>>
      %dma_wait3A_25 = arith.constant 0 : i32
      %dma_wait3A_26 = arith.constant 0 : i32
      %dma_wait3A_27 = tpu.memref_slice %arg3[%add3A, %dma_wait3A_25, %dma_wait3A_26] : memref<32x81x128xi32, #tpu.memory_space<hbm>> -> memref<1x81x128xi32, #tpu.memory_space<hbm>>
      %dma_wait3A_28 = tpu.memref_squeeze %dma_wait3A_27 : memref<1x81x128xi32, #tpu.memory_space<hbm>> -> memref<81x128xi32, #tpu.memory_space<hbm>>
      tpu.wait_dma2 semaphore(%run_scoped3A : memref<!tpu.dma_semaphore, #tpu.memory_space<semaphore_mem>>) src(%dma_wait3A_28 : memref<81x128xi32, #tpu.memory_space<hbm>>) dst(%arg7 : memref<81x128xi32, #tpu.memory_space<vmem>>)
      tpu.yield
    }) : () -> ()
    "tpu.region"() ({
      %run_scoped3A = tpu.sem_alloc : memref<!tpu.dma_semaphore, #tpu.memory_space<semaphore_mem>>
      %dma_start3A = arith.constant 0 : i32
      %dma_start3A_15 = arith.constant 0 : i32
      %dma_start3A_16 = tpu.memref_slice %arg4[%add3A, %dma_start3A, %dma_start3A_15] : memref<32x81x128xi32, #tpu.memory_space<hbm>> -> memref<1x81x128xi32, #tpu.memory_space<hbm>>
      %dma_start3A_17 = tpu.memref_squeeze %dma_start3A_16 : memref<1x81x128xi32, #tpu.memory_space<hbm>> -> memref<81x128xi32, #tpu.memory_space<hbm>>
      %dma_start3A_18 = arith.constant 0 : i32
      %dma_start3A_19 = arith.constant 0 : i32
      %dma_start3A_20 = tpu.memref_slice %arg4[%add3A, %dma_start3A_18, %dma_start3A_19] : memref<32x81x128xi32, #tpu.memory_space<hbm>> -> memref<1x81x128xi32, #tpu.memory_space<hbm>>
      %dma_start3A_21 = tpu.memref_squeeze %dma_start3A_20 : memref<1x81x128xi32, #tpu.memory_space<hbm>> -> memref<81x128xi32, #tpu.memory_space<hbm>>
      tpu.enqueue_dma source(%dma_start3A_21 : memref<81x128xi32, #tpu.memory_space<hbm>>) target(%arg8 : memref<81x128xi32, #tpu.memory_space<vmem>>) target_semaphore(%run_scoped3A : memref<!tpu.dma_semaphore, #tpu.memory_space<semaphore_mem>>)
      %dma_wait3A = arith.constant 0 : i32
      %dma_wait3A_22 = arith.constant 0 : i32
      %dma_wait3A_23 = tpu.memref_slice %arg4[%add3A, %dma_wait3A, %dma_wait3A_22] : memref<32x81x128xi32, #tpu.memory_space<hbm>> -> memref<1x81x128xi32, #tpu.memory_space<hbm>>
      %dma_wait3A_24 = tpu.memref_squeeze %dma_wait3A_23 : memref<1x81x128xi32, #tpu.memory_space<hbm>> -> memref<81x128xi32, #tpu.memory_space<hbm>>
      %dma_wait3A_25 = arith.constant 0 : i32
      %dma_wait3A_26 = arith.constant 0 : i32
      %dma_wait3A_27 = tpu.memref_slice %arg4[%add3A, %dma_wait3A_25, %dma_wait3A_26] : memref<32x81x128xi32, #tpu.memory_space<hbm>> -> memref<1x81x128xi32, #tpu.memory_space<hbm>>
      %dma_wait3A_28 = tpu.memref_squeeze %dma_wait3A_27 : memref<1x81x128xi32, #tpu.memory_space<hbm>> -> memref<81x128xi32, #tpu.memory_space<hbm>>
      tpu.wait_dma2 semaphore(%run_scoped3A : memref<!tpu.dma_semaphore, #tpu.memory_space<semaphore_mem>>) src(%dma_wait3A_28 : memref<81x128xi32, #tpu.memory_space<hbm>>) dst(%arg8 : memref<81x128xi32, #tpu.memory_space<vmem>>)
      tpu.yield
    }) : () -> ()
    %barrier3A = arith.constant 0 : index
    tpu.barrier barrier_id(%barrier3A)
    %scan3A = arith.constant 0 : i32
    %scan3A_5 = arith.constant 0 : i32
    %scan3A_6 = arith.constant 81 : i32
    %scan3A_7 = arith.addi %scan3A_5, %scan3A_6 : i32
    %scan3A_8 = arith.constant 1 : i32
    scf.for %scan3A_15 = %scan3A_5 to %scan3A_7 step %scan3A_8  : i32 {
      %dma_start3A = arith.constant 0 : i32
      %dma_start3A_16 = tpu.memref_slice %arg7[%scan3A_15, %dma_start3A] : memref<81x128xi32, #tpu.memory_space<vmem>> -> memref<1x128xi32, #tpu.memory_space<vmem>>
      %dma_start3A_17 = tpu.memref_squeeze %dma_start3A_16 : memref<1x128xi32, #tpu.memory_space<vmem>> -> memref<128xi32, #tpu.memory_space<vmem>>
      %dma_start3A_18 = arith.constant 0 : i32
      %dma_start3A_19 = arith.constant 0 : i32
      %dma_start3A_20 = tpu.memref_slice %arg2[%dma_start3A_18, %dma_start3A_19] : memref<10000x16xf32, #tpu.memory_space<hbm>> -> memref<10000x16xf32, #tpu.memory_space<hbm>>
      tpu.enqueue_indirect_dma source(%dma_start3A_20 : memref<10000x16xf32, #tpu.memory_space<hbm>>) target(%arg9 : memref<128x16xf32, #tpu.memory_space<vmem>>) offsets(%dma_start3A_17 : memref<128xi32, #tpu.memory_space<vmem>>) semaphore(%arg11 : memref<!tpu.dma_semaphore, #tpu.memory_space<semaphore_mem>>)
      %dma_wait3A = arith.constant 0 : i32
      %dma_wait3A_21 = tpu.memref_slice %arg7[%scan3A_15, %dma_wait3A] : memref<81x128xi32, #tpu.memory_space<vmem>> -> memref<1x128xi32, #tpu.memory_space<vmem>>
      %dma_wait3A_22 = tpu.memref_squeeze %dma_wait3A_21 : memref<1x128xi32, #tpu.memory_space<vmem>> -> memref<128xi32, #tpu.memory_space<vmem>>
      %dma_wait3A_23 = arith.constant 0 : i32
      %dma_wait3A_24 = arith.constant 0 : i32
      %dma_wait3A_25 = tpu.memref_slice %arg2[%dma_wait3A_23, %dma_wait3A_24] : memref<10000x16xf32, #tpu.memory_space<hbm>> -> memref<10000x16xf32, #tpu.memory_space<hbm>>
      tpu.wait_indirect_dma semaphore(%arg11 : memref<!tpu.dma_semaphore, #tpu.memory_space<semaphore_mem>>) src(%dma_wait3A_25 : memref<10000x16xf32, #tpu.memory_space<hbm>>) dst(%arg9 : memref<128x16xf32, #tpu.memory_space<vmem>>)
      "tpu.region"() ({
        %run_scoped3A = tpu.sem_alloc : memref<!tpu.dma_semaphore, #tpu.memory_space<semaphore_mem>>
        %dma_start3A_26 = arith.constant 0 : i32
        %dma_start3A_27 = tpu.memref_slice %arg8[%scan3A_15, %dma_start3A_26] : memref<81x128xi32, #tpu.memory_space<vmem>> -> memref<1x128xi32, #tpu.memory_space<vmem>>
        %dma_start3A_28 = tpu.memref_squeeze %dma_start3A_27 : memref<1x128xi32, #tpu.memory_space<vmem>> -> memref<128xi32, #tpu.memory_space<vmem>>
        %dma_start3A_29 = arith.constant 0 : i32
        %dma_start3A_30 = arith.constant 0 : i32
        %dma_start3A_31 = tpu.memref_slice %arg10[%dma_start3A_29, %dma_start3A_30] : memref<10112x16xf32, #tpu.memory_space<vmem_shared>> -> memref<10112x16xf32, #tpu.memory_space<vmem_shared>>
        tpu.enqueue_indirect_dma source(%arg9 : memref<128x16xf32, #tpu.memory_space<vmem>>) target(%dma_start3A_31 : memref<10112x16xf32, #tpu.memory_space<vmem_shared>>) offsets(%dma_start3A_28 : memref<128xi32, #tpu.memory_space<vmem>>) semaphore(%run_scoped3A : memref<!tpu.dma_semaphore, #tpu.memory_space<semaphore_mem>>) {add = true}
        %dma_wait3A_32 = arith.constant 0 : i32
        %dma_wait3A_33 = tpu.memref_slice %arg8[%scan3A_15, %dma_wait3A_32] : memref<81x128xi32, #tpu.memory_space<vmem>> -> memref<1x128xi32, #tpu.memory_space<vmem>>
        %dma_wait3A_34 = tpu.memref_squeeze %dma_wait3A_33 : memref<1x128xi32, #tpu.memory_space<vmem>> -> memref<128xi32, #tpu.memory_space<vmem>>
        %dma_wait3A_35 = arith.constant 0 : i32
        %dma_wait3A_36 = arith.constant 0 : i32
        %dma_wait3A_37 = tpu.memref_slice %arg10[%dma_wait3A_35, %dma_wait3A_36] : memref<10112x16xf32, #tpu.memory_space<vmem_shared>> -> memref<10112x16xf32, #tpu.memory_space<vmem_shared>>
        tpu.wait_indirect_dma semaphore(%run_scoped3A : memref<!tpu.dma_semaphore, #tpu.memory_space<semaphore_mem>>) src(%arg9 : memref<128x16xf32, #tpu.memory_space<vmem>>) dst(%dma_wait3A_37 : memref<10112x16xf32, #tpu.memory_space<vmem_shared>>)
        tpu.yield
      }) : () -> ()
    }
    %scan3A_9 = arith.constant 81 : i32
    %barrier3A_10 = arith.constant 0 : index
    tpu.barrier barrier_id(%barrier3A_10)
    %mul3A_11 = arith.constant 632 : i32
    %mul3A_12 = arith.muli %arg1, %mul3A_11 : i32
    %mul3A_13 = arith.constant 632 : i32
    %mul3A_14 = arith.muli %arg1, %mul3A_13 : i32
    "tpu.region"() ({
      %run_scoped3A = tpu.sem_alloc : memref<!tpu.dma_semaphore, #tpu.memory_space<semaphore_mem>>
      %dma_start3A = arith.constant 0 : i32
      %dma_start3A_15 = arith.constant 0 : i32
      %dma_start3A_16 = tpu.memref_slice %arg6[%arg0, %dma_start3A, %dma_start3A_15] : memref<2x10112x16xf32, #tpu.memory_space<hbm>> -> memref<1x10112x16xf32, #tpu.memory_space<hbm>>
      %dma_start3A_17 = tpu.memref_squeeze %dma_start3A_16 : memref<1x10112x16xf32, #tpu.memory_space<hbm>> -> memref<10112x16xf32, #tpu.memory_space<hbm>>
      %dma_start3A_18 = arith.constant 0 : i32
      %dma_start3A_19 = tpu.memref_slice %dma_start3A_17[%mul3A_14, %dma_start3A_18] : memref<10112x16xf32, #tpu.memory_space<hbm>> -> memref<632x16xf32, #tpu.memory_space<hbm>>
      %dma_start3A_20 = arith.constant 0 : i32
      %dma_start3A_21 = tpu.memref_slice %arg10[%mul3A_12, %dma_start3A_20] : memref<10112x16xf32, #tpu.memory_space<vmem_shared>> -> memref<632x16xf32, #tpu.memory_space<vmem_shared>>
      tpu.enqueue_dma source(%dma_start3A_21 : memref<632x16xf32, #tpu.memory_space<vmem_shared>>) target(%dma_start3A_19 : memref<632x16xf32, #tpu.memory_space<hbm>>) target_semaphore(%run_scoped3A : memref<!tpu.dma_semaphore, #tpu.memory_space<semaphore_mem>>)
      %dma_wait3A = arith.constant 0 : i32
      %dma_wait3A_22 = arith.constant 0 : i32
      %dma_wait3A_23 = tpu.memref_slice %arg6[%arg0, %dma_wait3A, %dma_wait3A_22] : memref<2x10112x16xf32, #tpu.memory_space<hbm>> -> memref<1x10112x16xf32, #tpu.memory_space<hbm>>
      %dma_wait3A_24 = tpu.memref_squeeze %dma_wait3A_23 : memref<1x10112x16xf32, #tpu.memory_space<hbm>> -> memref<10112x16xf32, #tpu.memory_space<hbm>>
      %dma_wait3A_25 = arith.constant 0 : i32
      %dma_wait3A_26 = tpu.memref_slice %dma_wait3A_24[%mul3A_14, %dma_wait3A_25] : memref<10112x16xf32, #tpu.memory_space<hbm>> -> memref<632x16xf32, #tpu.memory_space<hbm>>
      %dma_wait3A_27 = arith.constant 0 : i32
      %dma_wait3A_28 = tpu.memref_slice %arg10[%mul3A_12, %dma_wait3A_27] : memref<10112x16xf32, #tpu.memory_space<vmem_shared>> -> memref<632x16xf32, #tpu.memory_space<vmem_shared>>
      tpu.wait_dma2 semaphore(%run_scoped3A : memref<!tpu.dma_semaphore, #tpu.memory_space<semaphore_mem>>) src(%dma_wait3A_28 : memref<632x16xf32, #tpu.memory_space<vmem_shared>>) dst(%dma_wait3A_26 : memref<632x16xf32, #tpu.memory_space<hbm>>)
      tpu.yield
    }) : () -> ()
    return
  }
}

#map = affine_map<(d0, d1) -> (0, 0)>
#map1 = affine_map<(d0, d1) -> (0, 0, 0)>
module attributes {stable_mosaic.version = 14 : i64} {
  func.func @gat(%arg0: i32, %arg1: i32, %arg2: memref<10008x32xf32, #tpu.memory_space<hbm>>, %arg3: memref<32x81x128xi32, #tpu.memory_space<hbm>>, %arg4: memref<32x81x128xi32, #tpu.memory_space<hbm>>, %arg5: memref<331776x32xf32, #tpu.memory_space<hbm>>, %arg6: memref<331776x32xf32, #tpu.memory_space<hbm>>, %arg7: memref<81x128xi32, #tpu.memory_space<vmem>>, %arg8: memref<81x128xi32, #tpu.memory_space<vmem>>, %arg9: memref<128x32xf32, #tpu.memory_space<vmem>>, %arg10: memref<128x32xf32, #tpu.memory_space<vmem>>, %arg11: memref<!tpu.dma_semaphore, #tpu.memory_space<semaphore_mem>>) attributes {dimension_semantics = [#tpu.dimension_semantics<core_parallel>, #tpu.dimension_semantics<subcore_parallel>], iteration_bounds = array<i64: 2, 16>, scalar_prefetch = 0 : i64, scratch_operands = 5 : i64, tpu.core_type = #tpu.core_type<sc_vector_subcore>, window_params = [{transform_indices = #map}, {transform_indices = #map1}, {transform_indices = #map1}, {transform_indices = #map}, {transform_indices = #map}]} {
    %mul3A = arith.constant 16 : i32
    %mul3A_0 = arith.muli %arg0, %mul3A : i32
    %add3A = arith.addi %mul3A_0, %arg1 : i32
    %mul3A_1 = arith.constant 10368 : i32
    %mul3A_2 = arith.muli %add3A, %mul3A_1 : i32
    "tpu.region"() ({
      %run_scoped3A = tpu.sem_alloc : memref<!tpu.dma_semaphore, #tpu.memory_space<semaphore_mem>>
      %dma_start3A = arith.constant 0 : i32
      %dma_start3A_8 = arith.constant 0 : i32
      %dma_start3A_9 = tpu.memref_slice %arg3[%add3A, %dma_start3A, %dma_start3A_8] : memref<32x81x128xi32, #tpu.memory_space<hbm>> -> memref<1x81x128xi32, #tpu.memory_space<hbm>>
      %dma_start3A_10 = tpu.memref_squeeze %dma_start3A_9 : memref<1x81x128xi32, #tpu.memory_space<hbm>> -> memref<81x128xi32, #tpu.memory_space<hbm>>
      %dma_start3A_11 = arith.constant 0 : i32
      %dma_start3A_12 = arith.constant 0 : i32
      %dma_start3A_13 = tpu.memref_slice %arg3[%add3A, %dma_start3A_11, %dma_start3A_12] : memref<32x81x128xi32, #tpu.memory_space<hbm>> -> memref<1x81x128xi32, #tpu.memory_space<hbm>>
      %dma_start3A_14 = tpu.memref_squeeze %dma_start3A_13 : memref<1x81x128xi32, #tpu.memory_space<hbm>> -> memref<81x128xi32, #tpu.memory_space<hbm>>
      tpu.enqueue_dma source(%dma_start3A_14 : memref<81x128xi32, #tpu.memory_space<hbm>>) target(%arg7 : memref<81x128xi32, #tpu.memory_space<vmem>>) target_semaphore(%run_scoped3A : memref<!tpu.dma_semaphore, #tpu.memory_space<semaphore_mem>>)
      %dma_wait3A = arith.constant 0 : i32
      %dma_wait3A_15 = arith.constant 0 : i32
      %dma_wait3A_16 = tpu.memref_slice %arg3[%add3A, %dma_wait3A, %dma_wait3A_15] : memref<32x81x128xi32, #tpu.memory_space<hbm>> -> memref<1x81x128xi32, #tpu.memory_space<hbm>>
      %dma_wait3A_17 = tpu.memref_squeeze %dma_wait3A_16 : memref<1x81x128xi32, #tpu.memory_space<hbm>> -> memref<81x128xi32, #tpu.memory_space<hbm>>
      %dma_wait3A_18 = arith.constant 0 : i32
      %dma_wait3A_19 = arith.constant 0 : i32
      %dma_wait3A_20 = tpu.memref_slice %arg3[%add3A, %dma_wait3A_18, %dma_wait3A_19] : memref<32x81x128xi32, #tpu.memory_space<hbm>> -> memref<1x81x128xi32, #tpu.memory_space<hbm>>
      %dma_wait3A_21 = tpu.memref_squeeze %dma_wait3A_20 : memref<1x81x128xi32, #tpu.memory_space<hbm>> -> memref<81x128xi32, #tpu.memory_space<hbm>>
      tpu.wait_dma2 semaphore(%run_scoped3A : memref<!tpu.dma_semaphore, #tpu.memory_space<semaphore_mem>>) src(%dma_wait3A_21 : memref<81x128xi32, #tpu.memory_space<hbm>>) dst(%arg7 : memref<81x128xi32, #tpu.memory_space<vmem>>)
      tpu.yield
    }) : () -> ()
    "tpu.region"() ({
      %run_scoped3A = tpu.sem_alloc : memref<!tpu.dma_semaphore, #tpu.memory_space<semaphore_mem>>
      %dma_start3A = arith.constant 0 : i32
      %dma_start3A_8 = arith.constant 0 : i32
      %dma_start3A_9 = tpu.memref_slice %arg4[%add3A, %dma_start3A, %dma_start3A_8] : memref<32x81x128xi32, #tpu.memory_space<hbm>> -> memref<1x81x128xi32, #tpu.memory_space<hbm>>
      %dma_start3A_10 = tpu.memref_squeeze %dma_start3A_9 : memref<1x81x128xi32, #tpu.memory_space<hbm>> -> memref<81x128xi32, #tpu.memory_space<hbm>>
      %dma_start3A_11 = arith.constant 0 : i32
      %dma_start3A_12 = arith.constant 0 : i32
      %dma_start3A_13 = tpu.memref_slice %arg4[%add3A, %dma_start3A_11, %dma_start3A_12] : memref<32x81x128xi32, #tpu.memory_space<hbm>> -> memref<1x81x128xi32, #tpu.memory_space<hbm>>
      %dma_start3A_14 = tpu.memref_squeeze %dma_start3A_13 : memref<1x81x128xi32, #tpu.memory_space<hbm>> -> memref<81x128xi32, #tpu.memory_space<hbm>>
      tpu.enqueue_dma source(%dma_start3A_14 : memref<81x128xi32, #tpu.memory_space<hbm>>) target(%arg8 : memref<81x128xi32, #tpu.memory_space<vmem>>) target_semaphore(%run_scoped3A : memref<!tpu.dma_semaphore, #tpu.memory_space<semaphore_mem>>)
      %dma_wait3A = arith.constant 0 : i32
      %dma_wait3A_15 = arith.constant 0 : i32
      %dma_wait3A_16 = tpu.memref_slice %arg4[%add3A, %dma_wait3A, %dma_wait3A_15] : memref<32x81x128xi32, #tpu.memory_space<hbm>> -> memref<1x81x128xi32, #tpu.memory_space<hbm>>
      %dma_wait3A_17 = tpu.memref_squeeze %dma_wait3A_16 : memref<1x81x128xi32, #tpu.memory_space<hbm>> -> memref<81x128xi32, #tpu.memory_space<hbm>>
      %dma_wait3A_18 = arith.constant 0 : i32
      %dma_wait3A_19 = arith.constant 0 : i32
      %dma_wait3A_20 = tpu.memref_slice %arg4[%add3A, %dma_wait3A_18, %dma_wait3A_19] : memref<32x81x128xi32, #tpu.memory_space<hbm>> -> memref<1x81x128xi32, #tpu.memory_space<hbm>>
      %dma_wait3A_21 = tpu.memref_squeeze %dma_wait3A_20 : memref<1x81x128xi32, #tpu.memory_space<hbm>> -> memref<81x128xi32, #tpu.memory_space<hbm>>
      tpu.wait_dma2 semaphore(%run_scoped3A : memref<!tpu.dma_semaphore, #tpu.memory_space<semaphore_mem>>) src(%dma_wait3A_21 : memref<81x128xi32, #tpu.memory_space<hbm>>) dst(%arg8 : memref<81x128xi32, #tpu.memory_space<vmem>>)
      tpu.yield
    }) : () -> ()
    %scan3A = arith.constant 0 : i32
    %scan3A_3 = arith.constant 0 : i32
    %scan3A_4 = arith.constant 81 : i32
    %scan3A_5 = arith.addi %scan3A_3, %scan3A_4 : i32
    %scan3A_6 = arith.constant 1 : i32
    scf.for %scan3A_8 = %scan3A_3 to %scan3A_5 step %scan3A_6  : i32 {
      %dma_start3A = arith.constant 0 : i32
      %dma_start3A_9 = tpu.memref_slice %arg7[%scan3A_8, %dma_start3A] : memref<81x128xi32, #tpu.memory_space<vmem>> -> memref<1x128xi32, #tpu.memory_space<vmem>>
      %dma_start3A_10 = tpu.memref_squeeze %dma_start3A_9 : memref<1x128xi32, #tpu.memory_space<vmem>> -> memref<128xi32, #tpu.memory_space<vmem>>
      %dma_start3A_11 = arith.constant 0 : i32
      %dma_start3A_12 = arith.constant 0 : i32
      %dma_start3A_13 = tpu.memref_slice %arg2[%dma_start3A_11, %dma_start3A_12] : memref<10008x32xf32, #tpu.memory_space<hbm>> -> memref<10008x32xf32, #tpu.memory_space<hbm>>
      tpu.enqueue_indirect_dma source(%dma_start3A_13 : memref<10008x32xf32, #tpu.memory_space<hbm>>) target(%arg9 : memref<128x32xf32, #tpu.memory_space<vmem>>) offsets(%dma_start3A_10 : memref<128xi32, #tpu.memory_space<vmem>>) semaphore(%arg11 : memref<!tpu.dma_semaphore, #tpu.memory_space<semaphore_mem>>)
      %dma_wait3A = arith.constant 0 : i32
      %dma_wait3A_14 = tpu.memref_slice %arg7[%scan3A_8, %dma_wait3A] : memref<81x128xi32, #tpu.memory_space<vmem>> -> memref<1x128xi32, #tpu.memory_space<vmem>>
      %dma_wait3A_15 = tpu.memref_squeeze %dma_wait3A_14 : memref<1x128xi32, #tpu.memory_space<vmem>> -> memref<128xi32, #tpu.memory_space<vmem>>
      %dma_wait3A_16 = arith.constant 0 : i32
      %dma_wait3A_17 = arith.constant 0 : i32
      %dma_wait3A_18 = tpu.memref_slice %arg2[%dma_wait3A_16, %dma_wait3A_17] : memref<10008x32xf32, #tpu.memory_space<hbm>> -> memref<10008x32xf32, #tpu.memory_space<hbm>>
      tpu.wait_indirect_dma semaphore(%arg11 : memref<!tpu.dma_semaphore, #tpu.memory_space<semaphore_mem>>) src(%dma_wait3A_18 : memref<10008x32xf32, #tpu.memory_space<hbm>>) dst(%arg9 : memref<128x32xf32, #tpu.memory_space<vmem>>)
      %mul3A_19 = arith.constant 128 : i32
      %mul3A_20 = arith.muli %scan3A_8, %mul3A_19 : i32
      %add3A_21 = arith.addi %mul3A_2, %mul3A_20 : i32
      "tpu.region"() ({
        %run_scoped3A = tpu.sem_alloc : memref<!tpu.dma_semaphore, #tpu.memory_space<semaphore_mem>>
        %dma_start3A_37 = arith.constant 0 : i32
        %dma_start3A_38 = tpu.memref_slice %arg5[%add3A_21, %dma_start3A_37] : memref<331776x32xf32, #tpu.memory_space<hbm>> -> memref<128x32xf32, #tpu.memory_space<hbm>>
        %dma_start3A_39 = arith.constant 0 : i32
        %dma_start3A_40 = tpu.memref_slice %arg5[%add3A_21, %dma_start3A_39] : memref<331776x32xf32, #tpu.memory_space<hbm>> -> memref<128x32xf32, #tpu.memory_space<hbm>>
        tpu.enqueue_dma source(%arg9 : memref<128x32xf32, #tpu.memory_space<vmem>>) target(%dma_start3A_40 : memref<128x32xf32, #tpu.memory_space<hbm>>) target_semaphore(%run_scoped3A : memref<!tpu.dma_semaphore, #tpu.memory_space<semaphore_mem>>)
        %dma_wait3A_41 = arith.constant 0 : i32
        %dma_wait3A_42 = tpu.memref_slice %arg5[%add3A_21, %dma_wait3A_41] : memref<331776x32xf32, #tpu.memory_space<hbm>> -> memref<128x32xf32, #tpu.memory_space<hbm>>
        %dma_wait3A_43 = arith.constant 0 : i32
        %dma_wait3A_44 = tpu.memref_slice %arg5[%add3A_21, %dma_wait3A_43] : memref<331776x32xf32, #tpu.memory_space<hbm>> -> memref<128x32xf32, #tpu.memory_space<hbm>>
        tpu.wait_dma2 semaphore(%run_scoped3A : memref<!tpu.dma_semaphore, #tpu.memory_space<semaphore_mem>>) src(%arg9 : memref<128x32xf32, #tpu.memory_space<vmem>>) dst(%dma_wait3A_44 : memref<128x32xf32, #tpu.memory_space<hbm>>)
        tpu.yield
      }) : () -> ()
      %dma_start3A_22 = arith.constant 0 : i32
      %dma_start3A_23 = tpu.memref_slice %arg8[%scan3A_8, %dma_start3A_22] : memref<81x128xi32, #tpu.memory_space<vmem>> -> memref<1x128xi32, #tpu.memory_space<vmem>>
      %dma_start3A_24 = tpu.memref_squeeze %dma_start3A_23 : memref<1x128xi32, #tpu.memory_space<vmem>> -> memref<128xi32, #tpu.memory_space<vmem>>
      %dma_start3A_25 = arith.constant 0 : i32
      %dma_start3A_26 = arith.constant 0 : i32
      %dma_start3A_27 = tpu.memref_slice %arg2[%dma_start3A_25, %dma_start3A_26] : memref<10008x32xf32, #tpu.memory_space<hbm>> -> memref<10008x32xf32, #tpu.memory_space<hbm>>
      tpu.enqueue_indirect_dma source(%dma_start3A_27 : memref<10008x32xf32, #tpu.memory_space<hbm>>) target(%arg10 : memref<128x32xf32, #tpu.memory_space<vmem>>) offsets(%dma_start3A_24 : memref<128xi32, #tpu.memory_space<vmem>>) semaphore(%arg11 : memref<!tpu.dma_semaphore, #tpu.memory_space<semaphore_mem>>)
      %dma_wait3A_28 = arith.constant 0 : i32
      %dma_wait3A_29 = tpu.memref_slice %arg8[%scan3A_8, %dma_wait3A_28] : memref<81x128xi32, #tpu.memory_space<vmem>> -> memref<1x128xi32, #tpu.memory_space<vmem>>
      %dma_wait3A_30 = tpu.memref_squeeze %dma_wait3A_29 : memref<1x128xi32, #tpu.memory_space<vmem>> -> memref<128xi32, #tpu.memory_space<vmem>>
      %dma_wait3A_31 = arith.constant 0 : i32
      %dma_wait3A_32 = arith.constant 0 : i32
      %dma_wait3A_33 = tpu.memref_slice %arg2[%dma_wait3A_31, %dma_wait3A_32] : memref<10008x32xf32, #tpu.memory_space<hbm>> -> memref<10008x32xf32, #tpu.memory_space<hbm>>
      tpu.wait_indirect_dma semaphore(%arg11 : memref<!tpu.dma_semaphore, #tpu.memory_space<semaphore_mem>>) src(%dma_wait3A_33 : memref<10008x32xf32, #tpu.memory_space<hbm>>) dst(%arg10 : memref<128x32xf32, #tpu.memory_space<vmem>>)
      %mul3A_34 = arith.constant 128 : i32
      %mul3A_35 = arith.muli %scan3A_8, %mul3A_34 : i32
      %add3A_36 = arith.addi %mul3A_2, %mul3A_35 : i32
      "tpu.region"() ({
        %run_scoped3A = tpu.sem_alloc : memref<!tpu.dma_semaphore, #tpu.memory_space<semaphore_mem>>
        %dma_start3A_37 = arith.constant 0 : i32
        %dma_start3A_38 = tpu.memref_slice %arg6[%add3A_36, %dma_start3A_37] : memref<331776x32xf32, #tpu.memory_space<hbm>> -> memref<128x32xf32, #tpu.memory_space<hbm>>
        %dma_start3A_39 = arith.constant 0 : i32
        %dma_start3A_40 = tpu.memref_slice %arg6[%add3A_36, %dma_start3A_39] : memref<331776x32xf32, #tpu.memory_space<hbm>> -> memref<128x32xf32, #tpu.memory_space<hbm>>
        tpu.enqueue_dma source(%arg10 : memref<128x32xf32, #tpu.memory_space<vmem>>) target(%dma_start3A_40 : memref<128x32xf32, #tpu.memory_space<hbm>>) target_semaphore(%run_scoped3A : memref<!tpu.dma_semaphore, #tpu.memory_space<semaphore_mem>>)
        %dma_wait3A_41 = arith.constant 0 : i32
        %dma_wait3A_42 = tpu.memref_slice %arg6[%add3A_36, %dma_wait3A_41] : memref<331776x32xf32, #tpu.memory_space<hbm>> -> memref<128x32xf32, #tpu.memory_space<hbm>>
        %dma_wait3A_43 = arith.constant 0 : i32
        %dma_wait3A_44 = tpu.memref_slice %arg6[%add3A_36, %dma_wait3A_43] : memref<331776x32xf32, #tpu.memory_space<hbm>> -> memref<128x32xf32, #tpu.memory_space<hbm>>
        tpu.wait_dma2 semaphore(%run_scoped3A : memref<!tpu.dma_semaphore, #tpu.memory_space<semaphore_mem>>) src(%arg10 : memref<128x32xf32, #tpu.memory_space<vmem>>) dst(%dma_wait3A_44 : memref<128x32xf32, #tpu.memory_space<hbm>>)
        tpu.yield
      }) : () -> ()
    }
    %scan3A_7 = arith.constant 81 : i32
    return
  }
}

#map = affine_map<(d0, d1) -> (0, 0)>
#map1 = affine_map<(d0, d1) -> (0, 0, 0)>
module attributes {stable_mosaic.version = 14 : i64} {
  func.func @seg(%arg0: i32, %arg1: i32, %arg2: memref<331776x48xf32, #tpu.memory_space<hbm>>, %arg3: memref<32x81x128xi32, #tpu.memory_space<hbm>>, %arg4: memref<32x81x128xi32, #tpu.memory_space<hbm>>, %arg5: memref<10112x48xf32, #tpu.memory_space<hbm>>, %arg6: memref<2x10112x48xf32, #tpu.memory_space<hbm>>, %arg7: memref<81x128xi32, #tpu.memory_space<vmem>>, %arg8: memref<81x128xi32, #tpu.memory_space<vmem>>, %arg9: memref<128x48xf32, #tpu.memory_space<vmem>>, %arg10: memref<10112x48xf32, #tpu.memory_space<vmem_shared>>, %arg11: memref<!tpu.dma_semaphore, #tpu.memory_space<semaphore_mem>>) attributes {dimension_semantics = [#tpu.dimension_semantics<core_parallel>, #tpu.dimension_semantics<subcore_parallel>], iteration_bounds = array<i64: 2, 16>, scalar_prefetch = 0 : i64, scratch_operands = 5 : i64, tpu.core_type = #tpu.core_type<sc_vector_subcore>, window_params = [{transform_indices = #map}, {transform_indices = #map1}, {transform_indices = #map1}, {transform_indices = #map}, {transform_indices = #map1}]} {
    %mul3A = arith.constant 16 : i32
    %mul3A_0 = arith.muli %arg0, %mul3A : i32
    %add3A = arith.addi %mul3A_0, %arg1 : i32
    %mul3A_1 = arith.constant 632 : i32
    %mul3A_2 = arith.muli %arg1, %mul3A_1 : i32
    %mul3A_3 = arith.constant 632 : i32
    %mul3A_4 = arith.muli %arg1, %mul3A_3 : i32
    "tpu.region"() ({
      %run_scoped3A = tpu.sem_alloc : memref<!tpu.dma_semaphore, #tpu.memory_space<semaphore_mem>>
      %dma_start3A = arith.constant 0 : i32
      %dma_start3A_15 = tpu.memref_slice %arg10[%mul3A_4, %dma_start3A] : memref<10112x48xf32, #tpu.memory_space<vmem_shared>> -> memref<632x48xf32, #tpu.memory_space<vmem_shared>>
      %dma_start3A_16 = arith.constant 0 : i32
      %dma_start3A_17 = tpu.memref_slice %arg5[%mul3A_2, %dma_start3A_16] : memref<10112x48xf32, #tpu.memory_space<hbm>> -> memref<632x48xf32, #tpu.memory_space<hbm>>
      tpu.enqueue_dma source(%dma_start3A_17 : memref<632x48xf32, #tpu.memory_space<hbm>>) target(%dma_start3A_15 : memref<632x48xf32, #tpu.memory_space<vmem_shared>>) target_semaphore(%run_scoped3A : memref<!tpu.dma_semaphore, #tpu.memory_space<semaphore_mem>>)
      %dma_wait3A = arith.constant 0 : i32
      %dma_wait3A_18 = tpu.memref_slice %arg10[%mul3A_4, %dma_wait3A] : memref<10112x48xf32, #tpu.memory_space<vmem_shared>> -> memref<632x48xf32, #tpu.memory_space<vmem_shared>>
      %dma_wait3A_19 = arith.constant 0 : i32
      %dma_wait3A_20 = tpu.memref_slice %arg5[%mul3A_2, %dma_wait3A_19] : memref<10112x48xf32, #tpu.memory_space<hbm>> -> memref<632x48xf32, #tpu.memory_space<hbm>>
      tpu.wait_dma2 semaphore(%run_scoped3A : memref<!tpu.dma_semaphore, #tpu.memory_space<semaphore_mem>>) src(%dma_wait3A_20 : memref<632x48xf32, #tpu.memory_space<hbm>>) dst(%dma_wait3A_18 : memref<632x48xf32, #tpu.memory_space<vmem_shared>>)
      tpu.yield
    }) : () -> ()
    "tpu.region"() ({
      %run_scoped3A = tpu.sem_alloc : memref<!tpu.dma_semaphore, #tpu.memory_space<semaphore_mem>>
      %dma_start3A = arith.constant 0 : i32
      %dma_start3A_15 = arith.constant 0 : i32
      %dma_start3A_16 = tpu.memref_slice %arg3[%add3A, %dma_start3A, %dma_start3A_15] : memref<32x81x128xi32, #tpu.memory_space<hbm>> -> memref<1x81x128xi32, #tpu.memory_space<hbm>>
      %dma_start3A_17 = tpu.memref_squeeze %dma_start3A_16 : memref<1x81x128xi32, #tpu.memory_space<hbm>> -> memref<81x128xi32, #tpu.memory_space<hbm>>
      %dma_start3A_18 = arith.constant 0 : i32
      %dma_start3A_19 = arith.constant 0 : i32
      %dma_start3A_20 = tpu.memref_slice %arg3[%add3A, %dma_start3A_18, %dma_start3A_19] : memref<32x81x128xi32, #tpu.memory_space<hbm>> -> memref<1x81x128xi32, #tpu.memory_space<hbm>>
      %dma_start3A_21 = tpu.memref_squeeze %dma_start3A_20 : memref<1x81x128xi32, #tpu.memory_space<hbm>> -> memref<81x128xi32, #tpu.memory_space<hbm>>
      tpu.enqueue_dma source(%dma_start3A_21 : memref<81x128xi32, #tpu.memory_space<hbm>>) target(%arg7 : memref<81x128xi32, #tpu.memory_space<vmem>>) target_semaphore(%run_scoped3A : memref<!tpu.dma_semaphore, #tpu.memory_space<semaphore_mem>>)
      %dma_wait3A = arith.constant 0 : i32
      %dma_wait3A_22 = arith.constant 0 : i32
      %dma_wait3A_23 = tpu.memref_slice %arg3[%add3A, %dma_wait3A, %dma_wait3A_22] : memref<32x81x128xi32, #tpu.memory_space<hbm>> -> memref<1x81x128xi32, #tpu.memory_space<hbm>>
      %dma_wait3A_24 = tpu.memref_squeeze %dma_wait3A_23 : memref<1x81x128xi32, #tpu.memory_space<hbm>> -> memref<81x128xi32, #tpu.memory_space<hbm>>
      %dma_wait3A_25 = arith.constant 0 : i32
      %dma_wait3A_26 = arith.constant 0 : i32
      %dma_wait3A_27 = tpu.memref_slice %arg3[%add3A, %dma_wait3A_25, %dma_wait3A_26] : memref<32x81x128xi32, #tpu.memory_space<hbm>> -> memref<1x81x128xi32, #tpu.memory_space<hbm>>
      %dma_wait3A_28 = tpu.memref_squeeze %dma_wait3A_27 : memref<1x81x128xi32, #tpu.memory_space<hbm>> -> memref<81x128xi32, #tpu.memory_space<hbm>>
      tpu.wait_dma2 semaphore(%run_scoped3A : memref<!tpu.dma_semaphore, #tpu.memory_space<semaphore_mem>>) src(%dma_wait3A_28 : memref<81x128xi32, #tpu.memory_space<hbm>>) dst(%arg7 : memref<81x128xi32, #tpu.memory_space<vmem>>)
      tpu.yield
    }) : () -> ()
    "tpu.region"() ({
      %run_scoped3A = tpu.sem_alloc : memref<!tpu.dma_semaphore, #tpu.memory_space<semaphore_mem>>
      %dma_start3A = arith.constant 0 : i32
      %dma_start3A_15 = arith.constant 0 : i32
      %dma_start3A_16 = tpu.memref_slice %arg4[%add3A, %dma_start3A, %dma_start3A_15] : memref<32x81x128xi32, #tpu.memory_space<hbm>> -> memref<1x81x128xi32, #tpu.memory_space<hbm>>
      %dma_start3A_17 = tpu.memref_squeeze %dma_start3A_16 : memref<1x81x128xi32, #tpu.memory_space<hbm>> -> memref<81x128xi32, #tpu.memory_space<hbm>>
      %dma_start3A_18 = arith.constant 0 : i32
      %dma_start3A_19 = arith.constant 0 : i32
      %dma_start3A_20 = tpu.memref_slice %arg4[%add3A, %dma_start3A_18, %dma_start3A_19] : memref<32x81x128xi32, #tpu.memory_space<hbm>> -> memref<1x81x128xi32, #tpu.memory_space<hbm>>
      %dma_start3A_21 = tpu.memref_squeeze %dma_start3A_20 : memref<1x81x128xi32, #tpu.memory_space<hbm>> -> memref<81x128xi32, #tpu.memory_space<hbm>>
      tpu.enqueue_dma source(%dma_start3A_21 : memref<81x128xi32, #tpu.memory_space<hbm>>) target(%arg8 : memref<81x128xi32, #tpu.memory_space<vmem>>) target_semaphore(%run_scoped3A : memref<!tpu.dma_semaphore, #tpu.memory_space<semaphore_mem>>)
      %dma_wait3A = arith.constant 0 : i32
      %dma_wait3A_22 = arith.constant 0 : i32
      %dma_wait3A_23 = tpu.memref_slice %arg4[%add3A, %dma_wait3A, %dma_wait3A_22] : memref<32x81x128xi32, #tpu.memory_space<hbm>> -> memref<1x81x128xi32, #tpu.memory_space<hbm>>
      %dma_wait3A_24 = tpu.memref_squeeze %dma_wait3A_23 : memref<1x81x128xi32, #tpu.memory_space<hbm>> -> memref<81x128xi32, #tpu.memory_space<hbm>>
      %dma_wait3A_25 = arith.constant 0 : i32
      %dma_wait3A_26 = arith.constant 0 : i32
      %dma_wait3A_27 = tpu.memref_slice %arg4[%add3A, %dma_wait3A_25, %dma_wait3A_26] : memref<32x81x128xi32, #tpu.memory_space<hbm>> -> memref<1x81x128xi32, #tpu.memory_space<hbm>>
      %dma_wait3A_28 = tpu.memref_squeeze %dma_wait3A_27 : memref<1x81x128xi32, #tpu.memory_space<hbm>> -> memref<81x128xi32, #tpu.memory_space<hbm>>
      tpu.wait_dma2 semaphore(%run_scoped3A : memref<!tpu.dma_semaphore, #tpu.memory_space<semaphore_mem>>) src(%dma_wait3A_28 : memref<81x128xi32, #tpu.memory_space<hbm>>) dst(%arg8 : memref<81x128xi32, #tpu.memory_space<vmem>>)
      tpu.yield
    }) : () -> ()
    %barrier3A = arith.constant 0 : index
    tpu.barrier barrier_id(%barrier3A)
    %scan3A = arith.constant 0 : i32
    %scan3A_5 = arith.constant 0 : i32
    %scan3A_6 = arith.constant 81 : i32
    %scan3A_7 = arith.addi %scan3A_5, %scan3A_6 : i32
    %scan3A_8 = arith.constant 1 : i32
    scf.for %scan3A_15 = %scan3A_5 to %scan3A_7 step %scan3A_8  : i32 {
      %dma_start3A = arith.constant 0 : i32
      %dma_start3A_16 = tpu.memref_slice %arg7[%scan3A_15, %dma_start3A] : memref<81x128xi32, #tpu.memory_space<vmem>> -> memref<1x128xi32, #tpu.memory_space<vmem>>
      %dma_start3A_17 = tpu.memref_squeeze %dma_start3A_16 : memref<1x128xi32, #tpu.memory_space<vmem>> -> memref<128xi32, #tpu.memory_space<vmem>>
      %dma_start3A_18 = arith.constant 0 : i32
      %dma_start3A_19 = arith.constant 0 : i32
      %dma_start3A_20 = tpu.memref_slice %arg2[%dma_start3A_18, %dma_start3A_19] : memref<331776x48xf32, #tpu.memory_space<hbm>> -> memref<331776x48xf32, #tpu.memory_space<hbm>>
      tpu.enqueue_indirect_dma source(%dma_start3A_20 : memref<331776x48xf32, #tpu.memory_space<hbm>>) target(%arg9 : memref<128x48xf32, #tpu.memory_space<vmem>>) offsets(%dma_start3A_17 : memref<128xi32, #tpu.memory_space<vmem>>) semaphore(%arg11 : memref<!tpu.dma_semaphore, #tpu.memory_space<semaphore_mem>>)
      %dma_wait3A = arith.constant 0 : i32
      %dma_wait3A_21 = tpu.memref_slice %arg7[%scan3A_15, %dma_wait3A] : memref<81x128xi32, #tpu.memory_space<vmem>> -> memref<1x128xi32, #tpu.memory_space<vmem>>
      %dma_wait3A_22 = tpu.memref_squeeze %dma_wait3A_21 : memref<1x128xi32, #tpu.memory_space<vmem>> -> memref<128xi32, #tpu.memory_space<vmem>>
      %dma_wait3A_23 = arith.constant 0 : i32
      %dma_wait3A_24 = arith.constant 0 : i32
      %dma_wait3A_25 = tpu.memref_slice %arg2[%dma_wait3A_23, %dma_wait3A_24] : memref<331776x48xf32, #tpu.memory_space<hbm>> -> memref<331776x48xf32, #tpu.memory_space<hbm>>
      tpu.wait_indirect_dma semaphore(%arg11 : memref<!tpu.dma_semaphore, #tpu.memory_space<semaphore_mem>>) src(%dma_wait3A_25 : memref<331776x48xf32, #tpu.memory_space<hbm>>) dst(%arg9 : memref<128x48xf32, #tpu.memory_space<vmem>>)
      "tpu.region"() ({
        %run_scoped3A = tpu.sem_alloc : memref<!tpu.dma_semaphore, #tpu.memory_space<semaphore_mem>>
        %dma_start3A_26 = arith.constant 0 : i32
        %dma_start3A_27 = tpu.memref_slice %arg8[%scan3A_15, %dma_start3A_26] : memref<81x128xi32, #tpu.memory_space<vmem>> -> memref<1x128xi32, #tpu.memory_space<vmem>>
        %dma_start3A_28 = tpu.memref_squeeze %dma_start3A_27 : memref<1x128xi32, #tpu.memory_space<vmem>> -> memref<128xi32, #tpu.memory_space<vmem>>
        %dma_start3A_29 = arith.constant 0 : i32
        %dma_start3A_30 = arith.constant 0 : i32
        %dma_start3A_31 = tpu.memref_slice %arg10[%dma_start3A_29, %dma_start3A_30] : memref<10112x48xf32, #tpu.memory_space<vmem_shared>> -> memref<10112x48xf32, #tpu.memory_space<vmem_shared>>
        tpu.enqueue_indirect_dma source(%arg9 : memref<128x48xf32, #tpu.memory_space<vmem>>) target(%dma_start3A_31 : memref<10112x48xf32, #tpu.memory_space<vmem_shared>>) offsets(%dma_start3A_28 : memref<128xi32, #tpu.memory_space<vmem>>) semaphore(%run_scoped3A : memref<!tpu.dma_semaphore, #tpu.memory_space<semaphore_mem>>) {add = true}
        %dma_wait3A_32 = arith.constant 0 : i32
        %dma_wait3A_33 = tpu.memref_slice %arg8[%scan3A_15, %dma_wait3A_32] : memref<81x128xi32, #tpu.memory_space<vmem>> -> memref<1x128xi32, #tpu.memory_space<vmem>>
        %dma_wait3A_34 = tpu.memref_squeeze %dma_wait3A_33 : memref<1x128xi32, #tpu.memory_space<vmem>> -> memref<128xi32, #tpu.memory_space<vmem>>
        %dma_wait3A_35 = arith.constant 0 : i32
        %dma_wait3A_36 = arith.constant 0 : i32
        %dma_wait3A_37 = tpu.memref_slice %arg10[%dma_wait3A_35, %dma_wait3A_36] : memref<10112x48xf32, #tpu.memory_space<vmem_shared>> -> memref<10112x48xf32, #tpu.memory_space<vmem_shared>>
        tpu.wait_indirect_dma semaphore(%run_scoped3A : memref<!tpu.dma_semaphore, #tpu.memory_space<semaphore_mem>>) src(%arg9 : memref<128x48xf32, #tpu.memory_space<vmem>>) dst(%dma_wait3A_37 : memref<10112x48xf32, #tpu.memory_space<vmem_shared>>)
        tpu.yield
      }) : () -> ()
    }
    %scan3A_9 = arith.constant 81 : i32
    %barrier3A_10 = arith.constant 0 : index
    tpu.barrier barrier_id(%barrier3A_10)
    %mul3A_11 = arith.constant 632 : i32
    %mul3A_12 = arith.muli %arg1, %mul3A_11 : i32
    %mul3A_13 = arith.constant 632 : i32
    %mul3A_14 = arith.muli %arg1, %mul3A_13 : i32
    "tpu.region"() ({
      %run_scoped3A = tpu.sem_alloc : memref<!tpu.dma_semaphore, #tpu.memory_space<semaphore_mem>>
      %dma_start3A = arith.constant 0 : i32
      %dma_start3A_15 = arith.constant 0 : i32
      %dma_start3A_16 = tpu.memref_slice %arg6[%arg0, %dma_start3A, %dma_start3A_15] : memref<2x10112x48xf32, #tpu.memory_space<hbm>> -> memref<1x10112x48xf32, #tpu.memory_space<hbm>>
      %dma_start3A_17 = tpu.memref_squeeze %dma_start3A_16 : memref<1x10112x48xf32, #tpu.memory_space<hbm>> -> memref<10112x48xf32, #tpu.memory_space<hbm>>
      %dma_start3A_18 = arith.constant 0 : i32
      %dma_start3A_19 = tpu.memref_slice %dma_start3A_17[%mul3A_14, %dma_start3A_18] : memref<10112x48xf32, #tpu.memory_space<hbm>> -> memref<632x48xf32, #tpu.memory_space<hbm>>
      %dma_start3A_20 = arith.constant 0 : i32
      %dma_start3A_21 = tpu.memref_slice %arg10[%mul3A_12, %dma_start3A_20] : memref<10112x48xf32, #tpu.memory_space<vmem_shared>> -> memref<632x48xf32, #tpu.memory_space<vmem_shared>>
      tpu.enqueue_dma source(%dma_start3A_21 : memref<632x48xf32, #tpu.memory_space<vmem_shared>>) target(%dma_start3A_19 : memref<632x48xf32, #tpu.memory_space<hbm>>) target_semaphore(%run_scoped3A : memref<!tpu.dma_semaphore, #tpu.memory_space<semaphore_mem>>)
      %dma_wait3A = arith.constant 0 : i32
      %dma_wait3A_22 = arith.constant 0 : i32
      %dma_wait3A_23 = tpu.memref_slice %arg6[%arg0, %dma_wait3A, %dma_wait3A_22] : memref<2x10112x48xf32, #tpu.memory_space<hbm>> -> memref<1x10112x48xf32, #tpu.memory_space<hbm>>
      %dma_wait3A_24 = tpu.memref_squeeze %dma_wait3A_23 : memref<1x10112x48xf32, #tpu.memory_space<hbm>> -> memref<10112x48xf32, #tpu.memory_space<hbm>>
      %dma_wait3A_25 = arith.constant 0 : i32
      %dma_wait3A_26 = tpu.memref_slice %dma_wait3A_24[%mul3A_14, %dma_wait3A_25] : memref<10112x48xf32, #tpu.memory_space<hbm>> -> memref<632x48xf32, #tpu.memory_space<hbm>>
      %dma_wait3A_27 = arith.constant 0 : i32
      %dma_wait3A_28 = tpu.memref_slice %arg10[%mul3A_12, %dma_wait3A_27] : memref<10112x48xf32, #tpu.memory_space<vmem_shared>> -> memref<632x48xf32, #tpu.memory_space<vmem_shared>>
      tpu.wait_dma2 semaphore(%run_scoped3A : memref<!tpu.dma_semaphore, #tpu.memory_space<semaphore_mem>>) src(%dma_wait3A_28 : memref<632x48xf32, #tpu.memory_space<vmem_shared>>) dst(%dma_wait3A_26 : memref<632x48xf32, #tpu.memory_space<hbm>>)
      tpu.yield
    }) : () -> ()
    return
  }
}

#map = affine_map<(d0, d1) -> (0, 0)>
#map1 = affine_map<(d0, d1) -> (0, 0, 0)>
module attributes {stable_mosaic.version = 14 : i64} {
  func.func @seg(%arg0: i32, %arg1: i32, %arg2: memref<10000x64xf32, #tpu.memory_space<hbm>>, %arg3: memref<32x81x128xi32, #tpu.memory_space<hbm>>, %arg4: memref<32x81x128xi32, #tpu.memory_space<hbm>>, %arg5: memref<10112x64xf32, #tpu.memory_space<hbm>>, %arg6: memref<2x10112x64xf32, #tpu.memory_space<hbm>>, %arg7: memref<81x128xi32, #tpu.memory_space<vmem>>, %arg8: memref<81x128xi32, #tpu.memory_space<vmem>>, %arg9: memref<128x64xf32, #tpu.memory_space<vmem>>, %arg10: memref<10112x64xf32, #tpu.memory_space<vmem_shared>>, %arg11: memref<!tpu.dma_semaphore, #tpu.memory_space<semaphore_mem>>) attributes {dimension_semantics = [#tpu.dimension_semantics<core_parallel>, #tpu.dimension_semantics<subcore_parallel>], iteration_bounds = array<i64: 2, 16>, scalar_prefetch = 0 : i64, scratch_operands = 5 : i64, tpu.core_type = #tpu.core_type<sc_vector_subcore>, window_params = [{transform_indices = #map}, {transform_indices = #map1}, {transform_indices = #map1}, {transform_indices = #map}, {transform_indices = #map1}]} {
    %mul3A = arith.constant 16 : i32
    %mul3A_0 = arith.muli %arg0, %mul3A : i32
    %add3A = arith.addi %mul3A_0, %arg1 : i32
    %mul3A_1 = arith.constant 632 : i32
    %mul3A_2 = arith.muli %arg1, %mul3A_1 : i32
    %mul3A_3 = arith.constant 632 : i32
    %mul3A_4 = arith.muli %arg1, %mul3A_3 : i32
    "tpu.region"() ({
      %run_scoped3A = tpu.sem_alloc : memref<!tpu.dma_semaphore, #tpu.memory_space<semaphore_mem>>
      %dma_start3A = arith.constant 0 : i32
      %dma_start3A_15 = tpu.memref_slice %arg10[%mul3A_4, %dma_start3A] : memref<10112x64xf32, #tpu.memory_space<vmem_shared>> -> memref<632x64xf32, #tpu.memory_space<vmem_shared>>
      %dma_start3A_16 = arith.constant 0 : i32
      %dma_start3A_17 = tpu.memref_slice %arg5[%mul3A_2, %dma_start3A_16] : memref<10112x64xf32, #tpu.memory_space<hbm>> -> memref<632x64xf32, #tpu.memory_space<hbm>>
      tpu.enqueue_dma source(%dma_start3A_17 : memref<632x64xf32, #tpu.memory_space<hbm>>) target(%dma_start3A_15 : memref<632x64xf32, #tpu.memory_space<vmem_shared>>) target_semaphore(%run_scoped3A : memref<!tpu.dma_semaphore, #tpu.memory_space<semaphore_mem>>)
      %dma_wait3A = arith.constant 0 : i32
      %dma_wait3A_18 = tpu.memref_slice %arg10[%mul3A_4, %dma_wait3A] : memref<10112x64xf32, #tpu.memory_space<vmem_shared>> -> memref<632x64xf32, #tpu.memory_space<vmem_shared>>
      %dma_wait3A_19 = arith.constant 0 : i32
      %dma_wait3A_20 = tpu.memref_slice %arg5[%mul3A_2, %dma_wait3A_19] : memref<10112x64xf32, #tpu.memory_space<hbm>> -> memref<632x64xf32, #tpu.memory_space<hbm>>
      tpu.wait_dma2 semaphore(%run_scoped3A : memref<!tpu.dma_semaphore, #tpu.memory_space<semaphore_mem>>) src(%dma_wait3A_20 : memref<632x64xf32, #tpu.memory_space<hbm>>) dst(%dma_wait3A_18 : memref<632x64xf32, #tpu.memory_space<vmem_shared>>)
      tpu.yield
    }) : () -> ()
    "tpu.region"() ({
      %run_scoped3A = tpu.sem_alloc : memref<!tpu.dma_semaphore, #tpu.memory_space<semaphore_mem>>
      %dma_start3A = arith.constant 0 : i32
      %dma_start3A_15 = arith.constant 0 : i32
      %dma_start3A_16 = tpu.memref_slice %arg3[%add3A, %dma_start3A, %dma_start3A_15] : memref<32x81x128xi32, #tpu.memory_space<hbm>> -> memref<1x81x128xi32, #tpu.memory_space<hbm>>
      %dma_start3A_17 = tpu.memref_squeeze %dma_start3A_16 : memref<1x81x128xi32, #tpu.memory_space<hbm>> -> memref<81x128xi32, #tpu.memory_space<hbm>>
      %dma_start3A_18 = arith.constant 0 : i32
      %dma_start3A_19 = arith.constant 0 : i32
      %dma_start3A_20 = tpu.memref_slice %arg3[%add3A, %dma_start3A_18, %dma_start3A_19] : memref<32x81x128xi32, #tpu.memory_space<hbm>> -> memref<1x81x128xi32, #tpu.memory_space<hbm>>
      %dma_start3A_21 = tpu.memref_squeeze %dma_start3A_20 : memref<1x81x128xi32, #tpu.memory_space<hbm>> -> memref<81x128xi32, #tpu.memory_space<hbm>>
      tpu.enqueue_dma source(%dma_start3A_21 : memref<81x128xi32, #tpu.memory_space<hbm>>) target(%arg7 : memref<81x128xi32, #tpu.memory_space<vmem>>) target_semaphore(%run_scoped3A : memref<!tpu.dma_semaphore, #tpu.memory_space<semaphore_mem>>)
      %dma_wait3A = arith.constant 0 : i32
      %dma_wait3A_22 = arith.constant 0 : i32
      %dma_wait3A_23 = tpu.memref_slice %arg3[%add3A, %dma_wait3A, %dma_wait3A_22] : memref<32x81x128xi32, #tpu.memory_space<hbm>> -> memref<1x81x128xi32, #tpu.memory_space<hbm>>
      %dma_wait3A_24 = tpu.memref_squeeze %dma_wait3A_23 : memref<1x81x128xi32, #tpu.memory_space<hbm>> -> memref<81x128xi32, #tpu.memory_space<hbm>>
      %dma_wait3A_25 = arith.constant 0 : i32
      %dma_wait3A_26 = arith.constant 0 : i32
      %dma_wait3A_27 = tpu.memref_slice %arg3[%add3A, %dma_wait3A_25, %dma_wait3A_26] : memref<32x81x128xi32, #tpu.memory_space<hbm>> -> memref<1x81x128xi32, #tpu.memory_space<hbm>>
      %dma_wait3A_28 = tpu.memref_squeeze %dma_wait3A_27 : memref<1x81x128xi32, #tpu.memory_space<hbm>> -> memref<81x128xi32, #tpu.memory_space<hbm>>
      tpu.wait_dma2 semaphore(%run_scoped3A : memref<!tpu.dma_semaphore, #tpu.memory_space<semaphore_mem>>) src(%dma_wait3A_28 : memref<81x128xi32, #tpu.memory_space<hbm>>) dst(%arg7 : memref<81x128xi32, #tpu.memory_space<vmem>>)
      tpu.yield
    }) : () -> ()
    "tpu.region"() ({
      %run_scoped3A = tpu.sem_alloc : memref<!tpu.dma_semaphore, #tpu.memory_space<semaphore_mem>>
      %dma_start3A = arith.constant 0 : i32
      %dma_start3A_15 = arith.constant 0 : i32
      %dma_start3A_16 = tpu.memref_slice %arg4[%add3A, %dma_start3A, %dma_start3A_15] : memref<32x81x128xi32, #tpu.memory_space<hbm>> -> memref<1x81x128xi32, #tpu.memory_space<hbm>>
      %dma_start3A_17 = tpu.memref_squeeze %dma_start3A_16 : memref<1x81x128xi32, #tpu.memory_space<hbm>> -> memref<81x128xi32, #tpu.memory_space<hbm>>
      %dma_start3A_18 = arith.constant 0 : i32
      %dma_start3A_19 = arith.constant 0 : i32
      %dma_start3A_20 = tpu.memref_slice %arg4[%add3A, %dma_start3A_18, %dma_start3A_19] : memref<32x81x128xi32, #tpu.memory_space<hbm>> -> memref<1x81x128xi32, #tpu.memory_space<hbm>>
      %dma_start3A_21 = tpu.memref_squeeze %dma_start3A_20 : memref<1x81x128xi32, #tpu.memory_space<hbm>> -> memref<81x128xi32, #tpu.memory_space<hbm>>
      tpu.enqueue_dma source(%dma_start3A_21 : memref<81x128xi32, #tpu.memory_space<hbm>>) target(%arg8 : memref<81x128xi32, #tpu.memory_space<vmem>>) target_semaphore(%run_scoped3A : memref<!tpu.dma_semaphore, #tpu.memory_space<semaphore_mem>>)
      %dma_wait3A = arith.constant 0 : i32
      %dma_wait3A_22 = arith.constant 0 : i32
      %dma_wait3A_23 = tpu.memref_slice %arg4[%add3A, %dma_wait3A, %dma_wait3A_22] : memref<32x81x128xi32, #tpu.memory_space<hbm>> -> memref<1x81x128xi32, #tpu.memory_space<hbm>>
      %dma_wait3A_24 = tpu.memref_squeeze %dma_wait3A_23 : memref<1x81x128xi32, #tpu.memory_space<hbm>> -> memref<81x128xi32, #tpu.memory_space<hbm>>
      %dma_wait3A_25 = arith.constant 0 : i32
      %dma_wait3A_26 = arith.constant 0 : i32
      %dma_wait3A_27 = tpu.memref_slice %arg4[%add3A, %dma_wait3A_25, %dma_wait3A_26] : memref<32x81x128xi32, #tpu.memory_space<hbm>> -> memref<1x81x128xi32, #tpu.memory_space<hbm>>
      %dma_wait3A_28 = tpu.memref_squeeze %dma_wait3A_27 : memref<1x81x128xi32, #tpu.memory_space<hbm>> -> memref<81x128xi32, #tpu.memory_space<hbm>>
      tpu.wait_dma2 semaphore(%run_scoped3A : memref<!tpu.dma_semaphore, #tpu.memory_space<semaphore_mem>>) src(%dma_wait3A_28 : memref<81x128xi32, #tpu.memory_space<hbm>>) dst(%arg8 : memref<81x128xi32, #tpu.memory_space<vmem>>)
      tpu.yield
    }) : () -> ()
    %barrier3A = arith.constant 0 : index
    tpu.barrier barrier_id(%barrier3A)
    %scan3A = arith.constant 0 : i32
    %scan3A_5 = arith.constant 0 : i32
    %scan3A_6 = arith.constant 81 : i32
    %scan3A_7 = arith.addi %scan3A_5, %scan3A_6 : i32
    %scan3A_8 = arith.constant 1 : i32
    scf.for %scan3A_15 = %scan3A_5 to %scan3A_7 step %scan3A_8  : i32 {
      %dma_start3A = arith.constant 0 : i32
      %dma_start3A_16 = tpu.memref_slice %arg7[%scan3A_15, %dma_start3A] : memref<81x128xi32, #tpu.memory_space<vmem>> -> memref<1x128xi32, #tpu.memory_space<vmem>>
      %dma_start3A_17 = tpu.memref_squeeze %dma_start3A_16 : memref<1x128xi32, #tpu.memory_space<vmem>> -> memref<128xi32, #tpu.memory_space<vmem>>
      %dma_start3A_18 = arith.constant 0 : i32
      %dma_start3A_19 = arith.constant 0 : i32
      %dma_start3A_20 = tpu.memref_slice %arg2[%dma_start3A_18, %dma_start3A_19] : memref<10000x64xf32, #tpu.memory_space<hbm>> -> memref<10000x64xf32, #tpu.memory_space<hbm>>
      tpu.enqueue_indirect_dma source(%dma_start3A_20 : memref<10000x64xf32, #tpu.memory_space<hbm>>) target(%arg9 : memref<128x64xf32, #tpu.memory_space<vmem>>) offsets(%dma_start3A_17 : memref<128xi32, #tpu.memory_space<vmem>>) semaphore(%arg11 : memref<!tpu.dma_semaphore, #tpu.memory_space<semaphore_mem>>)
      %dma_wait3A = arith.constant 0 : i32
      %dma_wait3A_21 = tpu.memref_slice %arg7[%scan3A_15, %dma_wait3A] : memref<81x128xi32, #tpu.memory_space<vmem>> -> memref<1x128xi32, #tpu.memory_space<vmem>>
      %dma_wait3A_22 = tpu.memref_squeeze %dma_wait3A_21 : memref<1x128xi32, #tpu.memory_space<vmem>> -> memref<128xi32, #tpu.memory_space<vmem>>
      %dma_wait3A_23 = arith.constant 0 : i32
      %dma_wait3A_24 = arith.constant 0 : i32
      %dma_wait3A_25 = tpu.memref_slice %arg2[%dma_wait3A_23, %dma_wait3A_24] : memref<10000x64xf32, #tpu.memory_space<hbm>> -> memref<10000x64xf32, #tpu.memory_space<hbm>>
      tpu.wait_indirect_dma semaphore(%arg11 : memref<!tpu.dma_semaphore, #tpu.memory_space<semaphore_mem>>) src(%dma_wait3A_25 : memref<10000x64xf32, #tpu.memory_space<hbm>>) dst(%arg9 : memref<128x64xf32, #tpu.memory_space<vmem>>)
      "tpu.region"() ({
        %run_scoped3A = tpu.sem_alloc : memref<!tpu.dma_semaphore, #tpu.memory_space<semaphore_mem>>
        %dma_start3A_26 = arith.constant 0 : i32
        %dma_start3A_27 = tpu.memref_slice %arg8[%scan3A_15, %dma_start3A_26] : memref<81x128xi32, #tpu.memory_space<vmem>> -> memref<1x128xi32, #tpu.memory_space<vmem>>
        %dma_start3A_28 = tpu.memref_squeeze %dma_start3A_27 : memref<1x128xi32, #tpu.memory_space<vmem>> -> memref<128xi32, #tpu.memory_space<vmem>>
        %dma_start3A_29 = arith.constant 0 : i32
        %dma_start3A_30 = arith.constant 0 : i32
        %dma_start3A_31 = tpu.memref_slice %arg10[%dma_start3A_29, %dma_start3A_30] : memref<10112x64xf32, #tpu.memory_space<vmem_shared>> -> memref<10112x64xf32, #tpu.memory_space<vmem_shared>>
        tpu.enqueue_indirect_dma source(%arg9 : memref<128x64xf32, #tpu.memory_space<vmem>>) target(%dma_start3A_31 : memref<10112x64xf32, #tpu.memory_space<vmem_shared>>) offsets(%dma_start3A_28 : memref<128xi32, #tpu.memory_space<vmem>>) semaphore(%run_scoped3A : memref<!tpu.dma_semaphore, #tpu.memory_space<semaphore_mem>>) {add = true}
        %dma_wait3A_32 = arith.constant 0 : i32
        %dma_wait3A_33 = tpu.memref_slice %arg8[%scan3A_15, %dma_wait3A_32] : memref<81x128xi32, #tpu.memory_space<vmem>> -> memref<1x128xi32, #tpu.memory_space<vmem>>
        %dma_wait3A_34 = tpu.memref_squeeze %dma_wait3A_33 : memref<1x128xi32, #tpu.memory_space<vmem>> -> memref<128xi32, #tpu.memory_space<vmem>>
        %dma_wait3A_35 = arith.constant 0 : i32
        %dma_wait3A_36 = arith.constant 0 : i32
        %dma_wait3A_37 = tpu.memref_slice %arg10[%dma_wait3A_35, %dma_wait3A_36] : memref<10112x64xf32, #tpu.memory_space<vmem_shared>> -> memref<10112x64xf32, #tpu.memory_space<vmem_shared>>
        tpu.wait_indirect_dma semaphore(%run_scoped3A : memref<!tpu.dma_semaphore, #tpu.memory_space<semaphore_mem>>) src(%arg9 : memref<128x64xf32, #tpu.memory_space<vmem>>) dst(%dma_wait3A_37 : memref<10112x64xf32, #tpu.memory_space<vmem_shared>>)
        tpu.yield
      }) : () -> ()
    }
    %scan3A_9 = arith.constant 81 : i32
    %barrier3A_10 = arith.constant 0 : index
    tpu.barrier barrier_id(%barrier3A_10)
    %mul3A_11 = arith.constant 632 : i32
    %mul3A_12 = arith.muli %arg1, %mul3A_11 : i32
    %mul3A_13 = arith.constant 632 : i32
    %mul3A_14 = arith.muli %arg1, %mul3A_13 : i32
    "tpu.region"() ({
      %run_scoped3A = tpu.sem_alloc : memref<!tpu.dma_semaphore, #tpu.memory_space<semaphore_mem>>
      %dma_start3A = arith.constant 0 : i32
      %dma_start3A_15 = arith.constant 0 : i32
      %dma_start3A_16 = tpu.memref_slice %arg6[%arg0, %dma_start3A, %dma_start3A_15] : memref<2x10112x64xf32, #tpu.memory_space<hbm>> -> memref<1x10112x64xf32, #tpu.memory_space<hbm>>
      %dma_start3A_17 = tpu.memref_squeeze %dma_start3A_16 : memref<1x10112x64xf32, #tpu.memory_space<hbm>> -> memref<10112x64xf32, #tpu.memory_space<hbm>>
      %dma_start3A_18 = arith.constant 0 : i32
      %dma_start3A_19 = tpu.memref_slice %dma_start3A_17[%mul3A_14, %dma_start3A_18] : memref<10112x64xf32, #tpu.memory_space<hbm>> -> memref<632x64xf32, #tpu.memory_space<hbm>>
      %dma_start3A_20 = arith.constant 0 : i32
      %dma_start3A_21 = tpu.memref_slice %arg10[%mul3A_12, %dma_start3A_20] : memref<10112x64xf32, #tpu.memory_space<vmem_shared>> -> memref<632x64xf32, #tpu.memory_space<vmem_shared>>
      tpu.enqueue_dma source(%dma_start3A_21 : memref<632x64xf32, #tpu.memory_space<vmem_shared>>) target(%dma_start3A_19 : memref<632x64xf32, #tpu.memory_space<hbm>>) target_semaphore(%run_scoped3A : memref<!tpu.dma_semaphore, #tpu.memory_space<semaphore_mem>>)
      %dma_wait3A = arith.constant 0 : i32
      %dma_wait3A_22 = arith.constant 0 : i32
      %dma_wait3A_23 = tpu.memref_slice %arg6[%arg0, %dma_wait3A, %dma_wait3A_22] : memref<2x10112x64xf32, #tpu.memory_space<hbm>> -> memref<1x10112x64xf32, #tpu.memory_space<hbm>>
      %dma_wait3A_24 = tpu.memref_squeeze %dma_wait3A_23 : memref<1x10112x64xf32, #tpu.memory_space<hbm>> -> memref<10112x64xf32, #tpu.memory_space<hbm>>
      %dma_wait3A_25 = arith.constant 0 : i32
      %dma_wait3A_26 = tpu.memref_slice %dma_wait3A_24[%mul3A_14, %dma_wait3A_25] : memref<10112x64xf32, #tpu.memory_space<hbm>> -> memref<632x64xf32, #tpu.memory_space<hbm>>
      %dma_wait3A_27 = arith.constant 0 : i32
      %dma_wait3A_28 = tpu.memref_slice %arg10[%mul3A_12, %dma_wait3A_27] : memref<10112x64xf32, #tpu.memory_space<vmem_shared>> -> memref<632x64xf32, #tpu.memory_space<vmem_shared>>
      tpu.wait_dma2 semaphore(%run_scoped3A : memref<!tpu.dma_semaphore, #tpu.memory_space<semaphore_mem>>) src(%dma_wait3A_28 : memref<632x64xf32, #tpu.memory_space<vmem_shared>>) dst(%dma_wait3A_26 : memref<632x64xf32, #tpu.memory_space<hbm>>)
      tpu.yield
    }) : () -> ()
    return
  }
}

#map = affine_map<(d0, d1) -> (0, 0)>
#map1 = affine_map<(d0, d1) -> (0, 0, 0)>
module attributes {stable_mosaic.version = 14 : i64} {
  func.func @seg(%arg0: i32, %arg1: i32, %arg2: memref<10000x64xf32, #tpu.memory_space<hbm>>, %arg3: memref<32x81x128xi32, #tpu.memory_space<hbm>>, %arg4: memref<32x81x128xi32, #tpu.memory_space<hbm>>, %arg5: memref<10112x64xf32, #tpu.memory_space<hbm>>, %arg6: memref<2x10112x64xf32, #tpu.memory_space<hbm>>, %arg7: memref<81x128xi32, #tpu.memory_space<vmem>>, %arg8: memref<81x128xi32, #tpu.memory_space<vmem>>, %arg9: memref<128x64xf32, #tpu.memory_space<vmem>>, %arg10: memref<10112x64xf32, #tpu.memory_space<vmem_shared>>, %arg11: memref<!tpu.dma_semaphore, #tpu.memory_space<semaphore_mem>>) attributes {dimension_semantics = [#tpu.dimension_semantics<core_parallel>, #tpu.dimension_semantics<subcore_parallel>], iteration_bounds = array<i64: 2, 16>, scalar_prefetch = 0 : i64, scratch_operands = 5 : i64, tpu.core_type = #tpu.core_type<sc_vector_subcore>, window_params = [{transform_indices = #map}, {transform_indices = #map1}, {transform_indices = #map1}, {transform_indices = #map}, {transform_indices = #map1}]} {
    %mul3A = arith.constant 16 : i32
    %mul3A_0 = arith.muli %arg0, %mul3A : i32
    %add3A = arith.addi %mul3A_0, %arg1 : i32
    %mul3A_1 = arith.constant 632 : i32
    %mul3A_2 = arith.muli %arg1, %mul3A_1 : i32
    %mul3A_3 = arith.constant 632 : i32
    %mul3A_4 = arith.muli %arg1, %mul3A_3 : i32
    "tpu.region"() ({
      %run_scoped3A = tpu.sem_alloc : memref<!tpu.dma_semaphore, #tpu.memory_space<semaphore_mem>>
      %dma_start3A = arith.constant 0 : i32
      %dma_start3A_15 = tpu.memref_slice %arg10[%mul3A_4, %dma_start3A] : memref<10112x64xf32, #tpu.memory_space<vmem_shared>> -> memref<632x64xf32, #tpu.memory_space<vmem_shared>>
      %dma_start3A_16 = arith.constant 0 : i32
      %dma_start3A_17 = tpu.memref_slice %arg5[%mul3A_2, %dma_start3A_16] : memref<10112x64xf32, #tpu.memory_space<hbm>> -> memref<632x64xf32, #tpu.memory_space<hbm>>
      tpu.enqueue_dma source(%dma_start3A_17 : memref<632x64xf32, #tpu.memory_space<hbm>>) target(%dma_start3A_15 : memref<632x64xf32, #tpu.memory_space<vmem_shared>>) target_semaphore(%run_scoped3A : memref<!tpu.dma_semaphore, #tpu.memory_space<semaphore_mem>>)
      %dma_wait3A = arith.constant 0 : i32
      %dma_wait3A_18 = tpu.memref_slice %arg10[%mul3A_4, %dma_wait3A] : memref<10112x64xf32, #tpu.memory_space<vmem_shared>> -> memref<632x64xf32, #tpu.memory_space<vmem_shared>>
      %dma_wait3A_19 = arith.constant 0 : i32
      %dma_wait3A_20 = tpu.memref_slice %arg5[%mul3A_2, %dma_wait3A_19] : memref<10112x64xf32, #tpu.memory_space<hbm>> -> memref<632x64xf32, #tpu.memory_space<hbm>>
      tpu.wait_dma2 semaphore(%run_scoped3A : memref<!tpu.dma_semaphore, #tpu.memory_space<semaphore_mem>>) src(%dma_wait3A_20 : memref<632x64xf32, #tpu.memory_space<hbm>>) dst(%dma_wait3A_18 : memref<632x64xf32, #tpu.memory_space<vmem_shared>>)
      tpu.yield
    }) : () -> ()
    "tpu.region"() ({
      %run_scoped3A = tpu.sem_alloc : memref<!tpu.dma_semaphore, #tpu.memory_space<semaphore_mem>>
      %dma_start3A = arith.constant 0 : i32
      %dma_start3A_15 = arith.constant 0 : i32
      %dma_start3A_16 = tpu.memref_slice %arg3[%add3A, %dma_start3A, %dma_start3A_15] : memref<32x81x128xi32, #tpu.memory_space<hbm>> -> memref<1x81x128xi32, #tpu.memory_space<hbm>>
      %dma_start3A_17 = tpu.memref_squeeze %dma_start3A_16 : memref<1x81x128xi32, #tpu.memory_space<hbm>> -> memref<81x128xi32, #tpu.memory_space<hbm>>
      %dma_start3A_18 = arith.constant 0 : i32
      %dma_start3A_19 = arith.constant 0 : i32
      %dma_start3A_20 = tpu.memref_slice %arg3[%add3A, %dma_start3A_18, %dma_start3A_19] : memref<32x81x128xi32, #tpu.memory_space<hbm>> -> memref<1x81x128xi32, #tpu.memory_space<hbm>>
      %dma_start3A_21 = tpu.memref_squeeze %dma_start3A_20 : memref<1x81x128xi32, #tpu.memory_space<hbm>> -> memref<81x128xi32, #tpu.memory_space<hbm>>
      tpu.enqueue_dma source(%dma_start3A_21 : memref<81x128xi32, #tpu.memory_space<hbm>>) target(%arg7 : memref<81x128xi32, #tpu.memory_space<vmem>>) target_semaphore(%run_scoped3A : memref<!tpu.dma_semaphore, #tpu.memory_space<semaphore_mem>>)
      %dma_wait3A = arith.constant 0 : i32
      %dma_wait3A_22 = arith.constant 0 : i32
      %dma_wait3A_23 = tpu.memref_slice %arg3[%add3A, %dma_wait3A, %dma_wait3A_22] : memref<32x81x128xi32, #tpu.memory_space<hbm>> -> memref<1x81x128xi32, #tpu.memory_space<hbm>>
      %dma_wait3A_24 = tpu.memref_squeeze %dma_wait3A_23 : memref<1x81x128xi32, #tpu.memory_space<hbm>> -> memref<81x128xi32, #tpu.memory_space<hbm>>
      %dma_wait3A_25 = arith.constant 0 : i32
      %dma_wait3A_26 = arith.constant 0 : i32
      %dma_wait3A_27 = tpu.memref_slice %arg3[%add3A, %dma_wait3A_25, %dma_wait3A_26] : memref<32x81x128xi32, #tpu.memory_space<hbm>> -> memref<1x81x128xi32, #tpu.memory_space<hbm>>
      %dma_wait3A_28 = tpu.memref_squeeze %dma_wait3A_27 : memref<1x81x128xi32, #tpu.memory_space<hbm>> -> memref<81x128xi32, #tpu.memory_space<hbm>>
      tpu.wait_dma2 semaphore(%run_scoped3A : memref<!tpu.dma_semaphore, #tpu.memory_space<semaphore_mem>>) src(%dma_wait3A_28 : memref<81x128xi32, #tpu.memory_space<hbm>>) dst(%arg7 : memref<81x128xi32, #tpu.memory_space<vmem>>)
      tpu.yield
    }) : () -> ()
    "tpu.region"() ({
      %run_scoped3A = tpu.sem_alloc : memref<!tpu.dma_semaphore, #tpu.memory_space<semaphore_mem>>
      %dma_start3A = arith.constant 0 : i32
      %dma_start3A_15 = arith.constant 0 : i32
      %dma_start3A_16 = tpu.memref_slice %arg4[%add3A, %dma_start3A, %dma_start3A_15] : memref<32x81x128xi32, #tpu.memory_space<hbm>> -> memref<1x81x128xi32, #tpu.memory_space<hbm>>
      %dma_start3A_17 = tpu.memref_squeeze %dma_start3A_16 : memref<1x81x128xi32, #tpu.memory_space<hbm>> -> memref<81x128xi32, #tpu.memory_space<hbm>>
      %dma_start3A_18 = arith.constant 0 : i32
      %dma_start3A_19 = arith.constant 0 : i32
      %dma_start3A_20 = tpu.memref_slice %arg4[%add3A, %dma_start3A_18, %dma_start3A_19] : memref<32x81x128xi32, #tpu.memory_space<hbm>> -> memref<1x81x128xi32, #tpu.memory_space<hbm>>
      %dma_start3A_21 = tpu.memref_squeeze %dma_start3A_20 : memref<1x81x128xi32, #tpu.memory_space<hbm>> -> memref<81x128xi32, #tpu.memory_space<hbm>>
      tpu.enqueue_dma source(%dma_start3A_21 : memref<81x128xi32, #tpu.memory_space<hbm>>) target(%arg8 : memref<81x128xi32, #tpu.memory_space<vmem>>) target_semaphore(%run_scoped3A : memref<!tpu.dma_semaphore, #tpu.memory_space<semaphore_mem>>)
      %dma_wait3A = arith.constant 0 : i32
      %dma_wait3A_22 = arith.constant 0 : i32
      %dma_wait3A_23 = tpu.memref_slice %arg4[%add3A, %dma_wait3A, %dma_wait3A_22] : memref<32x81x128xi32, #tpu.memory_space<hbm>> -> memref<1x81x128xi32, #tpu.memory_space<hbm>>
      %dma_wait3A_24 = tpu.memref_squeeze %dma_wait3A_23 : memref<1x81x128xi32, #tpu.memory_space<hbm>> -> memref<81x128xi32, #tpu.memory_space<hbm>>
      %dma_wait3A_25 = arith.constant 0 : i32
      %dma_wait3A_26 = arith.constant 0 : i32
      %dma_wait3A_27 = tpu.memref_slice %arg4[%add3A, %dma_wait3A_25, %dma_wait3A_26] : memref<32x81x128xi32, #tpu.memory_space<hbm>> -> memref<1x81x128xi32, #tpu.memory_space<hbm>>
      %dma_wait3A_28 = tpu.memref_squeeze %dma_wait3A_27 : memref<1x81x128xi32, #tpu.memory_space<hbm>> -> memref<81x128xi32, #tpu.memory_space<hbm>>
      tpu.wait_dma2 semaphore(%run_scoped3A : memref<!tpu.dma_semaphore, #tpu.memory_space<semaphore_mem>>) src(%dma_wait3A_28 : memref<81x128xi32, #tpu.memory_space<hbm>>) dst(%arg8 : memref<81x128xi32, #tpu.memory_space<vmem>>)
      tpu.yield
    }) : () -> ()
    %barrier3A = arith.constant 0 : index
    tpu.barrier barrier_id(%barrier3A)
    %scan3A = arith.constant 0 : i32
    %scan3A_5 = arith.constant 0 : i32
    %scan3A_6 = arith.constant 81 : i32
    %scan3A_7 = arith.addi %scan3A_5, %scan3A_6 : i32
    %scan3A_8 = arith.constant 1 : i32
    scf.for %scan3A_15 = %scan3A_5 to %scan3A_7 step %scan3A_8  : i32 {
      %dma_start3A = arith.constant 0 : i32
      %dma_start3A_16 = tpu.memref_slice %arg7[%scan3A_15, %dma_start3A] : memref<81x128xi32, #tpu.memory_space<vmem>> -> memref<1x128xi32, #tpu.memory_space<vmem>>
      %dma_start3A_17 = tpu.memref_squeeze %dma_start3A_16 : memref<1x128xi32, #tpu.memory_space<vmem>> -> memref<128xi32, #tpu.memory_space<vmem>>
      %dma_start3A_18 = arith.constant 0 : i32
      %dma_start3A_19 = arith.constant 0 : i32
      %dma_start3A_20 = tpu.memref_slice %arg2[%dma_start3A_18, %dma_start3A_19] : memref<10000x64xf32, #tpu.memory_space<hbm>> -> memref<10000x64xf32, #tpu.memory_space<hbm>>
      tpu.enqueue_indirect_dma source(%dma_start3A_20 : memref<10000x64xf32, #tpu.memory_space<hbm>>) target(%arg9 : memref<128x64xf32, #tpu.memory_space<vmem>>) offsets(%dma_start3A_17 : memref<128xi32, #tpu.memory_space<vmem>>) semaphore(%arg11 : memref<!tpu.dma_semaphore, #tpu.memory_space<semaphore_mem>>)
      %dma_wait3A = arith.constant 0 : i32
      %dma_wait3A_21 = tpu.memref_slice %arg7[%scan3A_15, %dma_wait3A] : memref<81x128xi32, #tpu.memory_space<vmem>> -> memref<1x128xi32, #tpu.memory_space<vmem>>
      %dma_wait3A_22 = tpu.memref_squeeze %dma_wait3A_21 : memref<1x128xi32, #tpu.memory_space<vmem>> -> memref<128xi32, #tpu.memory_space<vmem>>
      %dma_wait3A_23 = arith.constant 0 : i32
      %dma_wait3A_24 = arith.constant 0 : i32
      %dma_wait3A_25 = tpu.memref_slice %arg2[%dma_wait3A_23, %dma_wait3A_24] : memref<10000x64xf32, #tpu.memory_space<hbm>> -> memref<10000x64xf32, #tpu.memory_space<hbm>>
      tpu.wait_indirect_dma semaphore(%arg11 : memref<!tpu.dma_semaphore, #tpu.memory_space<semaphore_mem>>) src(%dma_wait3A_25 : memref<10000x64xf32, #tpu.memory_space<hbm>>) dst(%arg9 : memref<128x64xf32, #tpu.memory_space<vmem>>)
      "tpu.region"() ({
        %run_scoped3A = tpu.sem_alloc : memref<!tpu.dma_semaphore, #tpu.memory_space<semaphore_mem>>
        %dma_start3A_26 = arith.constant 0 : i32
        %dma_start3A_27 = tpu.memref_slice %arg8[%scan3A_15, %dma_start3A_26] : memref<81x128xi32, #tpu.memory_space<vmem>> -> memref<1x128xi32, #tpu.memory_space<vmem>>
        %dma_start3A_28 = tpu.memref_squeeze %dma_start3A_27 : memref<1x128xi32, #tpu.memory_space<vmem>> -> memref<128xi32, #tpu.memory_space<vmem>>
        %dma_start3A_29 = arith.constant 0 : i32
        %dma_start3A_30 = arith.constant 0 : i32
        %dma_start3A_31 = tpu.memref_slice %arg10[%dma_start3A_29, %dma_start3A_30] : memref<10112x64xf32, #tpu.memory_space<vmem_shared>> -> memref<10112x64xf32, #tpu.memory_space<vmem_shared>>
        tpu.enqueue_indirect_dma source(%arg9 : memref<128x64xf32, #tpu.memory_space<vmem>>) target(%dma_start3A_31 : memref<10112x64xf32, #tpu.memory_space<vmem_shared>>) offsets(%dma_start3A_28 : memref<128xi32, #tpu.memory_space<vmem>>) semaphore(%run_scoped3A : memref<!tpu.dma_semaphore, #tpu.memory_space<semaphore_mem>>) {add = true}
        %dma_wait3A_32 = arith.constant 0 : i32
        %dma_wait3A_33 = tpu.memref_slice %arg8[%scan3A_15, %dma_wait3A_32] : memref<81x128xi32, #tpu.memory_space<vmem>> -> memref<1x128xi32, #tpu.memory_space<vmem>>
        %dma_wait3A_34 = tpu.memref_squeeze %dma_wait3A_33 : memref<1x128xi32, #tpu.memory_space<vmem>> -> memref<128xi32, #tpu.memory_space<vmem>>
        %dma_wait3A_35 = arith.constant 0 : i32
        %dma_wait3A_36 = arith.constant 0 : i32
        %dma_wait3A_37 = tpu.memref_slice %arg10[%dma_wait3A_35, %dma_wait3A_36] : memref<10112x64xf32, #tpu.memory_space<vmem_shared>> -> memref<10112x64xf32, #tpu.memory_space<vmem_shared>>
        tpu.wait_indirect_dma semaphore(%run_scoped3A : memref<!tpu.dma_semaphore, #tpu.memory_space<semaphore_mem>>) src(%arg9 : memref<128x64xf32, #tpu.memory_space<vmem>>) dst(%dma_wait3A_37 : memref<10112x64xf32, #tpu.memory_space<vmem_shared>>)
        tpu.yield
      }) : () -> ()
    }
    %scan3A_9 = arith.constant 81 : i32
    %barrier3A_10 = arith.constant 0 : index
    tpu.barrier barrier_id(%barrier3A_10)
    %mul3A_11 = arith.constant 632 : i32
    %mul3A_12 = arith.muli %arg1, %mul3A_11 : i32
    %mul3A_13 = arith.constant 632 : i32
    %mul3A_14 = arith.muli %arg1, %mul3A_13 : i32
    "tpu.region"() ({
      %run_scoped3A = tpu.sem_alloc : memref<!tpu.dma_semaphore, #tpu.memory_space<semaphore_mem>>
      %dma_start3A = arith.constant 0 : i32
      %dma_start3A_15 = arith.constant 0 : i32
      %dma_start3A_16 = tpu.memref_slice %arg6[%arg0, %dma_start3A, %dma_start3A_15] : memref<2x10112x64xf32, #tpu.memory_space<hbm>> -> memref<1x10112x64xf32, #tpu.memory_space<hbm>>
      %dma_start3A_17 = tpu.memref_squeeze %dma_start3A_16 : memref<1x10112x64xf32, #tpu.memory_space<hbm>> -> memref<10112x64xf32, #tpu.memory_space<hbm>>
      %dma_start3A_18 = arith.constant 0 : i32
      %dma_start3A_19 = tpu.memref_slice %dma_start3A_17[%mul3A_14, %dma_start3A_18] : memref<10112x64xf32, #tpu.memory_space<hbm>> -> memref<632x64xf32, #tpu.memory_space<hbm>>
      %dma_start3A_20 = arith.constant 0 : i32
      %dma_start3A_21 = tpu.memref_slice %arg10[%mul3A_12, %dma_start3A_20] : memref<10112x64xf32, #tpu.memory_space<vmem_shared>> -> memref<632x64xf32, #tpu.memory_space<vmem_shared>>
      tpu.enqueue_dma source(%dma_start3A_21 : memref<632x64xf32, #tpu.memory_space<vmem_shared>>) target(%dma_start3A_19 : memref<632x64xf32, #tpu.memory_space<hbm>>) target_semaphore(%run_scoped3A : memref<!tpu.dma_semaphore, #tpu.memory_space<semaphore_mem>>)
      %dma_wait3A = arith.constant 0 : i32
      %dma_wait3A_22 = arith.constant 0 : i32
      %dma_wait3A_23 = tpu.memref_slice %arg6[%arg0, %dma_wait3A, %dma_wait3A_22] : memref<2x10112x64xf32, #tpu.memory_space<hbm>> -> memref<1x10112x64xf32, #tpu.memory_space<hbm>>
      %dma_wait3A_24 = tpu.memref_squeeze %dma_wait3A_23 : memref<1x10112x64xf32, #tpu.memory_space<hbm>> -> memref<10112x64xf32, #tpu.memory_space<hbm>>
      %dma_wait3A_25 = arith.constant 0 : i32
      %dma_wait3A_26 = tpu.memref_slice %dma_wait3A_24[%mul3A_14, %dma_wait3A_25] : memref<10112x64xf32, #tpu.memory_space<hbm>> -> memref<632x64xf32, #tpu.memory_space<hbm>>
      %dma_wait3A_27 = arith.constant 0 : i32
      %dma_wait3A_28 = tpu.memref_slice %arg10[%mul3A_12, %dma_wait3A_27] : memref<10112x64xf32, #tpu.memory_space<vmem_shared>> -> memref<632x64xf32, #tpu.memory_space<vmem_shared>>
      tpu.wait_dma2 semaphore(%run_scoped3A : memref<!tpu.dma_semaphore, #tpu.memory_space<semaphore_mem>>) src(%dma_wait3A_28 : memref<632x64xf32, #tpu.memory_space<vmem_shared>>) dst(%dma_wait3A_26 : memref<632x64xf32, #tpu.memory_space<hbm>>)
      tpu.yield
    }) : () -> ()
    return
  }
}

#map = affine_map<(d0, d1) -> (0, 0)>
#map1 = affine_map<(d0, d1) -> (0, 0, 0)>
module attributes {stable_mosaic.version = 14 : i64} {
  func.func @seg(%arg0: i32, %arg1: i32, %arg2: memref<331776x48xf32, #tpu.memory_space<hbm>>, %arg3: memref<32x81x128xi32, #tpu.memory_space<hbm>>, %arg4: memref<32x81x128xi32, #tpu.memory_space<hbm>>, %arg5: memref<10112x48xf32, #tpu.memory_space<hbm>>, %arg6: memref<2x10112x48xf32, #tpu.memory_space<hbm>>, %arg7: memref<81x128xi32, #tpu.memory_space<vmem>>, %arg8: memref<81x128xi32, #tpu.memory_space<vmem>>, %arg9: memref<128x48xf32, #tpu.memory_space<vmem>>, %arg10: memref<10112x48xf32, #tpu.memory_space<vmem_shared>>, %arg11: memref<!tpu.dma_semaphore, #tpu.memory_space<semaphore_mem>>) attributes {dimension_semantics = [#tpu.dimension_semantics<core_parallel>, #tpu.dimension_semantics<subcore_parallel>], iteration_bounds = array<i64: 2, 16>, scalar_prefetch = 0 : i64, scratch_operands = 5 : i64, tpu.core_type = #tpu.core_type<sc_vector_subcore>, window_params = [{transform_indices = #map}, {transform_indices = #map1}, {transform_indices = #map1}, {transform_indices = #map}, {transform_indices = #map1}]} {
    %mul3A = arith.constant 16 : i32
    %mul3A_0 = arith.muli %arg0, %mul3A : i32
    %add3A = arith.addi %mul3A_0, %arg1 : i32
    %mul3A_1 = arith.constant 632 : i32
    %mul3A_2 = arith.muli %arg1, %mul3A_1 : i32
    %mul3A_3 = arith.constant 632 : i32
    %mul3A_4 = arith.muli %arg1, %mul3A_3 : i32
    "tpu.region"() ({
      %run_scoped3A = tpu.sem_alloc : memref<!tpu.dma_semaphore, #tpu.memory_space<semaphore_mem>>
      %dma_start3A = arith.constant 0 : i32
      %dma_start3A_15 = tpu.memref_slice %arg10[%mul3A_4, %dma_start3A] : memref<10112x48xf32, #tpu.memory_space<vmem_shared>> -> memref<632x48xf32, #tpu.memory_space<vmem_shared>>
      %dma_start3A_16 = arith.constant 0 : i32
      %dma_start3A_17 = tpu.memref_slice %arg5[%mul3A_2, %dma_start3A_16] : memref<10112x48xf32, #tpu.memory_space<hbm>> -> memref<632x48xf32, #tpu.memory_space<hbm>>
      tpu.enqueue_dma source(%dma_start3A_17 : memref<632x48xf32, #tpu.memory_space<hbm>>) target(%dma_start3A_15 : memref<632x48xf32, #tpu.memory_space<vmem_shared>>) target_semaphore(%run_scoped3A : memref<!tpu.dma_semaphore, #tpu.memory_space<semaphore_mem>>)
      %dma_wait3A = arith.constant 0 : i32
      %dma_wait3A_18 = tpu.memref_slice %arg10[%mul3A_4, %dma_wait3A] : memref<10112x48xf32, #tpu.memory_space<vmem_shared>> -> memref<632x48xf32, #tpu.memory_space<vmem_shared>>
      %dma_wait3A_19 = arith.constant 0 : i32
      %dma_wait3A_20 = tpu.memref_slice %arg5[%mul3A_2, %dma_wait3A_19] : memref<10112x48xf32, #tpu.memory_space<hbm>> -> memref<632x48xf32, #tpu.memory_space<hbm>>
      tpu.wait_dma2 semaphore(%run_scoped3A : memref<!tpu.dma_semaphore, #tpu.memory_space<semaphore_mem>>) src(%dma_wait3A_20 : memref<632x48xf32, #tpu.memory_space<hbm>>) dst(%dma_wait3A_18 : memref<632x48xf32, #tpu.memory_space<vmem_shared>>)
      tpu.yield
    }) : () -> ()
    "tpu.region"() ({
      %run_scoped3A = tpu.sem_alloc : memref<!tpu.dma_semaphore, #tpu.memory_space<semaphore_mem>>
      %dma_start3A = arith.constant 0 : i32
      %dma_start3A_15 = arith.constant 0 : i32
      %dma_start3A_16 = tpu.memref_slice %arg3[%add3A, %dma_start3A, %dma_start3A_15] : memref<32x81x128xi32, #tpu.memory_space<hbm>> -> memref<1x81x128xi32, #tpu.memory_space<hbm>>
      %dma_start3A_17 = tpu.memref_squeeze %dma_start3A_16 : memref<1x81x128xi32, #tpu.memory_space<hbm>> -> memref<81x128xi32, #tpu.memory_space<hbm>>
      %dma_start3A_18 = arith.constant 0 : i32
      %dma_start3A_19 = arith.constant 0 : i32
      %dma_start3A_20 = tpu.memref_slice %arg3[%add3A, %dma_start3A_18, %dma_start3A_19] : memref<32x81x128xi32, #tpu.memory_space<hbm>> -> memref<1x81x128xi32, #tpu.memory_space<hbm>>
      %dma_start3A_21 = tpu.memref_squeeze %dma_start3A_20 : memref<1x81x128xi32, #tpu.memory_space<hbm>> -> memref<81x128xi32, #tpu.memory_space<hbm>>
      tpu.enqueue_dma source(%dma_start3A_21 : memref<81x128xi32, #tpu.memory_space<hbm>>) target(%arg7 : memref<81x128xi32, #tpu.memory_space<vmem>>) target_semaphore(%run_scoped3A : memref<!tpu.dma_semaphore, #tpu.memory_space<semaphore_mem>>)
      %dma_wait3A = arith.constant 0 : i32
      %dma_wait3A_22 = arith.constant 0 : i32
      %dma_wait3A_23 = tpu.memref_slice %arg3[%add3A, %dma_wait3A, %dma_wait3A_22] : memref<32x81x128xi32, #tpu.memory_space<hbm>> -> memref<1x81x128xi32, #tpu.memory_space<hbm>>
      %dma_wait3A_24 = tpu.memref_squeeze %dma_wait3A_23 : memref<1x81x128xi32, #tpu.memory_space<hbm>> -> memref<81x128xi32, #tpu.memory_space<hbm>>
      %dma_wait3A_25 = arith.constant 0 : i32
      %dma_wait3A_26 = arith.constant 0 : i32
      %dma_wait3A_27 = tpu.memref_slice %arg3[%add3A, %dma_wait3A_25, %dma_wait3A_26] : memref<32x81x128xi32, #tpu.memory_space<hbm>> -> memref<1x81x128xi32, #tpu.memory_space<hbm>>
      %dma_wait3A_28 = tpu.memref_squeeze %dma_wait3A_27 : memref<1x81x128xi32, #tpu.memory_space<hbm>> -> memref<81x128xi32, #tpu.memory_space<hbm>>
      tpu.wait_dma2 semaphore(%run_scoped3A : memref<!tpu.dma_semaphore, #tpu.memory_space<semaphore_mem>>) src(%dma_wait3A_28 : memref<81x128xi32, #tpu.memory_space<hbm>>) dst(%arg7 : memref<81x128xi32, #tpu.memory_space<vmem>>)
      tpu.yield
    }) : () -> ()
    "tpu.region"() ({
      %run_scoped3A = tpu.sem_alloc : memref<!tpu.dma_semaphore, #tpu.memory_space<semaphore_mem>>
      %dma_start3A = arith.constant 0 : i32
      %dma_start3A_15 = arith.constant 0 : i32
      %dma_start3A_16 = tpu.memref_slice %arg4[%add3A, %dma_start3A, %dma_start3A_15] : memref<32x81x128xi32, #tpu.memory_space<hbm>> -> memref<1x81x128xi32, #tpu.memory_space<hbm>>
      %dma_start3A_17 = tpu.memref_squeeze %dma_start3A_16 : memref<1x81x128xi32, #tpu.memory_space<hbm>> -> memref<81x128xi32, #tpu.memory_space<hbm>>
      %dma_start3A_18 = arith.constant 0 : i32
      %dma_start3A_19 = arith.constant 0 : i32
      %dma_start3A_20 = tpu.memref_slice %arg4[%add3A, %dma_start3A_18, %dma_start3A_19] : memref<32x81x128xi32, #tpu.memory_space<hbm>> -> memref<1x81x128xi32, #tpu.memory_space<hbm>>
      %dma_start3A_21 = tpu.memref_squeeze %dma_start3A_20 : memref<1x81x128xi32, #tpu.memory_space<hbm>> -> memref<81x128xi32, #tpu.memory_space<hbm>>
      tpu.enqueue_dma source(%dma_start3A_21 : memref<81x128xi32, #tpu.memory_space<hbm>>) target(%arg8 : memref<81x128xi32, #tpu.memory_space<vmem>>) target_semaphore(%run_scoped3A : memref<!tpu.dma_semaphore, #tpu.memory_space<semaphore_mem>>)
      %dma_wait3A = arith.constant 0 : i32
      %dma_wait3A_22 = arith.constant 0 : i32
      %dma_wait3A_23 = tpu.memref_slice %arg4[%add3A, %dma_wait3A, %dma_wait3A_22] : memref<32x81x128xi32, #tpu.memory_space<hbm>> -> memref<1x81x128xi32, #tpu.memory_space<hbm>>
      %dma_wait3A_24 = tpu.memref_squeeze %dma_wait3A_23 : memref<1x81x128xi32, #tpu.memory_space<hbm>> -> memref<81x128xi32, #tpu.memory_space<hbm>>
      %dma_wait3A_25 = arith.constant 0 : i32
      %dma_wait3A_26 = arith.constant 0 : i32
      %dma_wait3A_27 = tpu.memref_slice %arg4[%add3A, %dma_wait3A_25, %dma_wait3A_26] : memref<32x81x128xi32, #tpu.memory_space<hbm>> -> memref<1x81x128xi32, #tpu.memory_space<hbm>>
      %dma_wait3A_28 = tpu.memref_squeeze %dma_wait3A_27 : memref<1x81x128xi32, #tpu.memory_space<hbm>> -> memref<81x128xi32, #tpu.memory_space<hbm>>
      tpu.wait_dma2 semaphore(%run_scoped3A : memref<!tpu.dma_semaphore, #tpu.memory_space<semaphore_mem>>) src(%dma_wait3A_28 : memref<81x128xi32, #tpu.memory_space<hbm>>) dst(%arg8 : memref<81x128xi32, #tpu.memory_space<vmem>>)
      tpu.yield
    }) : () -> ()
    %barrier3A = arith.constant 0 : index
    tpu.barrier barrier_id(%barrier3A)
    %scan3A = arith.constant 0 : i32
    %scan3A_5 = arith.constant 0 : i32
    %scan3A_6 = arith.constant 81 : i32
    %scan3A_7 = arith.addi %scan3A_5, %scan3A_6 : i32
    %scan3A_8 = arith.constant 1 : i32
    scf.for %scan3A_15 = %scan3A_5 to %scan3A_7 step %scan3A_8  : i32 {
      %dma_start3A = arith.constant 0 : i32
      %dma_start3A_16 = tpu.memref_slice %arg7[%scan3A_15, %dma_start3A] : memref<81x128xi32, #tpu.memory_space<vmem>> -> memref<1x128xi32, #tpu.memory_space<vmem>>
      %dma_start3A_17 = tpu.memref_squeeze %dma_start3A_16 : memref<1x128xi32, #tpu.memory_space<vmem>> -> memref<128xi32, #tpu.memory_space<vmem>>
      %dma_start3A_18 = arith.constant 0 : i32
      %dma_start3A_19 = arith.constant 0 : i32
      %dma_start3A_20 = tpu.memref_slice %arg2[%dma_start3A_18, %dma_start3A_19] : memref<331776x48xf32, #tpu.memory_space<hbm>> -> memref<331776x48xf32, #tpu.memory_space<hbm>>
      tpu.enqueue_indirect_dma source(%dma_start3A_20 : memref<331776x48xf32, #tpu.memory_space<hbm>>) target(%arg9 : memref<128x48xf32, #tpu.memory_space<vmem>>) offsets(%dma_start3A_17 : memref<128xi32, #tpu.memory_space<vmem>>) semaphore(%arg11 : memref<!tpu.dma_semaphore, #tpu.memory_space<semaphore_mem>>)
      %dma_wait3A = arith.constant 0 : i32
      %dma_wait3A_21 = tpu.memref_slice %arg7[%scan3A_15, %dma_wait3A] : memref<81x128xi32, #tpu.memory_space<vmem>> -> memref<1x128xi32, #tpu.memory_space<vmem>>
      %dma_wait3A_22 = tpu.memref_squeeze %dma_wait3A_21 : memref<1x128xi32, #tpu.memory_space<vmem>> -> memref<128xi32, #tpu.memory_space<vmem>>
      %dma_wait3A_23 = arith.constant 0 : i32
      %dma_wait3A_24 = arith.constant 0 : i32
      %dma_wait3A_25 = tpu.memref_slice %arg2[%dma_wait3A_23, %dma_wait3A_24] : memref<331776x48xf32, #tpu.memory_space<hbm>> -> memref<331776x48xf32, #tpu.memory_space<hbm>>
      tpu.wait_indirect_dma semaphore(%arg11 : memref<!tpu.dma_semaphore, #tpu.memory_space<semaphore_mem>>) src(%dma_wait3A_25 : memref<331776x48xf32, #tpu.memory_space<hbm>>) dst(%arg9 : memref<128x48xf32, #tpu.memory_space<vmem>>)
      "tpu.region"() ({
        %run_scoped3A = tpu.sem_alloc : memref<!tpu.dma_semaphore, #tpu.memory_space<semaphore_mem>>
        %dma_start3A_26 = arith.constant 0 : i32
        %dma_start3A_27 = tpu.memref_slice %arg8[%scan3A_15, %dma_start3A_26] : memref<81x128xi32, #tpu.memory_space<vmem>> -> memref<1x128xi32, #tpu.memory_space<vmem>>
        %dma_start3A_28 = tpu.memref_squeeze %dma_start3A_27 : memref<1x128xi32, #tpu.memory_space<vmem>> -> memref<128xi32, #tpu.memory_space<vmem>>
        %dma_start3A_29 = arith.constant 0 : i32
        %dma_start3A_30 = arith.constant 0 : i32
        %dma_start3A_31 = tpu.memref_slice %arg10[%dma_start3A_29, %dma_start3A_30] : memref<10112x48xf32, #tpu.memory_space<vmem_shared>> -> memref<10112x48xf32, #tpu.memory_space<vmem_shared>>
        tpu.enqueue_indirect_dma source(%arg9 : memref<128x48xf32, #tpu.memory_space<vmem>>) target(%dma_start3A_31 : memref<10112x48xf32, #tpu.memory_space<vmem_shared>>) offsets(%dma_start3A_28 : memref<128xi32, #tpu.memory_space<vmem>>) semaphore(%run_scoped3A : memref<!tpu.dma_semaphore, #tpu.memory_space<semaphore_mem>>) {add = true}
        %dma_wait3A_32 = arith.constant 0 : i32
        %dma_wait3A_33 = tpu.memref_slice %arg8[%scan3A_15, %dma_wait3A_32] : memref<81x128xi32, #tpu.memory_space<vmem>> -> memref<1x128xi32, #tpu.memory_space<vmem>>
        %dma_wait3A_34 = tpu.memref_squeeze %dma_wait3A_33 : memref<1x128xi32, #tpu.memory_space<vmem>> -> memref<128xi32, #tpu.memory_space<vmem>>
        %dma_wait3A_35 = arith.constant 0 : i32
        %dma_wait3A_36 = arith.constant 0 : i32
        %dma_wait3A_37 = tpu.memref_slice %arg10[%dma_wait3A_35, %dma_wait3A_36] : memref<10112x48xf32, #tpu.memory_space<vmem_shared>> -> memref<10112x48xf32, #tpu.memory_space<vmem_shared>>
        tpu.wait_indirect_dma semaphore(%run_scoped3A : memref<!tpu.dma_semaphore, #tpu.memory_space<semaphore_mem>>) src(%arg9 : memref<128x48xf32, #tpu.memory_space<vmem>>) dst(%dma_wait3A_37 : memref<10112x48xf32, #tpu.memory_space<vmem_shared>>)
        tpu.yield
      }) : () -> ()
    }
    %scan3A_9 = arith.constant 81 : i32
    %barrier3A_10 = arith.constant 0 : index
    tpu.barrier barrier_id(%barrier3A_10)
    %mul3A_11 = arith.constant 632 : i32
    %mul3A_12 = arith.muli %arg1, %mul3A_11 : i32
    %mul3A_13 = arith.constant 632 : i32
    %mul3A_14 = arith.muli %arg1, %mul3A_13 : i32
    "tpu.region"() ({
      %run_scoped3A = tpu.sem_alloc : memref<!tpu.dma_semaphore, #tpu.memory_space<semaphore_mem>>
      %dma_start3A = arith.constant 0 : i32
      %dma_start3A_15 = arith.constant 0 : i32
      %dma_start3A_16 = tpu.memref_slice %arg6[%arg0, %dma_start3A, %dma_start3A_15] : memref<2x10112x48xf32, #tpu.memory_space<hbm>> -> memref<1x10112x48xf32, #tpu.memory_space<hbm>>
      %dma_start3A_17 = tpu.memref_squeeze %dma_start3A_16 : memref<1x10112x48xf32, #tpu.memory_space<hbm>> -> memref<10112x48xf32, #tpu.memory_space<hbm>>
      %dma_start3A_18 = arith.constant 0 : i32
      %dma_start3A_19 = tpu.memref_slice %dma_start3A_17[%mul3A_14, %dma_start3A_18] : memref<10112x48xf32, #tpu.memory_space<hbm>> -> memref<632x48xf32, #tpu.memory_space<hbm>>
      %dma_start3A_20 = arith.constant 0 : i32
      %dma_start3A_21 = tpu.memref_slice %arg10[%mul3A_12, %dma_start3A_20] : memref<10112x48xf32, #tpu.memory_space<vmem_shared>> -> memref<632x48xf32, #tpu.memory_space<vmem_shared>>
      tpu.enqueue_dma source(%dma_start3A_21 : memref<632x48xf32, #tpu.memory_space<vmem_shared>>) target(%dma_start3A_19 : memref<632x48xf32, #tpu.memory_space<hbm>>) target_semaphore(%run_scoped3A : memref<!tpu.dma_semaphore, #tpu.memory_space<semaphore_mem>>)
      %dma_wait3A = arith.constant 0 : i32
      %dma_wait3A_22 = arith.constant 0 : i32
      %dma_wait3A_23 = tpu.memref_slice %arg6[%arg0, %dma_wait3A, %dma_wait3A_22] : memref<2x10112x48xf32, #tpu.memory_space<hbm>> -> memref<1x10112x48xf32, #tpu.memory_space<hbm>>
      %dma_wait3A_24 = tpu.memref_squeeze %dma_wait3A_23 : memref<1x10112x48xf32, #tpu.memory_space<hbm>> -> memref<10112x48xf32, #tpu.memory_space<hbm>>
      %dma_wait3A_25 = arith.constant 0 : i32
      %dma_wait3A_26 = tpu.memref_slice %dma_wait3A_24[%mul3A_14, %dma_wait3A_25] : memref<10112x48xf32, #tpu.memory_space<hbm>> -> memref<632x48xf32, #tpu.memory_space<hbm>>
      %dma_wait3A_27 = arith.constant 0 : i32
      %dma_wait3A_28 = tpu.memref_slice %arg10[%mul3A_12, %dma_wait3A_27] : memref<10112x48xf32, #tpu.memory_space<vmem_shared>> -> memref<632x48xf32, #tpu.memory_space<vmem_shared>>
      tpu.wait_dma2 semaphore(%run_scoped3A : memref<!tpu.dma_semaphore, #tpu.memory_space<semaphore_mem>>) src(%dma_wait3A_28 : memref<632x48xf32, #tpu.memory_space<vmem_shared>>) dst(%dma_wait3A_26 : memref<632x48xf32, #tpu.memory_space<hbm>>)
      tpu.yield
    }) : () -> ()
    return
  }
}

#map = affine_map<(d0, d1) -> (0, 0)>
#map1 = affine_map<(d0, d1) -> (0, 0, 0)>
module attributes {stable_mosaic.version = 14 : i64} {
  func.func @gat(%arg0: i32, %arg1: i32, %arg2: memref<10008x64xf32, #tpu.memory_space<hbm>>, %arg3: memref<32x81x128xi32, #tpu.memory_space<hbm>>, %arg4: memref<32x81x128xi32, #tpu.memory_space<hbm>>, %arg5: memref<331776x64xf32, #tpu.memory_space<hbm>>, %arg6: memref<331776x64xf32, #tpu.memory_space<hbm>>, %arg7: memref<81x128xi32, #tpu.memory_space<vmem>>, %arg8: memref<81x128xi32, #tpu.memory_space<vmem>>, %arg9: memref<128x64xf32, #tpu.memory_space<vmem>>, %arg10: memref<128x64xf32, #tpu.memory_space<vmem>>, %arg11: memref<!tpu.dma_semaphore, #tpu.memory_space<semaphore_mem>>) attributes {dimension_semantics = [#tpu.dimension_semantics<core_parallel>, #tpu.dimension_semantics<subcore_parallel>], iteration_bounds = array<i64: 2, 16>, scalar_prefetch = 0 : i64, scratch_operands = 5 : i64, tpu.core_type = #tpu.core_type<sc_vector_subcore>, window_params = [{transform_indices = #map}, {transform_indices = #map1}, {transform_indices = #map1}, {transform_indices = #map}, {transform_indices = #map}]} {
    %mul3A = arith.constant 16 : i32
    %mul3A_0 = arith.muli %arg0, %mul3A : i32
    %add3A = arith.addi %mul3A_0, %arg1 : i32
    %mul3A_1 = arith.constant 10368 : i32
    %mul3A_2 = arith.muli %add3A, %mul3A_1 : i32
    "tpu.region"() ({
      %run_scoped3A = tpu.sem_alloc : memref<!tpu.dma_semaphore, #tpu.memory_space<semaphore_mem>>
      %dma_start3A = arith.constant 0 : i32
      %dma_start3A_8 = arith.constant 0 : i32
      %dma_start3A_9 = tpu.memref_slice %arg3[%add3A, %dma_start3A, %dma_start3A_8] : memref<32x81x128xi32, #tpu.memory_space<hbm>> -> memref<1x81x128xi32, #tpu.memory_space<hbm>>
      %dma_start3A_10 = tpu.memref_squeeze %dma_start3A_9 : memref<1x81x128xi32, #tpu.memory_space<hbm>> -> memref<81x128xi32, #tpu.memory_space<hbm>>
      %dma_start3A_11 = arith.constant 0 : i32
      %dma_start3A_12 = arith.constant 0 : i32
      %dma_start3A_13 = tpu.memref_slice %arg3[%add3A, %dma_start3A_11, %dma_start3A_12] : memref<32x81x128xi32, #tpu.memory_space<hbm>> -> memref<1x81x128xi32, #tpu.memory_space<hbm>>
      %dma_start3A_14 = tpu.memref_squeeze %dma_start3A_13 : memref<1x81x128xi32, #tpu.memory_space<hbm>> -> memref<81x128xi32, #tpu.memory_space<hbm>>
      tpu.enqueue_dma source(%dma_start3A_14 : memref<81x128xi32, #tpu.memory_space<hbm>>) target(%arg7 : memref<81x128xi32, #tpu.memory_space<vmem>>) target_semaphore(%run_scoped3A : memref<!tpu.dma_semaphore, #tpu.memory_space<semaphore_mem>>)
      %dma_wait3A = arith.constant 0 : i32
      %dma_wait3A_15 = arith.constant 0 : i32
      %dma_wait3A_16 = tpu.memref_slice %arg3[%add3A, %dma_wait3A, %dma_wait3A_15] : memref<32x81x128xi32, #tpu.memory_space<hbm>> -> memref<1x81x128xi32, #tpu.memory_space<hbm>>
      %dma_wait3A_17 = tpu.memref_squeeze %dma_wait3A_16 : memref<1x81x128xi32, #tpu.memory_space<hbm>> -> memref<81x128xi32, #tpu.memory_space<hbm>>
      %dma_wait3A_18 = arith.constant 0 : i32
      %dma_wait3A_19 = arith.constant 0 : i32
      %dma_wait3A_20 = tpu.memref_slice %arg3[%add3A, %dma_wait3A_18, %dma_wait3A_19] : memref<32x81x128xi32, #tpu.memory_space<hbm>> -> memref<1x81x128xi32, #tpu.memory_space<hbm>>
      %dma_wait3A_21 = tpu.memref_squeeze %dma_wait3A_20 : memref<1x81x128xi32, #tpu.memory_space<hbm>> -> memref<81x128xi32, #tpu.memory_space<hbm>>
      tpu.wait_dma2 semaphore(%run_scoped3A : memref<!tpu.dma_semaphore, #tpu.memory_space<semaphore_mem>>) src(%dma_wait3A_21 : memref<81x128xi32, #tpu.memory_space<hbm>>) dst(%arg7 : memref<81x128xi32, #tpu.memory_space<vmem>>)
      tpu.yield
    }) : () -> ()
    "tpu.region"() ({
      %run_scoped3A = tpu.sem_alloc : memref<!tpu.dma_semaphore, #tpu.memory_space<semaphore_mem>>
      %dma_start3A = arith.constant 0 : i32
      %dma_start3A_8 = arith.constant 0 : i32
      %dma_start3A_9 = tpu.memref_slice %arg4[%add3A, %dma_start3A, %dma_start3A_8] : memref<32x81x128xi32, #tpu.memory_space<hbm>> -> memref<1x81x128xi32, #tpu.memory_space<hbm>>
      %dma_start3A_10 = tpu.memref_squeeze %dma_start3A_9 : memref<1x81x128xi32, #tpu.memory_space<hbm>> -> memref<81x128xi32, #tpu.memory_space<hbm>>
      %dma_start3A_11 = arith.constant 0 : i32
      %dma_start3A_12 = arith.constant 0 : i32
      %dma_start3A_13 = tpu.memref_slice %arg4[%add3A, %dma_start3A_11, %dma_start3A_12] : memref<32x81x128xi32, #tpu.memory_space<hbm>> -> memref<1x81x128xi32, #tpu.memory_space<hbm>>
      %dma_start3A_14 = tpu.memref_squeeze %dma_start3A_13 : memref<1x81x128xi32, #tpu.memory_space<hbm>> -> memref<81x128xi32, #tpu.memory_space<hbm>>
      tpu.enqueue_dma source(%dma_start3A_14 : memref<81x128xi32, #tpu.memory_space<hbm>>) target(%arg8 : memref<81x128xi32, #tpu.memory_space<vmem>>) target_semaphore(%run_scoped3A : memref<!tpu.dma_semaphore, #tpu.memory_space<semaphore_mem>>)
      %dma_wait3A = arith.constant 0 : i32
      %dma_wait3A_15 = arith.constant 0 : i32
      %dma_wait3A_16 = tpu.memref_slice %arg4[%add3A, %dma_wait3A, %dma_wait3A_15] : memref<32x81x128xi32, #tpu.memory_space<hbm>> -> memref<1x81x128xi32, #tpu.memory_space<hbm>>
      %dma_wait3A_17 = tpu.memref_squeeze %dma_wait3A_16 : memref<1x81x128xi32, #tpu.memory_space<hbm>> -> memref<81x128xi32, #tpu.memory_space<hbm>>
      %dma_wait3A_18 = arith.constant 0 : i32
      %dma_wait3A_19 = arith.constant 0 : i32
      %dma_wait3A_20 = tpu.memref_slice %arg4[%add3A, %dma_wait3A_18, %dma_wait3A_19] : memref<32x81x128xi32, #tpu.memory_space<hbm>> -> memref<1x81x128xi32, #tpu.memory_space<hbm>>
      %dma_wait3A_21 = tpu.memref_squeeze %dma_wait3A_20 : memref<1x81x128xi32, #tpu.memory_space<hbm>> -> memref<81x128xi32, #tpu.memory_space<hbm>>
      tpu.wait_dma2 semaphore(%run_scoped3A : memref<!tpu.dma_semaphore, #tpu.memory_space<semaphore_mem>>) src(%dma_wait3A_21 : memref<81x128xi32, #tpu.memory_space<hbm>>) dst(%arg8 : memref<81x128xi32, #tpu.memory_space<vmem>>)
      tpu.yield
    }) : () -> ()
    %scan3A = arith.constant 0 : i32
    %scan3A_3 = arith.constant 0 : i32
    %scan3A_4 = arith.constant 81 : i32
    %scan3A_5 = arith.addi %scan3A_3, %scan3A_4 : i32
    %scan3A_6 = arith.constant 1 : i32
    scf.for %scan3A_8 = %scan3A_3 to %scan3A_5 step %scan3A_6  : i32 {
      %dma_start3A = arith.constant 0 : i32
      %dma_start3A_9 = tpu.memref_slice %arg7[%scan3A_8, %dma_start3A] : memref<81x128xi32, #tpu.memory_space<vmem>> -> memref<1x128xi32, #tpu.memory_space<vmem>>
      %dma_start3A_10 = tpu.memref_squeeze %dma_start3A_9 : memref<1x128xi32, #tpu.memory_space<vmem>> -> memref<128xi32, #tpu.memory_space<vmem>>
      %dma_start3A_11 = arith.constant 0 : i32
      %dma_start3A_12 = arith.constant 0 : i32
      %dma_start3A_13 = tpu.memref_slice %arg2[%dma_start3A_11, %dma_start3A_12] : memref<10008x64xf32, #tpu.memory_space<hbm>> -> memref<10008x64xf32, #tpu.memory_space<hbm>>
      tpu.enqueue_indirect_dma source(%dma_start3A_13 : memref<10008x64xf32, #tpu.memory_space<hbm>>) target(%arg9 : memref<128x64xf32, #tpu.memory_space<vmem>>) offsets(%dma_start3A_10 : memref<128xi32, #tpu.memory_space<vmem>>) semaphore(%arg11 : memref<!tpu.dma_semaphore, #tpu.memory_space<semaphore_mem>>)
      %dma_wait3A = arith.constant 0 : i32
      %dma_wait3A_14 = tpu.memref_slice %arg7[%scan3A_8, %dma_wait3A] : memref<81x128xi32, #tpu.memory_space<vmem>> -> memref<1x128xi32, #tpu.memory_space<vmem>>
      %dma_wait3A_15 = tpu.memref_squeeze %dma_wait3A_14 : memref<1x128xi32, #tpu.memory_space<vmem>> -> memref<128xi32, #tpu.memory_space<vmem>>
      %dma_wait3A_16 = arith.constant 0 : i32
      %dma_wait3A_17 = arith.constant 0 : i32
      %dma_wait3A_18 = tpu.memref_slice %arg2[%dma_wait3A_16, %dma_wait3A_17] : memref<10008x64xf32, #tpu.memory_space<hbm>> -> memref<10008x64xf32, #tpu.memory_space<hbm>>
      tpu.wait_indirect_dma semaphore(%arg11 : memref<!tpu.dma_semaphore, #tpu.memory_space<semaphore_mem>>) src(%dma_wait3A_18 : memref<10008x64xf32, #tpu.memory_space<hbm>>) dst(%arg9 : memref<128x64xf32, #tpu.memory_space<vmem>>)
      %mul3A_19 = arith.constant 128 : i32
      %mul3A_20 = arith.muli %scan3A_8, %mul3A_19 : i32
      %add3A_21 = arith.addi %mul3A_2, %mul3A_20 : i32
      "tpu.region"() ({
        %run_scoped3A = tpu.sem_alloc : memref<!tpu.dma_semaphore, #tpu.memory_space<semaphore_mem>>
        %dma_start3A_37 = arith.constant 0 : i32
        %dma_start3A_38 = tpu.memref_slice %arg5[%add3A_21, %dma_start3A_37] : memref<331776x64xf32, #tpu.memory_space<hbm>> -> memref<128x64xf32, #tpu.memory_space<hbm>>
        %dma_start3A_39 = arith.constant 0 : i32
        %dma_start3A_40 = tpu.memref_slice %arg5[%add3A_21, %dma_start3A_39] : memref<331776x64xf32, #tpu.memory_space<hbm>> -> memref<128x64xf32, #tpu.memory_space<hbm>>
        tpu.enqueue_dma source(%arg9 : memref<128x64xf32, #tpu.memory_space<vmem>>) target(%dma_start3A_40 : memref<128x64xf32, #tpu.memory_space<hbm>>) target_semaphore(%run_scoped3A : memref<!tpu.dma_semaphore, #tpu.memory_space<semaphore_mem>>)
        %dma_wait3A_41 = arith.constant 0 : i32
        %dma_wait3A_42 = tpu.memref_slice %arg5[%add3A_21, %dma_wait3A_41] : memref<331776x64xf32, #tpu.memory_space<hbm>> -> memref<128x64xf32, #tpu.memory_space<hbm>>
        %dma_wait3A_43 = arith.constant 0 : i32
        %dma_wait3A_44 = tpu.memref_slice %arg5[%add3A_21, %dma_wait3A_43] : memref<331776x64xf32, #tpu.memory_space<hbm>> -> memref<128x64xf32, #tpu.memory_space<hbm>>
        tpu.wait_dma2 semaphore(%run_scoped3A : memref<!tpu.dma_semaphore, #tpu.memory_space<semaphore_mem>>) src(%arg9 : memref<128x64xf32, #tpu.memory_space<vmem>>) dst(%dma_wait3A_44 : memref<128x64xf32, #tpu.memory_space<hbm>>)
        tpu.yield
      }) : () -> ()
      %dma_start3A_22 = arith.constant 0 : i32
      %dma_start3A_23 = tpu.memref_slice %arg8[%scan3A_8, %dma_start3A_22] : memref<81x128xi32, #tpu.memory_space<vmem>> -> memref<1x128xi32, #tpu.memory_space<vmem>>
      %dma_start3A_24 = tpu.memref_squeeze %dma_start3A_23 : memref<1x128xi32, #tpu.memory_space<vmem>> -> memref<128xi32, #tpu.memory_space<vmem>>
      %dma_start3A_25 = arith.constant 0 : i32
      %dma_start3A_26 = arith.constant 0 : i32
      %dma_start3A_27 = tpu.memref_slice %arg2[%dma_start3A_25, %dma_start3A_26] : memref<10008x64xf32, #tpu.memory_space<hbm>> -> memref<10008x64xf32, #tpu.memory_space<hbm>>
      tpu.enqueue_indirect_dma source(%dma_start3A_27 : memref<10008x64xf32, #tpu.memory_space<hbm>>) target(%arg10 : memref<128x64xf32, #tpu.memory_space<vmem>>) offsets(%dma_start3A_24 : memref<128xi32, #tpu.memory_space<vmem>>) semaphore(%arg11 : memref<!tpu.dma_semaphore, #tpu.memory_space<semaphore_mem>>)
      %dma_wait3A_28 = arith.constant 0 : i32
      %dma_wait3A_29 = tpu.memref_slice %arg8[%scan3A_8, %dma_wait3A_28] : memref<81x128xi32, #tpu.memory_space<vmem>> -> memref<1x128xi32, #tpu.memory_space<vmem>>
      %dma_wait3A_30 = tpu.memref_squeeze %dma_wait3A_29 : memref<1x128xi32, #tpu.memory_space<vmem>> -> memref<128xi32, #tpu.memory_space<vmem>>
      %dma_wait3A_31 = arith.constant 0 : i32
      %dma_wait3A_32 = arith.constant 0 : i32
      %dma_wait3A_33 = tpu.memref_slice %arg2[%dma_wait3A_31, %dma_wait3A_32] : memref<10008x64xf32, #tpu.memory_space<hbm>> -> memref<10008x64xf32, #tpu.memory_space<hbm>>
      tpu.wait_indirect_dma semaphore(%arg11 : memref<!tpu.dma_semaphore, #tpu.memory_space<semaphore_mem>>) src(%dma_wait3A_33 : memref<10008x64xf32, #tpu.memory_space<hbm>>) dst(%arg10 : memref<128x64xf32, #tpu.memory_space<vmem>>)
      %mul3A_34 = arith.constant 128 : i32
      %mul3A_35 = arith.muli %scan3A_8, %mul3A_34 : i32
      %add3A_36 = arith.addi %mul3A_2, %mul3A_35 : i32
      "tpu.region"() ({
        %run_scoped3A = tpu.sem_alloc : memref<!tpu.dma_semaphore, #tpu.memory_space<semaphore_mem>>
        %dma_start3A_37 = arith.constant 0 : i32
        %dma_start3A_38 = tpu.memref_slice %arg6[%add3A_36, %dma_start3A_37] : memref<331776x64xf32, #tpu.memory_space<hbm>> -> memref<128x64xf32, #tpu.memory_space<hbm>>
        %dma_start3A_39 = arith.constant 0 : i32
        %dma_start3A_40 = tpu.memref_slice %arg6[%add3A_36, %dma_start3A_39] : memref<331776x64xf32, #tpu.memory_space<hbm>> -> memref<128x64xf32, #tpu.memory_space<hbm>>
        tpu.enqueue_dma source(%arg10 : memref<128x64xf32, #tpu.memory_space<vmem>>) target(%dma_start3A_40 : memref<128x64xf32, #tpu.memory_space<hbm>>) target_semaphore(%run_scoped3A : memref<!tpu.dma_semaphore, #tpu.memory_space<semaphore_mem>>)
        %dma_wait3A_41 = arith.constant 0 : i32
        %dma_wait3A_42 = tpu.memref_slice %arg6[%add3A_36, %dma_wait3A_41] : memref<331776x64xf32, #tpu.memory_space<hbm>> -> memref<128x64xf32, #tpu.memory_space<hbm>>
        %dma_wait3A_43 = arith.constant 0 : i32
        %dma_wait3A_44 = tpu.memref_slice %arg6[%add3A_36, %dma_wait3A_43] : memref<331776x64xf32, #tpu.memory_space<hbm>> -> memref<128x64xf32, #tpu.memory_space<hbm>>
        tpu.wait_dma2 semaphore(%run_scoped3A : memref<!tpu.dma_semaphore, #tpu.memory_space<semaphore_mem>>) src(%arg10 : memref<128x64xf32, #tpu.memory_space<vmem>>) dst(%dma_wait3A_44 : memref<128x64xf32, #tpu.memory_space<hbm>>)
        tpu.yield
      }) : () -> ()
    }
    %scan3A_7 = arith.constant 81 : i32
    return
  }
}

#map = affine_map<(d0, d1) -> (0, 0)>
#map1 = affine_map<(d0, d1) -> (0, 0, 0)>
module attributes {stable_mosaic.version = 14 : i64} {
  func.func @seg(%arg0: i32, %arg1: i32, %arg2: memref<10000x128xf32, #tpu.memory_space<hbm>>, %arg3: memref<32x81x128xi32, #tpu.memory_space<hbm>>, %arg4: memref<32x81x128xi32, #tpu.memory_space<hbm>>, %arg5: memref<10112x128xf32, #tpu.memory_space<hbm>>, %arg6: memref<2x10112x128xf32, #tpu.memory_space<hbm>>, %arg7: memref<81x128xi32, #tpu.memory_space<vmem>>, %arg8: memref<81x128xi32, #tpu.memory_space<vmem>>, %arg9: memref<128x128xf32, #tpu.memory_space<vmem>>, %arg10: memref<10112x128xf32, #tpu.memory_space<vmem_shared>>, %arg11: memref<!tpu.dma_semaphore, #tpu.memory_space<semaphore_mem>>) attributes {dimension_semantics = [#tpu.dimension_semantics<core_parallel>, #tpu.dimension_semantics<subcore_parallel>], iteration_bounds = array<i64: 2, 16>, scalar_prefetch = 0 : i64, scratch_operands = 5 : i64, tpu.core_type = #tpu.core_type<sc_vector_subcore>, window_params = [{transform_indices = #map}, {transform_indices = #map1}, {transform_indices = #map1}, {transform_indices = #map}, {transform_indices = #map1}]} {
    %mul3A = arith.constant 16 : i32
    %mul3A_0 = arith.muli %arg0, %mul3A : i32
    %add3A = arith.addi %mul3A_0, %arg1 : i32
    %mul3A_1 = arith.constant 632 : i32
    %mul3A_2 = arith.muli %arg1, %mul3A_1 : i32
    %mul3A_3 = arith.constant 632 : i32
    %mul3A_4 = arith.muli %arg1, %mul3A_3 : i32
    "tpu.region"() ({
      %run_scoped3A = tpu.sem_alloc : memref<!tpu.dma_semaphore, #tpu.memory_space<semaphore_mem>>
      %dma_start3A = arith.constant 0 : i32
      %dma_start3A_15 = tpu.memref_slice %arg10[%mul3A_4, %dma_start3A] : memref<10112x128xf32, #tpu.memory_space<vmem_shared>> -> memref<632x128xf32, #tpu.memory_space<vmem_shared>>
      %dma_start3A_16 = arith.constant 0 : i32
      %dma_start3A_17 = tpu.memref_slice %arg5[%mul3A_2, %dma_start3A_16] : memref<10112x128xf32, #tpu.memory_space<hbm>> -> memref<632x128xf32, #tpu.memory_space<hbm>>
      tpu.enqueue_dma source(%dma_start3A_17 : memref<632x128xf32, #tpu.memory_space<hbm>>) target(%dma_start3A_15 : memref<632x128xf32, #tpu.memory_space<vmem_shared>>) target_semaphore(%run_scoped3A : memref<!tpu.dma_semaphore, #tpu.memory_space<semaphore_mem>>)
      %dma_wait3A = arith.constant 0 : i32
      %dma_wait3A_18 = tpu.memref_slice %arg10[%mul3A_4, %dma_wait3A] : memref<10112x128xf32, #tpu.memory_space<vmem_shared>> -> memref<632x128xf32, #tpu.memory_space<vmem_shared>>
      %dma_wait3A_19 = arith.constant 0 : i32
      %dma_wait3A_20 = tpu.memref_slice %arg5[%mul3A_2, %dma_wait3A_19] : memref<10112x128xf32, #tpu.memory_space<hbm>> -> memref<632x128xf32, #tpu.memory_space<hbm>>
      tpu.wait_dma2 semaphore(%run_scoped3A : memref<!tpu.dma_semaphore, #tpu.memory_space<semaphore_mem>>) src(%dma_wait3A_20 : memref<632x128xf32, #tpu.memory_space<hbm>>) dst(%dma_wait3A_18 : memref<632x128xf32, #tpu.memory_space<vmem_shared>>)
      tpu.yield
    }) : () -> ()
    "tpu.region"() ({
      %run_scoped3A = tpu.sem_alloc : memref<!tpu.dma_semaphore, #tpu.memory_space<semaphore_mem>>
      %dma_start3A = arith.constant 0 : i32
      %dma_start3A_15 = arith.constant 0 : i32
      %dma_start3A_16 = tpu.memref_slice %arg3[%add3A, %dma_start3A, %dma_start3A_15] : memref<32x81x128xi32, #tpu.memory_space<hbm>> -> memref<1x81x128xi32, #tpu.memory_space<hbm>>
      %dma_start3A_17 = tpu.memref_squeeze %dma_start3A_16 : memref<1x81x128xi32, #tpu.memory_space<hbm>> -> memref<81x128xi32, #tpu.memory_space<hbm>>
      %dma_start3A_18 = arith.constant 0 : i32
      %dma_start3A_19 = arith.constant 0 : i32
      %dma_start3A_20 = tpu.memref_slice %arg3[%add3A, %dma_start3A_18, %dma_start3A_19] : memref<32x81x128xi32, #tpu.memory_space<hbm>> -> memref<1x81x128xi32, #tpu.memory_space<hbm>>
      %dma_start3A_21 = tpu.memref_squeeze %dma_start3A_20 : memref<1x81x128xi32, #tpu.memory_space<hbm>> -> memref<81x128xi32, #tpu.memory_space<hbm>>
      tpu.enqueue_dma source(%dma_start3A_21 : memref<81x128xi32, #tpu.memory_space<hbm>>) target(%arg7 : memref<81x128xi32, #tpu.memory_space<vmem>>) target_semaphore(%run_scoped3A : memref<!tpu.dma_semaphore, #tpu.memory_space<semaphore_mem>>)
      %dma_wait3A = arith.constant 0 : i32
      %dma_wait3A_22 = arith.constant 0 : i32
      %dma_wait3A_23 = tpu.memref_slice %arg3[%add3A, %dma_wait3A, %dma_wait3A_22] : memref<32x81x128xi32, #tpu.memory_space<hbm>> -> memref<1x81x128xi32, #tpu.memory_space<hbm>>
      %dma_wait3A_24 = tpu.memref_squeeze %dma_wait3A_23 : memref<1x81x128xi32, #tpu.memory_space<hbm>> -> memref<81x128xi32, #tpu.memory_space<hbm>>
      %dma_wait3A_25 = arith.constant 0 : i32
      %dma_wait3A_26 = arith.constant 0 : i32
      %dma_wait3A_27 = tpu.memref_slice %arg3[%add3A, %dma_wait3A_25, %dma_wait3A_26] : memref<32x81x128xi32, #tpu.memory_space<hbm>> -> memref<1x81x128xi32, #tpu.memory_space<hbm>>
      %dma_wait3A_28 = tpu.memref_squeeze %dma_wait3A_27 : memref<1x81x128xi32, #tpu.memory_space<hbm>> -> memref<81x128xi32, #tpu.memory_space<hbm>>
      tpu.wait_dma2 semaphore(%run_scoped3A : memref<!tpu.dma_semaphore, #tpu.memory_space<semaphore_mem>>) src(%dma_wait3A_28 : memref<81x128xi32, #tpu.memory_space<hbm>>) dst(%arg7 : memref<81x128xi32, #tpu.memory_space<vmem>>)
      tpu.yield
    }) : () -> ()
    "tpu.region"() ({
      %run_scoped3A = tpu.sem_alloc : memref<!tpu.dma_semaphore, #tpu.memory_space<semaphore_mem>>
      %dma_start3A = arith.constant 0 : i32
      %dma_start3A_15 = arith.constant 0 : i32
      %dma_start3A_16 = tpu.memref_slice %arg4[%add3A, %dma_start3A, %dma_start3A_15] : memref<32x81x128xi32, #tpu.memory_space<hbm>> -> memref<1x81x128xi32, #tpu.memory_space<hbm>>
      %dma_start3A_17 = tpu.memref_squeeze %dma_start3A_16 : memref<1x81x128xi32, #tpu.memory_space<hbm>> -> memref<81x128xi32, #tpu.memory_space<hbm>>
      %dma_start3A_18 = arith.constant 0 : i32
      %dma_start3A_19 = arith.constant 0 : i32
      %dma_start3A_20 = tpu.memref_slice %arg4[%add3A, %dma_start3A_18, %dma_start3A_19] : memref<32x81x128xi32, #tpu.memory_space<hbm>> -> memref<1x81x128xi32, #tpu.memory_space<hbm>>
      %dma_start3A_21 = tpu.memref_squeeze %dma_start3A_20 : memref<1x81x128xi32, #tpu.memory_space<hbm>> -> memref<81x128xi32, #tpu.memory_space<hbm>>
      tpu.enqueue_dma source(%dma_start3A_21 : memref<81x128xi32, #tpu.memory_space<hbm>>) target(%arg8 : memref<81x128xi32, #tpu.memory_space<vmem>>) target_semaphore(%run_scoped3A : memref<!tpu.dma_semaphore, #tpu.memory_space<semaphore_mem>>)
      %dma_wait3A = arith.constant 0 : i32
      %dma_wait3A_22 = arith.constant 0 : i32
      %dma_wait3A_23 = tpu.memref_slice %arg4[%add3A, %dma_wait3A, %dma_wait3A_22] : memref<32x81x128xi32, #tpu.memory_space<hbm>> -> memref<1x81x128xi32, #tpu.memory_space<hbm>>
      %dma_wait3A_24 = tpu.memref_squeeze %dma_wait3A_23 : memref<1x81x128xi32, #tpu.memory_space<hbm>> -> memref<81x128xi32, #tpu.memory_space<hbm>>
      %dma_wait3A_25 = arith.constant 0 : i32
      %dma_wait3A_26 = arith.constant 0 : i32
      %dma_wait3A_27 = tpu.memref_slice %arg4[%add3A, %dma_wait3A_25, %dma_wait3A_26] : memref<32x81x128xi32, #tpu.memory_space<hbm>> -> memref<1x81x128xi32, #tpu.memory_space<hbm>>
      %dma_wait3A_28 = tpu.memref_squeeze %dma_wait3A_27 : memref<1x81x128xi32, #tpu.memory_space<hbm>> -> memref<81x128xi32, #tpu.memory_space<hbm>>
      tpu.wait_dma2 semaphore(%run_scoped3A : memref<!tpu.dma_semaphore, #tpu.memory_space<semaphore_mem>>) src(%dma_wait3A_28 : memref<81x128xi32, #tpu.memory_space<hbm>>) dst(%arg8 : memref<81x128xi32, #tpu.memory_space<vmem>>)
      tpu.yield
    }) : () -> ()
    %barrier3A = arith.constant 0 : index
    tpu.barrier barrier_id(%barrier3A)
    %scan3A = arith.constant 0 : i32
    %scan3A_5 = arith.constant 0 : i32
    %scan3A_6 = arith.constant 81 : i32
    %scan3A_7 = arith.addi %scan3A_5, %scan3A_6 : i32
    %scan3A_8 = arith.constant 1 : i32
    scf.for %scan3A_15 = %scan3A_5 to %scan3A_7 step %scan3A_8  : i32 {
      %dma_start3A = arith.constant 0 : i32
      %dma_start3A_16 = tpu.memref_slice %arg7[%scan3A_15, %dma_start3A] : memref<81x128xi32, #tpu.memory_space<vmem>> -> memref<1x128xi32, #tpu.memory_space<vmem>>
      %dma_start3A_17 = tpu.memref_squeeze %dma_start3A_16 : memref<1x128xi32, #tpu.memory_space<vmem>> -> memref<128xi32, #tpu.memory_space<vmem>>
      %dma_start3A_18 = arith.constant 0 : i32
      %dma_start3A_19 = arith.constant 0 : i32
      %dma_start3A_20 = tpu.memref_slice %arg2[%dma_start3A_18, %dma_start3A_19] : memref<10000x128xf32, #tpu.memory_space<hbm>> -> memref<10000x128xf32, #tpu.memory_space<hbm>>
      tpu.enqueue_indirect_dma source(%dma_start3A_20 : memref<10000x128xf32, #tpu.memory_space<hbm>>) target(%arg9 : memref<128x128xf32, #tpu.memory_space<vmem>>) offsets(%dma_start3A_17 : memref<128xi32, #tpu.memory_space<vmem>>) semaphore(%arg11 : memref<!tpu.dma_semaphore, #tpu.memory_space<semaphore_mem>>)
      %dma_wait3A = arith.constant 0 : i32
      %dma_wait3A_21 = tpu.memref_slice %arg7[%scan3A_15, %dma_wait3A] : memref<81x128xi32, #tpu.memory_space<vmem>> -> memref<1x128xi32, #tpu.memory_space<vmem>>
      %dma_wait3A_22 = tpu.memref_squeeze %dma_wait3A_21 : memref<1x128xi32, #tpu.memory_space<vmem>> -> memref<128xi32, #tpu.memory_space<vmem>>
      %dma_wait3A_23 = arith.constant 0 : i32
      %dma_wait3A_24 = arith.constant 0 : i32
      %dma_wait3A_25 = tpu.memref_slice %arg2[%dma_wait3A_23, %dma_wait3A_24] : memref<10000x128xf32, #tpu.memory_space<hbm>> -> memref<10000x128xf32, #tpu.memory_space<hbm>>
      tpu.wait_indirect_dma semaphore(%arg11 : memref<!tpu.dma_semaphore, #tpu.memory_space<semaphore_mem>>) src(%dma_wait3A_25 : memref<10000x128xf32, #tpu.memory_space<hbm>>) dst(%arg9 : memref<128x128xf32, #tpu.memory_space<vmem>>)
      "tpu.region"() ({
        %run_scoped3A = tpu.sem_alloc : memref<!tpu.dma_semaphore, #tpu.memory_space<semaphore_mem>>
        %dma_start3A_26 = arith.constant 0 : i32
        %dma_start3A_27 = tpu.memref_slice %arg8[%scan3A_15, %dma_start3A_26] : memref<81x128xi32, #tpu.memory_space<vmem>> -> memref<1x128xi32, #tpu.memory_space<vmem>>
        %dma_start3A_28 = tpu.memref_squeeze %dma_start3A_27 : memref<1x128xi32, #tpu.memory_space<vmem>> -> memref<128xi32, #tpu.memory_space<vmem>>
        %dma_start3A_29 = arith.constant 0 : i32
        %dma_start3A_30 = arith.constant 0 : i32
        %dma_start3A_31 = tpu.memref_slice %arg10[%dma_start3A_29, %dma_start3A_30] : memref<10112x128xf32, #tpu.memory_space<vmem_shared>> -> memref<10112x128xf32, #tpu.memory_space<vmem_shared>>
        tpu.enqueue_indirect_dma source(%arg9 : memref<128x128xf32, #tpu.memory_space<vmem>>) target(%dma_start3A_31 : memref<10112x128xf32, #tpu.memory_space<vmem_shared>>) offsets(%dma_start3A_28 : memref<128xi32, #tpu.memory_space<vmem>>) semaphore(%run_scoped3A : memref<!tpu.dma_semaphore, #tpu.memory_space<semaphore_mem>>) {add = true}
        %dma_wait3A_32 = arith.constant 0 : i32
        %dma_wait3A_33 = tpu.memref_slice %arg8[%scan3A_15, %dma_wait3A_32] : memref<81x128xi32, #tpu.memory_space<vmem>> -> memref<1x128xi32, #tpu.memory_space<vmem>>
        %dma_wait3A_34 = tpu.memref_squeeze %dma_wait3A_33 : memref<1x128xi32, #tpu.memory_space<vmem>> -> memref<128xi32, #tpu.memory_space<vmem>>
        %dma_wait3A_35 = arith.constant 0 : i32
        %dma_wait3A_36 = arith.constant 0 : i32
        %dma_wait3A_37 = tpu.memref_slice %arg10[%dma_wait3A_35, %dma_wait3A_36] : memref<10112x128xf32, #tpu.memory_space<vmem_shared>> -> memref<10112x128xf32, #tpu.memory_space<vmem_shared>>
        tpu.wait_indirect_dma semaphore(%run_scoped3A : memref<!tpu.dma_semaphore, #tpu.memory_space<semaphore_mem>>) src(%arg9 : memref<128x128xf32, #tpu.memory_space<vmem>>) dst(%dma_wait3A_37 : memref<10112x128xf32, #tpu.memory_space<vmem_shared>>)
        tpu.yield
      }) : () -> ()
    }
    %scan3A_9 = arith.constant 81 : i32
    %barrier3A_10 = arith.constant 0 : index
    tpu.barrier barrier_id(%barrier3A_10)
    %mul3A_11 = arith.constant 632 : i32
    %mul3A_12 = arith.muli %arg1, %mul3A_11 : i32
    %mul3A_13 = arith.constant 632 : i32
    %mul3A_14 = arith.muli %arg1, %mul3A_13 : i32
    "tpu.region"() ({
      %run_scoped3A = tpu.sem_alloc : memref<!tpu.dma_semaphore, #tpu.memory_space<semaphore_mem>>
      %dma_start3A = arith.constant 0 : i32
      %dma_start3A_15 = arith.constant 0 : i32
      %dma_start3A_16 = tpu.memref_slice %arg6[%arg0, %dma_start3A, %dma_start3A_15] : memref<2x10112x128xf32, #tpu.memory_space<hbm>> -> memref<1x10112x128xf32, #tpu.memory_space<hbm>>
      %dma_start3A_17 = tpu.memref_squeeze %dma_start3A_16 : memref<1x10112x128xf32, #tpu.memory_space<hbm>> -> memref<10112x128xf32, #tpu.memory_space<hbm>>
      %dma_start3A_18 = arith.constant 0 : i32
      %dma_start3A_19 = tpu.memref_slice %dma_start3A_17[%mul3A_14, %dma_start3A_18] : memref<10112x128xf32, #tpu.memory_space<hbm>> -> memref<632x128xf32, #tpu.memory_space<hbm>>
      %dma_start3A_20 = arith.constant 0 : i32
      %dma_start3A_21 = tpu.memref_slice %arg10[%mul3A_12, %dma_start3A_20] : memref<10112x128xf32, #tpu.memory_space<vmem_shared>> -> memref<632x128xf32, #tpu.memory_space<vmem_shared>>
      tpu.enqueue_dma source(%dma_start3A_21 : memref<632x128xf32, #tpu.memory_space<vmem_shared>>) target(%dma_start3A_19 : memref<632x128xf32, #tpu.memory_space<hbm>>) target_semaphore(%run_scoped3A : memref<!tpu.dma_semaphore, #tpu.memory_space<semaphore_mem>>)
      %dma_wait3A = arith.constant 0 : i32
      %dma_wait3A_22 = arith.constant 0 : i32
      %dma_wait3A_23 = tpu.memref_slice %arg6[%arg0, %dma_wait3A, %dma_wait3A_22] : memref<2x10112x128xf32, #tpu.memory_space<hbm>> -> memref<1x10112x128xf32, #tpu.memory_space<hbm>>
      %dma_wait3A_24 = tpu.memref_squeeze %dma_wait3A_23 : memref<1x10112x128xf32, #tpu.memory_space<hbm>> -> memref<10112x128xf32, #tpu.memory_space<hbm>>
      %dma_wait3A_25 = arith.constant 0 : i32
      %dma_wait3A_26 = tpu.memref_slice %dma_wait3A_24[%mul3A_14, %dma_wait3A_25] : memref<10112x128xf32, #tpu.memory_space<hbm>> -> memref<632x128xf32, #tpu.memory_space<hbm>>
      %dma_wait3A_27 = arith.constant 0 : i32
      %dma_wait3A_28 = tpu.memref_slice %arg10[%mul3A_12, %dma_wait3A_27] : memref<10112x128xf32, #tpu.memory_space<vmem_shared>> -> memref<632x128xf32, #tpu.memory_space<vmem_shared>>
      tpu.wait_dma2 semaphore(%run_scoped3A : memref<!tpu.dma_semaphore, #tpu.memory_space<semaphore_mem>>) src(%dma_wait3A_28 : memref<632x128xf32, #tpu.memory_space<vmem_shared>>) dst(%dma_wait3A_26 : memref<632x128xf32, #tpu.memory_space<hbm>>)
      tpu.yield
    }) : () -> ()
    return
  }
}

#map = affine_map<(d0, d1) -> (0, 0)>
#map1 = affine_map<(d0, d1) -> (0, 0, 0)>
module attributes {stable_mosaic.version = 14 : i64} {
  func.func @seg(%arg0: i32, %arg1: i32, %arg2: memref<331776x80xf32, #tpu.memory_space<hbm>>, %arg3: memref<32x81x128xi32, #tpu.memory_space<hbm>>, %arg4: memref<32x81x128xi32, #tpu.memory_space<hbm>>, %arg5: memref<10112x80xf32, #tpu.memory_space<hbm>>, %arg6: memref<2x10112x80xf32, #tpu.memory_space<hbm>>, %arg7: memref<81x128xi32, #tpu.memory_space<vmem>>, %arg8: memref<81x128xi32, #tpu.memory_space<vmem>>, %arg9: memref<128x80xf32, #tpu.memory_space<vmem>>, %arg10: memref<10112x80xf32, #tpu.memory_space<vmem_shared>>, %arg11: memref<!tpu.dma_semaphore, #tpu.memory_space<semaphore_mem>>) attributes {dimension_semantics = [#tpu.dimension_semantics<core_parallel>, #tpu.dimension_semantics<subcore_parallel>], iteration_bounds = array<i64: 2, 16>, scalar_prefetch = 0 : i64, scratch_operands = 5 : i64, tpu.core_type = #tpu.core_type<sc_vector_subcore>, window_params = [{transform_indices = #map}, {transform_indices = #map1}, {transform_indices = #map1}, {transform_indices = #map}, {transform_indices = #map1}]} {
    %mul3A = arith.constant 16 : i32
    %mul3A_0 = arith.muli %arg0, %mul3A : i32
    %add3A = arith.addi %mul3A_0, %arg1 : i32
    %mul3A_1 = arith.constant 632 : i32
    %mul3A_2 = arith.muli %arg1, %mul3A_1 : i32
    %mul3A_3 = arith.constant 632 : i32
    %mul3A_4 = arith.muli %arg1, %mul3A_3 : i32
    "tpu.region"() ({
      %run_scoped3A = tpu.sem_alloc : memref<!tpu.dma_semaphore, #tpu.memory_space<semaphore_mem>>
      %dma_start3A = arith.constant 0 : i32
      %dma_start3A_15 = tpu.memref_slice %arg10[%mul3A_4, %dma_start3A] : memref<10112x80xf32, #tpu.memory_space<vmem_shared>> -> memref<632x80xf32, #tpu.memory_space<vmem_shared>>
      %dma_start3A_16 = arith.constant 0 : i32
      %dma_start3A_17 = tpu.memref_slice %arg5[%mul3A_2, %dma_start3A_16] : memref<10112x80xf32, #tpu.memory_space<hbm>> -> memref<632x80xf32, #tpu.memory_space<hbm>>
      tpu.enqueue_dma source(%dma_start3A_17 : memref<632x80xf32, #tpu.memory_space<hbm>>) target(%dma_start3A_15 : memref<632x80xf32, #tpu.memory_space<vmem_shared>>) target_semaphore(%run_scoped3A : memref<!tpu.dma_semaphore, #tpu.memory_space<semaphore_mem>>)
      %dma_wait3A = arith.constant 0 : i32
      %dma_wait3A_18 = tpu.memref_slice %arg10[%mul3A_4, %dma_wait3A] : memref<10112x80xf32, #tpu.memory_space<vmem_shared>> -> memref<632x80xf32, #tpu.memory_space<vmem_shared>>
      %dma_wait3A_19 = arith.constant 0 : i32
      %dma_wait3A_20 = tpu.memref_slice %arg5[%mul3A_2, %dma_wait3A_19] : memref<10112x80xf32, #tpu.memory_space<hbm>> -> memref<632x80xf32, #tpu.memory_space<hbm>>
      tpu.wait_dma2 semaphore(%run_scoped3A : memref<!tpu.dma_semaphore, #tpu.memory_space<semaphore_mem>>) src(%dma_wait3A_20 : memref<632x80xf32, #tpu.memory_space<hbm>>) dst(%dma_wait3A_18 : memref<632x80xf32, #tpu.memory_space<vmem_shared>>)
      tpu.yield
    }) : () -> ()
    "tpu.region"() ({
      %run_scoped3A = tpu.sem_alloc : memref<!tpu.dma_semaphore, #tpu.memory_space<semaphore_mem>>
      %dma_start3A = arith.constant 0 : i32
      %dma_start3A_15 = arith.constant 0 : i32
      %dma_start3A_16 = tpu.memref_slice %arg3[%add3A, %dma_start3A, %dma_start3A_15] : memref<32x81x128xi32, #tpu.memory_space<hbm>> -> memref<1x81x128xi32, #tpu.memory_space<hbm>>
      %dma_start3A_17 = tpu.memref_squeeze %dma_start3A_16 : memref<1x81x128xi32, #tpu.memory_space<hbm>> -> memref<81x128xi32, #tpu.memory_space<hbm>>
      %dma_start3A_18 = arith.constant 0 : i32
      %dma_start3A_19 = arith.constant 0 : i32
      %dma_start3A_20 = tpu.memref_slice %arg3[%add3A, %dma_start3A_18, %dma_start3A_19] : memref<32x81x128xi32, #tpu.memory_space<hbm>> -> memref<1x81x128xi32, #tpu.memory_space<hbm>>
      %dma_start3A_21 = tpu.memref_squeeze %dma_start3A_20 : memref<1x81x128xi32, #tpu.memory_space<hbm>> -> memref<81x128xi32, #tpu.memory_space<hbm>>
      tpu.enqueue_dma source(%dma_start3A_21 : memref<81x128xi32, #tpu.memory_space<hbm>>) target(%arg7 : memref<81x128xi32, #tpu.memory_space<vmem>>) target_semaphore(%run_scoped3A : memref<!tpu.dma_semaphore, #tpu.memory_space<semaphore_mem>>)
      %dma_wait3A = arith.constant 0 : i32
      %dma_wait3A_22 = arith.constant 0 : i32
      %dma_wait3A_23 = tpu.memref_slice %arg3[%add3A, %dma_wait3A, %dma_wait3A_22] : memref<32x81x128xi32, #tpu.memory_space<hbm>> -> memref<1x81x128xi32, #tpu.memory_space<hbm>>
      %dma_wait3A_24 = tpu.memref_squeeze %dma_wait3A_23 : memref<1x81x128xi32, #tpu.memory_space<hbm>> -> memref<81x128xi32, #tpu.memory_space<hbm>>
      %dma_wait3A_25 = arith.constant 0 : i32
      %dma_wait3A_26 = arith.constant 0 : i32
      %dma_wait3A_27 = tpu.memref_slice %arg3[%add3A, %dma_wait3A_25, %dma_wait3A_26] : memref<32x81x128xi32, #tpu.memory_space<hbm>> -> memref<1x81x128xi32, #tpu.memory_space<hbm>>
      %dma_wait3A_28 = tpu.memref_squeeze %dma_wait3A_27 : memref<1x81x128xi32, #tpu.memory_space<hbm>> -> memref<81x128xi32, #tpu.memory_space<hbm>>
      tpu.wait_dma2 semaphore(%run_scoped3A : memref<!tpu.dma_semaphore, #tpu.memory_space<semaphore_mem>>) src(%dma_wait3A_28 : memref<81x128xi32, #tpu.memory_space<hbm>>) dst(%arg7 : memref<81x128xi32, #tpu.memory_space<vmem>>)
      tpu.yield
    }) : () -> ()
    "tpu.region"() ({
      %run_scoped3A = tpu.sem_alloc : memref<!tpu.dma_semaphore, #tpu.memory_space<semaphore_mem>>
      %dma_start3A = arith.constant 0 : i32
      %dma_start3A_15 = arith.constant 0 : i32
      %dma_start3A_16 = tpu.memref_slice %arg4[%add3A, %dma_start3A, %dma_start3A_15] : memref<32x81x128xi32, #tpu.memory_space<hbm>> -> memref<1x81x128xi32, #tpu.memory_space<hbm>>
      %dma_start3A_17 = tpu.memref_squeeze %dma_start3A_16 : memref<1x81x128xi32, #tpu.memory_space<hbm>> -> memref<81x128xi32, #tpu.memory_space<hbm>>
      %dma_start3A_18 = arith.constant 0 : i32
      %dma_start3A_19 = arith.constant 0 : i32
      %dma_start3A_20 = tpu.memref_slice %arg4[%add3A, %dma_start3A_18, %dma_start3A_19] : memref<32x81x128xi32, #tpu.memory_space<hbm>> -> memref<1x81x128xi32, #tpu.memory_space<hbm>>
      %dma_start3A_21 = tpu.memref_squeeze %dma_start3A_20 : memref<1x81x128xi32, #tpu.memory_space<hbm>> -> memref<81x128xi32, #tpu.memory_space<hbm>>
      tpu.enqueue_dma source(%dma_start3A_21 : memref<81x128xi32, #tpu.memory_space<hbm>>) target(%arg8 : memref<81x128xi32, #tpu.memory_space<vmem>>) target_semaphore(%run_scoped3A : memref<!tpu.dma_semaphore, #tpu.memory_space<semaphore_mem>>)
      %dma_wait3A = arith.constant 0 : i32
      %dma_wait3A_22 = arith.constant 0 : i32
      %dma_wait3A_23 = tpu.memref_slice %arg4[%add3A, %dma_wait3A, %dma_wait3A_22] : memref<32x81x128xi32, #tpu.memory_space<hbm>> -> memref<1x81x128xi32, #tpu.memory_space<hbm>>
      %dma_wait3A_24 = tpu.memref_squeeze %dma_wait3A_23 : memref<1x81x128xi32, #tpu.memory_space<hbm>> -> memref<81x128xi32, #tpu.memory_space<hbm>>
      %dma_wait3A_25 = arith.constant 0 : i32
      %dma_wait3A_26 = arith.constant 0 : i32
      %dma_wait3A_27 = tpu.memref_slice %arg4[%add3A, %dma_wait3A_25, %dma_wait3A_26] : memref<32x81x128xi32, #tpu.memory_space<hbm>> -> memref<1x81x128xi32, #tpu.memory_space<hbm>>
      %dma_wait3A_28 = tpu.memref_squeeze %dma_wait3A_27 : memref<1x81x128xi32, #tpu.memory_space<hbm>> -> memref<81x128xi32, #tpu.memory_space<hbm>>
      tpu.wait_dma2 semaphore(%run_scoped3A : memref<!tpu.dma_semaphore, #tpu.memory_space<semaphore_mem>>) src(%dma_wait3A_28 : memref<81x128xi32, #tpu.memory_space<hbm>>) dst(%arg8 : memref<81x128xi32, #tpu.memory_space<vmem>>)
      tpu.yield
    }) : () -> ()
    %barrier3A = arith.constant 0 : index
    tpu.barrier barrier_id(%barrier3A)
    %scan3A = arith.constant 0 : i32
    %scan3A_5 = arith.constant 0 : i32
    %scan3A_6 = arith.constant 81 : i32
    %scan3A_7 = arith.addi %scan3A_5, %scan3A_6 : i32
    %scan3A_8 = arith.constant 1 : i32
    scf.for %scan3A_15 = %scan3A_5 to %scan3A_7 step %scan3A_8  : i32 {
      %dma_start3A = arith.constant 0 : i32
      %dma_start3A_16 = tpu.memref_slice %arg7[%scan3A_15, %dma_start3A] : memref<81x128xi32, #tpu.memory_space<vmem>> -> memref<1x128xi32, #tpu.memory_space<vmem>>
      %dma_start3A_17 = tpu.memref_squeeze %dma_start3A_16 : memref<1x128xi32, #tpu.memory_space<vmem>> -> memref<128xi32, #tpu.memory_space<vmem>>
      %dma_start3A_18 = arith.constant 0 : i32
      %dma_start3A_19 = arith.constant 0 : i32
      %dma_start3A_20 = tpu.memref_slice %arg2[%dma_start3A_18, %dma_start3A_19] : memref<331776x80xf32, #tpu.memory_space<hbm>> -> memref<331776x80xf32, #tpu.memory_space<hbm>>
      tpu.enqueue_indirect_dma source(%dma_start3A_20 : memref<331776x80xf32, #tpu.memory_space<hbm>>) target(%arg9 : memref<128x80xf32, #tpu.memory_space<vmem>>) offsets(%dma_start3A_17 : memref<128xi32, #tpu.memory_space<vmem>>) semaphore(%arg11 : memref<!tpu.dma_semaphore, #tpu.memory_space<semaphore_mem>>)
      %dma_wait3A = arith.constant 0 : i32
      %dma_wait3A_21 = tpu.memref_slice %arg7[%scan3A_15, %dma_wait3A] : memref<81x128xi32, #tpu.memory_space<vmem>> -> memref<1x128xi32, #tpu.memory_space<vmem>>
      %dma_wait3A_22 = tpu.memref_squeeze %dma_wait3A_21 : memref<1x128xi32, #tpu.memory_space<vmem>> -> memref<128xi32, #tpu.memory_space<vmem>>
      %dma_wait3A_23 = arith.constant 0 : i32
      %dma_wait3A_24 = arith.constant 0 : i32
      %dma_wait3A_25 = tpu.memref_slice %arg2[%dma_wait3A_23, %dma_wait3A_24] : memref<331776x80xf32, #tpu.memory_space<hbm>> -> memref<331776x80xf32, #tpu.memory_space<hbm>>
      tpu.wait_indirect_dma semaphore(%arg11 : memref<!tpu.dma_semaphore, #tpu.memory_space<semaphore_mem>>) src(%dma_wait3A_25 : memref<331776x80xf32, #tpu.memory_space<hbm>>) dst(%arg9 : memref<128x80xf32, #tpu.memory_space<vmem>>)
      "tpu.region"() ({
        %run_scoped3A = tpu.sem_alloc : memref<!tpu.dma_semaphore, #tpu.memory_space<semaphore_mem>>
        %dma_start3A_26 = arith.constant 0 : i32
        %dma_start3A_27 = tpu.memref_slice %arg8[%scan3A_15, %dma_start3A_26] : memref<81x128xi32, #tpu.memory_space<vmem>> -> memref<1x128xi32, #tpu.memory_space<vmem>>
        %dma_start3A_28 = tpu.memref_squeeze %dma_start3A_27 : memref<1x128xi32, #tpu.memory_space<vmem>> -> memref<128xi32, #tpu.memory_space<vmem>>
        %dma_start3A_29 = arith.constant 0 : i32
        %dma_start3A_30 = arith.constant 0 : i32
        %dma_start3A_31 = tpu.memref_slice %arg10[%dma_start3A_29, %dma_start3A_30] : memref<10112x80xf32, #tpu.memory_space<vmem_shared>> -> memref<10112x80xf32, #tpu.memory_space<vmem_shared>>
        tpu.enqueue_indirect_dma source(%arg9 : memref<128x80xf32, #tpu.memory_space<vmem>>) target(%dma_start3A_31 : memref<10112x80xf32, #tpu.memory_space<vmem_shared>>) offsets(%dma_start3A_28 : memref<128xi32, #tpu.memory_space<vmem>>) semaphore(%run_scoped3A : memref<!tpu.dma_semaphore, #tpu.memory_space<semaphore_mem>>) {add = true}
        %dma_wait3A_32 = arith.constant 0 : i32
        %dma_wait3A_33 = tpu.memref_slice %arg8[%scan3A_15, %dma_wait3A_32] : memref<81x128xi32, #tpu.memory_space<vmem>> -> memref<1x128xi32, #tpu.memory_space<vmem>>
        %dma_wait3A_34 = tpu.memref_squeeze %dma_wait3A_33 : memref<1x128xi32, #tpu.memory_space<vmem>> -> memref<128xi32, #tpu.memory_space<vmem>>
        %dma_wait3A_35 = arith.constant 0 : i32
        %dma_wait3A_36 = arith.constant 0 : i32
        %dma_wait3A_37 = tpu.memref_slice %arg10[%dma_wait3A_35, %dma_wait3A_36] : memref<10112x80xf32, #tpu.memory_space<vmem_shared>> -> memref<10112x80xf32, #tpu.memory_space<vmem_shared>>
        tpu.wait_indirect_dma semaphore(%run_scoped3A : memref<!tpu.dma_semaphore, #tpu.memory_space<semaphore_mem>>) src(%arg9 : memref<128x80xf32, #tpu.memory_space<vmem>>) dst(%dma_wait3A_37 : memref<10112x80xf32, #tpu.memory_space<vmem_shared>>)
        tpu.yield
      }) : () -> ()
    }
    %scan3A_9 = arith.constant 81 : i32
    %barrier3A_10 = arith.constant 0 : index
    tpu.barrier barrier_id(%barrier3A_10)
    %mul3A_11 = arith.constant 632 : i32
    %mul3A_12 = arith.muli %arg1, %mul3A_11 : i32
    %mul3A_13 = arith.constant 632 : i32
    %mul3A_14 = arith.muli %arg1, %mul3A_13 : i32
    "tpu.region"() ({
      %run_scoped3A = tpu.sem_alloc : memref<!tpu.dma_semaphore, #tpu.memory_space<semaphore_mem>>
      %dma_start3A = arith.constant 0 : i32
      %dma_start3A_15 = arith.constant 0 : i32
      %dma_start3A_16 = tpu.memref_slice %arg6[%arg0, %dma_start3A, %dma_start3A_15] : memref<2x10112x80xf32, #tpu.memory_space<hbm>> -> memref<1x10112x80xf32, #tpu.memory_space<hbm>>
      %dma_start3A_17 = tpu.memref_squeeze %dma_start3A_16 : memref<1x10112x80xf32, #tpu.memory_space<hbm>> -> memref<10112x80xf32, #tpu.memory_space<hbm>>
      %dma_start3A_18 = arith.constant 0 : i32
      %dma_start3A_19 = tpu.memref_slice %dma_start3A_17[%mul3A_14, %dma_start3A_18] : memref<10112x80xf32, #tpu.memory_space<hbm>> -> memref<632x80xf32, #tpu.memory_space<hbm>>
      %dma_start3A_20 = arith.constant 0 : i32
      %dma_start3A_21 = tpu.memref_slice %arg10[%mul3A_12, %dma_start3A_20] : memref<10112x80xf32, #tpu.memory_space<vmem_shared>> -> memref<632x80xf32, #tpu.memory_space<vmem_shared>>
      tpu.enqueue_dma source(%dma_start3A_21 : memref<632x80xf32, #tpu.memory_space<vmem_shared>>) target(%dma_start3A_19 : memref<632x80xf32, #tpu.memory_space<hbm>>) target_semaphore(%run_scoped3A : memref<!tpu.dma_semaphore, #tpu.memory_space<semaphore_mem>>)
      %dma_wait3A = arith.constant 0 : i32
      %dma_wait3A_22 = arith.constant 0 : i32
      %dma_wait3A_23 = tpu.memref_slice %arg6[%arg0, %dma_wait3A, %dma_wait3A_22] : memref<2x10112x80xf32, #tpu.memory_space<hbm>> -> memref<1x10112x80xf32, #tpu.memory_space<hbm>>
      %dma_wait3A_24 = tpu.memref_squeeze %dma_wait3A_23 : memref<1x10112x80xf32, #tpu.memory_space<hbm>> -> memref<10112x80xf32, #tpu.memory_space<hbm>>
      %dma_wait3A_25 = arith.constant 0 : i32
      %dma_wait3A_26 = tpu.memref_slice %dma_wait3A_24[%mul3A_14, %dma_wait3A_25] : memref<10112x80xf32, #tpu.memory_space<hbm>> -> memref<632x80xf32, #tpu.memory_space<hbm>>
      %dma_wait3A_27 = arith.constant 0 : i32
      %dma_wait3A_28 = tpu.memref_slice %arg10[%mul3A_12, %dma_wait3A_27] : memref<10112x80xf32, #tpu.memory_space<vmem_shared>> -> memref<632x80xf32, #tpu.memory_space<vmem_shared>>
      tpu.wait_dma2 semaphore(%run_scoped3A : memref<!tpu.dma_semaphore, #tpu.memory_space<semaphore_mem>>) src(%dma_wait3A_28 : memref<632x80xf32, #tpu.memory_space<vmem_shared>>) dst(%dma_wait3A_26 : memref<632x80xf32, #tpu.memory_space<hbm>>)
      tpu.yield
    }) : () -> ()
    return
  }
}

module attributes {stable_mosaic.version = 14 : i64} {
  func.func @_k(%arg0: memref<10000x64xf32, #tpu.memory_space<vmem>>, %arg1: memref<64x32xf32, #tpu.memory_space<vmem>>, %arg2: memref<32xf32, #tpu.memory_space<vmem>>, %arg3: memref<64x32xf32, #tpu.memory_space<vmem>>, %arg4: memref<32xf32, #tpu.memory_space<vmem>>, %arg5: memref<32x1xf32, #tpu.memory_space<vmem>>, %arg6: memref<10000x32xf32, #tpu.memory_space<vmem>>, %arg7: memref<10008x32xf32, #tpu.memory_space<vmem>>, %arg8: memref<1x1xf32, #tpu.memory_space<vmem>>) attributes {dimension_semantics = [], scalar_prefetch = 0 : i64, scratch_operands = 0 : i64, tpu.core_type = #tpu.core_type<tc>} {
    %get3A = arith.constant 0 : index
    %get3A_0 = arith.constant 0 : index
    %get3A_1 = vector.load %arg0[%get3A, %get3A_0] : memref<10000x64xf32, #tpu.memory_space<vmem>>, vector<10000x64xf32>
    %get3A_2 = arith.constant 0 : index
    %get3A_3 = arith.constant 0 : index
    %get3A_4 = vector.load %arg3[%get3A_2, %get3A_3] : memref<64x32xf32, #tpu.memory_space<vmem>>, vector<64x32xf32>
    %dot_general3A = arith.constant dense<0.000000e+00> : vector<10000x32xf32>
    %dot_general3A_5 = tpu.matmul %get3A_1, %get3A_4, %dot_general3A {dimension_numbers = #tpu.dot_dimension_numbers<[1], [0], [0], [1], [0, 0, 1, 1], [], []>, transpose_lhs_hint = false} : vector<10000x64xf32>, vector<64x32xf32>, vector<10000x32xf32> -> vector<10000x32xf32>
    %get3A_6 = arith.constant 0 : index
    %get3A_7 = vector.load %arg4[%get3A_6] : memref<32xf32, #tpu.memory_space<vmem>>, vector<32xf32>
    %broadcast_in_dim3A = vector.shape_cast %get3A_7 : vector<32xf32> to vector<1x32xf32>
    %add3A = vector.broadcast %broadcast_in_dim3A : vector<1x32xf32> to vector<10000x32xf32>
    %add3A_8 = arith.addf %dot_general3A_5, %add3A : vector<10000x32xf32>
    %get3A_9 = arith.constant 0 : index
    %get3A_10 = arith.constant 0 : index
    %get3A_11 = vector.load %arg5[%get3A_9, %get3A_10] : memref<32x1xf32, #tpu.memory_space<vmem>>, vector<32x1xf32>
    %dot_general3A_12 = arith.constant dense<0.000000e+00> : vector<10000x1xf32>
    %dot_general3A_13 = tpu.matmul %add3A_8, %get3A_11, %dot_general3A_12 {dimension_numbers = #tpu.dot_dimension_numbers<[1], [0], [0], [1], [0, 0, 1, 1], [], []>, precision = #tpu.contract_precision<fp32>, transpose_lhs_hint = false} : vector<10000x32xf32>, vector<32x1xf32>, vector<10000x1xf32> -> vector<10000x1xf32>
    %reduce_max3A = vector.shape_cast %dot_general3A_13 : vector<10000x1xf32> to vector<1x10000x1xf32>
    %reduce_max3A_14 = arith.constant dense<0xFF800000> : vector<1xf32>
    %reduce_max3A_15 = vector.multi_reduction <maximumf>, %reduce_max3A, %reduce_max3A_14 [1, 2] : vector<1x10000x1xf32> to vector<1xf32>
    %reduce_max3A_16 = vector.shape_cast %reduce_max3A_15 : vector<1xf32> to vector<1x1x1xf32>
    %reduce_max3A_17 = vector.extract %reduce_max3A_16[0, 0, 0] : f32 from vector<1x1x1xf32>
    %reduce_min3A = vector.shape_cast %dot_general3A_13 : vector<10000x1xf32> to vector<1x10000x1xf32>
    %reduce_min3A_18 = arith.constant dense<0x7F800000> : vector<1xf32>
    %reduce_min3A_19 = vector.multi_reduction <minimumf>, %reduce_min3A, %reduce_min3A_18 [1, 2] : vector<1x10000x1xf32> to vector<1xf32>
    %reduce_min3A_20 = vector.shape_cast %reduce_min3A_19 : vector<1xf32> to vector<1x1x1xf32>
    %reduce_min3A_21 = vector.extract %reduce_min3A_20[0, 0, 0] : f32 from vector<1x1x1xf32>
    %sub3A = arith.subf %reduce_max3A_17, %reduce_min3A_21 : f32
    %add3A_22 = arith.constant 2.000000e+00 : f32
    %add3A_23 = arith.addf %sub3A, %add3A_22 : f32
    %reshape3A = vector.broadcast %add3A_23 : f32 to vector<1x1xf32>
    %swap3A = arith.constant 0 : index
    %swap3A_24 = arith.constant 0 : index
    %swap3A_25 = vector.load %arg8[%swap3A, %swap3A_24] : memref<1x1xf32, #tpu.memory_space<vmem>>, vector<1x1xf32>
    tpu.vector_store %arg8[%swap3A, %swap3A_24], %reshape3A {strides = array<i32>} : memref<1x1xf32, #tpu.memory_space<vmem>>, vector<1x1xf32>,
    %get3A_26 = arith.constant 0 : index
    %get3A_27 = arith.constant 0 : index
    %get3A_28 = vector.load %arg1[%get3A_26, %get3A_27] : memref<64x32xf32, #tpu.memory_space<vmem>>, vector<64x32xf32>
    %dot_general3A_29 = arith.constant dense<0.000000e+00> : vector<10000x32xf32>
    %dot_general3A_30 = tpu.matmul %get3A_1, %get3A_28, %dot_general3A_29 {dimension_numbers = #tpu.dot_dimension_numbers<[1], [0], [0], [1], [0, 0, 1, 1], [], []>, transpose_lhs_hint = false} : vector<10000x64xf32>, vector<64x32xf32>, vector<10000x32xf32> -> vector<10000x32xf32>
    %get3A_31 = arith.constant 0 : index
    %get3A_32 = vector.load %arg2[%get3A_31] : memref<32xf32, #tpu.memory_space<vmem>>, vector<32xf32>
    %broadcast_in_dim3A_33 = vector.shape_cast %get3A_32 : vector<32xf32> to vector<1x32xf32>
    %add3A_34 = vector.broadcast %broadcast_in_dim3A_33 : vector<1x32xf32> to vector<10000x32xf32>
    %add3A_35 = arith.addf %dot_general3A_30, %add3A_34 : vector<10000x32xf32>
    %swap3A_36 = arith.constant 0 : index
    %swap3A_37 = arith.constant 0 : index
    %swap3A_38 = vector.load %arg6[%swap3A_36, %swap3A_37] : memref<10000x32xf32, #tpu.memory_space<vmem>>, vector<10000x32xf32>
    tpu.vector_store %arg6[%swap3A_36, %swap3A_37], %add3A_35 {strides = array<i32>} : memref<10000x32xf32, #tpu.memory_space<vmem>>, vector<10000x32xf32>,
    %broadcast_in_dim3A_39 = arith.constant 0.000000e+00 : f32
    %broadcast_in_dim3A_40 = vector.broadcast %broadcast_in_dim3A_39 : f32 to vector<8x32xf32>
    %concatenate3A = tpu.concatenate %add3A_8, %broadcast_in_dim3A_40 in 0 : vector<10000x32xf32>, vector<8x32xf32> -> vector<10008x32xf32>
    %swap3A_41 = arith.constant 0 : index
    %swap3A_42 = arith.constant 0 : index
    %swap3A_43 = vector.load %arg7[%swap3A_41, %swap3A_42] : memref<10008x32xf32, #tpu.memory_space<vmem>>, vector<10008x32xf32>
    tpu.vector_store %arg7[%swap3A_41, %swap3A_42], %concatenate3A {strides = array<i32>} : memref<10008x32xf32, #tpu.memory_space<vmem>>, vector<10008x32xf32>,
    return
  }
}

module attributes {stable_mosaic.version = 14 : i64} {
  func.func @_k(%arg0: i32, %arg1: memref<8192x32xf32, #tpu.memory_space<vmem>>, %arg2: memref<8192x32xf32, #tpu.memory_space<vmem>>, %arg3: memref<32x1xf32, #tpu.memory_space<vmem>>, %arg4: memref<1x1xf32, #tpu.memory_space<vmem>>, %arg5: memref<8192x48xf32, #tpu.memory_space<vmem>>) attributes {dimension_semantics = [#tpu.dimension_semantics<arbitrary>], iteration_bounds = array<i64: 40>, scalar_prefetch = 0 : i64, scratch_operands = 0 : i64, tpu.core_type = #tpu.core_type<tc>, window_params = [{transform_indices = @transform_0, window_bounds = array<i64: 8192, 32>}, {transform_indices = @transform_1, window_bounds = array<i64: 8192, 32>}, {pipeline_mode = #tpu.pipeline_mode<synchronous>, transform_indices = @transform_2, window_bounds = array<i64: 32, 1>}, {pipeline_mode = #tpu.pipeline_mode<synchronous>, transform_indices = @transform_3, window_bounds = array<i64: 1, 1>}, {transform_indices = @transform_4, window_bounds = array<i64: 8192, 48>}]} {
    %get3A = arith.constant 0 : index
    %get3A_0 = arith.constant 0 : index
    %get3A_1 = vector.load %arg1[%get3A, %get3A_0] : memref<8192x32xf32, #tpu.memory_space<vmem>>, vector<8192x32xf32>
    %get3A_2 = arith.constant 0 : index
    %get3A_3 = arith.constant 0 : index
    %get3A_4 = vector.load %arg2[%get3A_2, %get3A_3] : memref<8192x32xf32, #tpu.memory_space<vmem>>, vector<8192x32xf32>
    %sub3A = arith.subf %get3A_4, %get3A_1 : vector<8192x32xf32>
    %get3A_5 = arith.constant 0 : index
    %get3A_6 = arith.constant 0 : index
    %get3A_7 = vector.load %arg3[%get3A_5, %get3A_6] : memref<32x1xf32, #tpu.memory_space<vmem>>, vector<32x1xf32>
    %convert_element_type3A = arith.truncf %sub3A : vector<8192x32xf32> to vector<8192x32xbf16>
    %convert_element_type3A_8 = arith.truncf %get3A_7 : vector<32x1xf32> to vector<32x1xbf16>
    %dot_general3A = arith.constant dense<0.000000e+00> : vector<8192x1xf32>
    %dot_general3A_9 = tpu.matmul %convert_element_type3A, %convert_element_type3A_8, %dot_general3A {dimension_numbers = #tpu.dot_dimension_numbers<[1], [0], [0], [1], [0, 0, 1, 1], [], []>, transpose_lhs_hint = false} : vector<8192x32xbf16>, vector<32x1xbf16>, vector<8192x1xf32> -> vector<8192x1xf32>
    %get3A_10 = arith.constant 0 : index
    %get3A_11 = arith.constant 0 : index
    %get3A_12 = vector.load %arg4[%get3A_10, %get3A_11] : memref<1x1xf32, #tpu.memory_space<vmem>>, vector<1x1xf32>
    %sub3A_13 = vector.broadcast %get3A_12 : vector<1x1xf32> to vector<8192x1xf32>
    %sub3A_14 = arith.subf %dot_general3A_9, %sub3A_13 : vector<8192x1xf32>
    %exp3A = math.exp %sub3A_14 : vector<8192x1xf32>
    %broadcast_in_dim3A = arith.constant 0.000000e+00 : f32
    %broadcast_in_dim3A_15 = vector.broadcast %broadcast_in_dim3A : f32 to vector<8192x15xf32>
    %mul3A = vector.broadcast %exp3A : vector<8192x1xf32> to vector<8192x32xf32>
    %mul3A_16 = arith.mulf %get3A_1, %mul3A : vector<8192x32xf32>
    %concatenate3A = tpu.concatenate %mul3A_16, %exp3A, %broadcast_in_dim3A_15 in 1 : vector<8192x32xf32>, vector<8192x1xf32>, vector<8192x15xf32> -> vector<8192x48xf32>
    %swap3A = arith.constant 0 : index
    %swap3A_17 = arith.constant 0 : index
    %swap3A_18 = vector.load %arg5[%swap3A, %swap3A_17] : memref<8192x48xf32, #tpu.memory_space<vmem>>, vector<8192x48xf32>
    tpu.vector_store %arg5[%swap3A, %swap3A_17], %concatenate3A {strides = array<i32>} : memref<8192x48xf32, #tpu.memory_space<vmem>>, vector<8192x48xf32>,
    return
  }
  func.func @transform_0(%arg0: i32) -> (i32, i32) {
    %c0_i32 = arith.constant 0 : i32
    %c0_i32_0 = arith.constant 0 : i32
    return %arg0, %c0_i32 : i32, i32
  }
  func.func @transform_1(%arg0: i32) -> (i32, i32) {
    %c0_i32 = arith.constant 0 : i32
    %c0_i32_0 = arith.constant 0 : i32
    return %arg0, %c0_i32 : i32, i32
  }
  func.func @transform_2(%arg0: i32) -> (i32, i32) {
    %c0_i32 = arith.constant 0 : i32
    %c0_i32_0 = arith.constant 0 : i32
    %c0_i32_1 = arith.constant 0 : i32
    return %c0_i32, %c0_i32_0 : i32, i32
  }
  func.func @transform_3(%arg0: i32) -> (i32, i32) {
    %c0_i32 = arith.constant 0 : i32
    %c0_i32_0 = arith.constant 0 : i32
    %c0_i32_1 = arith.constant 0 : i32
    return %c0_i32, %c0_i32_0 : i32, i32
  }
  func.func @transform_4(%arg0: i32) -> (i32, i32) {
    %c0_i32 = arith.constant 0 : i32
    %c0_i32_0 = arith.constant 0 : i32
    return %arg0, %c0_i32 : i32, i32
  }
}

module attributes {stable_mosaic.version = 14 : i64} {
  func.func @_k(%arg0: memref<2x10112x48xf32, #tpu.memory_space<vmem>>, %arg1: memref<10000x32xf32, #tpu.memory_space<vmem>>, %arg2: memref<10000x32xf32, #tpu.memory_space<vmem>>) attributes {dimension_semantics = [], scalar_prefetch = 0 : i64, scratch_operands = 0 : i64, tpu.core_type = #tpu.core_type<tc>} {
    %get3A = arith.constant 0 : index
    %get3A_0 = arith.constant 0 : index
    %get3A_1 = arith.constant 0 : index
    %get3A_2 = vector.load %arg0[%get3A, %get3A_0, %get3A_1] : memref<2x10112x48xf32, #tpu.memory_space<vmem>>, vector<1x10000x48xf32>
    %get3A_3 = vector.shape_cast %get3A_2 : vector<1x10000x48xf32> to vector<10000x48xf32>
    %get3A_4 = arith.constant 1 : index
    %get3A_5 = arith.constant 0 : index
    %get3A_6 = arith.constant 0 : index
    %get3A_7 = vector.load %arg0[%get3A_4, %get3A_5, %get3A_6] : memref<2x10112x48xf32, #tpu.memory_space<vmem>>, vector<1x10000x48xf32>
    %get3A_8 = vector.shape_cast %get3A_7 : vector<1x10000x48xf32> to vector<10000x48xf32>
    %add3A = arith.addf %get3A_3, %get3A_8 : vector<10000x48xf32>
    %slice3A = vector.extract_strided_slice %add3A {offsets = [0, 0], sizes = [10000, 32], strides = [1, 1]} : vector<10000x48xf32> to vector<10000x32xf32>
    %slice3A_9 = vector.extract_strided_slice %add3A {offsets = [0, 32], sizes = [10000, 1], strides = [1, 1]} : vector<10000x48xf32> to vector<10000x1xf32>
    %get3A_10 = arith.constant 0 : index
    %get3A_11 = arith.constant 0 : index
    %get3A_12 = vector.load %arg1[%get3A_10, %get3A_11] : memref<10000x32xf32, #tpu.memory_space<vmem>>, vector<10000x32xf32>
    %div3A = vector.broadcast %slice3A_9 : vector<10000x1xf32> to vector<10000x32xf32>
    %div3A_13 = arith.divf %slice3A, %div3A : vector<10000x32xf32>
    %add3A_14 = arith.addf %get3A_12, %div3A_13 : vector<10000x32xf32>
    %max3A = arith.constant 0.000000e+00 : f32
    %max3A_15 = vector.broadcast %max3A : f32 to vector<10000x32xf32>
    %max3A_16 = arith.maximumf %add3A_14, %max3A_15 : vector<10000x32xf32>
    %swap3A = arith.constant 0 : index
    %swap3A_17 = arith.constant 0 : index
    %swap3A_18 = vector.load %arg2[%swap3A, %swap3A_17] : memref<10000x32xf32, #tpu.memory_space<vmem>>, vector<10000x32xf32>
    tpu.vector_store %arg2[%swap3A, %swap3A_17], %max3A_16 {strides = array<i32>} : memref<10000x32xf32, #tpu.memory_space<vmem>>, vector<10000x32xf32>,
    return
  }
}

module attributes {stable_mosaic.version = 14 : i64} {
  func.func @_k(%arg0: memref<10000x32xf32, #tpu.memory_space<vmem>>, %arg1: memref<32x32xf32, #tpu.memory_space<vmem>>, %arg2: memref<32xf32, #tpu.memory_space<vmem>>, %arg3: memref<32x32xf32, #tpu.memory_space<vmem>>, %arg4: memref<32xf32, #tpu.memory_space<vmem>>, %arg5: memref<32x1xf32, #tpu.memory_space<vmem>>, %arg6: memref<10000x32xf32, #tpu.memory_space<vmem>>, %arg7: memref<10008x32xf32, #tpu.memory_space<vmem>>, %arg8: memref<1x1xf32, #tpu.memory_space<vmem>>) attributes {dimension_semantics = [], scalar_prefetch = 0 : i64, scratch_operands = 0 : i64, tpu.core_type = #tpu.core_type<tc>} {
    %get3A = arith.constant 0 : index
    %get3A_0 = arith.constant 0 : index
    %get3A_1 = vector.load %arg0[%get3A, %get3A_0] : memref<10000x32xf32, #tpu.memory_space<vmem>>, vector<10000x32xf32>
    %get3A_2 = arith.constant 0 : index
    %get3A_3 = arith.constant 0 : index
    %get3A_4 = vector.load %arg3[%get3A_2, %get3A_3] : memref<32x32xf32, #tpu.memory_space<vmem>>, vector<32x32xf32>
    %dot_general3A = arith.constant dense<0.000000e+00> : vector<10000x32xf32>
    %dot_general3A_5 = tpu.matmul %get3A_1, %get3A_4, %dot_general3A {dimension_numbers = #tpu.dot_dimension_numbers<[1], [0], [0], [1], [0, 0, 1, 1], [], []>, transpose_lhs_hint = false} : vector<10000x32xf32>, vector<32x32xf32>, vector<10000x32xf32> -> vector<10000x32xf32>
    %get3A_6 = arith.constant 0 : index
    %get3A_7 = vector.load %arg4[%get3A_6] : memref<32xf32, #tpu.memory_space<vmem>>, vector<32xf32>
    %broadcast_in_dim3A = vector.shape_cast %get3A_7 : vector<32xf32> to vector<1x32xf32>
    %add3A = vector.broadcast %broadcast_in_dim3A : vector<1x32xf32> to vector<10000x32xf32>
    %add3A_8 = arith.addf %dot_general3A_5, %add3A : vector<10000x32xf32>
    %get3A_9 = arith.constant 0 : index
    %get3A_10 = arith.constant 0 : index
    %get3A_11 = vector.load %arg5[%get3A_9, %get3A_10] : memref<32x1xf32, #tpu.memory_space<vmem>>, vector<32x1xf32>
    %dot_general3A_12 = arith.constant dense<0.000000e+00> : vector<10000x1xf32>
    %dot_general3A_13 = tpu.matmul %add3A_8, %get3A_11, %dot_general3A_12 {dimension_numbers = #tpu.dot_dimension_numbers<[1], [0], [0], [1], [0, 0, 1, 1], [], []>, precision = #tpu.contract_precision<fp32>, transpose_lhs_hint = false} : vector<10000x32xf32>, vector<32x1xf32>, vector<10000x1xf32> -> vector<10000x1xf32>
    %reduce_max3A = vector.shape_cast %dot_general3A_13 : vector<10000x1xf32> to vector<1x10000x1xf32>
    %reduce_max3A_14 = arith.constant dense<0xFF800000> : vector<1xf32>
    %reduce_max3A_15 = vector.multi_reduction <maximumf>, %reduce_max3A, %reduce_max3A_14 [1, 2] : vector<1x10000x1xf32> to vector<1xf32>
    %reduce_max3A_16 = vector.shape_cast %reduce_max3A_15 : vector<1xf32> to vector<1x1x1xf32>
    %reduce_max3A_17 = vector.extract %reduce_max3A_16[0, 0, 0] : f32 from vector<1x1x1xf32>
    %reduce_min3A = vector.shape_cast %dot_general3A_13 : vector<10000x1xf32> to vector<1x10000x1xf32>
    %reduce_min3A_18 = arith.constant dense<0x7F800000> : vector<1xf32>
    %reduce_min3A_19 = vector.multi_reduction <minimumf>, %reduce_min3A, %reduce_min3A_18 [1, 2] : vector<1x10000x1xf32> to vector<1xf32>
    %reduce_min3A_20 = vector.shape_cast %reduce_min3A_19 : vector<1xf32> to vector<1x1x1xf32>
    %reduce_min3A_21 = vector.extract %reduce_min3A_20[0, 0, 0] : f32 from vector<1x1x1xf32>
    %sub3A = arith.subf %reduce_max3A_17, %reduce_min3A_21 : f32
    %add3A_22 = arith.constant 2.000000e+00 : f32
    %add3A_23 = arith.addf %sub3A, %add3A_22 : f32
    %reshape3A = vector.broadcast %add3A_23 : f32 to vector<1x1xf32>
    %swap3A = arith.constant 0 : index
    %swap3A_24 = arith.constant 0 : index
    %swap3A_25 = vector.load %arg8[%swap3A, %swap3A_24] : memref<1x1xf32, #tpu.memory_space<vmem>>, vector<1x1xf32>
    tpu.vector_store %arg8[%swap3A, %swap3A_24], %reshape3A {strides = array<i32>} : memref<1x1xf32, #tpu.memory_space<vmem>>, vector<1x1xf32>,
    %get3A_26 = arith.constant 0 : index
    %get3A_27 = arith.constant 0 : index
    %get3A_28 = vector.load %arg1[%get3A_26, %get3A_27] : memref<32x32xf32, #tpu.memory_space<vmem>>, vector<32x32xf32>
    %dot_general3A_29 = arith.constant dense<0.000000e+00> : vector<10000x32xf32>
    %dot_general3A_30 = tpu.matmul %get3A_1, %get3A_28, %dot_general3A_29 {dimension_numbers = #tpu.dot_dimension_numbers<[1], [0], [0], [1], [0, 0, 1, 1], [], []>, transpose_lhs_hint = false} : vector<10000x32xf32>, vector<32x32xf32>, vector<10000x32xf32> -> vector<10000x32xf32>
    %get3A_31 = arith.constant 0 : index
    %get3A_32 = vector.load %arg2[%get3A_31] : memref<32xf32, #tpu.memory_space<vmem>>, vector<32xf32>
    %broadcast_in_dim3A_33 = vector.shape_cast %get3A_32 : vector<32xf32> to vector<1x32xf32>
    %add3A_34 = vector.broadcast %broadcast_in_dim3A_33 : vector<1x32xf32> to vector<10000x32xf32>
    %add3A_35 = arith.addf %dot_general3A_30, %add3A_34 : vector<10000x32xf32>
    %swap3A_36 = arith.constant 0 : index
    %swap3A_37 = arith.constant 0 : index
    %swap3A_38 = vector.load %arg6[%swap3A_36, %swap3A_37] : memref<10000x32xf32, #tpu.memory_space<vmem>>, vector<10000x32xf32>
    tpu.vector_store %arg6[%swap3A_36, %swap3A_37], %add3A_35 {strides = array<i32>} : memref<10000x32xf32, #tpu.memory_space<vmem>>, vector<10000x32xf32>,
    %broadcast_in_dim3A_39 = arith.constant 0.000000e+00 : f32
    %broadcast_in_dim3A_40 = vector.broadcast %broadcast_in_dim3A_39 : f32 to vector<8x32xf32>
    %concatenate3A = tpu.concatenate %add3A_8, %broadcast_in_dim3A_40 in 0 : vector<10000x32xf32>, vector<8x32xf32> -> vector<10008x32xf32>
    %swap3A_41 = arith.constant 0 : index
    %swap3A_42 = arith.constant 0 : index
    %swap3A_43 = vector.load %arg7[%swap3A_41, %swap3A_42] : memref<10008x32xf32, #tpu.memory_space<vmem>>, vector<10008x32xf32>
    tpu.vector_store %arg7[%swap3A_41, %swap3A_42], %concatenate3A {strides = array<i32>} : memref<10008x32xf32, #tpu.memory_space<vmem>>, vector<10008x32xf32>,
    return
  }
}

module attributes {stable_mosaic.version = 14 : i64} {
  func.func @_k_dinv(%arg0: memref<2x10112x16xf32, #tpu.memory_space<vmem>>, %arg1: memref<10000x1xf32, #tpu.memory_space<vmem>>) attributes {dimension_semantics = [], scalar_prefetch = 0 : i64, scratch_operands = 0 : i64, tpu.core_type = #tpu.core_type<tc>} {
    %get3A = arith.constant 0 : index
    %get3A_0 = arith.constant 0 : index
    %get3A_1 = arith.constant 0 : index
    %get3A_2 = vector.load %arg0[%get3A, %get3A_0, %get3A_1] : memref<2x10112x16xf32, #tpu.memory_space<vmem>>, vector<1x10000x1xf32>
    %get3A_3 = vector.shape_cast %get3A_2 : vector<1x10000x1xf32> to vector<10000x1xf32>
    %get3A_4 = arith.constant 1 : index
    %get3A_5 = arith.constant 0 : index
    %get3A_6 = arith.constant 0 : index
    %get3A_7 = vector.load %arg0[%get3A_4, %get3A_5, %get3A_6] : memref<2x10112x16xf32, #tpu.memory_space<vmem>>, vector<1x10000x1xf32>
    %get3A_8 = vector.shape_cast %get3A_7 : vector<1x10000x1xf32> to vector<10000x1xf32>
    %add3A = arith.addf %get3A_3, %get3A_8 : vector<10000x1xf32>
    %sqrt3A = math.sqrt %add3A : vector<10000x1xf32>
    %div3A = arith.constant 1.000000e+00 : f32
    %div3A_9 = vector.broadcast %div3A : f32 to vector<10000x1xf32>
    %div3A_10 = arith.divf %div3A_9, %sqrt3A : vector<10000x1xf32>
    %swap3A = arith.constant 0 : index
    %swap3A_11 = arith.constant 0 : index
    %swap3A_12 = vector.load %arg1[%swap3A, %swap3A_11] : memref<10000x1xf32, #tpu.memory_space<vmem>>, vector<10000x1xf32>
    tpu.vector_store %arg1[%swap3A, %swap3A_11], %div3A_10 {strides = array<i32>} : memref<10000x1xf32, #tpu.memory_space<vmem>>, vector<10000x1xf32>,
    return
  }
}

module attributes {stable_mosaic.version = 14 : i64} {
  func.func @_k_gcn_pre(%arg0: memref<10000x128xf32, #tpu.memory_space<vmem>>, %arg1: memref<128x64xf32, #tpu.memory_space<vmem>>, %arg2: memref<10000x1xf32, #tpu.memory_space<vmem>>, %arg3: memref<10000x64xf32, #tpu.memory_space<vmem>>) attributes {dimension_semantics = [], scalar_prefetch = 0 : i64, scratch_operands = 0 : i64, tpu.core_type = #tpu.core_type<tc>} {
    %get3A = arith.constant 0 : index
    %get3A_0 = arith.constant 0 : index
    %get3A_1 = vector.load %arg0[%get3A, %get3A_0] : memref<10000x128xf32, #tpu.memory_space<vmem>>, vector<10000x128xf32>
    %get3A_2 = arith.constant 0 : index
    %get3A_3 = arith.constant 0 : index
    %get3A_4 = vector.load %arg1[%get3A_2, %get3A_3] : memref<128x64xf32, #tpu.memory_space<vmem>>, vector<128x64xf32>
    %convert_element_type3A = arith.truncf %get3A_1 : vector<10000x128xf32> to vector<10000x128xbf16>
    %convert_element_type3A_5 = arith.truncf %get3A_4 : vector<128x64xf32> to vector<128x64xbf16>
    %dot_general3A = arith.constant dense<0.000000e+00> : vector<10000x64xf32>
    %dot_general3A_6 = tpu.matmul %convert_element_type3A, %convert_element_type3A_5, %dot_general3A {dimension_numbers = #tpu.dot_dimension_numbers<[1], [0], [0], [1], [0, 0, 1, 1], [], []>, transpose_lhs_hint = false} : vector<10000x128xbf16>, vector<128x64xbf16>, vector<10000x64xf32> -> vector<10000x64xf32>
    %get3A_7 = arith.constant 0 : index
    %get3A_8 = arith.constant 0 : index
    %get3A_9 = vector.load %arg2[%get3A_7, %get3A_8] : memref<10000x1xf32, #tpu.memory_space<vmem>>, vector<10000x1xf32>
    %mul3A = vector.broadcast %get3A_9 : vector<10000x1xf32> to vector<10000x64xf32>
    %mul3A_10 = arith.mulf %dot_general3A_6, %mul3A : vector<10000x64xf32>
    %swap3A = arith.constant 0 : index
    %swap3A_11 = arith.constant 0 : index
    %swap3A_12 = vector.load %arg3[%swap3A, %swap3A_11] : memref<10000x64xf32, #tpu.memory_space<vmem>>, vector<10000x64xf32>
    tpu.vector_store %arg3[%swap3A, %swap3A_11], %mul3A_10 {strides = array<i32>} : memref<10000x64xf32, #tpu.memory_space<vmem>>, vector<10000x64xf32>,
    return
  }
}

module attributes {stable_mosaic.version = 14 : i64} {
  func.func @_k(%arg0: memref<2x10112x64xf32, #tpu.memory_space<vmem>>, %arg1: memref<10000x1xf32, #tpu.memory_space<vmem>>, %arg2: memref<64xf32, #tpu.memory_space<vmem>>, %arg3: memref<10000x64xf32, #tpu.memory_space<vmem>>) attributes {dimension_semantics = [], scalar_prefetch = 0 : i64, scratch_operands = 0 : i64, tpu.core_type = #tpu.core_type<tc>} {
    %get3A = arith.constant 0 : index
    %get3A_0 = arith.constant 0 : index
    %get3A_1 = arith.constant 0 : index
    %get3A_2 = vector.load %arg0[%get3A, %get3A_0, %get3A_1] : memref<2x10112x64xf32, #tpu.memory_space<vmem>>, vector<1x10000x64xf32>
    %get3A_3 = vector.shape_cast %get3A_2 : vector<1x10000x64xf32> to vector<10000x64xf32>
    %get3A_4 = arith.constant 1 : index
    %get3A_5 = arith.constant 0 : index
    %get3A_6 = arith.constant 0 : index
    %get3A_7 = vector.load %arg0[%get3A_4, %get3A_5, %get3A_6] : memref<2x10112x64xf32, #tpu.memory_space<vmem>>, vector<1x10000x64xf32>
    %get3A_8 = vector.shape_cast %get3A_7 : vector<1x10000x64xf32> to vector<10000x64xf32>
    %add3A = arith.addf %get3A_3, %get3A_8 : vector<10000x64xf32>
    %get3A_9 = arith.constant 0 : index
    %get3A_10 = arith.constant 0 : index
    %get3A_11 = vector.load %arg1[%get3A_9, %get3A_10] : memref<10000x1xf32, #tpu.memory_space<vmem>>, vector<10000x1xf32>
    %mul3A = vector.broadcast %get3A_11 : vector<10000x1xf32> to vector<10000x64xf32>
    %mul3A_12 = arith.mulf %add3A, %mul3A : vector<10000x64xf32>
    %get3A_13 = arith.constant 0 : index
    %get3A_14 = vector.load %arg2[%get3A_13] : memref<64xf32, #tpu.memory_space<vmem>>, vector<64xf32>
    %broadcast_in_dim3A = vector.shape_cast %get3A_14 : vector<64xf32> to vector<1x64xf32>
    %add3A_15 = vector.broadcast %broadcast_in_dim3A : vector<1x64xf32> to vector<10000x64xf32>
    %add3A_16 = arith.addf %mul3A_12, %add3A_15 : vector<10000x64xf32>
    %max3A = arith.constant 0.000000e+00 : f32
    %max3A_17 = vector.broadcast %max3A : f32 to vector<10000x64xf32>
    %max3A_18 = arith.maximumf %add3A_16, %max3A_17 : vector<10000x64xf32>
    %swap3A = arith.constant 0 : index
    %swap3A_19 = arith.constant 0 : index
    %swap3A_20 = vector.load %arg3[%swap3A, %swap3A_19] : memref<10000x64xf32, #tpu.memory_space<vmem>>, vector<10000x64xf32>
    tpu.vector_store %arg3[%swap3A, %swap3A_19], %max3A_18 {strides = array<i32>} : memref<10000x64xf32, #tpu.memory_space<vmem>>, vector<10000x64xf32>,
    return
  }
}

module attributes {stable_mosaic.version = 14 : i64} {
  func.func @_k_gcn_pre(%arg0: memref<10000x64xf32, #tpu.memory_space<vmem>>, %arg1: memref<64x64xf32, #tpu.memory_space<vmem>>, %arg2: memref<10000x1xf32, #tpu.memory_space<vmem>>, %arg3: memref<10000x64xf32, #tpu.memory_space<vmem>>) attributes {dimension_semantics = [], scalar_prefetch = 0 : i64, scratch_operands = 0 : i64, tpu.core_type = #tpu.core_type<tc>} {
    %get3A = arith.constant 0 : index
    %get3A_0 = arith.constant 0 : index
    %get3A_1 = vector.load %arg0[%get3A, %get3A_0] : memref<10000x64xf32, #tpu.memory_space<vmem>>, vector<10000x64xf32>
    %get3A_2 = arith.constant 0 : index
    %get3A_3 = arith.constant 0 : index
    %get3A_4 = vector.load %arg1[%get3A_2, %get3A_3] : memref<64x64xf32, #tpu.memory_space<vmem>>, vector<64x64xf32>
    %convert_element_type3A = arith.truncf %get3A_1 : vector<10000x64xf32> to vector<10000x64xbf16>
    %convert_element_type3A_5 = arith.truncf %get3A_4 : vector<64x64xf32> to vector<64x64xbf16>
    %dot_general3A = arith.constant dense<0.000000e+00> : vector<10000x64xf32>
    %dot_general3A_6 = tpu.matmul %convert_element_type3A, %convert_element_type3A_5, %dot_general3A {dimension_numbers = #tpu.dot_dimension_numbers<[1], [0], [0], [1], [0, 0, 1, 1], [], []>, transpose_lhs_hint = false} : vector<10000x64xbf16>, vector<64x64xbf16>, vector<10000x64xf32> -> vector<10000x64xf32>
    %get3A_7 = arith.constant 0 : index
    %get3A_8 = arith.constant 0 : index
    %get3A_9 = vector.load %arg2[%get3A_7, %get3A_8] : memref<10000x1xf32, #tpu.memory_space<vmem>>, vector<10000x1xf32>
    %mul3A = vector.broadcast %get3A_9 : vector<10000x1xf32> to vector<10000x64xf32>
    %mul3A_10 = arith.mulf %dot_general3A_6, %mul3A : vector<10000x64xf32>
    %swap3A = arith.constant 0 : index
    %swap3A_11 = arith.constant 0 : index
    %swap3A_12 = vector.load %arg3[%swap3A, %swap3A_11] : memref<10000x64xf32, #tpu.memory_space<vmem>>, vector<10000x64xf32>
    tpu.vector_store %arg3[%swap3A, %swap3A_11], %mul3A_10 {strides = array<i32>} : memref<10000x64xf32, #tpu.memory_space<vmem>>, vector<10000x64xf32>,
    return
  }
}

module attributes {stable_mosaic.version = 14 : i64} {
  func.func @_k(%arg0: memref<10000x32xf32, #tpu.memory_space<vmem>>, %arg1: memref<32x64xf32, #tpu.memory_space<vmem>>, %arg2: memref<64xf32, #tpu.memory_space<vmem>>, %arg3: memref<32x64xf32, #tpu.memory_space<vmem>>, %arg4: memref<64xf32, #tpu.memory_space<vmem>>, %arg5: memref<64x1xf32, #tpu.memory_space<vmem>>, %arg6: memref<10000x64xf32, #tpu.memory_space<vmem>>, %arg7: memref<10008x64xf32, #tpu.memory_space<vmem>>, %arg8: memref<1x1xf32, #tpu.memory_space<vmem>>) attributes {dimension_semantics = [], scalar_prefetch = 0 : i64, scratch_operands = 0 : i64, tpu.core_type = #tpu.core_type<tc>} {
    %get3A = arith.constant 0 : index
    %get3A_0 = arith.constant 0 : index
    %get3A_1 = vector.load %arg0[%get3A, %get3A_0] : memref<10000x32xf32, #tpu.memory_space<vmem>>, vector<10000x32xf32>
    %get3A_2 = arith.constant 0 : index
    %get3A_3 = arith.constant 0 : index
    %get3A_4 = vector.load %arg3[%get3A_2, %get3A_3] : memref<32x64xf32, #tpu.memory_space<vmem>>, vector<32x64xf32>
    %dot_general3A = arith.constant dense<0.000000e+00> : vector<10000x64xf32>
    %dot_general3A_5 = tpu.matmul %get3A_1, %get3A_4, %dot_general3A {dimension_numbers = #tpu.dot_dimension_numbers<[1], [0], [0], [1], [0, 0, 1, 1], [], []>, transpose_lhs_hint = false} : vector<10000x32xf32>, vector<32x64xf32>, vector<10000x64xf32> -> vector<10000x64xf32>
    %get3A_6 = arith.constant 0 : index
    %get3A_7 = vector.load %arg4[%get3A_6] : memref<64xf32, #tpu.memory_space<vmem>>, vector<64xf32>
    %broadcast_in_dim3A = vector.shape_cast %get3A_7 : vector<64xf32> to vector<1x64xf32>
    %add3A = vector.broadcast %broadcast_in_dim3A : vector<1x64xf32> to vector<10000x64xf32>
    %add3A_8 = arith.addf %dot_general3A_5, %add3A : vector<10000x64xf32>
    %get3A_9 = arith.constant 0 : index
    %get3A_10 = arith.constant 0 : index
    %get3A_11 = vector.load %arg5[%get3A_9, %get3A_10] : memref<64x1xf32, #tpu.memory_space<vmem>>, vector<64x1xf32>
    %dot_general3A_12 = arith.constant dense<0.000000e+00> : vector<10000x1xf32>
    %dot_general3A_13 = tpu.matmul %add3A_8, %get3A_11, %dot_general3A_12 {dimension_numbers = #tpu.dot_dimension_numbers<[1], [0], [0], [1], [0, 0, 1, 1], [], []>, precision = #tpu.contract_precision<fp32>, transpose_lhs_hint = false} : vector<10000x64xf32>, vector<64x1xf32>, vector<10000x1xf32> -> vector<10000x1xf32>
    %reduce_max3A = vector.shape_cast %dot_general3A_13 : vector<10000x1xf32> to vector<1x10000x1xf32>
    %reduce_max3A_14 = arith.constant dense<0xFF800000> : vector<1xf32>
    %reduce_max3A_15 = vector.multi_reduction <maximumf>, %reduce_max3A, %reduce_max3A_14 [1, 2] : vector<1x10000x1xf32> to vector<1xf32>
    %reduce_max3A_16 = vector.shape_cast %reduce_max3A_15 : vector<1xf32> to vector<1x1x1xf32>
    %reduce_max3A_17 = vector.extract %reduce_max3A_16[0, 0, 0] : f32 from vector<1x1x1xf32>
    %reduce_min3A = vector.shape_cast %dot_general3A_13 : vector<10000x1xf32> to vector<1x10000x1xf32>
    %reduce_min3A_18 = arith.constant dense<0x7F800000> : vector<1xf32>
    %reduce_min3A_19 = vector.multi_reduction <minimumf>, %reduce_min3A, %reduce_min3A_18 [1, 2] : vector<1x10000x1xf32> to vector<1xf32>
    %reduce_min3A_20 = vector.shape_cast %reduce_min3A_19 : vector<1xf32> to vector<1x1x1xf32>
    %reduce_min3A_21 = vector.extract %reduce_min3A_20[0, 0, 0] : f32 from vector<1x1x1xf32>
    %sub3A = arith.subf %reduce_max3A_17, %reduce_min3A_21 : f32
    %add3A_22 = arith.constant 2.000000e+00 : f32
    %add3A_23 = arith.addf %sub3A, %add3A_22 : f32
    %reshape3A = vector.broadcast %add3A_23 : f32 to vector<1x1xf32>
    %swap3A = arith.constant 0 : index
    %swap3A_24 = arith.constant 0 : index
    %swap3A_25 = vector.load %arg8[%swap3A, %swap3A_24] : memref<1x1xf32, #tpu.memory_space<vmem>>, vector<1x1xf32>
    tpu.vector_store %arg8[%swap3A, %swap3A_24], %reshape3A {strides = array<i32>} : memref<1x1xf32, #tpu.memory_space<vmem>>, vector<1x1xf32>,
    %get3A_26 = arith.constant 0 : index
    %get3A_27 = arith.constant 0 : index
    %get3A_28 = vector.load %arg1[%get3A_26, %get3A_27] : memref<32x64xf32, #tpu.memory_space<vmem>>, vector<32x64xf32>
    %dot_general3A_29 = arith.constant dense<0.000000e+00> : vector<10000x64xf32>
    %dot_general3A_30 = tpu.matmul %get3A_1, %get3A_28, %dot_general3A_29 {dimension_numbers = #tpu.dot_dimension_numbers<[1], [0], [0], [1], [0, 0, 1, 1], [], []>, transpose_lhs_hint = false} : vector<10000x32xf32>, vector<32x64xf32>, vector<10000x64xf32> -> vector<10000x64xf32>
    %get3A_31 = arith.constant 0 : index
    %get3A_32 = vector.load %arg2[%get3A_31] : memref<64xf32, #tpu.memory_space<vmem>>, vector<64xf32>
    %broadcast_in_dim3A_33 = vector.shape_cast %get3A_32 : vector<64xf32> to vector<1x64xf32>
    %add3A_34 = vector.broadcast %broadcast_in_dim3A_33 : vector<1x64xf32> to vector<10000x64xf32>
    %add3A_35 = arith.addf %dot_general3A_30, %add3A_34 : vector<10000x64xf32>
    %swap3A_36 = arith.constant 0 : index
    %swap3A_37 = arith.constant 0 : index
    %swap3A_38 = vector.load %arg6[%swap3A_36, %swap3A_37] : memref<10000x64xf32, #tpu.memory_space<vmem>>, vector<10000x64xf32>
    tpu.vector_store %arg6[%swap3A_36, %swap3A_37], %add3A_35 {strides = array<i32>} : memref<10000x64xf32, #tpu.memory_space<vmem>>, vector<10000x64xf32>,
    %broadcast_in_dim3A_39 = arith.constant 0.000000e+00 : f32
    %broadcast_in_dim3A_40 = vector.broadcast %broadcast_in_dim3A_39 : f32 to vector<8x64xf32>
    %concatenate3A = tpu.concatenate %add3A_8, %broadcast_in_dim3A_40 in 0 : vector<10000x64xf32>, vector<8x64xf32> -> vector<10008x64xf32>
    %swap3A_41 = arith.constant 0 : index
    %swap3A_42 = arith.constant 0 : index
    %swap3A_43 = vector.load %arg7[%swap3A_41, %swap3A_42] : memref<10008x64xf32, #tpu.memory_space<vmem>>, vector<10008x64xf32>
    tpu.vector_store %arg7[%swap3A_41, %swap3A_42], %concatenate3A {strides = array<i32>} : memref<10008x64xf32, #tpu.memory_space<vmem>>, vector<10008x64xf32>,
    return
  }
}

module attributes {stable_mosaic.version = 14 : i64} {
  func.func @_k_gcn_pre(%arg0: memref<10000x64xf32, #tpu.memory_space<vmem>>, %arg1: memref<64x128xf32, #tpu.memory_space<vmem>>, %arg2: memref<10000x1xf32, #tpu.memory_space<vmem>>, %arg3: memref<10000x128xf32, #tpu.memory_space<vmem>>) attributes {dimension_semantics = [], scalar_prefetch = 0 : i64, scratch_operands = 0 : i64, tpu.core_type = #tpu.core_type<tc>} {
    %get3A = arith.constant 0 : index
    %get3A_0 = arith.constant 0 : index
    %get3A_1 = vector.load %arg0[%get3A, %get3A_0] : memref<10000x64xf32, #tpu.memory_space<vmem>>, vector<10000x64xf32>
    %get3A_2 = arith.constant 0 : index
    %get3A_3 = arith.constant 0 : index
    %get3A_4 = vector.load %arg1[%get3A_2, %get3A_3] : memref<64x128xf32, #tpu.memory_space<vmem>>, vector<64x128xf32>
    %convert_element_type3A = arith.truncf %get3A_1 : vector<10000x64xf32> to vector<10000x64xbf16>
    %convert_element_type3A_5 = arith.truncf %get3A_4 : vector<64x128xf32> to vector<64x128xbf16>
    %dot_general3A = arith.constant dense<0.000000e+00> : vector<10000x128xf32>
    %dot_general3A_6 = tpu.matmul %convert_element_type3A, %convert_element_type3A_5, %dot_general3A {dimension_numbers = #tpu.dot_dimension_numbers<[1], [0], [0], [1], [0, 0, 1, 1], [], []>, transpose_lhs_hint = false} : vector<10000x64xbf16>, vector<64x128xbf16>, vector<10000x128xf32> -> vector<10000x128xf32>
    %get3A_7 = arith.constant 0 : index
    %get3A_8 = arith.constant 0 : index
    %get3A_9 = vector.load %arg2[%get3A_7, %get3A_8] : memref<10000x1xf32, #tpu.memory_space<vmem>>, vector<10000x1xf32>
    %mul3A = vector.broadcast %get3A_9 : vector<10000x1xf32> to vector<10000x128xf32>
    %mul3A_10 = arith.mulf %dot_general3A_6, %mul3A : vector<10000x128xf32>
    %swap3A = arith.constant 0 : index
    %swap3A_11 = arith.constant 0 : index
    %swap3A_12 = vector.load %arg3[%swap3A, %swap3A_11] : memref<10000x128xf32, #tpu.memory_space<vmem>>, vector<10000x128xf32>
    tpu.vector_store %arg3[%swap3A, %swap3A_11], %mul3A_10 {strides = array<i32>} : memref<10000x128xf32, #tpu.memory_space<vmem>>, vector<10000x128xf32>,
    return
  }
}

module attributes {stable_mosaic.version = 14 : i64} {
  func.func @_k(%arg0: i32, %arg1: memref<8192x64xf32, #tpu.memory_space<vmem>>, %arg2: memref<8192x64xf32, #tpu.memory_space<vmem>>, %arg3: memref<64x1xf32, #tpu.memory_space<vmem>>, %arg4: memref<1x1xf32, #tpu.memory_space<vmem>>, %arg5: memref<8192x80xf32, #tpu.memory_space<vmem>>) attributes {dimension_semantics = [#tpu.dimension_semantics<arbitrary>], iteration_bounds = array<i64: 40>, scalar_prefetch = 0 : i64, scratch_operands = 0 : i64, tpu.core_type = #tpu.core_type<tc>, window_params = [{transform_indices = @transform_0, window_bounds = array<i64: 8192, 64>}, {transform_indices = @transform_1, window_bounds = array<i64: 8192, 64>}, {pipeline_mode = #tpu.pipeline_mode<synchronous>, transform_indices = @transform_2, window_bounds = array<i64: 64, 1>}, {pipeline_mode = #tpu.pipeline_mode<synchronous>, transform_indices = @transform_3, window_bounds = array<i64: 1, 1>}, {transform_indices = @transform_4, window_bounds = array<i64: 8192, 80>}]} {
    %get3A = arith.constant 0 : index
    %get3A_0 = arith.constant 0 : index
    %get3A_1 = vector.load %arg1[%get3A, %get3A_0] : memref<8192x64xf32, #tpu.memory_space<vmem>>, vector<8192x64xf32>
    %get3A_2 = arith.constant 0 : index
    %get3A_3 = arith.constant 0 : index
    %get3A_4 = vector.load %arg2[%get3A_2, %get3A_3] : memref<8192x64xf32, #tpu.memory_space<vmem>>, vector<8192x64xf32>
    %sub3A = arith.subf %get3A_4, %get3A_1 : vector<8192x64xf32>
    %get3A_5 = arith.constant 0 : index
    %get3A_6 = arith.constant 0 : index
    %get3A_7 = vector.load %arg3[%get3A_5, %get3A_6] : memref<64x1xf32, #tpu.memory_space<vmem>>, vector<64x1xf32>
    %convert_element_type3A = arith.truncf %sub3A : vector<8192x64xf32> to vector<8192x64xbf16>
    %convert_element_type3A_8 = arith.truncf %get3A_7 : vector<64x1xf32> to vector<64x1xbf16>
    %dot_general3A = arith.constant dense<0.000000e+00> : vector<8192x1xf32>
    %dot_general3A_9 = tpu.matmul %convert_element_type3A, %convert_element_type3A_8, %dot_general3A {dimension_numbers = #tpu.dot_dimension_numbers<[1], [0], [0], [1], [0, 0, 1, 1], [], []>, transpose_lhs_hint = false} : vector<8192x64xbf16>, vector<64x1xbf16>, vector<8192x1xf32> -> vector<8192x1xf32>
    %get3A_10 = arith.constant 0 : index
    %get3A_11 = arith.constant 0 : index
    %get3A_12 = vector.load %arg4[%get3A_10, %get3A_11] : memref<1x1xf32, #tpu.memory_space<vmem>>, vector<1x1xf32>
    %sub3A_13 = vector.broadcast %get3A_12 : vector<1x1xf32> to vector<8192x1xf32>
    %sub3A_14 = arith.subf %dot_general3A_9, %sub3A_13 : vector<8192x1xf32>
    %exp3A = math.exp %sub3A_14 : vector<8192x1xf32>
    %broadcast_in_dim3A = arith.constant 0.000000e+00 : f32
    %broadcast_in_dim3A_15 = vector.broadcast %broadcast_in_dim3A : f32 to vector<8192x15xf32>
    %mul3A = vector.broadcast %exp3A : vector<8192x1xf32> to vector<8192x64xf32>
    %mul3A_16 = arith.mulf %get3A_1, %mul3A : vector<8192x64xf32>
    %concatenate3A = tpu.concatenate %mul3A_16, %exp3A, %broadcast_in_dim3A_15 in 1 : vector<8192x64xf32>, vector<8192x1xf32>, vector<8192x15xf32> -> vector<8192x80xf32>
    %swap3A = arith.constant 0 : index
    %swap3A_17 = arith.constant 0 : index
    %swap3A_18 = vector.load %arg5[%swap3A, %swap3A_17] : memref<8192x80xf32, #tpu.memory_space<vmem>>, vector<8192x80xf32>
    tpu.vector_store %arg5[%swap3A, %swap3A_17], %concatenate3A {strides = array<i32>} : memref<8192x80xf32, #tpu.memory_space<vmem>>, vector<8192x80xf32>,
    return
  }
  func.func @transform_0(%arg0: i32) -> (i32, i32) {
    %c0_i32 = arith.constant 0 : i32
    %c0_i32_0 = arith.constant 0 : i32
    return %arg0, %c0_i32 : i32, i32
  }
  func.func @transform_1(%arg0: i32) -> (i32, i32) {
    %c0_i32 = arith.constant 0 : i32
    %c0_i32_0 = arith.constant 0 : i32
    return %arg0, %c0_i32 : i32, i32
  }
  func.func @transform_2(%arg0: i32) -> (i32, i32) {
    %c0_i32 = arith.constant 0 : i32
    %c0_i32_0 = arith.constant 0 : i32
    %c0_i32_1 = arith.constant 0 : i32
    return %c0_i32, %c0_i32_0 : i32, i32
  }
  func.func @transform_3(%arg0: i32) -> (i32, i32) {
    %c0_i32 = arith.constant 0 : i32
    %c0_i32_0 = arith.constant 0 : i32
    %c0_i32_1 = arith.constant 0 : i32
    return %c0_i32, %c0_i32_0 : i32, i32
  }
  func.func @transform_4(%arg0: i32) -> (i32, i32) {
    %c0_i32 = arith.constant 0 : i32
    %c0_i32_0 = arith.constant 0 : i32
    return %arg0, %c0_i32 : i32, i32
  }
}

module attributes {stable_mosaic.version = 14 : i64} {
  func.func @_k(%arg0: memref<2x10112x128xf32, #tpu.memory_space<vmem>>, %arg1: memref<10000x1xf32, #tpu.memory_space<vmem>>, %arg2: memref<128xf32, #tpu.memory_space<vmem>>, %arg3: memref<10000x128xf32, #tpu.memory_space<vmem>>) attributes {dimension_semantics = [], scalar_prefetch = 0 : i64, scratch_operands = 0 : i64, tpu.core_type = #tpu.core_type<tc>} {
    %get3A = arith.constant 0 : index
    %get3A_0 = arith.constant 0 : index
    %get3A_1 = arith.constant 0 : index
    %get3A_2 = vector.load %arg0[%get3A, %get3A_0, %get3A_1] : memref<2x10112x128xf32, #tpu.memory_space<vmem>>, vector<1x10000x128xf32>
    %get3A_3 = vector.shape_cast %get3A_2 : vector<1x10000x128xf32> to vector<10000x128xf32>
    %get3A_4 = arith.constant 1 : index
    %get3A_5 = arith.constant 0 : index
    %get3A_6 = arith.constant 0 : index
    %get3A_7 = vector.load %arg0[%get3A_4, %get3A_5, %get3A_6] : memref<2x10112x128xf32, #tpu.memory_space<vmem>>, vector<1x10000x128xf32>
    %get3A_8 = vector.shape_cast %get3A_7 : vector<1x10000x128xf32> to vector<10000x128xf32>
    %add3A = arith.addf %get3A_3, %get3A_8 : vector<10000x128xf32>
    %get3A_9 = arith.constant 0 : index
    %get3A_10 = arith.constant 0 : index
    %get3A_11 = vector.load %arg1[%get3A_9, %get3A_10] : memref<10000x1xf32, #tpu.memory_space<vmem>>, vector<10000x1xf32>
    %mul3A = vector.broadcast %get3A_11 : vector<10000x1xf32> to vector<10000x128xf32>
    %mul3A_12 = arith.mulf %add3A, %mul3A : vector<10000x128xf32>
    %get3A_13 = arith.constant 0 : index
    %get3A_14 = vector.load %arg2[%get3A_13] : memref<128xf32, #tpu.memory_space<vmem>>, vector<128xf32>
    %broadcast_in_dim3A = vector.shape_cast %get3A_14 : vector<128xf32> to vector<1x128xf32>
    %add3A_15 = vector.broadcast %broadcast_in_dim3A : vector<1x128xf32> to vector<10000x128xf32>
    %add3A_16 = arith.addf %mul3A_12, %add3A_15 : vector<10000x128xf32>
    %swap3A = arith.constant 0 : index
    %swap3A_17 = arith.constant 0 : index
    %swap3A_18 = vector.load %arg3[%swap3A, %swap3A_17] : memref<10000x128xf32, #tpu.memory_space<vmem>>, vector<10000x128xf32>
    tpu.vector_store %arg3[%swap3A, %swap3A_17], %add3A_16 {strides = array<i32>} : memref<10000x128xf32, #tpu.memory_space<vmem>>, vector<10000x128xf32>,
    return
  }
}

module attributes {stable_mosaic.version = 14 : i64} {
  func.func @_k(%arg0: memref<2x10112x80xf32, #tpu.memory_space<vmem>>, %arg1: memref<10000x64xf32, #tpu.memory_space<vmem>>, %arg2: memref<10000x64xf32, #tpu.memory_space<vmem>>) attributes {dimension_semantics = [], scalar_prefetch = 0 : i64, scratch_operands = 0 : i64, tpu.core_type = #tpu.core_type<tc>} {
    %get3A = arith.constant 0 : index
    %get3A_0 = arith.constant 0 : index
    %get3A_1 = arith.constant 0 : index
    %get3A_2 = vector.load %arg0[%get3A, %get3A_0, %get3A_1] : memref<2x10112x80xf32, #tpu.memory_space<vmem>>, vector<1x10000x80xf32>
    %get3A_3 = vector.shape_cast %get3A_2 : vector<1x10000x80xf32> to vector<10000x80xf32>
    %get3A_4 = arith.constant 1 : index
    %get3A_5 = arith.constant 0 : index
    %get3A_6 = arith.constant 0 : index
    %get3A_7 = vector.load %arg0[%get3A_4, %get3A_5, %get3A_6] : memref<2x10112x80xf32, #tpu.memory_space<vmem>>, vector<1x10000x80xf32>
    %get3A_8 = vector.shape_cast %get3A_7 : vector<1x10000x80xf32> to vector<10000x80xf32>
    %add3A = arith.addf %get3A_3, %get3A_8 : vector<10000x80xf32>
    %slice3A = vector.extract_strided_slice %add3A {offsets = [0, 0], sizes = [10000, 64], strides = [1, 1]} : vector<10000x80xf32> to vector<10000x64xf32>
    %slice3A_9 = vector.extract_strided_slice %add3A {offsets = [0, 64], sizes = [10000, 1], strides = [1, 1]} : vector<10000x80xf32> to vector<10000x1xf32>
    %get3A_10 = arith.constant 0 : index
    %get3A_11 = arith.constant 0 : index
    %get3A_12 = vector.load %arg1[%get3A_10, %get3A_11] : memref<10000x64xf32, #tpu.memory_space<vmem>>, vector<10000x64xf32>
    %div3A = vector.broadcast %slice3A_9 : vector<10000x1xf32> to vector<10000x64xf32>
    %div3A_13 = arith.divf %slice3A, %div3A : vector<10000x64xf32>
    %add3A_14 = arith.addf %get3A_12, %div3A_13 : vector<10000x64xf32>
    %max3A = arith.constant 0.000000e+00 : f32
    %max3A_15 = vector.broadcast %max3A : f32 to vector<10000x64xf32>
    %max3A_16 = arith.maximumf %add3A_14, %max3A_15 : vector<10000x64xf32>
    %swap3A = arith.constant 0 : index
    %swap3A_17 = arith.constant 0 : index
    %swap3A_18 = vector.load %arg2[%swap3A, %swap3A_17] : memref<10000x64xf32, #tpu.memory_space<vmem>>, vector<10000x64xf32>
    tpu.vector_store %arg2[%swap3A, %swap3A_17], %max3A_16 {strides = array<i32>} : memref<10000x64xf32, #tpu.memory_space<vmem>>, vector<10000x64xf32>,
    return
  }
}

</mosaic_0001>

<sc_bundles>
// kernel: kernel.28.cloned.1.call-start
scs
__scs_entry_jumppad:
0x0: {  	(pc) =	sbr.rel $0x88, $3  }
0x1: {  	(tag) =	ssettag $0x0;
	lr =	simm.s32 $0x1  }
0x2: {  	[smem:$0x3F89] =	sst lr;
	_ =	strace $0xD0000000  }
0x3: {  	_ = 	snop  }
0x4: {  	_ = 	snop  }
0x5: {  	_ = 	snop  }
0x6: {  	_ = 	snop  }
0x7: {  	_ = 	snop  }
__scs_overlays_trampoline_lowered:
0x8: {  	[smem:$0x3F98] =	sst s0  }
0x9: {  	[smem:$0x3F99] =	sst s1  }
0xa: {  	[smem:$0x3F9A] =	sst s2  }
0xb: {  	[smem:$0x3F9B] =	sst s3  }
0xc: {  	[smem:$0x3F9C] =	sst s4  }
0xd: {  	[smem:$0x3F9D] =	sst s5  }
0xe: {  	[smem:$0x3F9E] =	sst s6  }
0xf: {  	[smem:$0x3F9F] =	sst s7  }
0x10: {  	[smem:$0x3FA0] =	sst s8  }
0x11: {  	[smem:$0x3FA1] =	sst s9;
	s0 =	simm.s32 @!p0 $0x0  }
0x12: {  	s1 =	sld [smem:$0x3F87];
	s0 =	simm.s32 @p0 $0x1  }
0x13: {  	[smem:$0x3FA2] =	sst s0;
	s0 =	simm.s32 @!p1 $0x0  }
0x14: {  	s2 =	sld [smem:$0x3F86];
	s0 =	simm.s32 @p1 $0x1  }
0x15: {  	[smem:$0x3FA3] =	sst s0;
	s0 =	simm.s32 @!p2 $0x0  }
0x16: {  	s3 =	sld [smem:$0x3FDB];
	s0 =	simm.s32 @p2 $0x1  }
0x17: {  	s4 =	simm.s32 $0x1BF5;
	[smem:$0x3FA5] =	sst s0  }
0x18: {  	s0 =	sld [smem:$0x3F88];
	_ =	swait.ge [sflag:s4], $0x0  }
0x19: {  	s7 =	sld [smem:$0x3F89]  }
0x1a: {  	s8 =	sadd.s32 $0xFFFFE003, lr  }
0x1b: {  	s9 =	sadd.s32 $0xFFFFFEF7, lr;
	s5 =	simm.s32 $0xFFFFFFFF;
	p2 =	slt.u32 s8, $0xFFFFF086  }
0x1c: {  	p1 =	slt.u32 s9, $0xF7A;
	s5 =	simm.s32 @!p2 $0x0  }
0x1d: {  	s5 =	simm.s32 @p1 $0x1;
	p0 =	seq.s32 s7, s2  }
0x1e: {  	s7 =	smul.u32 @!p0 $0xF7A, s2;
	p2 =	seq.s32 @!p0 s5, $0x0  }
0x1f: {  	s9 =	smul.u32 $0xF7A, s1;
	s8 =	simm.s32 @!p0 $0x1BF5;
	p2 =	por !p2, p0  }
0x20: {  	[sflag:s8] =	ssyncset.s32 @!p0 $0xFFFFF086;
	s6 =	sadd.s32 @!p0 s3, s7;
	s7 =	simm.s32 @!p0 $0x108  }
0x21: {  	s3 =	sadd.s32 s3, s9;
	s6 =	sadd.s32 @!p0 $0x88, s6;
	s7 =	simm.s32 @p2 $0x1082  }
0x22: {  	[simem:s7], [sflag:s8] =	dma.local @!p0 [hbm:s6], $0xF7A  }
0x23: {  	s9 =	sor.u32 $0xD0000000, s2;
	s6 =	simm.s32 $0x108;
	_ =	swait.ge @!p0 [sflag:s8], $0x0  }
0x24: {  	s3 =	sadd.s32 $0x88, s3;
	s6 =	simm.s32 @!p1 $0x1082;
	[sflag:s4] =	ssyncset.s32 $0xFFFFF086  }
0x25: {  	[simem:s6], [sflag:s4] =	dma.local [hbm:s3], $0xF7A  }
0x26: {  	[smem:$0x3F89] =	sst s1;
	(tag) =	ssettag s2;
	_ =	strace s9  }
0x27: {  	s1 =	sld [smem:$0x3F99]  }
0x28: {  	s2 =	sld [smem:$0x3F9A]  }
0x29: {  	s4 =	sld [smem:$0x3F9C]  }
0x2a: {  	p0 =	seq.s32 s5, $0x0;
	s5 =	sld [smem:$0x3F9D]  }
0x2b: {  	s6 =	sld [smem:$0x3F9E]  }
0x2c: {  	s7 =	sld [smem:$0x3F9F]  }
0x2d: {  	s3 =	simm.s32 $0x108;
	s8 =	sld [smem:$0x3FA0]  }
0x2e: {  	s3 =	simm.s32 @!p0 $0x1082;
	s9 =	sld [smem:$0x3FA1]  }
0x2f: {  	lr =	sadd.s32 s0, s3;
	s0 =	sld [smem:$0x3F98]  }
0x30: {  	s3 =	sld [smem:$0x3F9B]  }
0x31: {  	[smem:$0x3FA4] =	sst s10  }
0x32: {  	s10 =	sld [smem:$0x3FA2];
	_ =	sdelay $0x3  }
0x33: {  	p0 =	seq.s32 s10, $0x1;
	s10 =	sld [smem:$0x3FA4];
	_ =	sdelay $0x3  }
0x34: {  	[smem:$0x3FA4] =	sst s10  }
0x35: {  	s10 =	sld [smem:$0x3FA3];
	_ =	sdelay $0x3  }
0x36: {  	p1 =	seq.s32 s10, $0x1;
	s10 =	sld [smem:$0x3FA4];
	_ =	sdelay $0x3  }
0x37: {  	[smem:$0x3FA4] =	sst s10  }
0x38: {  	s10 =	sld [smem:$0x3FA5]  }
0x39: {  	_ = 	snop;
	(pc) =	sbr.ind lr, $3  }
0x3a: {  	_ = 	snop  }
0x3b: {  	_ = 	snop  }
0x3c: {  	p2 =	seq.s32 s10, $0x1;
	s10 =	sld [smem:$0x3FA4]  }
0x3d: {  	_ =	shalt  }
0x3e: {  	_ =	shalt  }
0x3f: {  	_ =	shalt  }
0x40: {  	_ =	shalt  }
0x41: {  	_ =	shalt  }
0x42: {  	_ =	shalt  }
0x43: {  	_ =	shalt  }
0x44: {  	_ =	shalt  }
0x45: {  	_ =	shalt  }
0x46: {  	_ =	shalt  }
0x47: {  	_ =	shalt  }
0x48: {  	_ =	shalt  }
0x49: {  	_ =	shalt  }
0x4a: {  	_ =	shalt  }
0x4b: {  	_ =	shalt  }
0x4c: {  	_ =	shalt  }
0x4d: {  	_ =	shalt  }
0x4e: {  	_ =	shalt  }
0x4f: {  	_ =	shalt  }
0x50: {  	_ =	shalt  }
0x51: {  	_ =	shalt  }
0x52: {  	_ =	shalt  }
0x53: {  	_ =	shalt  }
0x54: {  	_ =	shalt  }
0x55: {  	_ =	shalt  }
0x56: {  	_ =	shalt  }
0x57: {  	_ =	shalt  }
0x58: {  	_ =	shalt  }
0x59: {  	_ =	shalt  }
0x5a: {  	_ =	shalt  }
0x5b: {  	_ =	shalt  }
0x5c: {  	_ =	shalt  }
0x5d: {  	_ =	shalt  }
0x5e: {  	_ =	shalt  }
0x5f: {  	_ =	shalt  }
0x60: {  	_ =	shalt  }
0x61: {  	_ =	shalt  }
0x62: {  	_ =	shalt  }
0x63: {  	_ =	shalt  }
0x64: {  	_ =	shalt  }
0x65: {  	_ =	shalt  }
0x66: {  	_ =	shalt  }
0x67: {  	_ =	shalt  }
0x68: {  	_ =	shalt  }
0x69: {  	_ =	shalt  }
0x6a: {  	_ =	shalt  }
0x6b: {  	_ =	shalt  }
0x6c: {  	_ =	shalt  }
0x6d: {  	_ =	shalt  }
0x6e: {  	_ =	shalt  }
0x6f: {  	_ =	shalt  }
0x70: {  	_ =	shalt  }
0x71: {  	_ =	shalt  }
0x72: {  	_ =	shalt  }
0x73: {  	_ =	shalt  }
0x74: {  	_ =	shalt  }
0x75: {  	_ =	shalt  }
0x76: {  	_ =	shalt  }
0x77: {  	_ =	shalt  }
0x78: {  	_ =	shalt  }
0x79: {  	_ =	shalt  }
0x7a: {  	_ =	shalt  }
0x7b: {  	_ =	shalt  }
0x7c: {  	_ =	shalt  }
0x7d: {  	_ =	shalt  }
0x7e: {  	_ =	shalt  }
0x7f: {  	_ =	shalt  }
0x80: {  	_ =	shalt  }
0x81: {  	_ =	shalt  }
0x82: {  	_ =	shalt  }
0x83: {  	_ =	shalt  }
0x84: {  	_ =	shalt  }
0x85: {  	_ =	shalt  }
0x86: {  	_ =	shalt  }
0x87: {  	_ =	shalt  }
.Lfunc_end0:
.L_simem_size_0:
called_computation_lowered:
.L_overlay_start_0:
0x88: {  	s2 =	sld [smem:$0x3FD9]  }
0x89: {  	s3 =	sld [smem:$0x3FFE];
	_ =	sdelay $0x1  }
0x8a: {  	s1 =	srdreg.scid  }
0x8b: {  	s0 =	sand.u32 $0x1, s1  }
0x8c: {  	s15 =	sshll.u32 s0, $0xA;
	s2 =	sadd.s32 s3, s2  }
0x8d: {  	s2 =	sadd.s32 s2, s15  }
0x8e: {  	[smem:$0x3FB0] =	sst s2  }
0x8f: {  	_ = 	snop  }
0x90: {  	s2 =	sld [smem:$0x3FD0];
	_ =	sdelay $0x2  }
0x91: {  	s16 =	simm.s32 $0xB;
	s4 =	simm.s32 $0x10  }
0x92: {  	[smem:s4], [sflag:s16] =	dma.local [hbm:s2], $0x1  }
0x93: {  	_ =	swait.eq [sflag:s16], $0x1  }
0x94: {  	[sflag:s16] =	ssyncset.done $0x0  }
0x95: {  	[sflag:s16] =	ssyncadd.s32 $0xFFFFFFFF  }
0x96: {  	s17 =	sld [smem:$0x11];
	(tm) =	ssettm $0x1  }
0x97: {  	s18 =	sld [smem:$0x3FFB];
	_ =	sdelay $0x3  }
0x98: {  	_ =	strace s18  }
0x99: {  	s2 =	sld [smem:$0x3FFC];
	_ =	sdelay $0x3  }
0x9a: {  	_ =	strace s2  }
0x9b: {  	s2 =	sld [smem:$0x3FFD];
	_ =	sdelay $0x3  }
0x9c: {  	_ =	strace s2  }
0x9d: {  	_ =	strace $0x8FFFFFFF  }
0x9e: {  	s19 =	sld [smem:$0x3FDB];
	_ =	sdelay $0x1  }
0x9f: {  	s20 =	simm.s32 $_scs_section_size  }
0xa0: {  	s5 =	simm.s32 $_size__tile_overlayer_lowered;
	s6 =	simm.s32 $_tile_overlayer_lowered  }
0xa1: {  	s7 =	simm.s32 $0x1BFF;
	s21 =	sshll.u32 s6, $0x1;
	s4 =	sadd.s32 s20, s19  }
0xa2: {  	s22 =	simm.s32 $0x0;
	s5 =	sshll.u32 s5, $0x1;
	s6 =	sadd.s32 s21, s4  }
0xa3: {  	[timem:s22], [sflag:s7] =	dma.local [hbm:s6], s5  }
0xa4: {  	_ =	swait.ge [sflag:s7], s5  }
0xa5: {  	s5 =	ssub.s32 $0x0, s5;
	[sflag:s7] =	ssyncset.done $0x0  }
0xa6: {  	[sflag:s7] =	ssyncadd.s32 s5;
	_ =	sdelay $0x1  }
0xa7: {  	s23 =	simm.s32 $0x1B8B  }
0xa8: {  	_ =	swait.ge [sflag:s23], $0x1  }
0xa9: {  	[sflag:s23] =	ssyncset.done $0x0  }
0xaa: {  	[sflag:s23] =	ssyncadd.s32 $0xFFFFFFFF  }
0xab: {  	s5 =	sld [smem:$0x0]  }
0xac: {  	s6 =	sand.u32 $0xFFFFFFFE, s1  }
0xad: {  	p0 =	sne.s32 s1, s6  }
0xae: {  	s6 =	sshll.u32 @p0 s6, $0xE  }
0xaf: {  	s6 =	sadd.s32 @p0 $0x11B8D, s6;
	s7 =	sshll.u32 @p0 s5, $0x11  }
0xb0: {  	s6 =	sor.u32 @p0 s7, s6  }
0xb1: {  	[sflag:s6] =	ssyncadd.remote.s32 @p0 $0x1;
	_ =	sdelay $0x1  }
0xb2: {  	s6 =	simm.s32 @p0 $0x1B8D  }
0xb3: {  	_ =	swait.eq @p0 [sflag:s6], $0x1  }
0xb4: {  	[sflag:s6] =	ssyncadd.s32 @p0 $0xFFFFFFFF  }
0xb5: {  	s7 =	sshll.u32 @!p0 s1, $0xE  }
0xb6: {  	s7 =	sor.u32 @!p0 $0x4000, s7;
	s6 =	simm.s32 @!p0 $0x1B8D  }
0xb7: {  	s5 =	sshll.u32 @!p0 s5, $0x11;
	s7 =	sadd.s32 @!p0 $0x11B8D, s7;
	_ =	swait.eq @!p0 [sflag:s6], $0x1  }
0xb8: {  	s5 =	sor.u32 @!p0 s5, s7;
	[sflag:s6] =	ssyncadd.s32 @!p0 $0xFFFFFFFF  }
0xb9: {  	s25 =	simm.s32 $0x1B8E;
	s24 =	sld [smem:$0x3FFE];
	[sflag:s5] =	ssyncadd.remote.s32 @!p0 $0x1  }
0xba: {  	s26 =	simm.s32 $execute0_lowered;
	[smem:$0x3FD2] =	sst s25  }
0xbb: {  	s6 =	sshll.u32 s26, $0x1;
	_ =	strace $0x8000004C;
	[dreg:$0x1] =	wrdreg $0xFFFFFFFF  }
0xbc: {  	s28 =	simm.s32 $_size_execute0_lowered;
	s4 =	sadd.s32 s4, s6;
	[dreg:$0x0] =	wrdreg $0x0  }
0xbd: {  	s6 =	sshll.u32 s28, $0x1;
	[dreg:$0x2] =	wrdreg s4  }
0xbe: {  	[dreg:$0x3] =	wrdreg s6  }
0xbf: {  	[dreg:$0x4] =	wrdreg $0xC0  }
0xc0: {  	_ =	task [dreg:s22], $0x5FFFF  }
0xc1: {  	[dreg:$0x1] =	wrdreg $0xFFFFFFFF  }
0xc2: {  	[dreg:$0x0] =	wrdreg $0x60  }
0xc3: {  	[dreg:$0x2] =	wrdreg s24  }
0xc4: {  	[dreg:$0x3] =	wrdreg s17  }
0xc5: {  	[dreg:$0x4] =	wrdreg $0x59000  }
0xc6: {  	[dreg:$0x5] =	wrdreg $0x9  }
0xc7: {  	_ =	task.clear_ibuf [dreg:s22], $0x6FFFF;
	_ =	strace $0x9000004C  }
0xc8: {  	s29 =	simm.s32 $0x9;
	_ =	strace $0x8000004E  }
0xc9: {  	_ =	swait.ge [sflag:s29], $0x1  }
0xca: {  	[sflag:s29] =	ssyncadd.s32 $0xFFFFFFFF  }
0xcb: {  	_ =	strace $0x9000004E  }
0xcc: {  	_ =	sfence  }
0xcd: {  	s30 =	sld [smem:$0x0];
	_ =	sdelay $0x2  }
0xce: {  	s31 =	sshll.u32 s1, $0xD;
	s1 =	sshrl.u32 s1, $0x2  }
0xcf: {  	s4 =	sand.u32 $0x4000, s31;
	s1 =	sadd.s32 s1, s30  }
0xd0: {  	s0 =	sor.u32 s4, s0;
	s1 =	sshll.u32 s1, $0x11  }
0xd1: {  	s0 =	sor.u32 s1, s0  }
0xd2: {  	s0 =	sadd.s32 $0x8F2B, s0  }
0xd3: {  	[sflag:s0] =	ssyncadd.remote.s32 $0x1  }
0xd4: {  	_ =	sfence.sel $0xFFFF  }
0xd5: {  	[dreg:$0x0] =	wrdreg $0xFFFFFFFF;
	(pc) =	sbr.abs _section_cstart, $3  }
0xd6: {  	[dreg:$0x1] =	wrdreg $0xFFFFFFFF  }
0xd7: {  	_ =	task.clear_ibuf [dreg:s22], $0x2FFFF;
	_ =	strace $0x9FFFFFFF  }
0xd8: {  	(tm) =	ssettm $0x7FFFFFFF  }
0xd9: {  	_ =	shalt  }
tec
execute0_lowered:
.L_overlay_start_1:
0x0: {  	(tag) =	ssettag $0x1  }
0x1: {  	s5 =	rddreg [dreg:$0x0]  }
0x2: {  	s9 =	rddreg [dreg:$0x1]  }
0x3: {  	s1 =	rddreg [dreg:$0x2]  }
0x4: {  	s2 =	srdreg.scid;
	s0 =	rddreg [dreg:$0x3]  }
0x5: {  	s3 =	simm.s32 $0x0;
	s14 =	simm.s32 $0x5100;
	s15 =	simm.s32 $0x1  }
0x6: {  	s6 =	sand.u32 $0x1, s2;
	s2 =	stileid.u32;
	[smem:$0x7FF] =	sst s3  }
0x7: {  	s4 =	sshll.u32 s6, $0x4;
	s7 =	smul.u32 $0x2780, s2;
	_ =	strace $0x8000004D  }
0x8: {  	s10 =	ssub.s32 $0x2, s6;
	s31 =	sshll.u32 s2, $0x6;
	s12 =	smul.u32 $0x4F00, s6  }
0x9: {  	s4 =	sor.u32 s2, s4;
	s11 =	sshrl.u32 s10, $0x1;
	s6 =	sor.u32 $0x1C02, s31  }
0xa: {  	s8 =	smul.u32 $0x510, s4;
	s4 =	sadd.s32 $0x235400, s5;
	s16 =	sshrl.u32 s7, $0x3  }
0xb: {  	s10 =	ssub.s32 s10, s11;
	s13 =	sadd.s32 s7, s1;
	s17 =	sadd.s32 s9, s12  }
0xc: {  	s11 =	simm.s32 $0x2;
	s12 =	simm.s32 $0x2880;
	s9 =	smax.u32 s10, $0x1  }
0xd: {  	s10 =	sshrl.u32 s13, $0x3;
	s13 =	simm.s32 $0x80;
	s8 =	sadd.s32 s8, s5  }
0xe: {  	s5 =	sadd.s32 s16, s5;
	s16 =	sadd.s32 s16, s17;
	s17 =	simm.s32 $0x0  }
0xf: {  	s5 =	sadd.s32 $0x230400, s5;
	s7 =	sadd.s32 $0x13A00, s8;
	s8 =	sadd.s32 $0x9800, s8  }
.LBB2_1:
0x10: {  	[spmem:s10], [sflag:s6] =	dma.local [hbm:s5], $0x4F0  }
0x11: {  	_ =	swait.ge [sflag:s11], $0x4F0  }
0x12: {  	[sflag:s11] =	ssyncset.done $0x0  }
0x13: {  	[sflag:s11] =	ssyncadd.s32 $0xFFFFFB10  }
0x14: {  	[tilespmem:s3], [sflag:$0x2] =	stream.linear.gather [hbm4b:s7+s3], $0x2880, $0x38;
	[tilespmem:$0x8080] =	vst v63  }
0x15: {  	_ =	swait.ge [sflag:s11], $0x2880  }
0x16: {  	[sflag:s11] =	ssyncset.done $0x0  }
0x17: {  	[sflag:s11] =	ssyncadd.s32 $0xFFFFD780  }
0x18: {  	[tilespmem:s12], [sflag:$0x2] =	stream.linear.gather [hbm4b:s8+s3], $0x2880, $0x38;
	[tilespmem:$0x8080] =	vst v63  }
0x19: {  	_ =	swait.ge [sflag:s11], $0x2880  }
0x1a: {  	[sflag:s11] =	ssyncset.done $0x0  }
0x1b: {  	[sflag:s11] =	ssyncadd.s32 $0xFFFFD780  }
0x1c: {  	s18 =	simm.s32 $0x0;
	[bflag:$0x0] =	sbarrier.arrive $0xFFFF  }
0x1d: {  	[tilespmem:s14], [sflag:$0x1] =	stream.indirect.gather [hbm4b:s4+s13], $0x10, s18, s13, $0xb8;
	[tilespmem:$0x8080] =	vst v63  }
0x1e: {  	_ =	swait.ge [sflag:s15], $0x800  }
0x1f: {  	[sflag:s15] =	ssyncset.done $0x0  }
0x20: {  	s31 =	simm.s32 $0x2880;
	[sflag:s15] =	ssyncadd.s32 $0xFFFFF800  }
0x21: {  	[spmem:s1] =	stream.indirect.scatter.add.f32 [tilespmem:s14], [sflag:$0x2], $0x10, s31, s13, $0xb8;
	[tilespmem:$0x8080] =	vst v63  }
0x22: {  	_ =	swait.ge [sflag:s11], $0x800  }
0x23: {  	s19 =	simm.s32 $0x400;
	s18 =	simm.s32 $0x200;
	[sflag:s11] =	ssyncset.done $0x0  }
.LBB2_2:
0x24: {  	s20 =	sshra.s32 s18, $0x2  }
0x25: {  	[sflag:s11] =	ssyncadd.s32 $0xFFFFF800;
	s18 =	smov.u32 s19;
	s21 =	sadd.s32 $0x200, s19  }
0x26: {  	[tilespmem:s14], [sflag:$0x1] =	stream.indirect.gather [hbm4b:s4+s13], $0x10, s20, s13, $0xb8;
	[tilespmem:$0x8080] =	vst v63  }
0x27: {  	p0 =	sne.s32 s19, $0xA000;
	_ =	swait.ge [sflag:s15], $0x800  }
.Ltmp0:
0x28: {  	[sflag:s15] =	ssyncset.done $0x0;
	(pc) =	sbr.rel @p0 .LBB2_2-.Ltmp0, $4  }
0x29: {  	s19 =	sadd.s32 $0x2880, s20;
	[sflag:s15] =	ssyncadd.s32 $0xFFFFF800  }
0x2a: {  	[spmem:s1] =	stream.indirect.scatter.add.f32 [tilespmem:s14], [sflag:$0x2], $0x10, s19, s13, $0xb8;
	[tilespmem:$0x8080] =	vst v63  }
0x2b: {  	_ =	swait.ge [sflag:s11], $0x800  }
0x2c: {  	s19 =	smov.u32 s21;
	[sflag:s11] =	ssyncset.done $0x0  }
0x2d: {  	s18 =	sshra.s32 s18, $0x2;
	[sflag:s11] =	ssyncadd.s32 $0xFFFFF800  }
0x2e: {  	[tilespmem:s14], [sflag:$0x1] =	stream.indirect.gather [hbm4b:s4+s13], $0x10, s18, s13, $0xb8;
	[tilespmem:$0x8080] =	vst v63  }
0x2f: {  	_ =	swait.ge [sflag:s15], $0x800  }
0x30: {  	[sflag:s15] =	ssyncset.done $0x0  }
0x31: {  	s18 =	sadd.s32 $0x2880, s18;
	[sflag:s15] =	ssyncadd.s32 $0xFFFFF800  }
0x32: {  	[spmem:s1] =	stream.indirect.scatter.add.f32 [tilespmem:s14], [sflag:$0x2], $0x10, s18, s13, $0xb8;
	[tilespmem:$0x8080] =	vst v63  }
0x33: {  	_ =	swait.ge [sflag:s11], $0x800  }
0x34: {  	s17 =	sadd.s32 $0x1, s17;
	[sflag:s11] =	ssyncset.done $0x0  }
0x35: {  	p0 =	sne.s32 s17, s9;
	[sflag:s11] =	ssyncadd.s32 $0xFFFFF800  }
.Ltmp1:
0x36: {  	[bflag:$0x0] =	sbarrier.arrive $0xFFFF;
	(pc) =	sbr.rel @p0 .LBB2_1-.Ltmp1, $4  }
0x37: {  	[hbm:s16], [sflag:s6] =	dma.local [spmem:s10], $0x4F0  }
0x38: {  	_ =	swait.ge [sflag:s11], $0x4F0  }
0x39: {  	[sflag:s11] =	ssyncset.done $0x0  }
0x3a: {  	[sflag:s11] =	ssyncadd.s32 $0xFFFFFB10  }
0x3b: {  	_ =	sfence.sel $0x180000  }
0x3c: {  	[bflag:$0x0] =	sbarrier.arrive $0xFFFF  }
0x3d: {  	p0 =	sne.s32 s2, $0x0;
	_ =	strace $0x9000004D  }
0x3e: {  	s0 =	sadd.s32 @!p0 $0x100000, s0;
	[bflag:$0x2] =	sbarrier.arrive $0xFFFF  }
0x3f: {  	[sflag:s0] =	ssyncadd.tile.s32 @!p0 $0x1;
	_ =	shalt  }
.Lfunc_end2:
_tile_overlayer_lowered:
.L_overlay_start_2:
0x40: {  	(tag) =	ssettag $0x2  }
0x41: {  	s0 =	rddreg [dreg:$0x0];
	s2 =	stileid.u32  }
0x42: {  	s1 =	rddreg [dreg:$0x1];
	p0 =	sne.s32 s2, $0x0  }
0x43: {  	s3 =	rddreg [dreg:$0x2];
	[bflag:$0x3] =	sbarrier.arrive $0xFFFF;
	s2 =	simm.s32 @!p0 $0x1C02  }
0x44: {  	[timem:s3], [sflag:s2] =	dma.local @!p0 [hbm:s0], s1  }
0x45: {  	s0 =	simm.s32 @!p0 $0x2  }
0x46: {  	_ =	swait.ge @!p0 [sflag:s0], s1  }
0x47: {  	s1 =	ssub.s32 @!p0 $0x0, s1;
	[sflag:s0] =	ssyncset.done @!p0 $0x0  }
0x48: {  	[sflag:s0] =	ssyncadd.s32 @!p0 s1  }
0x49: {  	[bflag:$0x3] =	sbarrier.arrive $0xFFFF  }
0x4a: {  	_ =	shalt  }

// kernel: kernel.31.cloned.1.call-start
scs
__scs_entry_jumppad:
0x0: {  	(pc) =	sbr.rel $0x88, $3  }
0x1: {  	(tag) =	ssettag $0x0;
	lr =	simm.s32 $0x1  }
0x2: {  	[smem:$0x3F89] =	sst lr;
	_ =	strace $0xD0000000  }
0x3: {  	_ = 	snop  }
0x4: {  	_ = 	snop  }
0x5: {  	_ = 	snop  }
0x6: {  	_ = 	snop  }
0x7: {  	_ = 	snop  }
__scs_overlays_trampoline_lowered:
0x8: {  	[smem:$0x3F98] =	sst s0  }
0x9: {  	[smem:$0x3F99] =	sst s1  }
0xa: {  	[smem:$0x3F9A] =	sst s2  }
0xb: {  	[smem:$0x3F9B] =	sst s3  }
0xc: {  	[smem:$0x3F9C] =	sst s4  }
0xd: {  	[smem:$0x3F9D] =	sst s5  }
0xe: {  	[smem:$0x3F9E] =	sst s6  }
0xf: {  	[smem:$0x3F9F] =	sst s7  }
0x10: {  	[smem:$0x3FA0] =	sst s8  }
0x11: {  	[smem:$0x3FA1] =	sst s9;
	s0 =	simm.s32 @!p0 $0x0  }
0x12: {  	s1 =	sld [smem:$0x3F87];
	s0 =	simm.s32 @p0 $0x1  }
0x13: {  	[smem:$0x3FA2] =	sst s0;
	s0 =	simm.s32 @!p1 $0x0  }
0x14: {  	s2 =	sld [smem:$0x3F86];
	s0 =	simm.s32 @p1 $0x1  }
0x15: {  	[smem:$0x3FA3] =	sst s0;
	s0 =	simm.s32 @!p2 $0x0  }
0x16: {  	s3 =	sld [smem:$0x3FDB];
	s0 =	simm.s32 @p2 $0x1  }
0x17: {  	s4 =	simm.s32 $0x1BF5;
	[smem:$0x3FA5] =	sst s0  }
0x18: {  	s0 =	sld [smem:$0x3F88];
	_ =	swait.ge [sflag:s4], $0x0  }
0x19: {  	s7 =	sld [smem:$0x3F89]  }
0x1a: {  	s8 =	sadd.s32 $0xFFFFE003, lr  }
0x1b: {  	s9 =	sadd.s32 $0xFFFFFEF7, lr;
	s5 =	simm.s32 $0xFFFFFFFF;
	p2 =	slt.u32 s8, $0xFFFFF086  }
0x1c: {  	p1 =	slt.u32 s9, $0xF7A;
	s5 =	simm.s32 @!p2 $0x0  }
0x1d: {  	s5 =	simm.s32 @p1 $0x1;
	p0 =	seq.s32 s7, s2  }
0x1e: {  	s7 =	smul.u32 @!p0 $0xF7A, s2;
	p2 =	seq.s32 @!p0 s5, $0x0  }
0x1f: {  	s9 =	smul.u32 $0xF7A, s1;
	s8 =	simm.s32 @!p0 $0x1BF5;
	p2 =	por !p2, p0  }
0x20: {  	[sflag:s8] =	ssyncset.s32 @!p0 $0xFFFFF086;
	s6 =	sadd.s32 @!p0 s3, s7;
	s7 =	simm.s32 @!p0 $0x108  }
0x21: {  	s3 =	sadd.s32 s3, s9;
	s6 =	sadd.s32 @!p0 $0x88, s6;
	s7 =	simm.s32 @p2 $0x1082  }
0x22: {  	[simem:s7], [sflag:s8] =	dma.local @!p0 [hbm:s6], $0xF7A  }
0x23: {  	s9 =	sor.u32 $0xD0000000, s2;
	s6 =	simm.s32 $0x108;
	_ =	swait.ge @!p0 [sflag:s8], $0x0  }
0x24: {  	s3 =	sadd.s32 $0x88, s3;
	s6 =	simm.s32 @!p1 $0x1082;
	[sflag:s4] =	ssyncset.s32 $0xFFFFF086  }
0x25: {  	[simem:s6], [sflag:s4] =	dma.local [hbm:s3], $0xF7A  }
0x26: {  	[smem:$0x3F89] =	sst s1;
	(tag) =	ssettag s2;
	_ =	strace s9  }
0x27: {  	s1 =	sld [smem:$0x3F99]  }
0x28: {  	s2 =	sld [smem:$0x3F9A]  }
0x29: {  	s4 =	sld [smem:$0x3F9C]  }
0x2a: {  	p0 =	seq.s32 s5, $0x0;
	s5 =	sld [smem:$0x3F9D]  }
0x2b: {  	s6 =	sld [smem:$0x3F9E]  }
0x2c: {  	s7 =	sld [smem:$0x3F9F]  }
0x2d: {  	s3 =	simm.s32 $0x108;
	s8 =	sld [smem:$0x3FA0]  }
0x2e: {  	s3 =	simm.s32 @!p0 $0x1082;
	s9 =	sld [smem:$0x3FA1]  }
0x2f: {  	lr =	sadd.s32 s0, s3;
	s0 =	sld [smem:$0x3F98]  }
0x30: {  	s3 =	sld [smem:$0x3F9B]  }
0x31: {  	[smem:$0x3FA4] =	sst s10  }
0x32: {  	s10 =	sld [smem:$0x3FA2];
	_ =	sdelay $0x3  }
0x33: {  	p0 =	seq.s32 s10, $0x1;
	s10 =	sld [smem:$0x3FA4];
	_ =	sdelay $0x3  }
0x34: {  	[smem:$0x3FA4] =	sst s10  }
0x35: {  	s10 =	sld [smem:$0x3FA3];
	_ =	sdelay $0x3  }
0x36: {  	p1 =	seq.s32 s10, $0x1;
	s10 =	sld [smem:$0x3FA4];
	_ =	sdelay $0x3  }
0x37: {  	[smem:$0x3FA4] =	sst s10  }
0x38: {  	s10 =	sld [smem:$0x3FA5]  }
0x39: {  	_ = 	snop;
	(pc) =	sbr.ind lr, $3  }
0x3a: {  	_ = 	snop  }
0x3b: {  	_ = 	snop  }
0x3c: {  	p2 =	seq.s32 s10, $0x1;
	s10 =	sld [smem:$0x3FA4]  }
0x3d: {  	_ =	shalt  }
0x3e: {  	_ =	shalt  }
0x3f: {  	_ =	shalt  }
0x40: {  	_ =	shalt  }
0x41: {  	_ =	shalt  }
0x42: {  	_ =	shalt  }
0x43: {  	_ =	shalt  }
0x44: {  	_ =	shalt  }
0x45: {  	_ =	shalt  }
0x46: {  	_ =	shalt  }
0x47: {  	_ =	shalt  }
0x48: {  	_ =	shalt  }
0x49: {  	_ =	shalt  }
0x4a: {  	_ =	shalt  }
0x4b: {  	_ =	shalt  }
0x4c: {  	_ =	shalt  }
0x4d: {  	_ =	shalt  }
0x4e: {  	_ =	shalt  }
0x4f: {  	_ =	shalt  }
0x50: {  	_ =	shalt  }
0x51: {  	_ =	shalt  }
0x52: {  	_ =	shalt  }
0x53: {  	_ =	shalt  }
0x54: {  	_ =	shalt  }
0x55: {  	_ =	shalt  }
0x56: {  	_ =	shalt  }
0x57: {  	_ =	shalt  }
0x58: {  	_ =	shalt  }
0x59: {  	_ =	shalt  }
0x5a: {  	_ =	shalt  }
0x5b: {  	_ =	shalt  }
0x5c: {  	_ =	shalt  }
0x5d: {  	_ =	shalt  }
0x5e: {  	_ =	shalt  }
0x5f: {  	_ =	shalt  }
0x60: {  	_ =	shalt  }
0x61: {  	_ =	shalt  }
0x62: {  	_ =	shalt  }
0x63: {  	_ =	shalt  }
0x64: {  	_ =	shalt  }
0x65: {  	_ =	shalt  }
0x66: {  	_ =	shalt  }
0x67: {  	_ =	shalt  }
0x68: {  	_ =	shalt  }
0x69: {  	_ =	shalt  }
0x6a: {  	_ =	shalt  }
0x6b: {  	_ =	shalt  }
0x6c: {  	_ =	shalt  }
0x6d: {  	_ =	shalt  }
0x6e: {  	_ =	shalt  }
0x6f: {  	_ =	shalt  }
0x70: {  	_ =	shalt  }
0x71: {  	_ =	shalt  }
0x72: {  	_ =	shalt  }
0x73: {  	_ =	shalt  }
0x74: {  	_ =	shalt  }
0x75: {  	_ =	shalt  }
0x76: {  	_ =	shalt  }
0x77: {  	_ =	shalt  }
0x78: {  	_ =	shalt  }
0x79: {  	_ =	shalt  }
0x7a: {  	_ =	shalt  }
0x7b: {  	_ =	shalt  }
0x7c: {  	_ =	shalt  }
0x7d: {  	_ =	shalt  }
0x7e: {  	_ =	shalt  }
0x7f: {  	_ =	shalt  }
0x80: {  	_ =	shalt  }
0x81: {  	_ =	shalt  }
0x82: {  	_ =	shalt  }
0x83: {  	_ =	shalt  }
0x84: {  	_ =	shalt  }
0x85: {  	_ =	shalt  }
0x86: {  	_ =	shalt  }
0x87: {  	_ =	shalt  }
.Lfunc_end0:
.L_simem_size_0:
called_computation.1_lowered:
.L_overlay_start_0:
0x88: {  	s2 =	sld [smem:$0x3FD9]  }
0x89: {  	s3 =	sld [smem:$0x3FFE];
	_ =	sdelay $0x1  }
0x8a: {  	s1 =	srdreg.scid  }
0x8b: {  	s0 =	sand.u32 $0x1, s1  }
0x8c: {  	s15 =	sshll.u32 s0, $0xA;
	s2 =	sadd.s32 s3, s2  }
0x8d: {  	s2 =	sadd.s32 s2, s15  }
0x8e: {  	[smem:$0x3FB0] =	sst s2  }
0x8f: {  	_ = 	snop  }
0x90: {  	s2 =	sld [smem:$0x3FD0];
	_ =	sdelay $0x2  }
0x91: {  	s16 =	simm.s32 $0xB;
	s4 =	simm.s32 $0x10  }
0x92: {  	[smem:s4], [sflag:s16] =	dma.local [hbm:s2], $0x1  }
0x93: {  	_ =	swait.eq [sflag:s16], $0x1  }
0x94: {  	[sflag:s16] =	ssyncset.done $0x0  }
0x95: {  	[sflag:s16] =	ssyncadd.s32 $0xFFFFFFFF  }
0x96: {  	s17 =	sld [smem:$0x11];
	(tm) =	ssettm $0x1  }
0x97: {  	s18 =	sld [smem:$0x3FFB];
	_ =	sdelay $0x3  }
0x98: {  	_ =	strace s18  }
0x99: {  	s2 =	sld [smem:$0x3FFC];
	_ =	sdelay $0x3  }
0x9a: {  	_ =	strace s2  }
0x9b: {  	s2 =	sld [smem:$0x3FFD];
	_ =	sdelay $0x3  }
0x9c: {  	_ =	strace s2  }
0x9d: {  	_ =	strace $0x8FFFFFFF  }
0x9e: {  	s19 =	sld [smem:$0x3FDB];
	_ =	sdelay $0x1  }
0x9f: {  	s20 =	simm.s32 $_scs_section_size  }
0xa0: {  	s5 =	simm.s32 $_size__tile_overlayer_lowered;
	s6 =	simm.s32 $_tile_overlayer_lowered  }
0xa1: {  	s7 =	simm.s32 $0x1BFF;
	s21 =	sshll.u32 s6, $0x1;
	s4 =	sadd.s32 s20, s19  }
0xa2: {  	s22 =	simm.s32 $0x0;
	s5 =	sshll.u32 s5, $0x1;
	s6 =	sadd.s32 s21, s4  }
0xa3: {  	[timem:s22], [sflag:s7] =	dma.local [hbm:s6], s5  }
0xa4: {  	_ =	swait.ge [sflag:s7], s5  }
0xa5: {  	s5 =	ssub.s32 $0x0, s5;
	[sflag:s7] =	ssyncset.done $0x0  }
0xa6: {  	[sflag:s7] =	ssyncadd.s32 s5;
	_ =	sdelay $0x1  }
0xa7: {  	s23 =	simm.s32 $0x1B8B  }
0xa8: {  	_ =	swait.ge [sflag:s23], $0x1  }
0xa9: {  	[sflag:s23] =	ssyncset.done $0x0  }
0xaa: {  	[sflag:s23] =	ssyncadd.s32 $0xFFFFFFFF  }
0xab: {  	s5 =	sld [smem:$0x0]  }
0xac: {  	s6 =	sand.u32 $0xFFFFFFFE, s1  }
0xad: {  	p0 =	sne.s32 s1, s6  }
0xae: {  	s6 =	sshll.u32 @p0 s6, $0xE  }
0xaf: {  	s6 =	sadd.s32 @p0 $0x11B8D, s6;
	s7 =	sshll.u32 @p0 s5, $0x11  }
0xb0: {  	s6 =	sor.u32 @p0 s7, s6  }
0xb1: {  	[sflag:s6] =	ssyncadd.remote.s32 @p0 $0x1;
	_ =	sdelay $0x1  }
0xb2: {  	s6 =	simm.s32 @p0 $0x1B8D  }
0xb3: {  	_ =	swait.eq @p0 [sflag:s6], $0x1  }
0xb4: {  	[sflag:s6] =	ssyncadd.s32 @p0 $0xFFFFFFFF  }
0xb5: {  	s7 =	sshll.u32 @!p0 s1, $0xE  }
0xb6: {  	s7 =	sor.u32 @!p0 $0x4000, s7;
	s6 =	simm.s32 @!p0 $0x1B8D  }
0xb7: {  	s5 =	sshll.u32 @!p0 s5, $0x11;
	s7 =	sadd.s32 @!p0 $0x11B8D, s7;
	_ =	swait.eq @!p0 [sflag:s6], $0x1  }
0xb8: {  	s5 =	sor.u32 @!p0 s5, s7;
	[sflag:s6] =	ssyncadd.s32 @!p0 $0xFFFFFFFF  }
0xb9: {  	s25 =	simm.s32 $0x1B8E;
	s24 =	sld [smem:$0x3FFE];
	[sflag:s5] =	ssyncadd.remote.s32 @!p0 $0x1  }
0xba: {  	s26 =	simm.s32 $execute0_lowered;
	[smem:$0x3FD2] =	sst s25  }
0xbb: {  	s6 =	sshll.u32 s26, $0x1;
	_ =	strace $0x80000052;
	[dreg:$0x1] =	wrdreg $0xFFFFFFFF  }
0xbc: {  	s28 =	simm.s32 $_size_execute0_lowered;
	s4 =	sadd.s32 s4, s6;
	[dreg:$0x0] =	wrdreg $0x0  }
0xbd: {  	s6 =	sshll.u32 s28, $0x1;
	[dreg:$0x2] =	wrdreg s4  }
0xbe: {  	[dreg:$0x3] =	wrdreg s6  }
0xbf: {  	[dreg:$0x4] =	wrdreg $0xC0  }
0xc0: {  	_ =	task [dreg:s22], $0x5FFFF  }
0xc1: {  	[dreg:$0x1] =	wrdreg $0xFFFFFFFF  }
0xc2: {  	[dreg:$0x0] =	wrdreg $0x60  }
0xc3: {  	[dreg:$0x2] =	wrdreg s24  }
0xc4: {  	[dreg:$0x3] =	wrdreg s17  }
0xc5: {  	[dreg:$0x4] =	wrdreg $0x71000  }
0xc6: {  	[dreg:$0x5] =	wrdreg $0x9  }
0xc7: {  	_ =	task.clear_ibuf [dreg:s22], $0x6FFFF;
	_ =	strace $0x90000052  }
0xc8: {  	s29 =	simm.s32 $0x9;
	_ =	strace $0x80000054  }
0xc9: {  	_ =	swait.ge [sflag:s29], $0x1  }
0xca: {  	[sflag:s29] =	ssyncadd.s32 $0xFFFFFFFF  }
0xcb: {  	_ =	strace $0x90000054  }
0xcc: {  	_ =	sfence  }
0xcd: {  	s30 =	sld [smem:$0x0];
	_ =	sdelay $0x2  }
0xce: {  	s31 =	sshll.u32 s1, $0xD;
	s1 =	sshrl.u32 s1, $0x2  }
0xcf: {  	s4 =	sand.u32 $0x4000, s31;
	s1 =	sadd.s32 s1, s30  }
0xd0: {  	s0 =	sor.u32 s4, s0;
	s1 =	sshll.u32 s1, $0x11  }
0xd1: {  	s0 =	sor.u32 s1, s0  }
0xd2: {  	s0 =	sadd.s32 $0x8F2B, s0  }
0xd3: {  	[sflag:s0] =	ssyncadd.remote.s32 $0x1  }
0xd4: {  	_ =	sfence.sel $0xFFFF  }
0xd5: {  	[dreg:$0x0] =	wrdreg $0xFFFFFFFF;
	(pc) =	sbr.abs _section_cstart, $3  }
0xd6: {  	[dreg:$0x1] =	wrdreg $0xFFFFFFFF  }
0xd7: {  	_ =	task.clear_ibuf [dreg:s22], $0x2FFFF;
	_ =	strace $0x9FFFFFFF  }
0xd8: {  	(tm) =	ssettm $0x7FFFFFFF  }
0xd9: {  	_ =	shalt  }
tec
execute0_lowered:
.L_overlay_start_1:
0x0: {  	(tag) =	ssettag $0x1  }
0x1: {  	s5 =	rddreg [dreg:$0x0]  }
0x2: {  	s0 =	srdreg.scid;
	s6 =	rddreg [dreg:$0x1]  }
0x3: {  	s2 =	rddreg [dreg:$0x2];
	s1 =	stileid.u32  }
0x4: {  	s3 =	simm.s32 $0x0;
	s12 =	simm.s32 $0x2880;
	s13 =	simm.s32 $0x80  }
0x5: {  	s14 =	simm.s32 $0x5100;
	s7 =	sand.u32 $0x1, s0;
	s0 =	rddreg [dreg:$0x3]  }
0x6: {  	s15 =	simm.s32 $0x1;
	[smem:$0x7FF] =	sst s3;
	s10 =	smul.u32 $0x9E00, s1  }
0x7: {  	s31 =	sshll.u32 s1, $0x6;
	s4 =	sshll.u32 s7, $0x4;
	_ =	strace $0x80000053  }
0x8: {  	s9 =	smul.u32 $0x13C00, s7;
	s7 =	ssub.s32 $0x2, s7;
	s4 =	sor.u32 s1, s4  }
0x9: {  	s30 =	sshrl.u32 s7, $0x1;
	s16 =	sshrl.u32 s10, $0x3;
	s10 =	sadd.s32 s10, s2  }
0xa: {  	s8 =	smul.u32 $0x510, s4;
	s4 =	sadd.s32 $0x21C800, s5;
	s9 =	sadd.s32 s9, s5  }
0xb: {  	s11 =	ssub.s32 s7, s30;
	s10 =	sshrl.u32 s10, $0x3;
	s17 =	sadd.s32 $0x261800, s9  }
0xc: {  	s9 =	smax.u32 s11, $0x1;
	s11 =	simm.s32 $0x2;
	s8 =	sadd.s32 s8, s5  }
0xd: {  	s5 =	sadd.s32 s6, s16;
	s6 =	sor.u32 $0x1C02, s31;
	s16 =	sadd.s32 s16, s17  }
0xe: {  	s17 =	simm.s32 $0x0;
	s7 =	sadd.s32 $0x13A00, s8;
	s8 =	sadd.s32 $0x9800, s8  }
.LBB2_1:
0xf: {  	[spmem:s10], [sflag:s6] =	dma.local [hbm:s5], $0x13C0  }
0x10: {  	_ =	swait.ge [sflag:s11], $0x13C0  }
0x11: {  	[sflag:s11] =	ssyncset.done $0x0  }
0x12: {  	[sflag:s11] =	ssyncadd.s32 $0xFFFFEC40  }
0x13: {  	[tilespmem:s3], [sflag:$0x2] =	stream.linear.gather [hbm4b:s7+s3], $0x2880, $0x38;
	[tilespmem:$0x10F00] =	vst v63  }
0x14: {  	_ =	swait.ge [sflag:s11], $0x2880  }
0x15: {  	[sflag:s11] =	ssyncset.done $0x0  }
0x16: {  	[sflag:s11] =	ssyncadd.s32 $0xFFFFD780  }
0x17: {  	[tilespmem:s12], [sflag:$0x2] =	stream.linear.gather [hbm4b:s8+s3], $0x2880, $0x38;
	[tilespmem:$0x10F00] =	vst v63  }
0x18: {  	_ =	swait.ge [sflag:s11], $0x2880  }
0x19: {  	[sflag:s11] =	ssyncset.done $0x0  }
0x1a: {  	[sflag:s11] =	ssyncadd.s32 $0xFFFFD780  }
0x1b: {  	s18 =	simm.s32 $0x0;
	[bflag:$0x0] =	sbarrier.arrive $0xFFFF  }
0x1c: {  	[tilespmem:s14], [sflag:$0x1] =	stream.indirect.gather [hbm4b:s4+s13], $0x40, s18, s13, $0xb8;
	[tilespmem:$0x10F00] =	vst v63  }
0x1d: {  	_ =	swait.ge [sflag:s15], $0x2000  }
0x1e: {  	[sflag:s15] =	ssyncset.done $0x0  }
0x1f: {  	s31 =	simm.s32 $0x2880;
	[sflag:s15] =	ssyncadd.s32 $0xFFFFE000  }
0x20: {  	[spmem:s2] =	stream.indirect.scatter.add.f32 [tilespmem:s14], [sflag:$0x2], $0x40, s31, s13, $0xb8;
	[tilespmem:$0x10F00] =	vst v63  }
0x21: {  	_ =	swait.ge [sflag:s11], $0x2000  }
0x22: {  	s19 =	simm.s32 $0x400;
	s18 =	simm.s32 $0x200;
	[sflag:s11] =	ssyncset.done $0x0  }
.LBB2_2:
0x23: {  	s20 =	sshra.s32 s18, $0x2  }
0x24: {  	[sflag:s11] =	ssyncadd.s32 $0xFFFFE000;
	s18 =	smov.u32 s19;
	s21 =	sadd.s32 $0x200, s19  }
0x25: {  	[tilespmem:s14], [sflag:$0x1] =	stream.indirect.gather [hbm4b:s4+s13], $0x40, s20, s13, $0xb8;
	[tilespmem:$0x10F00] =	vst v63  }
0x26: {  	p0 =	sne.s32 s19, $0xA000;
	_ =	swait.ge [sflag:s15], $0x2000  }
.Ltmp0:
0x27: {  	[sflag:s15] =	ssyncset.done $0x0;
	(pc) =	sbr.rel @p0 .LBB2_2-.Ltmp0, $4  }
0x28: {  	s19 =	sadd.s32 $0x2880, s20;
	[sflag:s15] =	ssyncadd.s32 $0xFFFFE000  }
0x29: {  	[spmem:s2] =	stream.indirect.scatter.add.f32 [tilespmem:s14], [sflag:$0x2], $0x40, s19, s13, $0xb8;
	[tilespmem:$0x10F00] =	vst v63  }
0x2a: {  	_ =	swait.ge [sflag:s11], $0x2000  }
0x2b: {  	s19 =	smov.u32 s21;
	[sflag:s11] =	ssyncset.done $0x0  }
0x2c: {  	s18 =	sshra.s32 s18, $0x2;
	[sflag:s11] =	ssyncadd.s32 $0xFFFFE000  }
0x2d: {  	[tilespmem:s14], [sflag:$0x1] =	stream.indirect.gather [hbm4b:s4+s13], $0x40, s18, s13, $0xb8;
	[tilespmem:$0x10F00] =	vst v63  }
0x2e: {  	_ =	swait.ge [sflag:s15], $0x2000  }
0x2f: {  	[sflag:s15] =	ssyncset.done $0x0  }
0x30: {  	s18 =	sadd.s32 $0x2880, s18;
	[sflag:s15] =	ssyncadd.s32 $0xFFFFE000  }
0x31: {  	[spmem:s2] =	stream.indirect.scatter.add.f32 [tilespmem:s14], [sflag:$0x2], $0x40, s18, s13, $0xb8;
	[tilespmem:$0x10F00] =	vst v63  }
0x32: {  	_ =	swait.ge [sflag:s11], $0x2000  }
0x33: {  	s17 =	sadd.s32 $0x1, s17;
	[sflag:s11] =	ssyncset.done $0x0  }
0x34: {  	p0 =	sne.s32 s17, s9;
	[sflag:s11] =	ssyncadd.s32 $0xFFFFE000  }
.Ltmp1:
0x35: {  	[bflag:$0x0] =	sbarrier.arrive $0xFFFF;
	(pc) =	sbr.rel @p0 .LBB2_1-.Ltmp1, $4  }
0x36: {  	[hbm:s16], [sflag:s6] =	dma.local [spmem:s10], $0x13C0  }
0x37: {  	_ =	swait.ge [sflag:s11], $0x13C0  }
0x38: {  	[sflag:s11] =	ssyncset.done $0x0  }
0x39: {  	[sflag:s11] =	ssyncadd.s32 $0xFFFFEC40  }
0x3a: {  	_ =	sfence.sel $0x180000  }
0x3b: {  	[bflag:$0x0] =	sbarrier.arrive $0xFFFF  }
0x3c: {  	p0 =	sne.s32 s1, $0x0;
	_ =	strace $0x90000053  }
0x3d: {  	s0 =	sadd.s32 @!p0 $0x100000, s0;
	[bflag:$0x2] =	sbarrier.arrive $0xFFFF  }
0x3e: {  	[sflag:s0] =	ssyncadd.tile.s32 @!p0 $0x1;
	_ =	shalt  }
.Lfunc_end2:
_tile_overlayer_lowered:
.L_overlay_start_2:
0x3f: {  	(tag) =	ssettag $0x2  }
0x40: {  	s0 =	rddreg [dreg:$0x0];
	s2 =	stileid.u32  }
0x41: {  	s1 =	rddreg [dreg:$0x1];
	p0 =	sne.s32 s2, $0x0  }
0x42: {  	s3 =	rddreg [dreg:$0x2];
	[bflag:$0x3] =	sbarrier.arrive $0xFFFF;
	s2 =	simm.s32 @!p0 $0x1C02  }
0x43: {  	[timem:s3], [sflag:s2] =	dma.local @!p0 [hbm:s0], s1  }
0x44: {  	s0 =	simm.s32 @!p0 $0x2  }
0x45: {  	_ =	swait.ge @!p0 [sflag:s0], s1  }
0x46: {  	s1 =	ssub.s32 @!p0 $0x0, s1;
	[sflag:s0] =	ssyncset.done @!p0 $0x0  }
0x47: {  	[sflag:s0] =	ssyncadd.s32 @!p0 s1  }
0x48: {  	[bflag:$0x3] =	sbarrier.arrive $0xFFFF  }
0x49: {  	_ =	shalt  }

// kernel: kernel.34.cloned.1.call-start
scs
__scs_entry_jumppad:
0x0: {  	(pc) =	sbr.rel $0x88, $3  }
0x1: {  	(tag) =	ssettag $0x0;
	lr =	simm.s32 $0x1  }
0x2: {  	[smem:$0x3F89] =	sst lr;
	_ =	strace $0xD0000000  }
0x3: {  	_ = 	snop  }
0x4: {  	_ = 	snop  }
0x5: {  	_ = 	snop  }
0x6: {  	_ = 	snop  }
0x7: {  	_ = 	snop  }
__scs_overlays_trampoline_lowered:
0x8: {  	[smem:$0x3F98] =	sst s0  }
0x9: {  	[smem:$0x3F99] =	sst s1  }
0xa: {  	[smem:$0x3F9A] =	sst s2  }
0xb: {  	[smem:$0x3F9B] =	sst s3  }
0xc: {  	[smem:$0x3F9C] =	sst s4  }
0xd: {  	[smem:$0x3F9D] =	sst s5  }
0xe: {  	[smem:$0x3F9E] =	sst s6  }
0xf: {  	[smem:$0x3F9F] =	sst s7  }
0x10: {  	[smem:$0x3FA0] =	sst s8  }
0x11: {  	[smem:$0x3FA1] =	sst s9;
	s0 =	simm.s32 @!p0 $0x0  }
0x12: {  	s1 =	sld [smem:$0x3F87];
	s0 =	simm.s32 @p0 $0x1  }
0x13: {  	[smem:$0x3FA2] =	sst s0;
	s0 =	simm.s32 @!p1 $0x0  }
0x14: {  	s2 =	sld [smem:$0x3F86];
	s0 =	simm.s32 @p1 $0x1  }
0x15: {  	[smem:$0x3FA3] =	sst s0;
	s0 =	simm.s32 @!p2 $0x0  }
0x16: {  	s3 =	sld [smem:$0x3FDB];
	s0 =	simm.s32 @p2 $0x1  }
0x17: {  	s4 =	simm.s32 $0x1BF5;
	[smem:$0x3FA5] =	sst s0  }
0x18: {  	s0 =	sld [smem:$0x3F88];
	_ =	swait.ge [sflag:s4], $0x0  }
0x19: {  	s7 =	sld [smem:$0x3F89]  }
0x1a: {  	s8 =	sadd.s32 $0xFFFFE003, lr  }
0x1b: {  	s9 =	sadd.s32 $0xFFFFFEF7, lr;
	s5 =	simm.s32 $0xFFFFFFFF;
	p2 =	slt.u32 s8, $0xFFFFF086  }
0x1c: {  	p1 =	slt.u32 s9, $0xF7A;
	s5 =	simm.s32 @!p2 $0x0  }
0x1d: {  	s5 =	simm.s32 @p1 $0x1;
	p0 =	seq.s32 s7, s2  }
0x1e: {  	s7 =	smul.u32 @!p0 $0xF7A, s2;
	p2 =	seq.s32 @!p0 s5, $0x0  }
0x1f: {  	s9 =	smul.u32 $0xF7A, s1;
	s8 =	simm.s32 @!p0 $0x1BF5;
	p2 =	por !p2, p0  }
0x20: {  	[sflag:s8] =	ssyncset.s32 @!p0 $0xFFFFF086;
	s6 =	sadd.s32 @!p0 s3, s7;
	s7 =	simm.s32 @!p0 $0x108  }
0x21: {  	s3 =	sadd.s32 s3, s9;
	s6 =	sadd.s32 @!p0 $0x88, s6;
	s7 =	simm.s32 @p2 $0x1082  }
0x22: {  	[simem:s7], [sflag:s8] =	dma.local @!p0 [hbm:s6], $0xF7A  }
0x23: {  	s9 =	sor.u32 $0xD0000000, s2;
	s6 =	simm.s32 $0x108;
	_ =	swait.ge @!p0 [sflag:s8], $0x0  }
0x24: {  	s3 =	sadd.s32 $0x88, s3;
	s6 =	simm.s32 @!p1 $0x1082;
	[sflag:s4] =	ssyncset.s32 $0xFFFFF086  }
0x25: {  	[simem:s6], [sflag:s4] =	dma.local [hbm:s3], $0xF7A  }
0x26: {  	[smem:$0x3F89] =	sst s1;
	(tag) =	ssettag s2;
	_ =	strace s9  }
0x27: {  	s1 =	sld [smem:$0x3F99]  }
0x28: {  	s2 =	sld [smem:$0x3F9A]  }
0x29: {  	s4 =	sld [smem:$0x3F9C]  }
0x2a: {  	p0 =	seq.s32 s5, $0x0;
	s5 =	sld [smem:$0x3F9D]  }
0x2b: {  	s6 =	sld [smem:$0x3F9E]  }
0x2c: {  	s7 =	sld [smem:$0x3F9F]  }
0x2d: {  	s3 =	simm.s32 $0x108;
	s8 =	sld [smem:$0x3FA0]  }
0x2e: {  	s3 =	simm.s32 @!p0 $0x1082;
	s9 =	sld [smem:$0x3FA1]  }
0x2f: {  	lr =	sadd.s32 s0, s3;
	s0 =	sld [smem:$0x3F98]  }
0x30: {  	s3 =	sld [smem:$0x3F9B]  }
0x31: {  	[smem:$0x3FA4] =	sst s10  }
0x32: {  	s10 =	sld [smem:$0x3FA2];
	_ =	sdelay $0x3  }
0x33: {  	p0 =	seq.s32 s10, $0x1;
	s10 =	sld [smem:$0x3FA4];
	_ =	sdelay $0x3  }
0x34: {  	[smem:$0x3FA4] =	sst s10  }
0x35: {  	s10 =	sld [smem:$0x3FA3];
	_ =	sdelay $0x3  }
0x36: {  	p1 =	seq.s32 s10, $0x1;
	s10 =	sld [smem:$0x3FA4];
	_ =	sdelay $0x3  }
0x37: {  	[smem:$0x3FA4] =	sst s10  }
0x38: {  	s10 =	sld [smem:$0x3FA5]  }
0x39: {  	_ = 	snop;
	(pc) =	sbr.ind lr, $3  }
0x3a: {  	_ = 	snop  }
0x3b: {  	_ = 	snop  }
0x3c: {  	p2 =	seq.s32 s10, $0x1;
	s10 =	sld [smem:$0x3FA4]  }
0x3d: {  	_ =	shalt  }
0x3e: {  	_ =	shalt  }
0x3f: {  	_ =	shalt  }
0x40: {  	_ =	shalt  }
0x41: {  	_ =	shalt  }
0x42: {  	_ =	shalt  }
0x43: {  	_ =	shalt  }
0x44: {  	_ =	shalt  }
0x45: {  	_ =	shalt  }
0x46: {  	_ =	shalt  }
0x47: {  	_ =	shalt  }
0x48: {  	_ =	shalt  }
0x49: {  	_ =	shalt  }
0x4a: {  	_ =	shalt  }
0x4b: {  	_ =	shalt  }
0x4c: {  	_ =	shalt  }
0x4d: {  	_ =	shalt  }
0x4e: {  	_ =	shalt  }
0x4f: {  	_ =	shalt  }
0x50: {  	_ =	shalt  }
0x51: {  	_ =	shalt  }
0x52: {  	_ =	shalt  }
0x53: {  	_ =	shalt  }
0x54: {  	_ =	shalt  }
0x55: {  	_ =	shalt  }
0x56: {  	_ =	shalt  }
0x57: {  	_ =	shalt  }
0x58: {  	_ =	shalt  }
0x59: {  	_ =	shalt  }
0x5a: {  	_ =	shalt  }
0x5b: {  	_ =	shalt  }
0x5c: {  	_ =	shalt  }
0x5d: {  	_ =	shalt  }
0x5e: {  	_ =	shalt  }
0x5f: {  	_ =	shalt  }
0x60: {  	_ =	shalt  }
0x61: {  	_ =	shalt  }
0x62: {  	_ =	shalt  }
0x63: {  	_ =	shalt  }
0x64: {  	_ =	shalt  }
0x65: {  	_ =	shalt  }
0x66: {  	_ =	shalt  }
0x67: {  	_ =	shalt  }
0x68: {  	_ =	shalt  }
0x69: {  	_ =	shalt  }
0x6a: {  	_ =	shalt  }
0x6b: {  	_ =	shalt  }
0x6c: {  	_ =	shalt  }
0x6d: {  	_ =	shalt  }
0x6e: {  	_ =	shalt  }
0x6f: {  	_ =	shalt  }
0x70: {  	_ =	shalt  }
0x71: {  	_ =	shalt  }
0x72: {  	_ =	shalt  }
0x73: {  	_ =	shalt  }
0x74: {  	_ =	shalt  }
0x75: {  	_ =	shalt  }
0x76: {  	_ =	shalt  }
0x77: {  	_ =	shalt  }
0x78: {  	_ =	shalt  }
0x79: {  	_ =	shalt  }
0x7a: {  	_ =	shalt  }
0x7b: {  	_ =	shalt  }
0x7c: {  	_ =	shalt  }
0x7d: {  	_ =	shalt  }
0x7e: {  	_ =	shalt  }
0x7f: {  	_ =	shalt  }
0x80: {  	_ =	shalt  }
0x81: {  	_ =	shalt  }
0x82: {  	_ =	shalt  }
0x83: {  	_ =	shalt  }
0x84: {  	_ =	shalt  }
0x85: {  	_ =	shalt  }
0x86: {  	_ =	shalt  }
0x87: {  	_ =	shalt  }
.Lfunc_end0:
.L_simem_size_0:
called_computation.2_lowered:
.L_overlay_start_0:
0x88: {  	s2 =	sld [smem:$0x3FD9]  }
0x89: {  	s3 =	sld [smem:$0x3FFE];
	_ =	sdelay $0x1  }
0x8a: {  	s1 =	srdreg.scid  }
0x8b: {  	s0 =	sand.u32 $0x1, s1  }
0x8c: {  	s15 =	sshll.u32 s0, $0xA;
	s2 =	sadd.s32 s3, s2  }
0x8d: {  	s2 =	sadd.s32 s2, s15  }
0x8e: {  	[smem:$0x3FB0] =	sst s2  }
0x8f: {  	_ = 	snop  }
0x90: {  	s2 =	sld [smem:$0x3FD0];
	_ =	sdelay $0x2  }
0x91: {  	s16 =	simm.s32 $0xB;
	s4 =	simm.s32 $0x10  }
0x92: {  	[smem:s4], [sflag:s16] =	dma.local [hbm:s2], $0x1  }
0x93: {  	_ =	swait.eq [sflag:s16], $0x1  }
0x94: {  	[sflag:s16] =	ssyncset.done $0x0  }
0x95: {  	[sflag:s16] =	ssyncadd.s32 $0xFFFFFFFF  }
0x96: {  	s17 =	sld [smem:$0x11];
	(tm) =	ssettm $0x1  }
0x97: {  	s18 =	sld [smem:$0x3FFB];
	_ =	sdelay $0x3  }
0x98: {  	_ =	strace s18  }
0x99: {  	s2 =	sld [smem:$0x3FFC];
	_ =	sdelay $0x3  }
0x9a: {  	_ =	strace s2  }
0x9b: {  	s2 =	sld [smem:$0x3FFD];
	_ =	sdelay $0x3  }
0x9c: {  	_ =	strace s2  }
0x9d: {  	_ =	strace $0x8FFFFFFF  }
0x9e: {  	s19 =	sld [smem:$0x3FDB];
	_ =	sdelay $0x1  }
0x9f: {  	s20 =	simm.s32 $_scs_section_size  }
0xa0: {  	s5 =	simm.s32 $_size__tile_overlayer_lowered;
	s6 =	simm.s32 $_tile_overlayer_lowered  }
0xa1: {  	s7 =	simm.s32 $0x1BFF;
	s21 =	sshll.u32 s6, $0x1;
	s4 =	sadd.s32 s20, s19  }
0xa2: {  	s22 =	simm.s32 $0x0;
	s5 =	sshll.u32 s5, $0x1;
	s6 =	sadd.s32 s21, s4  }
0xa3: {  	[timem:s22], [sflag:s7] =	dma.local [hbm:s6], s5  }
0xa4: {  	_ =	swait.ge [sflag:s7], s5  }
0xa5: {  	s5 =	ssub.s32 $0x0, s5;
	[sflag:s7] =	ssyncset.done $0x0  }
0xa6: {  	[sflag:s7] =	ssyncadd.s32 s5;
	_ =	sdelay $0x1  }
0xa7: {  	s23 =	simm.s32 $0x1B8B  }
0xa8: {  	_ =	swait.ge [sflag:s23], $0x1  }
0xa9: {  	[sflag:s23] =	ssyncset.done $0x0  }
0xaa: {  	[sflag:s23] =	ssyncadd.s32 $0xFFFFFFFF  }
0xab: {  	s5 =	sld [smem:$0x0]  }
0xac: {  	s6 =	sand.u32 $0xFFFFFFFE, s1  }
0xad: {  	p0 =	sne.s32 s1, s6  }
0xae: {  	s6 =	sshll.u32 @p0 s6, $0xE  }
0xaf: {  	s6 =	sadd.s32 @p0 $0x11B8D, s6;
	s7 =	sshll.u32 @p0 s5, $0x11  }
0xb0: {  	s6 =	sor.u32 @p0 s7, s6  }
0xb1: {  	[sflag:s6] =	ssyncadd.remote.s32 @p0 $0x1;
	_ =	sdelay $0x1  }
0xb2: {  	s6 =	simm.s32 @p0 $0x1B8D  }
0xb3: {  	_ =	swait.eq @p0 [sflag:s6], $0x1  }
0xb4: {  	[sflag:s6] =	ssyncadd.s32 @p0 $0xFFFFFFFF  }
0xb5: {  	s7 =	sshll.u32 @!p0 s1, $0xE  }
0xb6: {  	s7 =	sor.u32 @!p0 $0x4000, s7;
	s6 =	simm.s32 @!p0 $0x1B8D  }
0xb7: {  	s5 =	sshll.u32 @!p0 s5, $0x11;
	s7 =	sadd.s32 @!p0 $0x11B8D, s7;
	_ =	swait.eq @!p0 [sflag:s6], $0x1  }
0xb8: {  	s5 =	sor.u32 @!p0 s5, s7;
	[sflag:s6] =	ssyncadd.s32 @!p0 $0xFFFFFFFF  }
0xb9: {  	s25 =	simm.s32 $0x1B8E;
	s24 =	sld [smem:$0x3FFE];
	[sflag:s5] =	ssyncadd.remote.s32 @!p0 $0x1  }
0xba: {  	s26 =	simm.s32 $execute0_lowered;
	[smem:$0x3FD2] =	sst s25  }
0xbb: {  	s6 =	sshll.u32 s26, $0x1;
	_ =	strace $0x80000058;
	[dreg:$0x1] =	wrdreg $0xFFFFFFFF  }
0xbc: {  	s28 =	simm.s32 $_size_execute0_lowered;
	s4 =	sadd.s32 s4, s6;
	[dreg:$0x0] =	wrdreg $0x0  }
0xbd: {  	s6 =	sshll.u32 s28, $0x1;
	[dreg:$0x2] =	wrdreg s4  }
0xbe: {  	[dreg:$0x3] =	wrdreg s6  }
0xbf: {  	[dreg:$0x4] =	wrdreg $0xC0  }
0xc0: {  	_ =	task [dreg:s22], $0x5FFFF  }
0xc1: {  	[dreg:$0x1] =	wrdreg $0xFFFFFFFF  }
0xc2: {  	[dreg:$0x0] =	wrdreg $0x60  }
0xc3: {  	[dreg:$0x2] =	wrdreg s24  }
0xc4: {  	[dreg:$0x3] =	wrdreg s17  }
0xc5: {  	[dreg:$0x4] =	wrdreg $0x71000  }
0xc6: {  	[dreg:$0x5] =	wrdreg $0x9  }
0xc7: {  	_ =	task.clear_ibuf [dreg:s22], $0x6FFFF;
	_ =	strace $0x90000058  }
0xc8: {  	s29 =	simm.s32 $0x9;
	_ =	strace $0x8000005A  }
0xc9: {  	_ =	swait.ge [sflag:s29], $0x1  }
0xca: {  	[sflag:s29] =	ssyncadd.s32 $0xFFFFFFFF  }
0xcb: {  	_ =	strace $0x9000005A  }
0xcc: {  	_ =	sfence  }
0xcd: {  	s30 =	sld [smem:$0x0];
	_ =	sdelay $0x2  }
0xce: {  	s31 =	sshll.u32 s1, $0xD;
	s1 =	sshrl.u32 s1, $0x2  }
0xcf: {  	s4 =	sand.u32 $0x4000, s31;
	s1 =	sadd.s32 s1, s30  }
0xd0: {  	s0 =	sor.u32 s4, s0;
	s1 =	sshll.u32 s1, $0x11  }
0xd1: {  	s0 =	sor.u32 s1, s0  }
0xd2: {  	s0 =	sadd.s32 $0x8F2B, s0  }
0xd3: {  	[sflag:s0] =	ssyncadd.remote.s32 $0x1  }
0xd4: {  	_ =	sfence.sel $0xFFFF  }
0xd5: {  	[dreg:$0x0] =	wrdreg $0xFFFFFFFF;
	(pc) =	sbr.abs _section_cstart, $3  }
0xd6: {  	[dreg:$0x1] =	wrdreg $0xFFFFFFFF  }
0xd7: {  	_ =	task.clear_ibuf [dreg:s22], $0x2FFFF;
	_ =	strace $0x9FFFFFFF  }
0xd8: {  	(tm) =	ssettm $0x7FFFFFFF  }
0xd9: {  	_ =	shalt  }
tec
execute0_lowered:
.L_overlay_start_1:
0x0: {  	(tag) =	ssettag $0x1  }
0x1: {  	s5 =	rddreg [dreg:$0x0]  }
0x2: {  	s0 =	srdreg.scid;
	s6 =	rddreg [dreg:$0x1]  }
0x3: {  	s2 =	rddreg [dreg:$0x2];
	s1 =	stileid.u32  }
0x4: {  	s3 =	simm.s32 $0x0;
	s12 =	simm.s32 $0x2880;
	s13 =	simm.s32 $0x80  }
0x5: {  	s14 =	simm.s32 $0x5100;
	s7 =	sand.u32 $0x1, s0;
	s0 =	rddreg [dreg:$0x3]  }
0x6: {  	s15 =	simm.s32 $0x1;
	[smem:$0x7FF] =	sst s3;
	s10 =	smul.u32 $0x9E00, s1  }
0x7: {  	s31 =	sshll.u32 s1, $0x6;
	s4 =	sshll.u32 s7, $0x4;
	_ =	strace $0x80000059  }
0x8: {  	s9 =	smul.u32 $0x13C00, s7;
	s7 =	ssub.s32 $0x2, s7;
	s4 =	sor.u32 s1, s4  }
0x9: {  	s30 =	sshrl.u32 s7, $0x1;
	s16 =	sshrl.u32 s10, $0x3;
	s10 =	sadd.s32 s10, s2  }
0xa: {  	s8 =	smul.u32 $0x510, s4;
	s4 =	sadd.s32 $0x212A00, s5;
	s9 =	sadd.s32 s9, s5  }
0xb: {  	s11 =	ssub.s32 s7, s30;
	s10 =	sshrl.u32 s10, $0x3;
	s17 =	sadd.s32 $0x261800, s9  }
0xc: {  	s9 =	smax.u32 s11, $0x1;
	s11 =	simm.s32 $0x2;
	s8 =	sadd.s32 s8, s5  }
0xd: {  	s5 =	sadd.s32 s6, s16;
	s6 =	sor.u32 $0x1C02, s31;
	s16 =	sadd.s32 s16, s17  }
0xe: {  	s17 =	simm.s32 $0x0;
	s7 =	sadd.s32 $0x13A00, s8;
	s8 =	sadd.s32 $0x9800, s8  }
.LBB2_1:
0xf: {  	[spmem:s10], [sflag:s6] =	dma.local [hbm:s5], $0x13C0  }
0x10: {  	_ =	swait.ge [sflag:s11], $0x13C0  }
0x11: {  	[sflag:s11] =	ssyncset.done $0x0  }
0x12: {  	[sflag:s11] =	ssyncadd.s32 $0xFFFFEC40  }
0x13: {  	[tilespmem:s3], [sflag:$0x2] =	stream.linear.gather [hbm4b:s7+s3], $0x2880, $0x38;
	[tilespmem:$0x10F00] =	vst v63  }
0x14: {  	_ =	swait.ge [sflag:s11], $0x2880  }
0x15: {  	[sflag:s11] =	ssyncset.done $0x0  }
0x16: {  	[sflag:s11] =	ssyncadd.s32 $0xFFFFD780  }
0x17: {  	[tilespmem:s12], [sflag:$0x2] =	stream.linear.gather [hbm4b:s8+s3], $0x2880, $0x38;
	[tilespmem:$0x10F00] =	vst v63  }
0x18: {  	_ =	swait.ge [sflag:s11], $0x2880  }
0x19: {  	[sflag:s11] =	ssyncset.done $0x0  }
0x1a: {  	[sflag:s11] =	ssyncadd.s32 $0xFFFFD780  }
0x1b: {  	s18 =	simm.s32 $0x0;
	[bflag:$0x0] =	sbarrier.arrive $0xFFFF  }
0x1c: {  	[tilespmem:s14], [sflag:$0x1] =	stream.indirect.gather [hbm4b:s4+s13], $0x40, s18, s13, $0xb8;
	[tilespmem:$0x10F00] =	vst v63  }
0x1d: {  	_ =	swait.ge [sflag:s15], $0x2000  }
0x1e: {  	[sflag:s15] =	ssyncset.done $0x0  }
0x1f: {  	s31 =	simm.s32 $0x2880;
	[sflag:s15] =	ssyncadd.s32 $0xFFFFE000  }
0x20: {  	[spmem:s2] =	stream.indirect.scatter.add.f32 [tilespmem:s14], [sflag:$0x2], $0x40, s31, s13, $0xb8;
	[tilespmem:$0x10F00] =	vst v63  }
0x21: {  	_ =	swait.ge [sflag:s11], $0x2000  }
0x22: {  	s19 =	simm.s32 $0x400;
	s18 =	simm.s32 $0x200;
	[sflag:s11] =	ssyncset.done $0x0  }
.LBB2_2:
0x23: {  	s20 =	sshra.s32 s18, $0x2  }
0x24: {  	[sflag:s11] =	ssyncadd.s32 $0xFFFFE000;
	s18 =	smov.u32 s19;
	s21 =	sadd.s32 $0x200, s19  }
0x25: {  	[tilespmem:s14], [sflag:$0x1] =	stream.indirect.gather [hbm4b:s4+s13], $0x40, s20, s13, $0xb8;
	[tilespmem:$0x10F00] =	vst v63  }
0x26: {  	p0 =	sne.s32 s19, $0xA000;
	_ =	swait.ge [sflag:s15], $0x2000  }
.Ltmp0:
0x27: {  	[sflag:s15] =	ssyncset.done $0x0;
	(pc) =	sbr.rel @p0 .LBB2_2-.Ltmp0, $4  }
0x28: {  	s19 =	sadd.s32 $0x2880, s20;
	[sflag:s15] =	ssyncadd.s32 $0xFFFFE000  }
0x29: {  	[spmem:s2] =	stream.indirect.scatter.add.f32 [tilespmem:s14], [sflag:$0x2], $0x40, s19, s13, $0xb8;
	[tilespmem:$0x10F00] =	vst v63  }
0x2a: {  	_ =	swait.ge [sflag:s11], $0x2000  }
0x2b: {  	s19 =	smov.u32 s21;
	[sflag:s11] =	ssyncset.done $0x0  }
0x2c: {  	s18 =	sshra.s32 s18, $0x2;
	[sflag:s11] =	ssyncadd.s32 $0xFFFFE000  }
0x2d: {  	[tilespmem:s14], [sflag:$0x1] =	stream.indirect.gather [hbm4b:s4+s13], $0x40, s18, s13, $0xb8;
	[tilespmem:$0x10F00] =	vst v63  }
0x2e: {  	_ =	swait.ge [sflag:s15], $0x2000  }
0x2f: {  	[sflag:s15] =	ssyncset.done $0x0  }
0x30: {  	s18 =	sadd.s32 $0x2880, s18;
	[sflag:s15] =	ssyncadd.s32 $0xFFFFE000  }
0x31: {  	[spmem:s2] =	stream.indirect.scatter.add.f32 [tilespmem:s14], [sflag:$0x2], $0x40, s18, s13, $0xb8;
	[tilespmem:$0x10F00] =	vst v63  }
0x32: {  	_ =	swait.ge [sflag:s11], $0x2000  }
0x33: {  	s17 =	sadd.s32 $0x1, s17;
	[sflag:s11] =	ssyncset.done $0x0  }
0x34: {  	p0 =	sne.s32 s17, s9;
	[sflag:s11] =	ssyncadd.s32 $0xFFFFE000  }
.Ltmp1:
0x35: {  	[bflag:$0x0] =	sbarrier.arrive $0xFFFF;
	(pc) =	sbr.rel @p0 .LBB2_1-.Ltmp1, $4  }
0x36: {  	[hbm:s16], [sflag:s6] =	dma.local [spmem:s10], $0x13C0  }
0x37: {  	_ =	swait.ge [sflag:s11], $0x13C0  }
0x38: {  	[sflag:s11] =	ssyncset.done $0x0  }
0x39: {  	[sflag:s11] =	ssyncadd.s32 $0xFFFFEC40  }
0x3a: {  	_ =	sfence.sel $0x180000  }
0x3b: {  	[bflag:$0x0] =	sbarrier.arrive $0xFFFF  }
0x3c: {  	p0 =	sne.s32 s1, $0x0;
	_ =	strace $0x90000059  }
0x3d: {  	s0 =	sadd.s32 @!p0 $0x100000, s0;
	[bflag:$0x2] =	sbarrier.arrive $0xFFFF  }
0x3e: {  	[sflag:s0] =	ssyncadd.tile.s32 @!p0 $0x1;
	_ =	shalt  }
.Lfunc_end2:
_tile_overlayer_lowered:
.L_overlay_start_2:
0x3f: {  	(tag) =	ssettag $0x2  }
0x40: {  	s0 =	rddreg [dreg:$0x0];
	s2 =	stileid.u32  }
0x41: {  	s1 =	rddreg [dreg:$0x1];
	p0 =	sne.s32 s2, $0x0  }
0x42: {  	s3 =	rddreg [dreg:$0x2];
	[bflag:$0x3] =	sbarrier.arrive $0xFFFF;
	s2 =	simm.s32 @!p0 $0x1C02  }
0x43: {  	[timem:s3], [sflag:s2] =	dma.local @!p0 [hbm:s0], s1  }
0x44: {  	s0 =	simm.s32 @!p0 $0x2  }
0x45: {  	_ =	swait.ge @!p0 [sflag:s0], s1  }
0x46: {  	s1 =	ssub.s32 @!p0 $0x0, s1;
	[sflag:s0] =	ssyncset.done @!p0 $0x0  }
0x47: {  	[sflag:s0] =	ssyncadd.s32 @!p0 s1  }
0x48: {  	[bflag:$0x3] =	sbarrier.arrive $0xFFFF  }
0x49: {  	_ =	shalt  }

// kernel: kernel.37.cloned.1.call-start
scs
__scs_entry_jumppad:
0x0: {  	(pc) =	sbr.rel $0x88, $3  }
0x1: {  	(tag) =	ssettag $0x0;
	lr =	simm.s32 $0x1  }
0x2: {  	[smem:$0x3F89] =	sst lr;
	_ =	strace $0xD0000000  }
0x3: {  	_ = 	snop  }
0x4: {  	_ = 	snop  }
0x5: {  	_ = 	snop  }
0x6: {  	_ = 	snop  }
0x7: {  	_ = 	snop  }
__scs_overlays_trampoline_lowered:
0x8: {  	[smem:$0x3F98] =	sst s0  }
0x9: {  	[smem:$0x3F99] =	sst s1  }
0xa: {  	[smem:$0x3F9A] =	sst s2  }
0xb: {  	[smem:$0x3F9B] =	sst s3  }
0xc: {  	[smem:$0x3F9C] =	sst s4  }
0xd: {  	[smem:$0x3F9D] =	sst s5  }
0xe: {  	[smem:$0x3F9E] =	sst s6  }
0xf: {  	[smem:$0x3F9F] =	sst s7  }
0x10: {  	[smem:$0x3FA0] =	sst s8  }
0x11: {  	[smem:$0x3FA1] =	sst s9;
	s0 =	simm.s32 @!p0 $0x0  }
0x12: {  	s1 =	sld [smem:$0x3F87];
	s0 =	simm.s32 @p0 $0x1  }
0x13: {  	[smem:$0x3FA2] =	sst s0;
	s0 =	simm.s32 @!p1 $0x0  }
0x14: {  	s2 =	sld [smem:$0x3F86];
	s0 =	simm.s32 @p1 $0x1  }
0x15: {  	[smem:$0x3FA3] =	sst s0;
	s0 =	simm.s32 @!p2 $0x0  }
0x16: {  	s3 =	sld [smem:$0x3FDB];
	s0 =	simm.s32 @p2 $0x1  }
0x17: {  	s4 =	simm.s32 $0x1BF5;
	[smem:$0x3FA5] =	sst s0  }
0x18: {  	s0 =	sld [smem:$0x3F88];
	_ =	swait.ge [sflag:s4], $0x0  }
0x19: {  	s7 =	sld [smem:$0x3F89]  }
0x1a: {  	s8 =	sadd.s32 $0xFFFFE003, lr  }
0x1b: {  	s9 =	sadd.s32 $0xFFFFFEF7, lr;
	s5 =	simm.s32 $0xFFFFFFFF;
	p2 =	slt.u32 s8, $0xFFFFF086  }
0x1c: {  	p1 =	slt.u32 s9, $0xF7A;
	s5 =	simm.s32 @!p2 $0x0  }
0x1d: {  	s5 =	simm.s32 @p1 $0x1;
	p0 =	seq.s32 s7, s2  }
0x1e: {  	s7 =	smul.u32 @!p0 $0xF7A, s2;
	p2 =	seq.s32 @!p0 s5, $0x0  }
0x1f: {  	s9 =	smul.u32 $0xF7A, s1;
	s8 =	simm.s32 @!p0 $0x1BF5;
	p2 =	por !p2, p0  }
0x20: {  	[sflag:s8] =	ssyncset.s32 @!p0 $0xFFFFF086;
	s6 =	sadd.s32 @!p0 s3, s7;
	s7 =	simm.s32 @!p0 $0x108  }
0x21: {  	s3 =	sadd.s32 s3, s9;
	s6 =	sadd.s32 @!p0 $0x88, s6;
	s7 =	simm.s32 @p2 $0x1082  }
0x22: {  	[simem:s7], [sflag:s8] =	dma.local @!p0 [hbm:s6], $0xF7A  }
0x23: {  	s9 =	sor.u32 $0xD0000000, s2;
	s6 =	simm.s32 $0x108;
	_ =	swait.ge @!p0 [sflag:s8], $0x0  }
0x24: {  	s3 =	sadd.s32 $0x88, s3;
	s6 =	simm.s32 @!p1 $0x1082;
	[sflag:s4] =	ssyncset.s32 $0xFFFFF086  }
0x25: {  	[simem:s6], [sflag:s4] =	dma.local [hbm:s3], $0xF7A  }
0x26: {  	[smem:$0x3F89] =	sst s1;
	(tag) =	ssettag s2;
	_ =	strace s9  }
0x27: {  	s1 =	sld [smem:$0x3F99]  }
0x28: {  	s2 =	sld [smem:$0x3F9A]  }
0x29: {  	s4 =	sld [smem:$0x3F9C]  }
0x2a: {  	p0 =	seq.s32 s5, $0x0;
	s5 =	sld [smem:$0x3F9D]  }
0x2b: {  	s6 =	sld [smem:$0x3F9E]  }
0x2c: {  	s7 =	sld [smem:$0x3F9F]  }
0x2d: {  	s3 =	simm.s32 $0x108;
	s8 =	sld [smem:$0x3FA0]  }
0x2e: {  	s3 =	simm.s32 @!p0 $0x1082;
	s9 =	sld [smem:$0x3FA1]  }
0x2f: {  	lr =	sadd.s32 s0, s3;
	s0 =	sld [smem:$0x3F98]  }
0x30: {  	s3 =	sld [smem:$0x3F9B]  }
0x31: {  	[smem:$0x3FA4] =	sst s10  }
0x32: {  	s10 =	sld [smem:$0x3FA2];
	_ =	sdelay $0x3  }
0x33: {  	p0 =	seq.s32 s10, $0x1;
	s10 =	sld [smem:$0x3FA4];
	_ =	sdelay $0x3  }
0x34: {  	[smem:$0x3FA4] =	sst s10  }
0x35: {  	s10 =	sld [smem:$0x3FA3];
	_ =	sdelay $0x3  }
0x36: {  	p1 =	seq.s32 s10, $0x1;
	s10 =	sld [smem:$0x3FA4];
	_ =	sdelay $0x3  }
0x37: {  	[smem:$0x3FA4] =	sst s10  }
0x38: {  	s10 =	sld [smem:$0x3FA5]  }
0x39: {  	_ = 	snop;
	(pc) =	sbr.ind lr, $3  }
0x3a: {  	_ = 	snop  }
0x3b: {  	_ = 	snop  }
0x3c: {  	p2 =	seq.s32 s10, $0x1;
	s10 =	sld [smem:$0x3FA4]  }
0x3d: {  	_ =	shalt  }
0x3e: {  	_ =	shalt  }
0x3f: {  	_ =	shalt  }
0x40: {  	_ =	shalt  }
0x41: {  	_ =	shalt  }
0x42: {  	_ =	shalt  }
0x43: {  	_ =	shalt  }
0x44: {  	_ =	shalt  }
0x45: {  	_ =	shalt  }
0x46: {  	_ =	shalt  }
0x47: {  	_ =	shalt  }
0x48: {  	_ =	shalt  }
0x49: {  	_ =	shalt  }
0x4a: {  	_ =	shalt  }
0x4b: {  	_ =	shalt  }
0x4c: {  	_ =	shalt  }
0x4d: {  	_ =	shalt  }
0x4e: {  	_ =	shalt  }
0x4f: {  	_ =	shalt  }
0x50: {  	_ =	shalt  }
0x51: {  	_ =	shalt  }
0x52: {  	_ =	shalt  }
0x53: {  	_ =	shalt  }
0x54: {  	_ =	shalt  }
0x55: {  	_ =	shalt  }
0x56: {  	_ =	shalt  }
0x57: {  	_ =	shalt  }
0x58: {  	_ =	shalt  }
0x59: {  	_ =	shalt  }
0x5a: {  	_ =	shalt  }
0x5b: {  	_ =	shalt  }
0x5c: {  	_ =	shalt  }
0x5d: {  	_ =	shalt  }
0x5e: {  	_ =	shalt  }
0x5f: {  	_ =	shalt  }
0x60: {  	_ =	shalt  }
0x61: {  	_ =	shalt  }
0x62: {  	_ =	shalt  }
0x63: {  	_ =	shalt  }
0x64: {  	_ =	shalt  }
0x65: {  	_ =	shalt  }
0x66: {  	_ =	shalt  }
0x67: {  	_ =	shalt  }
0x68: {  	_ =	shalt  }
0x69: {  	_ =	shalt  }
0x6a: {  	_ =	shalt  }
0x6b: {  	_ =	shalt  }
0x6c: {  	_ =	shalt  }
0x6d: {  	_ =	shalt  }
0x6e: {  	_ =	shalt  }
0x6f: {  	_ =	shalt  }
0x70: {  	_ =	shalt  }
0x71: {  	_ =	shalt  }
0x72: {  	_ =	shalt  }
0x73: {  	_ =	shalt  }
0x74: {  	_ =	shalt  }
0x75: {  	_ =	shalt  }
0x76: {  	_ =	shalt  }
0x77: {  	_ =	shalt  }
0x78: {  	_ =	shalt  }
0x79: {  	_ =	shalt  }
0x7a: {  	_ =	shalt  }
0x7b: {  	_ =	shalt  }
0x7c: {  	_ =	shalt  }
0x7d: {  	_ =	shalt  }
0x7e: {  	_ =	shalt  }
0x7f: {  	_ =	shalt  }
0x80: {  	_ =	shalt  }
0x81: {  	_ =	shalt  }
0x82: {  	_ =	shalt  }
0x83: {  	_ =	shalt  }
0x84: {  	_ =	shalt  }
0x85: {  	_ =	shalt  }
0x86: {  	_ =	shalt  }
0x87: {  	_ =	shalt  }
.Lfunc_end0:
.L_simem_size_0:
called_computation.3_lowered:
.L_overlay_start_0:
0x88: {  	s2 =	sld [smem:$0x3FD9]  }
0x89: {  	s3 =	sld [smem:$0x3FFE];
	_ =	sdelay $0x1  }
0x8a: {  	s1 =	srdreg.scid  }
0x8b: {  	s0 =	sand.u32 $0x1, s1  }
0x8c: {  	s17 =	sshll.u32 s0, $0xA;
	s2 =	sadd.s32 s3, s2  }
0x8d: {  	s2 =	sadd.s32 s2, s17  }
0x8e: {  	[smem:$0x3FB0] =	sst s2  }
0x8f: {  	_ = 	snop  }
0x90: {  	(tm) =	ssettm $0x1  }
0x91: {  	s18 =	sld [smem:$0x3FFB];
	_ =	sdelay $0x3  }
0x92: {  	_ =	strace s18  }
0x93: {  	s2 =	sld [smem:$0x3FFC];
	_ =	sdelay $0x3  }
0x94: {  	_ =	strace s2  }
0x95: {  	s2 =	sld [smem:$0x3FFD];
	_ =	sdelay $0x3  }
0x96: {  	_ =	strace s2  }
0x97: {  	_ =	strace $0x8FFFFFFF  }
0x98: {  	s19 =	sld [smem:$0x3FDB];
	_ =	sdelay $0x1  }
0x99: {  	s20 =	simm.s32 $_scs_section_size  }
0x9a: {  	s4 =	simm.s32 $_size__tile_overlayer_lowered;
	s5 =	simm.s32 $_tile_overlayer_lowered  }
0x9b: {  	s6 =	simm.s32 $0x1BFF;
	s21 =	sshll.u32 s5, $0x1;
	s3 =	sadd.s32 s20, s19  }
0x9c: {  	s22 =	simm.s32 $0x0;
	s4 =	sshll.u32 s4, $0x1;
	s5 =	sadd.s32 s21, s3  }
0x9d: {  	[timem:s22], [sflag:s6] =	dma.local [hbm:s5], s4  }
0x9e: {  	_ =	swait.ge [sflag:s6], s4  }
0x9f: {  	s4 =	ssub.s32 $0x0, s4;
	[sflag:s6] =	ssyncset.done $0x0  }
0xa0: {  	[sflag:s6] =	ssyncadd.s32 s4;
	_ =	sdelay $0x1  }
0xa1: {  	s23 =	simm.s32 $0x1B8B  }
0xa2: {  	_ =	swait.ge [sflag:s23], $0x1  }
0xa3: {  	[sflag:s23] =	ssyncset.done $0x0  }
0xa4: {  	[sflag:s23] =	ssyncadd.s32 $0xFFFFFFFF  }
0xa5: {  	s4 =	sld [smem:$0x0]  }
0xa6: {  	s5 =	sand.u32 $0xFFFFFFFE, s1  }
0xa7: {  	p0 =	sne.s32 s1, s5  }
0xa8: {  	s5 =	sshll.u32 @p0 s5, $0xE  }
0xa9: {  	s5 =	sadd.s32 @p0 $0x11B8D, s5;
	s6 =	sshll.u32 @p0 s4, $0x11  }
0xaa: {  	s5 =	sor.u32 @p0 s6, s5  }
0xab: {  	[sflag:s5] =	ssyncadd.remote.s32 @p0 $0x1;
	_ =	sdelay $0x1  }
0xac: {  	s5 =	simm.s32 @p0 $0x1B8D  }
0xad: {  	_ =	swait.eq @p0 [sflag:s5], $0x1  }
0xae: {  	[sflag:s5] =	ssyncadd.s32 @p0 $0xFFFFFFFF  }
0xaf: {  	s6 =	sshll.u32 @!p0 s1, $0xE  }
0xb0: {  	s6 =	sor.u32 @!p0 $0x4000, s6;
	s5 =	simm.s32 @!p0 $0x1B8D  }
0xb1: {  	s4 =	sshll.u32 @!p0 s4, $0x11;
	s6 =	sadd.s32 @!p0 $0x11B8D, s6;
	_ =	swait.eq @!p0 [sflag:s5], $0x1  }
0xb2: {  	s4 =	sor.u32 @!p0 s4, s6;
	[sflag:s5] =	ssyncadd.s32 @!p0 $0xFFFFFFFF  }
0xb3: {  	s25 =	simm.s32 $0x1B8E;
	s24 =	sld [smem:$0x3FFE];
	[sflag:s4] =	ssyncadd.remote.s32 @!p0 $0x1  }
0xb4: {  	s26 =	simm.s32 $execute0_lowered;
	[smem:$0x3FD2] =	sst s25  }
0xb5: {  	s5 =	sshll.u32 s26, $0x1;
	_ =	strace $0x8000005E;
	[dreg:$0x1] =	wrdreg $0xFFFFFFFF  }
0xb6: {  	s28 =	simm.s32 $_size_execute0_lowered;
	s3 =	sadd.s32 s3, s5;
	[dreg:$0x0] =	wrdreg $0x0  }
0xb7: {  	s5 =	sshll.u32 s28, $0x1;
	[dreg:$0x2] =	wrdreg s3  }
0xb8: {  	[dreg:$0x3] =	wrdreg s5  }
0xb9: {  	[dreg:$0x4] =	wrdreg $0xC0  }
0xba: {  	_ =	task [dreg:s22], $0x5FFFF  }
0xbb: {  	[dreg:$0x1] =	wrdreg $0xFFFFFFFF  }
0xbc: {  	[dreg:$0x0] =	wrdreg $0x60  }
0xbd: {  	[dreg:$0x2] =	wrdreg s24  }
0xbe: {  	[dreg:$0x3] =	wrdreg $0x91000  }
0xbf: {  	[dreg:$0x4] =	wrdreg $0x9  }
0xc0: {  	_ =	task.clear_ibuf [dreg:s22], $0x5FFFF;
	_ =	strace $0x9000005E  }
0xc1: {  	s29 =	simm.s32 $0x9;
	_ =	strace $0x80000060  }
0xc2: {  	_ =	swait.ge [sflag:s29], $0x1  }
0xc3: {  	[sflag:s29] =	ssyncadd.s32 $0xFFFFFFFF  }
0xc4: {  	_ =	strace $0x90000060  }
0xc5: {  	_ =	sfence  }
0xc6: {  	s30 =	sld [smem:$0x0];
	_ =	sdelay $0x2  }
0xc7: {  	s31 =	sshll.u32 s1, $0xD;
	s1 =	sshrl.u32 s1, $0x2  }
0xc8: {  	s4 =	sand.u32 $0x4000, s31;
	s1 =	sadd.s32 s1, s30  }
0xc9: {  	s0 =	sor.u32 s4, s0;
	s1 =	sshll.u32 s1, $0x11  }
0xca: {  	s0 =	sor.u32 s1, s0  }
0xcb: {  	s0 =	sadd.s32 $0x8F2B, s0  }
0xcc: {  	[sflag:s0] =	ssyncadd.remote.s32 $0x1  }
0xcd: {  	_ =	sfence.sel $0xFFFF  }
0xce: {  	[dreg:$0x0] =	wrdreg $0xFFFFFFFF;
	(pc) =	sbr.abs _section_cstart, $3  }
0xcf: {  	[dreg:$0x1] =	wrdreg $0xFFFFFFFF  }
0xd0: {  	_ =	task.clear_ibuf [dreg:s22], $0x2FFFF;
	_ =	strace $0x9FFFFFFF  }
0xd1: {  	(tm) =	ssettm $0x7FFFFFFF  }
tec
execute0_lowered:
.L_overlay_start_1:
0x0: {  	(tag) =	ssettag $0x1  }
0x1: {  	s5 =	rddreg [dreg:$0x0]  }
0x2: {  	s1 =	rddreg [dreg:$0x1]  }
0x3: {  	s2 =	srdreg.scid;
	s0 =	rddreg [dreg:$0x2];
	s3 =	simm.s32 $0x0  }
0x4: {  	s13 =	simm.s32 $0x80;
	s14 =	simm.s32 $0x5100;
	s15 =	simm.s32 $0x1  }
0x5: {  	s6 =	sand.u32 $0x1, s2;
	[smem:$0x7FF] =	sst s3;
	s2 =	stileid.u32  }
0x6: {  	s4 =	sshll.u32 s6, $0x4;
	_ =	strace $0x8000005F;
	s8 =	smul.u32 $0x13C00, s2  }
0x7: {  	s9 =	smul.u32 $0x27800, s6;
	s6 =	ssub.s32 $0x2, s6;
	s31 =	sshll.u32 s2, $0x6  }
0x8: {  	s7 =	sor.u32 s2, s4;
	s4 =	sadd.s32 $0x261400, s5;
	s11 =	sshrl.u32 s6, $0x1  }
0x9: {  	s7 =	smul.u32 $0x510, s7;
	s16 =	sshrl.u32 s8, $0x3;
	s9 =	sadd.s32 s9, s5  }
0xa: {  	s11 =	ssub.s32 s6, s11;
	s12 =	sadd.s32 s8, s1;
	s6 =	sor.u32 $0x1C02, s31  }
0xb: {  	s30 =	sadd.s32 s16, s5;
	s17 =	sadd.s32 $0x45400, s9;
	s9 =	smax.u32 s11, $0x1  }
0xc: {  	s11 =	simm.s32 $0x2;
	s10 =	sadd.s32 s7, s5;
	s5 =	sadd.s32 $0x1DC00, s30  }
0xd: {  	s16 =	sadd.s32 s16, s17;
	s17 =	simm.s32 $0x0;
	s7 =	sadd.s32 $0x13A00, s10  }
0xe: {  	s8 =	sadd.s32 $0x9800, s10;
	s10 =	sshrl.u32 s12, $0x3;
	s12 =	simm.s32 $0x2880  }
.LBB2_1:
0xf: {  	[spmem:s10], [sflag:s6] =	dma.local [hbm:s5], $0x2780  }
0x10: {  	_ =	swait.ge [sflag:s11], $0x2780  }
0x11: {  	[sflag:s11] =	ssyncset.done $0x0  }
0x12: {  	[sflag:s11] =	ssyncadd.s32 $0xFFFFD880  }
0x13: {  	[tilespmem:s3], [sflag:$0x2] =	stream.linear.gather [hbm4b:s7+s3], $0x2880, $0x38;
	[tilespmem:$0x1CD00] =	vst v63  }
0x14: {  	_ =	swait.ge [sflag:s11], $0x2880  }
0x15: {  	[sflag:s11] =	ssyncset.done $0x0  }
0x16: {  	[sflag:s11] =	ssyncadd.s32 $0xFFFFD780  }
0x17: {  	[tilespmem:s12], [sflag:$0x2] =	stream.linear.gather [hbm4b:s8+s3], $0x2880, $0x38;
	[tilespmem:$0x1CD00] =	vst v63  }
0x18: {  	_ =	swait.ge [sflag:s11], $0x2880  }
0x19: {  	[sflag:s11] =	ssyncset.done $0x0  }
0x1a: {  	[sflag:s11] =	ssyncadd.s32 $0xFFFFD780  }
0x1b: {  	s18 =	simm.s32 $0x0;
	[bflag:$0x0] =	sbarrier.arrive $0xFFFF  }
0x1c: {  	[tilespmem:s14], [sflag:$0x1] =	stream.indirect.gather [hbm4b:s4+s13], $0x80, s18, s13, $0xb8;
	[tilespmem:$0x1CD00] =	vst v63  }
0x1d: {  	_ =	swait.ge [sflag:s15], $0x4000  }
0x1e: {  	[sflag:s15] =	ssyncset.done $0x0  }
0x1f: {  	s31 =	simm.s32 $0x2880;
	[sflag:s15] =	ssyncadd.s32 $0xFFFFC000  }
0x20: {  	[spmem:s1] =	stream.indirect.scatter.add.f32 [tilespmem:s14], [sflag:$0x2], $0x80, s31, s13, $0xb8;
	[tilespmem:$0x1CD00] =	vst v63  }
0x21: {  	_ =	swait.ge [sflag:s11], $0x4000  }
0x22: {  	s19 =	simm.s32 $0x400;
	s18 =	simm.s32 $0x200;
	[sflag:s11] =	ssyncset.done $0x0  }
.LBB2_2:
0x23: {  	s20 =	sshra.s32 s18, $0x2  }
0x24: {  	[sflag:s11] =	ssyncadd.s32 $0xFFFFC000;
	s18 =	smov.u32 s19;
	s21 =	sadd.s32 $0x200, s19  }
0x25: {  	[tilespmem:s14], [sflag:$0x1] =	stream.indirect.gather [hbm4b:s4+s13], $0x80, s20, s13, $0xb8;
	[tilespmem:$0x1CD00] =	vst v63  }
0x26: {  	p0 =	sne.s32 s19, $0xA000;
	_ =	swait.ge [sflag:s15], $0x4000  }
.Ltmp0:
0x27: {  	[sflag:s15] =	ssyncset.done $0x0;
	(pc) =	sbr.rel @p0 .LBB2_2-.Ltmp0, $4  }
0x28: {  	s19 =	sadd.s32 $0x2880, s20;
	[sflag:s15] =	ssyncadd.s32 $0xFFFFC000  }
0x29: {  	[spmem:s1] =	stream.indirect.scatter.add.f32 [tilespmem:s14], [sflag:$0x2], $0x80, s19, s13, $0xb8;
	[tilespmem:$0x1CD00] =	vst v63  }
0x2a: {  	_ =	swait.ge [sflag:s11], $0x4000  }
0x2b: {  	s19 =	smov.u32 s21;
	[sflag:s11] =	ssyncset.done $0x0  }
0x2c: {  	s18 =	sshra.s32 s18, $0x2;
	[sflag:s11] =	ssyncadd.s32 $0xFFFFC000  }
0x2d: {  	[tilespmem:s14], [sflag:$0x1] =	stream.indirect.gather [hbm4b:s4+s13], $0x80, s18, s13, $0xb8;
	[tilespmem:$0x1CD00] =	vst v63  }
0x2e: {  	_ =	swait.ge [sflag:s15], $0x4000  }
0x2f: {  	[sflag:s15] =	ssyncset.done $0x0  }
0x30: {  	s18 =	sadd.s32 $0x2880, s18;
	[sflag:s15] =	ssyncadd.s32 $0xFFFFC000  }
0x31: {  	[spmem:s1] =	stream.indirect.scatter.add.f32 [tilespmem:s14], [sflag:$0x2], $0x80, s18, s13, $0xb8;
	[tilespmem:$0x1CD00] =	vst v63  }
0x32: {  	_ =	swait.ge [sflag:s11], $0x4000  }
0x33: {  	s17 =	sadd.s32 $0x1, s17;
	[sflag:s11] =	ssyncset.done $0x0  }
0x34: {  	p0 =	sne.s32 s17, s9;
	[sflag:s11] =	ssyncadd.s32 $0xFFFFC000  }
.Ltmp1:
0x35: {  	[bflag:$0x0] =	sbarrier.arrive $0xFFFF;
	(pc) =	sbr.rel @p0 .LBB2_1-.Ltmp1, $4  }
0x36: {  	[hbm:s16], [sflag:s6] =	dma.local [spmem:s10], $0x2780  }
0x37: {  	_ =	swait.ge [sflag:s11], $0x2780  }
0x38: {  	[sflag:s11] =	ssyncset.done $0x0  }
0x39: {  	[sflag:s11] =	ssyncadd.s32 $0xFFFFD880  }
0x3a: {  	_ =	sfence.sel $0x180000  }
0x3b: {  	[bflag:$0x0] =	sbarrier.arrive $0xFFFF  }
0x3c: {  	p0 =	sne.s32 s2, $0x0;
	_ =	strace $0x9000005F  }
0x3d: {  	s0 =	sadd.s32 @!p0 $0x100000, s0;
	[bflag:$0x2] =	sbarrier.arrive $0xFFFF  }
0x3e: {  	[sflag:s0] =	ssyncadd.tile.s32 @!p0 $0x1;
	_ =	shalt  }
.Lfunc_end2:
_tile_overlayer_lowered:
.L_overlay_start_2:
0x3f: {  	(tag) =	ssettag $0x2  }
0x40: {  	s0 =	rddreg [dreg:$0x0];
	s2 =	stileid.u32  }
0x41: {  	s1 =	rddreg [dreg:$0x1];
	p0 =	sne.s32 s2, $0x0  }
0x42: {  	s3 =	rddreg [dreg:$0x2];
	[bflag:$0x3] =	sbarrier.arrive $0xFFFF;
	s2 =	simm.s32 @!p0 $0x1C02  }
0x43: {  	[timem:s3], [sflag:s2] =	dma.local @!p0 [hbm:s0], s1  }
0x44: {  	s0 =	simm.s32 @!p0 $0x2  }
0x45: {  	_ =	swait.ge @!p0 [sflag:s0], s1  }
0x46: {  	s1 =	ssub.s32 @!p0 $0x0, s1;
	[sflag:s0] =	ssyncset.done @!p0 $0x0  }
0x47: {  	[sflag:s0] =	ssyncadd.s32 @!p0 s1  }
0x48: {  	[bflag:$0x3] =	sbarrier.arrive $0xFFFF  }
0x49: {  	_ =	shalt  }

// kernel: kernel.40.cloned.1.call-start
scs
__scs_entry_jumppad:
0x0: {  	(pc) =	sbr.rel $0x88, $3  }
0x1: {  	(tag) =	ssettag $0x0;
	lr =	simm.s32 $0x1  }
0x2: {  	[smem:$0x3F89] =	sst lr;
	_ =	strace $0xD0000000  }
0x3: {  	_ = 	snop  }
0x4: {  	_ = 	snop  }
0x5: {  	_ = 	snop  }
0x6: {  	_ = 	snop  }
0x7: {  	_ = 	snop  }
__scs_overlays_trampoline_lowered:
0x8: {  	[smem:$0x3F98] =	sst s0  }
0x9: {  	[smem:$0x3F99] =	sst s1  }
0xa: {  	[smem:$0x3F9A] =	sst s2  }
0xb: {  	[smem:$0x3F9B] =	sst s3  }
0xc: {  	[smem:$0x3F9C] =	sst s4  }
0xd: {  	[smem:$0x3F9D] =	sst s5  }
0xe: {  	[smem:$0x3F9E] =	sst s6  }
0xf: {  	[smem:$0x3F9F] =	sst s7  }
0x10: {  	[smem:$0x3FA0] =	sst s8  }
0x11: {  	[smem:$0x3FA1] =	sst s9;
	s0 =	simm.s32 @!p0 $0x0  }
0x12: {  	s1 =	sld [smem:$0x3F87];
	s0 =	simm.s32 @p0 $0x1  }
0x13: {  	[smem:$0x3FA2] =	sst s0;
	s0 =	simm.s32 @!p1 $0x0  }
0x14: {  	s2 =	sld [smem:$0x3F86];
	s0 =	simm.s32 @p1 $0x1  }
0x15: {  	[smem:$0x3FA3] =	sst s0;
	s0 =	simm.s32 @!p2 $0x0  }
0x16: {  	s3 =	sld [smem:$0x3FDB];
	s0 =	simm.s32 @p2 $0x1  }
0x17: {  	s4 =	simm.s32 $0x1BF5;
	[smem:$0x3FA5] =	sst s0  }
0x18: {  	s0 =	sld [smem:$0x3F88];
	_ =	swait.ge [sflag:s4], $0x0  }
0x19: {  	s7 =	sld [smem:$0x3F89]  }
0x1a: {  	s8 =	sadd.s32 $0xFFFFE003, lr  }
0x1b: {  	s9 =	sadd.s32 $0xFFFFFEF7, lr;
	s5 =	simm.s32 $0xFFFFFFFF;
	p2 =	slt.u32 s8, $0xFFFFF086  }
0x1c: {  	p1 =	slt.u32 s9, $0xF7A;
	s5 =	simm.s32 @!p2 $0x0  }
0x1d: {  	s5 =	simm.s32 @p1 $0x1;
	p0 =	seq.s32 s7, s2  }
0x1e: {  	s7 =	smul.u32 @!p0 $0xF7A, s2;
	p2 =	seq.s32 @!p0 s5, $0x0  }
0x1f: {  	s9 =	smul.u32 $0xF7A, s1;
	s8 =	simm.s32 @!p0 $0x1BF5;
	p2 =	por !p2, p0  }
0x20: {  	[sflag:s8] =	ssyncset.s32 @!p0 $0xFFFFF086;
	s6 =	sadd.s32 @!p0 s3, s7;
	s7 =	simm.s32 @!p0 $0x108  }
0x21: {  	s3 =	sadd.s32 s3, s9;
	s6 =	sadd.s32 @!p0 $0x88, s6;
	s7 =	simm.s32 @p2 $0x1082  }
0x22: {  	[simem:s7], [sflag:s8] =	dma.local @!p0 [hbm:s6], $0xF7A  }
0x23: {  	s9 =	sor.u32 $0xD0000000, s2;
	s6 =	simm.s32 $0x108;
	_ =	swait.ge @!p0 [sflag:s8], $0x0  }
0x24: {  	s3 =	sadd.s32 $0x88, s3;
	s6 =	simm.s32 @!p1 $0x1082;
	[sflag:s4] =	ssyncset.s32 $0xFFFFF086  }
0x25: {  	[simem:s6], [sflag:s4] =	dma.local [hbm:s3], $0xF7A  }
0x26: {  	[smem:$0x3F89] =	sst s1;
	(tag) =	ssettag s2;
	_ =	strace s9  }
0x27: {  	s1 =	sld [smem:$0x3F99]  }
0x28: {  	s2 =	sld [smem:$0x3F9A]  }
0x29: {  	s4 =	sld [smem:$0x3F9C]  }
0x2a: {  	p0 =	seq.s32 s5, $0x0;
	s5 =	sld [smem:$0x3F9D]  }
0x2b: {  	s6 =	sld [smem:$0x3F9E]  }
0x2c: {  	s7 =	sld [smem:$0x3F9F]  }
0x2d: {  	s3 =	simm.s32 $0x108;
	s8 =	sld [smem:$0x3FA0]  }
0x2e: {  	s3 =	simm.s32 @!p0 $0x1082;
	s9 =	sld [smem:$0x3FA1]  }
0x2f: {  	lr =	sadd.s32 s0, s3;
	s0 =	sld [smem:$0x3F98]  }
0x30: {  	s3 =	sld [smem:$0x3F9B]  }
0x31: {  	[smem:$0x3FA4] =	sst s10  }
0x32: {  	s10 =	sld [smem:$0x3FA2];
	_ =	sdelay $0x3  }
0x33: {  	p0 =	seq.s32 s10, $0x1;
	s10 =	sld [smem:$0x3FA4];
	_ =	sdelay $0x3  }
0x34: {  	[smem:$0x3FA4] =	sst s10  }
0x35: {  	s10 =	sld [smem:$0x3FA3];
	_ =	sdelay $0x3  }
0x36: {  	p1 =	seq.s32 s10, $0x1;
	s10 =	sld [smem:$0x3FA4];
	_ =	sdelay $0x3  }
0x37: {  	[smem:$0x3FA4] =	sst s10  }
0x38: {  	s10 =	sld [smem:$0x3FA5]  }
0x39: {  	_ = 	snop;
	(pc) =	sbr.ind lr, $3  }
0x3a: {  	_ = 	snop  }
0x3b: {  	_ = 	snop  }
0x3c: {  	p2 =	seq.s32 s10, $0x1;
	s10 =	sld [smem:$0x3FA4]  }
0x3d: {  	_ =	shalt  }
0x3e: {  	_ =	shalt  }
0x3f: {  	_ =	shalt  }
0x40: {  	_ =	shalt  }
0x41: {  	_ =	shalt  }
0x42: {  	_ =	shalt  }
0x43: {  	_ =	shalt  }
0x44: {  	_ =	shalt  }
0x45: {  	_ =	shalt  }
0x46: {  	_ =	shalt  }
0x47: {  	_ =	shalt  }
0x48: {  	_ =	shalt  }
0x49: {  	_ =	shalt  }
0x4a: {  	_ =	shalt  }
0x4b: {  	_ =	shalt  }
0x4c: {  	_ =	shalt  }
0x4d: {  	_ =	shalt  }
0x4e: {  	_ =	shalt  }
0x4f: {  	_ =	shalt  }
0x50: {  	_ =	shalt  }
0x51: {  	_ =	shalt  }
0x52: {  	_ =	shalt  }
0x53: {  	_ =	shalt  }
0x54: {  	_ =	shalt  }
0x55: {  	_ =	shalt  }
0x56: {  	_ =	shalt  }
0x57: {  	_ =	shalt  }
0x58: {  	_ =	shalt  }
0x59: {  	_ =	shalt  }
0x5a: {  	_ =	shalt  }
0x5b: {  	_ =	shalt  }
0x5c: {  	_ =	shalt  }
0x5d: {  	_ =	shalt  }
0x5e: {  	_ =	shalt  }
0x5f: {  	_ =	shalt  }
0x60: {  	_ =	shalt  }
0x61: {  	_ =	shalt  }
0x62: {  	_ =	shalt  }
0x63: {  	_ =	shalt  }
0x64: {  	_ =	shalt  }
0x65: {  	_ =	shalt  }
0x66: {  	_ =	shalt  }
0x67: {  	_ =	shalt  }
0x68: {  	_ =	shalt  }
0x69: {  	_ =	shalt  }
0x6a: {  	_ =	shalt  }
0x6b: {  	_ =	shalt  }
0x6c: {  	_ =	shalt  }
0x6d: {  	_ =	shalt  }
0x6e: {  	_ =	shalt  }
0x6f: {  	_ =	shalt  }
0x70: {  	_ =	shalt  }
0x71: {  	_ =	shalt  }
0x72: {  	_ =	shalt  }
0x73: {  	_ =	shalt  }
0x74: {  	_ =	shalt  }
0x75: {  	_ =	shalt  }
0x76: {  	_ =	shalt  }
0x77: {  	_ =	shalt  }
0x78: {  	_ =	shalt  }
0x79: {  	_ =	shalt  }
0x7a: {  	_ =	shalt  }
0x7b: {  	_ =	shalt  }
0x7c: {  	_ =	shalt  }
0x7d: {  	_ =	shalt  }
0x7e: {  	_ =	shalt  }
0x7f: {  	_ =	shalt  }
0x80: {  	_ =	shalt  }
0x81: {  	_ =	shalt  }
0x82: {  	_ =	shalt  }
0x83: {  	_ =	shalt  }
0x84: {  	_ =	shalt  }
0x85: {  	_ =	shalt  }
0x86: {  	_ =	shalt  }
0x87: {  	_ =	shalt  }
.Lfunc_end0:
.L_simem_size_0:
called_computation.4_lowered:
.L_overlay_start_0:
0x88: {  	s2 =	sld [smem:$0x3FD9]  }
0x89: {  	s3 =	sld [smem:$0x3FFE];
	_ =	sdelay $0x1  }
0x8a: {  	s1 =	srdreg.scid  }
0x8b: {  	s0 =	sand.u32 $0x1, s1  }
0x8c: {  	s14 =	sshll.u32 s0, $0xA;
	s2 =	sadd.s32 s3, s2  }
0x8d: {  	s2 =	sadd.s32 s2, s14  }
0x8e: {  	[smem:$0x3FB0] =	sst s2  }
0x8f: {  	_ = 	snop  }
0x90: {  	s2 =	sld [smem:$0x3FD0];
	_ =	sdelay $0x2  }
0x91: {  	s15 =	simm.s32 $0xB;
	s4 =	simm.s32 $0x10  }
0x92: {  	[smem:s4], [sflag:s15] =	dma.local [hbm:s2], $0x1  }
0x93: {  	_ =	swait.eq [sflag:s15], $0x1  }
0x94: {  	[sflag:s15] =	ssyncset.done $0x0  }
0x95: {  	[sflag:s15] =	ssyncadd.s32 $0xFFFFFFFF  }
0x96: {  	s16 =	sld [smem:$0x11];
	(tm) =	ssettm $0x1  }
0x97: {  	s17 =	sld [smem:$0x3FFB];
	_ =	sdelay $0x3  }
0x98: {  	_ =	strace s17  }
0x99: {  	s3 =	sld [smem:$0x3FFC];
	_ =	sdelay $0x3  }
0x9a: {  	_ =	strace s3  }
0x9b: {  	s3 =	sld [smem:$0x3FFD];
	_ =	sdelay $0x3  }
0x9c: {  	_ =	strace s3  }
0x9d: {  	_ =	strace $0x8FFFFFFF  }
0x9e: {  	s18 =	sld [smem:$0x3FDB];
	_ =	sdelay $0x1  }
0x9f: {  	s19 =	simm.s32 $_scs_section_size  }
0xa0: {  	s5 =	simm.s32 $_size__tile_overlayer_lowered;
	s6 =	simm.s32 $_tile_overlayer_lowered  }
0xa1: {  	s22 =	simm.s32 $0x1BFF;
	s21 =	sshll.u32 s6, $0x1;
	s3 =	sadd.s32 s19, s18  }
0xa2: {  	s7 =	simm.s32 $0x0;
	s20 =	sshll.u32 s5, $0x1;
	s5 =	sadd.s32 s21, s3  }
0xa3: {  	[timem:s7], [sflag:s22] =	dma.local [hbm:s5], s20  }
0xa4: {  	_ =	swait.ge [sflag:s22], s20  }
0xa5: {  	s4 =	ssub.s32 $0x0, s20;
	[sflag:s22] =	ssyncset.done $0x0  }
0xa6: {  	[sflag:s22] =	ssyncadd.s32 s4;
	_ =	sdelay $0x1  }
0xa7: {  	s23 =	simm.s32 $0x1B8B  }
0xa8: {  	_ =	swait.ge [sflag:s23], $0x1  }
0xa9: {  	[sflag:s23] =	ssyncset.done $0x0  }
0xaa: {  	s25 =	simm.s32 $0x1B8E;
	s24 =	sld [smem:$0x3FFE];
	[sflag:s23] =	ssyncadd.s32 $0xFFFFFFFF  }
0xab: {  	s26 =	simm.s32 $execute0_lowered;
	[smem:$0x3FD2] =	sst s25  }
0xac: {  	s5 =	sshll.u32 s26, $0x1;
	_ =	strace $0x80000046;
	[dreg:$0x1] =	wrdreg $0xFFFFFFFF  }
0xad: {  	s28 =	simm.s32 $_size_execute0_lowered;
	s3 =	sadd.s32 s3, s5;
	[dreg:$0x0] =	wrdreg $0x0  }
0xae: {  	s5 =	sshll.u32 s28, $0x1;
	[dreg:$0x2] =	wrdreg s3  }
0xaf: {  	[dreg:$0x3] =	wrdreg s5  }
0xb0: {  	[dreg:$0x4] =	wrdreg $0xC0  }
0xb1: {  	_ =	task [dreg:s7], $0x5FFFF  }
0xb2: {  	[dreg:$0x1] =	wrdreg $0xFFFFFFFF  }
0xb3: {  	[dreg:$0x0] =	wrdreg $0x60  }
0xb4: {  	[dreg:$0x2] =	wrdreg s16  }
0xb5: {  	[dreg:$0x3] =	wrdreg s24  }
0xb6: {  	[dreg:$0x4] =	wrdreg $0x9  }
0xb7: {  	_ =	task.clear_ibuf [dreg:s7], $0x5FFFF;
	_ =	strace $0x90000046  }
0xb8: {  	s29 =	simm.s32 $0x9;
	_ =	strace $0x80000048  }
0xb9: {  	_ =	swait.ge [sflag:s29], $0x1  }
0xba: {  	[sflag:s29] =	ssyncadd.s32 $0xFFFFFFFF  }
0xbb: {  	_ =	strace $0x90000048  }
0xbc: {  	_ =	sfence  }
0xbd: {  	s30 =	sld [smem:$0x0];
	_ =	sdelay $0x2  }
0xbe: {  	s31 =	sshll.u32 s1, $0xD;
	s1 =	sshrl.u32 s1, $0x2  }
0xbf: {  	s3 =	sand.u32 $0x4000, s31;
	s1 =	sadd.s32 s1, s30  }
0xc0: {  	s0 =	sor.u32 s3, s0;
	s1 =	sshll.u32 s1, $0x11  }
0xc1: {  	s0 =	sor.u32 s1, s0  }
0xc2: {  	s0 =	sadd.s32 $0x8F2B, s0  }
0xc3: {  	[sflag:s0] =	ssyncadd.remote.s32 $0x1  }
0xc4: {  	_ =	sfence.sel $0xFFFF  }
0xc5: {  	[dreg:$0x0] =	wrdreg $0xFFFFFFFF;
	(pc) =	sbr.abs _section_cstart, $3  }
0xc6: {  	[dreg:$0x1] =	wrdreg $0xFFFFFFFF  }
0xc7: {  	_ =	task.clear_ibuf [dreg:s7], $0x2FFFF;
	_ =	strace $0x9FFFFFFF  }
0xc8: {  	(tm) =	ssettm $0x7FFFFFFF  }
0xc9: {  	_ =	shalt  }
tec
execute0_lowered:
.L_overlay_start_1:
0x0: {  	(tag) =	ssettag $0x1  }
0x1: {  	s2 =	rddreg [dreg:$0x0]  }
0x2: {  	s0 =	srdreg.scid;
	s5 =	rddreg [dreg:$0x1]  }
0x3: {  	s1 =	stileid.u32;
	s3 =	simm.s32 $0x0;
	s10 =	simm.s32 $0x2880  }
0x4: {  	s11 =	simm.s32 $0x80;
	s12 =	simm.s32 $0x5100;
	s4 =	sand.u32 $0x1, s0  }
0x5: {  	s13 =	simm.s32 $0x1;
	s14 =	simm.s32 $0x6100;
	s6 =	sshll.u32 s4, $0x4  }
0x6: {  	s0 =	rddreg [dreg:$0x2];
	s7 =	smul.u32 $0xA2000, s4;
	s6 =	sor.u32 s1, s6  }
0x7: {  	s15 =	simm.s32 $0x0;
	[smem:$0x7FF] =	sst s3;
	s6 =	smul.u32 $0x2880, s6  }
0x8: {  	s9 =	smul.u32 $0xA200, s1;
	_ =	strace $0x80000047;
	s4 =	ssub.s32 $0x2, s4  }
0x9: {  	s8 =	sshrl.u32 s4, $0x1;
	s7 =	sadd.s32 s7, s5;
	s6 =	sshrl.u32 s6, $0x3  }
0xa: {  	s8 =	ssub.s32 s4, s8;
	s31 =	sadd.s32 s9, s7;
	s6 =	sadd.s32 s6, s5  }
0xb: {  	s9 =	simm.s32 $0x2;
	s7 =	sadd.s32 $0x1DC00, s31;
	s4 =	sadd.s32 $0x13A00, s6  }
0xc: {  	s5 =	sadd.s32 $0x9800, s6;
	s6 =	smax.u32 s8, $0x1;
	s8 =	sadd.s32 $0x161C00, s31  }
.LBB2_1:
0xd: {  	[tilespmem:s3], [sflag:$0x2] =	stream.linear.gather [hbm4b:s4+s3], $0x2880, $0x38;
	[tilespmem:$0x7100] =	vst v63  }
0xe: {  	_ =	swait.ge [sflag:s9], $0x2880  }
0xf: {  	[sflag:s9] =	ssyncset.done $0x0  }
0x10: {  	[sflag:s9] =	ssyncadd.s32 $0xFFFFD780  }
0x11: {  	[tilespmem:s10], [sflag:$0x2] =	stream.linear.gather [hbm4b:s5+s3], $0x2880, $0x38;
	[tilespmem:$0x7100] =	vst v63  }
0x12: {  	_ =	swait.ge [sflag:s9], $0x2880  }
0x13: {  	[sflag:s9] =	ssyncset.done $0x0  }
0x14: {  	s16 =	simm.s32 $0x0;
	[sflag:s9] =	ssyncadd.s32 $0xFFFFD780  }
0x15: {  	[tilespmem:s12], [sflag:$0x1] =	stream.indirect.gather [hbm4b:s2+s11], $0x20, s16, s11, $0xb8;
	[tilespmem:$0x7100] =	vst v63  }
0x16: {  	_ =	swait.ge [sflag:s13], $0x1000  }
0x17: {  	[sflag:s13] =	ssyncset.done $0x0  }
0x18: {  	s29 =	sadd.s32 $0x0, s8;
	[sflag:s13] =	ssyncadd.s32 $0xFFFFF000  }
0x19: {  	[hbm4b:s29+s3] =	stream.linear.scatter [tilespmem:s12], [sflag:$0x2], $0x1000, $0x38;
	[tilespmem:$0x7100] =	vst v63  }
0x1a: {  	_ =	swait.ge [sflag:s9], $0x1000  }
0x1b: {  	[sflag:s9] =	ssyncset.done $0x0  }
0x1c: {  	s30 =	simm.s32 $0x2880;
	[sflag:s9] =	ssyncadd.s32 $0xFFFFF000  }
0x1d: {  	[tilespmem:s14], [sflag:$0x1] =	stream.indirect.gather [hbm4b:s2+s11], $0x20, s30, s11, $0xb8;
	[tilespmem:$0x7100] =	vst v63  }
0x1e: {  	_ =	swait.ge [sflag:s13], $0x1000  }
0x1f: {  	[sflag:s13] =	ssyncset.done $0x0  }
0x20: {  	s31 =	sadd.s32 $0x0, s7;
	[sflag:s13] =	ssyncadd.s32 $0xFFFFF000  }
0x21: {  	[hbm4b:s31+s3] =	stream.linear.scatter [tilespmem:s14], [sflag:$0x2], $0x1000, $0x38;
	[tilespmem:$0x7100] =	vst v63  }
0x22: {  	_ =	swait.ge [sflag:s9], $0x1000  }
0x23: {  	s17 =	simm.s32 $0x400;
	s16 =	simm.s32 $0x200;
	[sflag:s9] =	ssyncset.done $0x0  }
.LBB2_2:
0x24: {  	s18 =	sshra.s32 s16, $0x2  }
0x25: {  	[sflag:s9] =	ssyncadd.s32 $0xFFFFF000;
	s19 =	smov.u32 s17;
	s20 =	sadd.s32 $0x200, s17  }
0x26: {  	[tilespmem:s12], [sflag:$0x1] =	stream.indirect.gather [hbm4b:s2+s11], $0x20, s18, s11, $0xb8;
	[tilespmem:$0x7100] =	vst v63  }
0x27: {  	p0 =	sne.s32 s17, $0xA000;
	_ =	swait.ge [sflag:s13], $0x1000  }
0x28: {  	[sflag:s13] =	ssyncset.done $0x0  }
0x29: {  	s17 =	sadd.s32 s16, s8;
	[sflag:s13] =	ssyncadd.s32 $0xFFFFF000  }
0x2a: {  	[hbm4b:s17+s3] =	stream.linear.scatter [tilespmem:s12], [sflag:$0x2], $0x1000, $0x38;
	[tilespmem:$0x7100] =	vst v63  }
0x2b: {  	_ =	swait.ge [sflag:s9], $0x1000  }
0x2c: {  	[sflag:s9] =	ssyncset.done $0x0  }
0x2d: {  	s17 =	sadd.s32 $0x2880, s18;
	[sflag:s9] =	ssyncadd.s32 $0xFFFFF000  }
0x2e: {  	[tilespmem:s14], [sflag:$0x1] =	stream.indirect.gather [hbm4b:s2+s11], $0x20, s17, s11, $0xb8;
	[tilespmem:$0x7100] =	vst v63  }
0x2f: {  	_ =	swait.ge [sflag:s13], $0x1000  }
.Ltmp0:
0x30: {  	[sflag:s13] =	ssyncset.done $0x0;
	(pc) =	sbr.rel @p0 .LBB2_2-.Ltmp0, $4  }
0x31: {  	s17 =	sadd.s32 s16, s7;
	s16 =	smov.u32 s19;
	[sflag:s13] =	ssyncadd.s32 $0xFFFFF000  }
0x32: {  	[hbm4b:s17+s3] =	stream.linear.scatter [tilespmem:s14], [sflag:$0x2], $0x1000, $0x38;
	[tilespmem:$0x7100] =	vst v63  }
0x33: {  	_ =	swait.ge [sflag:s9], $0x1000  }
0x34: {  	s17 =	smov.u32 s20;
	[sflag:s9] =	ssyncset.done $0x0  }
0x35: {  	s17 =	sshra.s32 s16, $0x2;
	[sflag:s9] =	ssyncadd.s32 $0xFFFFF000  }
0x36: {  	[tilespmem:s12], [sflag:$0x1] =	stream.indirect.gather [hbm4b:s2+s11], $0x20, s17, s11, $0xb8;
	[tilespmem:$0x7100] =	vst v63  }
0x37: {  	_ =	swait.ge [sflag:s13], $0x1000  }
0x38: {  	[sflag:s13] =	ssyncset.done $0x0  }
0x39: {  	s18 =	sadd.s32 s16, s8;
	[sflag:s13] =	ssyncadd.s32 $0xFFFFF000  }
0x3a: {  	[hbm4b:s18+s3] =	stream.linear.scatter [tilespmem:s12], [sflag:$0x2], $0x1000, $0x38;
	[tilespmem:$0x7100] =	vst v63  }
0x3b: {  	_ =	swait.ge [sflag:s9], $0x1000  }
0x3c: {  	[sflag:s9] =	ssyncset.done $0x0  }
0x3d: {  	s17 =	sadd.s32 $0x2880, s17;
	[sflag:s9] =	ssyncadd.s32 $0xFFFFF000  }
0x3e: {  	[tilespmem:s14], [sflag:$0x1] =	stream.indirect.gather [hbm4b:s2+s11], $0x20, s17, s11, $0xb8;
	[tilespmem:$0x7100] =	vst v63  }
0x3f: {  	s15 =	sadd.s32 $0x1, s15;
	_ =	swait.ge [sflag:s13], $0x1000  }
0x40: {  	p0 =	sne.s32 s15, s6;
	[sflag:s13] =	ssyncset.done $0x0  }
.Ltmp1:
0x41: {  	s31 =	sadd.s32 s16, s7;
	[sflag:s13] =	ssyncadd.s32 $0xFFFFF000;
	(pc) =	sbr.rel @p0 .LBB2_1-.Ltmp1, $4  }
0x42: {  	[hbm4b:s31+s3] =	stream.linear.scatter [tilespmem:s14], [sflag:$0x2], $0x1000, $0x38;
	[tilespmem:$0x7100] =	vst v63  }
0x43: {  	_ =	swait.ge [sflag:s9], $0x1000  }
0x44: {  	[sflag:s9] =	ssyncset.done $0x0  }
0x45: {  	[sflag:s9] =	ssyncadd.s32 $0xFFFFF000  }
0x46: {  	_ =	sfence.sel $0x180000  }
0x47: {  	[bflag:$0x0] =	sbarrier.arrive $0xFFFF  }
0x48: {  	p0 =	sne.s32 s1, $0x0;
	_ =	strace $0x90000047  }
0x49: {  	s0 =	sadd.s32 @!p0 $0x100000, s0;
	[bflag:$0x2] =	sbarrier.arrive $0xFFFF  }
0x4a: {  	[sflag:s0] =	ssyncadd.tile.s32 @!p0 $0x1;
	_ =	shalt  }
.Lfunc_end2:
_tile_overlayer_lowered:
.L_overlay_start_2:
0x4b: {  	(tag) =	ssettag $0x2  }
0x4c: {  	s0 =	rddreg [dreg:$0x0];
	s2 =	stileid.u32  }
0x4d: {  	s1 =	rddreg [dreg:$0x1];
	p0 =	sne.s32 s2, $0x0  }
0x4e: {  	s3 =	rddreg [dreg:$0x2];
	[bflag:$0x3] =	sbarrier.arrive $0xFFFF;
	s2 =	simm.s32 @!p0 $0x1C02  }
0x4f: {  	[timem:s3], [sflag:s2] =	dma.local @!p0 [hbm:s0], s1  }
0x50: {  	s0 =	simm.s32 @!p0 $0x2  }
0x51: {  	_ =	swait.ge @!p0 [sflag:s0], s1  }
0x52: {  	s1 =	ssub.s32 @!p0 $0x0, s1;
	[sflag:s0] =	ssyncset.done @!p0 $0x0  }
0x53: {  	[sflag:s0] =	ssyncadd.s32 @!p0 s1  }
0x54: {  	[bflag:$0x3] =	sbarrier.arrive $0xFFFF  }
0x55: {  	_ =	shalt  }

// kernel: kernel.43.cloned.1.call-start
scs
__scs_entry_jumppad:
0x0: {  	(pc) =	sbr.rel $0x88, $3  }
0x1: {  	(tag) =	ssettag $0x0;
	lr =	simm.s32 $0x1  }
0x2: {  	[smem:$0x3F89] =	sst lr;
	_ =	strace $0xD0000000  }
0x3: {  	_ = 	snop  }
0x4: {  	_ = 	snop  }
0x5: {  	_ = 	snop  }
0x6: {  	_ = 	snop  }
0x7: {  	_ = 	snop  }
__scs_overlays_trampoline_lowered:
0x8: {  	[smem:$0x3F98] =	sst s0  }
0x9: {  	[smem:$0x3F99] =	sst s1  }
0xa: {  	[smem:$0x3F9A] =	sst s2  }
0xb: {  	[smem:$0x3F9B] =	sst s3  }
0xc: {  	[smem:$0x3F9C] =	sst s4  }
0xd: {  	[smem:$0x3F9D] =	sst s5  }
0xe: {  	[smem:$0x3F9E] =	sst s6  }
0xf: {  	[smem:$0x3F9F] =	sst s7  }
0x10: {  	[smem:$0x3FA0] =	sst s8  }
0x11: {  	[smem:$0x3FA1] =	sst s9;
	s0 =	simm.s32 @!p0 $0x0  }
0x12: {  	s1 =	sld [smem:$0x3F87];
	s0 =	simm.s32 @p0 $0x1  }
0x13: {  	[smem:$0x3FA2] =	sst s0;
	s0 =	simm.s32 @!p1 $0x0  }
0x14: {  	s2 =	sld [smem:$0x3F86];
	s0 =	simm.s32 @p1 $0x1  }
0x15: {  	[smem:$0x3FA3] =	sst s0;
	s0 =	simm.s32 @!p2 $0x0  }
0x16: {  	s3 =	sld [smem:$0x3FDB];
	s0 =	simm.s32 @p2 $0x1  }
0x17: {  	s4 =	simm.s32 $0x1BF5;
	[smem:$0x3FA5] =	sst s0  }
0x18: {  	s0 =	sld [smem:$0x3F88];
	_ =	swait.ge [sflag:s4], $0x0  }
0x19: {  	s7 =	sld [smem:$0x3F89]  }
0x1a: {  	s8 =	sadd.s32 $0xFFFFE003, lr  }
0x1b: {  	s9 =	sadd.s32 $0xFFFFFEF7, lr;
	s5 =	simm.s32 $0xFFFFFFFF;
	p2 =	slt.u32 s8, $0xFFFFF086  }
0x1c: {  	p1 =	slt.u32 s9, $0xF7A;
	s5 =	simm.s32 @!p2 $0x0  }
0x1d: {  	s5 =	simm.s32 @p1 $0x1;
	p0 =	seq.s32 s7, s2  }
0x1e: {  	s7 =	smul.u32 @!p0 $0xF7A, s2;
	p2 =	seq.s32 @!p0 s5, $0x0  }
0x1f: {  	s9 =	smul.u32 $0xF7A, s1;
	s8 =	simm.s32 @!p0 $0x1BF5;
	p2 =	por !p2, p0  }
0x20: {  	[sflag:s8] =	ssyncset.s32 @!p0 $0xFFFFF086;
	s6 =	sadd.s32 @!p0 s3, s7;
	s7 =	simm.s32 @!p0 $0x108  }
0x21: {  	s3 =	sadd.s32 s3, s9;
	s6 =	sadd.s32 @!p0 $0x88, s6;
	s7 =	simm.s32 @p2 $0x1082  }
0x22: {  	[simem:s7], [sflag:s8] =	dma.local @!p0 [hbm:s6], $0xF7A  }
0x23: {  	s9 =	sor.u32 $0xD0000000, s2;
	s6 =	simm.s32 $0x108;
	_ =	swait.ge @!p0 [sflag:s8], $0x0  }
0x24: {  	s3 =	sadd.s32 $0x88, s3;
	s6 =	simm.s32 @!p1 $0x1082;
	[sflag:s4] =	ssyncset.s32 $0xFFFFF086  }
0x25: {  	[simem:s6], [sflag:s4] =	dma.local [hbm:s3], $0xF7A  }
0x26: {  	[smem:$0x3F89] =	sst s1;
	(tag) =	ssettag s2;
	_ =	strace s9  }
0x27: {  	s1 =	sld [smem:$0x3F99]  }
0x28: {  	s2 =	sld [smem:$0x3F9A]  }
0x29: {  	s4 =	sld [smem:$0x3F9C]  }
0x2a: {  	p0 =	seq.s32 s5, $0x0;
	s5 =	sld [smem:$0x3F9D]  }
0x2b: {  	s6 =	sld [smem:$0x3F9E]  }
0x2c: {  	s7 =	sld [smem:$0x3F9F]  }
0x2d: {  	s3 =	simm.s32 $0x108;
	s8 =	sld [smem:$0x3FA0]  }
0x2e: {  	s3 =	simm.s32 @!p0 $0x1082;
	s9 =	sld [smem:$0x3FA1]  }
0x2f: {  	lr =	sadd.s32 s0, s3;
	s0 =	sld [smem:$0x3F98]  }
0x30: {  	s3 =	sld [smem:$0x3F9B]  }
0x31: {  	[smem:$0x3FA4] =	sst s10  }
0x32: {  	s10 =	sld [smem:$0x3FA2];
	_ =	sdelay $0x3  }
0x33: {  	p0 =	seq.s32 s10, $0x1;
	s10 =	sld [smem:$0x3FA4];
	_ =	sdelay $0x3  }
0x34: {  	[smem:$0x3FA4] =	sst s10  }
0x35: {  	s10 =	sld [smem:$0x3FA3];
	_ =	sdelay $0x3  }
0x36: {  	p1 =	seq.s32 s10, $0x1;
	s10 =	sld [smem:$0x3FA4];
	_ =	sdelay $0x3  }
0x37: {  	[smem:$0x3FA4] =	sst s10  }
0x38: {  	s10 =	sld [smem:$0x3FA5]  }
0x39: {  	_ = 	snop;
	(pc) =	sbr.ind lr, $3  }
0x3a: {  	_ = 	snop  }
0x3b: {  	_ = 	snop  }
0x3c: {  	p2 =	seq.s32 s10, $0x1;
	s10 =	sld [smem:$0x3FA4]  }
0x3d: {  	_ =	shalt  }
0x3e: {  	_ =	shalt  }
0x3f: {  	_ =	shalt  }
0x40: {  	_ =	shalt  }
0x41: {  	_ =	shalt  }
0x42: {  	_ =	shalt  }
0x43: {  	_ =	shalt  }
0x44: {  	_ =	shalt  }
0x45: {  	_ =	shalt  }
0x46: {  	_ =	shalt  }
0x47: {  	_ =	shalt  }
0x48: {  	_ =	shalt  }
0x49: {  	_ =	shalt  }
0x4a: {  	_ =	shalt  }
0x4b: {  	_ =	shalt  }
0x4c: {  	_ =	shalt  }
0x4d: {  	_ =	shalt  }
0x4e: {  	_ =	shalt  }
0x4f: {  	_ =	shalt  }
0x50: {  	_ =	shalt  }
0x51: {  	_ =	shalt  }
0x52: {  	_ =	shalt  }
0x53: {  	_ =	shalt  }
0x54: {  	_ =	shalt  }
0x55: {  	_ =	shalt  }
0x56: {  	_ =	shalt  }
0x57: {  	_ =	shalt  }
0x58: {  	_ =	shalt  }
0x59: {  	_ =	shalt  }
0x5a: {  	_ =	shalt  }
0x5b: {  	_ =	shalt  }
0x5c: {  	_ =	shalt  }
0x5d: {  	_ =	shalt  }
0x5e: {  	_ =	shalt  }
0x5f: {  	_ =	shalt  }
0x60: {  	_ =	shalt  }
0x61: {  	_ =	shalt  }
0x62: {  	_ =	shalt  }
0x63: {  	_ =	shalt  }
0x64: {  	_ =	shalt  }
0x65: {  	_ =	shalt  }
0x66: {  	_ =	shalt  }
0x67: {  	_ =	shalt  }
0x68: {  	_ =	shalt  }
0x69: {  	_ =	shalt  }
0x6a: {  	_ =	shalt  }
0x6b: {  	_ =	shalt  }
0x6c: {  	_ =	shalt  }
0x6d: {  	_ =	shalt  }
0x6e: {  	_ =	shalt  }
0x6f: {  	_ =	shalt  }
0x70: {  	_ =	shalt  }
0x71: {  	_ =	shalt  }
0x72: {  	_ =	shalt  }
0x73: {  	_ =	shalt  }
0x74: {  	_ =	shalt  }
0x75: {  	_ =	shalt  }
0x76: {  	_ =	shalt  }
0x77: {  	_ =	shalt  }
0x78: {  	_ =	shalt  }
0x79: {  	_ =	shalt  }
0x7a: {  	_ =	shalt  }
0x7b: {  	_ =	shalt  }
0x7c: {  	_ =	shalt  }
0x7d: {  	_ =	shalt  }
0x7e: {  	_ =	shalt  }
0x7f: {  	_ =	shalt  }
0x80: {  	_ =	shalt  }
0x81: {  	_ =	shalt  }
0x82: {  	_ =	shalt  }
0x83: {  	_ =	shalt  }
0x84: {  	_ =	shalt  }
0x85: {  	_ =	shalt  }
0x86: {  	_ =	shalt  }
0x87: {  	_ =	shalt  }
.Lfunc_end0:
.L_simem_size_0:
called_computation.5_lowered:
.L_overlay_start_0:
0x88: {  	s2 =	sld [smem:$0x3FD9]  }
0x89: {  	s3 =	sld [smem:$0x3FFE];
	_ =	sdelay $0x1  }
0x8a: {  	s1 =	srdreg.scid  }
0x8b: {  	s0 =	sand.u32 $0x1, s1  }
0x8c: {  	s16 =	sshll.u32 s0, $0xA;
	s2 =	sadd.s32 s3, s2  }
0x8d: {  	s2 =	sadd.s32 s2, s16  }
0x8e: {  	[smem:$0x3FB0] =	sst s2  }
0x8f: {  	_ = 	snop  }
0x90: {  	(tm) =	ssettm $0x1  }
0x91: {  	s17 =	sld [smem:$0x3FFB];
	_ =	sdelay $0x3  }
0x92: {  	_ =	strace s17  }
0x93: {  	s2 =	sld [smem:$0x3FFC];
	_ =	sdelay $0x3  }
0x94: {  	_ =	strace s2  }
0x95: {  	s2 =	sld [smem:$0x3FFD];
	_ =	sdelay $0x3  }
0x96: {  	_ =	strace s2  }
0x97: {  	_ =	strace $0x8FFFFFFF  }
0x98: {  	s18 =	sld [smem:$0x3FDB];
	_ =	sdelay $0x1  }
0x99: {  	s19 =	simm.s32 $_scs_section_size  }
0x9a: {  	s4 =	simm.s32 $_size__tile_overlayer_lowered;
	s5 =	simm.s32 $_tile_overlayer_lowered  }
0x9b: {  	s22 =	simm.s32 $0x1BFF;
	s21 =	sshll.u32 s5, $0x1;
	s2 =	sadd.s32 s19, s18  }
0x9c: {  	s6 =	simm.s32 $0x0;
	s20 =	sshll.u32 s4, $0x1;
	s4 =	sadd.s32 s21, s2  }
0x9d: {  	[timem:s6], [sflag:s22] =	dma.local [hbm:s4], s20  }
0x9e: {  	_ =	swait.ge [sflag:s22], s20  }
0x9f: {  	s3 =	ssub.s32 $0x0, s20;
	[sflag:s22] =	ssyncset.done $0x0  }
0xa0: {  	[sflag:s22] =	ssyncadd.s32 s3;
	_ =	sdelay $0x1  }
0xa1: {  	s23 =	simm.s32 $0x1B8B  }
0xa2: {  	_ =	swait.ge [sflag:s23], $0x1  }
0xa3: {  	[sflag:s23] =	ssyncset.done $0x0  }
0xa4: {  	s25 =	simm.s32 $0x1B8E;
	s24 =	sld [smem:$0x3FFE];
	[sflag:s23] =	ssyncadd.s32 $0xFFFFFFFF  }
0xa5: {  	s26 =	simm.s32 $execute0_lowered;
	[smem:$0x3FD2] =	sst s25  }
0xa6: {  	s4 =	sshll.u32 s26, $0x1;
	_ =	strace $0x80000049;
	[dreg:$0x1] =	wrdreg $0xFFFFFFFF  }
0xa7: {  	s28 =	simm.s32 $_size_execute0_lowered;
	s2 =	sadd.s32 s2, s4;
	[dreg:$0x0] =	wrdreg $0x0  }
0xa8: {  	s4 =	sshll.u32 s28, $0x1;
	[dreg:$0x2] =	wrdreg s2  }
0xa9: {  	[dreg:$0x3] =	wrdreg s4  }
0xaa: {  	[dreg:$0x4] =	wrdreg $0xC0  }
0xab: {  	_ =	task [dreg:s6], $0x5FFFF  }
0xac: {  	[dreg:$0x1] =	wrdreg $0xFFFFFFFF  }
0xad: {  	[dreg:$0x0] =	wrdreg $0x60  }
0xae: {  	[dreg:$0x2] =	wrdreg s24  }
0xaf: {  	[dreg:$0x3] =	wrdreg $0x69000  }
0xb0: {  	[dreg:$0x4] =	wrdreg $0xA  }
0xb1: {  	_ =	task.clear_ibuf [dreg:s6], $0x5FFFF;
	_ =	strace $0x90000049  }
0xb2: {  	s29 =	simm.s32 $0xA;
	_ =	strace $0x8000004B  }
0xb3: {  	_ =	swait.ge [sflag:s29], $0x1  }
0xb4: {  	[sflag:s29] =	ssyncadd.s32 $0xFFFFFFFF  }
0xb5: {  	_ =	strace $0x9000004B  }
0xb6: {  	_ =	sfence  }
0xb7: {  	s30 =	sld [smem:$0x0];
	_ =	sdelay $0x2  }
0xb8: {  	s31 =	sshll.u32 s1, $0xD;
	s1 =	sshrl.u32 s1, $0x2  }
0xb9: {  	s3 =	sand.u32 $0x4000, s31;
	s1 =	sadd.s32 s1, s30  }
0xba: {  	s0 =	sor.u32 s3, s0;
	s1 =	sshll.u32 s1, $0x11  }
0xbb: {  	s0 =	sor.u32 s1, s0  }
0xbc: {  	s0 =	sadd.s32 $0x8F2B, s0  }
0xbd: {  	[sflag:s0] =	ssyncadd.remote.s32 $0x1  }
0xbe: {  	_ =	sfence.sel $0xFFFF  }
0xbf: {  	[dreg:$0x0] =	wrdreg $0xFFFFFFFF;
	(pc) =	sbr.abs _section_cstart, $3  }
0xc0: {  	[dreg:$0x1] =	wrdreg $0xFFFFFFFF  }
0xc1: {  	_ =	task.clear_ibuf [dreg:s6], $0x2FFFF;
	_ =	strace $0x9FFFFFFF  }
0xc2: {  	(tm) =	ssettm $0x7FFFFFFF  }
0xc3: {  	_ =	shalt  }
tec
execute0_lowered:
.L_overlay_start_1:
0x0: {  	(tag) =	ssettag $0x1  }
0x1: {  	s5 =	rddreg [dreg:$0x0]  }
0x2: {  	s1 =	rddreg [dreg:$0x1]  }
0x3: {  	s2 =	srdreg.scid;
	s0 =	rddreg [dreg:$0x2];
	s3 =	simm.s32 $0x0  }
0x4: {  	s13 =	simm.s32 $0x80;
	s14 =	simm.s32 $0x5100;
	s15 =	simm.s32 $0x1  }
0x5: {  	s6 =	sand.u32 $0x1, s2;
	s2 =	stileid.u32;
	[smem:$0x7FF] =	sst s3  }
0x6: {  	s4 =	sshll.u32 s6, $0x4;
	s8 =	smul.u32 $0x7680, s2;
	_ =	strace $0x8000004A  }
0x7: {  	s9 =	smul.u32 $0xED00, s6;
	s6 =	ssub.s32 $0x2, s6;
	s31 =	sshll.u32 s2, $0x6  }
0x8: {  	s7 =	sor.u32 s2, s4;
	s4 =	sadd.s32 $0x1DC00, s5;
	s11 =	sshrl.u32 s6, $0x1  }
0x9: {  	s7 =	smul.u32 $0x510, s7;
	s16 =	sshrl.u32 s8, $0x3;
	s9 =	sadd.s32 s9, s5  }
0xa: {  	s11 =	ssub.s32 s6, s11;
	s12 =	sadd.s32 s8, s1;
	s30 =	sadd.s32 s16, s5  }
0xb: {  	s17 =	sadd.s32 $0x212A00, s9;
	s9 =	smax.u32 s11, $0x1;
	s11 =	simm.s32 $0x2  }
0xc: {  	s10 =	sadd.s32 s7, s5;
	s5 =	sadd.s32 $0x203C00, s30;
	s7 =	sor.u32 $0x1C02, s31  }
0xd: {  	s16 =	sadd.s32 s16, s17;
	s17 =	simm.s32 $0x0;
	s6 =	sadd.s32 $0x2A5C00, s10  }
0xe: {  	s8 =	sadd.s32 $0x9800, s10;
	s10 =	sshrl.u32 s12, $0x3;
	s12 =	simm.s32 $0x2880  }
.LBB2_1:
0xf: {  	[spmem:s10], [sflag:s7] =	dma.local [hbm:s5], $0xED0  }
0x10: {  	_ =	swait.ge [sflag:s11], $0xED0  }
0x11: {  	[sflag:s11] =	ssyncset.done $0x0  }
0x12: {  	[sflag:s11] =	ssyncadd.s32 $0xFFFFF130  }
0x13: {  	[tilespmem:s3], [sflag:$0x2] =	stream.linear.gather [hbm4b:s6+s3], $0x2880, $0x38;
	[tilespmem:$0xDF80] =	vst v63  }
0x14: {  	_ =	swait.ge [sflag:s11], $0x2880  }
0x15: {  	[sflag:s11] =	ssyncset.done $0x0  }
0x16: {  	[sflag:s11] =	ssyncadd.s32 $0xFFFFD780  }
0x17: {  	[tilespmem:s12], [sflag:$0x2] =	stream.linear.gather [hbm4b:s8+s3], $0x2880, $0x38;
	[tilespmem:$0xDF80] =	vst v63  }
0x18: {  	_ =	swait.ge [sflag:s11], $0x2880  }
0x19: {  	[sflag:s11] =	ssyncset.done $0x0  }
0x1a: {  	[sflag:s11] =	ssyncadd.s32 $0xFFFFD780  }
0x1b: {  	s18 =	simm.s32 $0x0;
	[bflag:$0x0] =	sbarrier.arrive $0xFFFF  }
0x1c: {  	[tilespmem:s14], [sflag:$0x1] =	stream.indirect.gather [hbm4b:s4+s13], $0x30, s18, s13, $0xb8;
	[tilespmem:$0xDF80] =	vst v63  }
0x1d: {  	_ =	swait.ge [sflag:s15], $0x1800  }
0x1e: {  	[sflag:s15] =	ssyncset.done $0x0  }
0x1f: {  	s31 =	simm.s32 $0x2880;
	[sflag:s15] =	ssyncadd.s32 $0xFFFFE800  }
0x20: {  	[spmem:s1] =	stream.indirect.scatter.add.f32 [tilespmem:s14], [sflag:$0x2], $0x30, s31, s13, $0xb8;
	[tilespmem:$0xDF80] =	vst v63  }
0x21: {  	_ =	swait.ge [sflag:s11], $0x1800  }
0x22: {  	s19 =	simm.s32 $0x400;
	s18 =	simm.s32 $0x200;
	[sflag:s11] =	ssyncset.done $0x0  }
.LBB2_2:
0x23: {  	s20 =	sshra.s32 s18, $0x2  }
0x24: {  	[sflag:s11] =	ssyncadd.s32 $0xFFFFE800;
	s18 =	smov.u32 s19;
	s21 =	sadd.s32 $0x200, s19  }
0x25: {  	[tilespmem:s14], [sflag:$0x1] =	stream.indirect.gather [hbm4b:s4+s13], $0x30, s20, s13, $0xb8;
	[tilespmem:$0xDF80] =	vst v63  }
0x26: {  	p0 =	sne.s32 s19, $0xA000;
	_ =	swait.ge [sflag:s15], $0x1800  }
.Ltmp0:
0x27: {  	[sflag:s15] =	ssyncset.done $0x0;
	(pc) =	sbr.rel @p0 .LBB2_2-.Ltmp0, $4  }
0x28: {  	s19 =	sadd.s32 $0x2880, s20;
	[sflag:s15] =	ssyncadd.s32 $0xFFFFE800  }
0x29: {  	[spmem:s1] =	stream.indirect.scatter.add.f32 [tilespmem:s14], [sflag:$0x2], $0x30, s19, s13, $0xb8;
	[tilespmem:$0xDF80] =	vst v63  }
0x2a: {  	_ =	swait.ge [sflag:s11], $0x1800  }
0x2b: {  	s19 =	smov.u32 s21;
	[sflag:s11] =	ssyncset.done $0x0  }
0x2c: {  	s18 =	sshra.s32 s18, $0x2;
	[sflag:s11] =	ssyncadd.s32 $0xFFFFE800  }
0x2d: {  	[tilespmem:s14], [sflag:$0x1] =	stream.indirect.gather [hbm4b:s4+s13], $0x30, s18, s13, $0xb8;
	[tilespmem:$0xDF80] =	vst v63  }
0x2e: {  	_ =	swait.ge [sflag:s15], $0x1800  }
0x2f: {  	[sflag:s15] =	ssyncset.done $0x0  }
0x30: {  	s18 =	sadd.s32 $0x2880, s18;
	[sflag:s15] =	ssyncadd.s32 $0xFFFFE800  }
0x31: {  	[spmem:s1] =	stream.indirect.scatter.add.f32 [tilespmem:s14], [sflag:$0x2], $0x30, s18, s13, $0xb8;
	[tilespmem:$0xDF80] =	vst v63  }
0x32: {  	_ =	swait.ge [sflag:s11], $0x1800  }
0x33: {  	s17 =	sadd.s32 $0x1, s17;
	[sflag:s11] =	ssyncset.done $0x0  }
0x34: {  	p0 =	sne.s32 s17, s9;
	[sflag:s11] =	ssyncadd.s32 $0xFFFFE800  }
.Ltmp1:
0x35: {  	[bflag:$0x0] =	sbarrier.arrive $0xFFFF;
	(pc) =	sbr.rel @p0 .LBB2_1-.Ltmp1, $4  }
0x36: {  	[hbm:s16], [sflag:s7] =	dma.local [spmem:s10], $0xED0  }
0x37: {  	_ =	swait.ge [sflag:s11], $0xED0  }
0x38: {  	[sflag:s11] =	ssyncset.done $0x0  }
0x39: {  	[sflag:s11] =	ssyncadd.s32 $0xFFFFF130  }
0x3a: {  	_ =	sfence.sel $0x180000  }
0x3b: {  	[bflag:$0x0] =	sbarrier.arrive $0xFFFF  }
0x3c: {  	p0 =	sne.s32 s2, $0x0;
	_ =	strace $0x9000004A  }
0x3d: {  	s0 =	sadd.s32 @!p0 $0x100000, s0;
	[bflag:$0x2] =	sbarrier.arrive $0xFFFF  }
0x3e: {  	[sflag:s0] =	ssyncadd.tile.s32 @!p0 $0x1;
	_ =	shalt  }
.Lfunc_end2:
_tile_overlayer_lowered:
.L_overlay_start_2:
0x3f: {  	(tag) =	ssettag $0x2  }
0x40: {  	s0 =	rddreg [dreg:$0x0];
	s2 =	stileid.u32  }
0x41: {  	s1 =	rddreg [dreg:$0x1];
	p0 =	sne.s32 s2, $0x0  }
0x42: {  	s3 =	rddreg [dreg:$0x2];
	[bflag:$0x3] =	sbarrier.arrive $0xFFFF;
	s2 =	simm.s32 @!p0 $0x1C02  }
0x43: {  	[timem:s3], [sflag:s2] =	dma.local @!p0 [hbm:s0], s1  }
0x44: {  	s0 =	simm.s32 @!p0 $0x2  }
0x45: {  	_ =	swait.ge @!p0 [sflag:s0], s1  }
0x46: {  	s1 =	ssub.s32 @!p0 $0x0, s1;
	[sflag:s0] =	ssyncset.done @!p0 $0x0  }
0x47: {  	[sflag:s0] =	ssyncadd.s32 @!p0 s1  }
0x48: {  	[bflag:$0x3] =	sbarrier.arrive $0xFFFF  }
0x49: {  	_ =	shalt  }

// kernel: kernel.46.cloned.1.call-start
scs
__scs_entry_jumppad:
0x0: {  	(pc) =	sbr.rel $0x88, $3  }
0x1: {  	(tag) =	ssettag $0x0;
	lr =	simm.s32 $0x1  }
0x2: {  	[smem:$0x3F89] =	sst lr;
	_ =	strace $0xD0000000  }
0x3: {  	_ = 	snop  }
0x4: {  	_ = 	snop  }
0x5: {  	_ = 	snop  }
0x6: {  	_ = 	snop  }
0x7: {  	_ = 	snop  }
__scs_overlays_trampoline_lowered:
0x8: {  	[smem:$0x3F98] =	sst s0  }
0x9: {  	[smem:$0x3F99] =	sst s1  }
0xa: {  	[smem:$0x3F9A] =	sst s2  }
0xb: {  	[smem:$0x3F9B] =	sst s3  }
0xc: {  	[smem:$0x3F9C] =	sst s4  }
0xd: {  	[smem:$0x3F9D] =	sst s5  }
0xe: {  	[smem:$0x3F9E] =	sst s6  }
0xf: {  	[smem:$0x3F9F] =	sst s7  }
0x10: {  	[smem:$0x3FA0] =	sst s8  }
0x11: {  	[smem:$0x3FA1] =	sst s9;
	s0 =	simm.s32 @!p0 $0x0  }
0x12: {  	s1 =	sld [smem:$0x3F87];
	s0 =	simm.s32 @p0 $0x1  }
0x13: {  	[smem:$0x3FA2] =	sst s0;
	s0 =	simm.s32 @!p1 $0x0  }
0x14: {  	s2 =	sld [smem:$0x3F86];
	s0 =	simm.s32 @p1 $0x1  }
0x15: {  	[smem:$0x3FA3] =	sst s0;
	s0 =	simm.s32 @!p2 $0x0  }
0x16: {  	s3 =	sld [smem:$0x3FDB];
	s0 =	simm.s32 @p2 $0x1  }
0x17: {  	s4 =	simm.s32 $0x1BF5;
	[smem:$0x3FA5] =	sst s0  }
0x18: {  	s0 =	sld [smem:$0x3F88];
	_ =	swait.ge [sflag:s4], $0x0  }
0x19: {  	s7 =	sld [smem:$0x3F89]  }
0x1a: {  	s8 =	sadd.s32 $0xFFFFE003, lr  }
0x1b: {  	s9 =	sadd.s32 $0xFFFFFEF7, lr;
	s5 =	simm.s32 $0xFFFFFFFF;
	p2 =	slt.u32 s8, $0xFFFFF086  }
0x1c: {  	p1 =	slt.u32 s9, $0xF7A;
	s5 =	simm.s32 @!p2 $0x0  }
0x1d: {  	s5 =	simm.s32 @p1 $0x1;
	p0 =	seq.s32 s7, s2  }
0x1e: {  	s7 =	smul.u32 @!p0 $0xF7A, s2;
	p2 =	seq.s32 @!p0 s5, $0x0  }
0x1f: {  	s9 =	smul.u32 $0xF7A, s1;
	s8 =	simm.s32 @!p0 $0x1BF5;
	p2 =	por !p2, p0  }
0x20: {  	[sflag:s8] =	ssyncset.s32 @!p0 $0xFFFFF086;
	s6 =	sadd.s32 @!p0 s3, s7;
	s7 =	simm.s32 @!p0 $0x108  }
0x21: {  	s3 =	sadd.s32 s3, s9;
	s6 =	sadd.s32 @!p0 $0x88, s6;
	s7 =	simm.s32 @p2 $0x1082  }
0x22: {  	[simem:s7], [sflag:s8] =	dma.local @!p0 [hbm:s6], $0xF7A  }
0x23: {  	s9 =	sor.u32 $0xD0000000, s2;
	s6 =	simm.s32 $0x108;
	_ =	swait.ge @!p0 [sflag:s8], $0x0  }
0x24: {  	s3 =	sadd.s32 $0x88, s3;
	s6 =	simm.s32 @!p1 $0x1082;
	[sflag:s4] =	ssyncset.s32 $0xFFFFF086  }
0x25: {  	[simem:s6], [sflag:s4] =	dma.local [hbm:s3], $0xF7A  }
0x26: {  	[smem:$0x3F89] =	sst s1;
	(tag) =	ssettag s2;
	_ =	strace s9  }
0x27: {  	s1 =	sld [smem:$0x3F99]  }
0x28: {  	s2 =	sld [smem:$0x3F9A]  }
0x29: {  	s4 =	sld [smem:$0x3F9C]  }
0x2a: {  	p0 =	seq.s32 s5, $0x0;
	s5 =	sld [smem:$0x3F9D]  }
0x2b: {  	s6 =	sld [smem:$0x3F9E]  }
0x2c: {  	s7 =	sld [smem:$0x3F9F]  }
0x2d: {  	s3 =	simm.s32 $0x108;
	s8 =	sld [smem:$0x3FA0]  }
0x2e: {  	s3 =	simm.s32 @!p0 $0x1082;
	s9 =	sld [smem:$0x3FA1]  }
0x2f: {  	lr =	sadd.s32 s0, s3;
	s0 =	sld [smem:$0x3F98]  }
0x30: {  	s3 =	sld [smem:$0x3F9B]  }
0x31: {  	[smem:$0x3FA4] =	sst s10  }
0x32: {  	s10 =	sld [smem:$0x3FA2];
	_ =	sdelay $0x3  }
0x33: {  	p0 =	seq.s32 s10, $0x1;
	s10 =	sld [smem:$0x3FA4];
	_ =	sdelay $0x3  }
0x34: {  	[smem:$0x3FA4] =	sst s10  }
0x35: {  	s10 =	sld [smem:$0x3FA3];
	_ =	sdelay $0x3  }
0x36: {  	p1 =	seq.s32 s10, $0x1;
	s10 =	sld [smem:$0x3FA4];
	_ =	sdelay $0x3  }
0x37: {  	[smem:$0x3FA4] =	sst s10  }
0x38: {  	s10 =	sld [smem:$0x3FA5]  }
0x39: {  	_ = 	snop;
	(pc) =	sbr.ind lr, $3  }
0x3a: {  	_ = 	snop  }
0x3b: {  	_ = 	snop  }
0x3c: {  	p2 =	seq.s32 s10, $0x1;
	s10 =	sld [smem:$0x3FA4]  }
0x3d: {  	_ =	shalt  }
0x3e: {  	_ =	shalt  }
0x3f: {  	_ =	shalt  }
0x40: {  	_ =	shalt  }
0x41: {  	_ =	shalt  }
0x42: {  	_ =	shalt  }
0x43: {  	_ =	shalt  }
0x44: {  	_ =	shalt  }
0x45: {  	_ =	shalt  }
0x46: {  	_ =	shalt  }
0x47: {  	_ =	shalt  }
0x48: {  	_ =	shalt  }
0x49: {  	_ =	shalt  }
0x4a: {  	_ =	shalt  }
0x4b: {  	_ =	shalt  }
0x4c: {  	_ =	shalt  }
0x4d: {  	_ =	shalt  }
0x4e: {  	_ =	shalt  }
0x4f: {  	_ =	shalt  }
0x50: {  	_ =	shalt  }
0x51: {  	_ =	shalt  }
0x52: {  	_ =	shalt  }
0x53: {  	_ =	shalt  }
0x54: {  	_ =	shalt  }
0x55: {  	_ =	shalt  }
0x56: {  	_ =	shalt  }
0x57: {  	_ =	shalt  }
0x58: {  	_ =	shalt  }
0x59: {  	_ =	shalt  }
0x5a: {  	_ =	shalt  }
0x5b: {  	_ =	shalt  }
0x5c: {  	_ =	shalt  }
0x5d: {  	_ =	shalt  }
0x5e: {  	_ =	shalt  }
0x5f: {  	_ =	shalt  }
0x60: {  	_ =	shalt  }
0x61: {  	_ =	shalt  }
0x62: {  	_ =	shalt  }
0x63: {  	_ =	shalt  }
0x64: {  	_ =	shalt  }
0x65: {  	_ =	shalt  }
0x66: {  	_ =	shalt  }
0x67: {  	_ =	shalt  }
0x68: {  	_ =	shalt  }
0x69: {  	_ =	shalt  }
0x6a: {  	_ =	shalt  }
0x6b: {  	_ =	shalt  }
0x6c: {  	_ =	shalt  }
0x6d: {  	_ =	shalt  }
0x6e: {  	_ =	shalt  }
0x6f: {  	_ =	shalt  }
0x70: {  	_ =	shalt  }
0x71: {  	_ =	shalt  }
0x72: {  	_ =	shalt  }
0x73: {  	_ =	shalt  }
0x74: {  	_ =	shalt  }
0x75: {  	_ =	shalt  }
0x76: {  	_ =	shalt  }
0x77: {  	_ =	shalt  }
0x78: {  	_ =	shalt  }
0x79: {  	_ =	shalt  }
0x7a: {  	_ =	shalt  }
0x7b: {  	_ =	shalt  }
0x7c: {  	_ =	shalt  }
0x7d: {  	_ =	shalt  }
0x7e: {  	_ =	shalt  }
0x7f: {  	_ =	shalt  }
0x80: {  	_ =	shalt  }
0x81: {  	_ =	shalt  }
0x82: {  	_ =	shalt  }
0x83: {  	_ =	shalt  }
0x84: {  	_ =	shalt  }
0x85: {  	_ =	shalt  }
0x86: {  	_ =	shalt  }
0x87: {  	_ =	shalt  }
.Lfunc_end0:
.L_simem_size_0:
called_computation.6_lowered:
.L_overlay_start_0:
0x88: {  	s2 =	sld [smem:$0x3FD9]  }
0x89: {  	s3 =	sld [smem:$0x3FFE];
	_ =	sdelay $0x1  }
0x8a: {  	s1 =	srdreg.scid  }
0x8b: {  	s0 =	sand.u32 $0x1, s1  }
0x8c: {  	s17 =	sshll.u32 s0, $0xA;
	s2 =	sadd.s32 s3, s2  }
0x8d: {  	s2 =	sadd.s32 s2, s17  }
0x8e: {  	[smem:$0x3FB0] =	sst s2  }
0x8f: {  	_ = 	snop  }
0x90: {  	(tm) =	ssettm $0x1  }
0x91: {  	s18 =	sld [smem:$0x3FFB];
	_ =	sdelay $0x3  }
0x92: {  	_ =	strace s18  }
0x93: {  	s2 =	sld [smem:$0x3FFC];
	_ =	sdelay $0x3  }
0x94: {  	_ =	strace s2  }
0x95: {  	s2 =	sld [smem:$0x3FFD];
	_ =	sdelay $0x3  }
0x96: {  	_ =	strace s2  }
0x97: {  	_ =	strace $0x8FFFFFFF  }
0x98: {  	s19 =	sld [smem:$0x3FDB];
	_ =	sdelay $0x1  }
0x99: {  	s20 =	simm.s32 $_scs_section_size  }
0x9a: {  	s4 =	simm.s32 $_size__tile_overlayer_lowered;
	s5 =	simm.s32 $_tile_overlayer_lowered  }
0x9b: {  	s6 =	simm.s32 $0x1BFF;
	s21 =	sshll.u32 s5, $0x1;
	s3 =	sadd.s32 s20, s19  }
0x9c: {  	s22 =	simm.s32 $0x0;
	s4 =	sshll.u32 s4, $0x1;
	s5 =	sadd.s32 s21, s3  }
0x9d: {  	[timem:s22], [sflag:s6] =	dma.local [hbm:s5], s4  }
0x9e: {  	_ =	swait.ge [sflag:s6], s4  }
0x9f: {  	s4 =	ssub.s32 $0x0, s4;
	[sflag:s6] =	ssyncset.done $0x0  }
0xa0: {  	[sflag:s6] =	ssyncadd.s32 s4;
	_ =	sdelay $0x1  }
0xa1: {  	s23 =	simm.s32 $0x1B8B  }
0xa2: {  	_ =	swait.ge [sflag:s23], $0x1  }
0xa3: {  	[sflag:s23] =	ssyncset.done $0x0  }
0xa4: {  	[sflag:s23] =	ssyncadd.s32 $0xFFFFFFFF  }
0xa5: {  	s4 =	sld [smem:$0x0]  }
0xa6: {  	s5 =	sand.u32 $0xFFFFFFFE, s1  }
0xa7: {  	p0 =	sne.s32 s1, s5  }
0xa8: {  	s5 =	sshll.u32 @p0 s5, $0xE  }
0xa9: {  	s5 =	sadd.s32 @p0 $0x11B8D, s5;
	s6 =	sshll.u32 @p0 s4, $0x11  }
0xaa: {  	s5 =	sor.u32 @p0 s6, s5  }
0xab: {  	[sflag:s5] =	ssyncadd.remote.s32 @p0 $0x1;
	_ =	sdelay $0x1  }
0xac: {  	s5 =	simm.s32 @p0 $0x1B8D  }
0xad: {  	_ =	swait.eq @p0 [sflag:s5], $0x1  }
0xae: {  	[sflag:s5] =	ssyncadd.s32 @p0 $0xFFFFFFFF  }
0xaf: {  	s6 =	sshll.u32 @!p0 s1, $0xE  }
0xb0: {  	s6 =	sor.u32 @!p0 $0x4000, s6;
	s5 =	simm.s32 @!p0 $0x1B8D  }
0xb1: {  	s4 =	sshll.u32 @!p0 s4, $0x11;
	s6 =	sadd.s32 @!p0 $0x11B8D, s6;
	_ =	swait.eq @!p0 [sflag:s5], $0x1  }
0xb2: {  	s4 =	sor.u32 @!p0 s4, s6;
	[sflag:s5] =	ssyncadd.s32 @!p0 $0xFFFFFFFF  }
0xb3: {  	s25 =	simm.s32 $0x1B8E;
	s24 =	sld [smem:$0x3FFE];
	[sflag:s4] =	ssyncadd.remote.s32 @!p0 $0x1  }
0xb4: {  	s26 =	simm.s32 $execute0_lowered;
	[smem:$0x3FD2] =	sst s25  }
0xb5: {  	s5 =	sshll.u32 s26, $0x1;
	_ =	strace $0x8000004F;
	[dreg:$0x1] =	wrdreg $0xFFFFFFFF  }
0xb6: {  	s28 =	simm.s32 $_size_execute0_lowered;
	s3 =	sadd.s32 s3, s5;
	[dreg:$0x0] =	wrdreg $0x0  }
0xb7: {  	s5 =	sshll.u32 s28, $0x1;
	[dreg:$0x2] =	wrdreg s3  }
0xb8: {  	[dreg:$0x3] =	wrdreg s5  }
0xb9: {  	[dreg:$0x4] =	wrdreg $0xC0  }
0xba: {  	_ =	task [dreg:s22], $0x5FFFF  }
0xbb: {  	[dreg:$0x1] =	wrdreg $0xFFFFFFFF  }
0xbc: {  	[dreg:$0x0] =	wrdreg $0x60  }
0xbd: {  	[dreg:$0x2] =	wrdreg s24  }
0xbe: {  	[dreg:$0x3] =	wrdreg $0xA  }
0xbf: {  	_ =	task.clear_ibuf [dreg:s22], $0x4FFFF;
	_ =	strace $0x9000004F  }
0xc0: {  	s29 =	simm.s32 $0xA;
	_ =	strace $0x80000051  }
0xc1: {  	_ =	swait.ge [sflag:s29], $0x1  }
0xc2: {  	[sflag:s29] =	ssyncadd.s32 $0xFFFFFFFF  }
0xc3: {  	_ =	strace $0x90000051  }
0xc4: {  	_ =	sfence  }
0xc5: {  	s30 =	sld [smem:$0x0];
	_ =	sdelay $0x2  }
0xc6: {  	s31 =	sshll.u32 s1, $0xD;
	s1 =	sshrl.u32 s1, $0x2  }
0xc7: {  	s4 =	sand.u32 $0x4000, s31;
	s1 =	sadd.s32 s1, s30  }
0xc8: {  	s0 =	sor.u32 s4, s0;
	s1 =	sshll.u32 s1, $0x11  }
0xc9: {  	s0 =	sor.u32 s1, s0  }
0xca: {  	s0 =	sadd.s32 $0x8F2B, s0  }
0xcb: {  	[sflag:s0] =	ssyncadd.remote.s32 $0x1  }
0xcc: {  	_ =	sfence.sel $0xFFFF  }
0xcd: {  	[dreg:$0x0] =	wrdreg $0xFFFFFFFF;
	(pc) =	sbr.abs _section_cstart, $3  }
0xce: {  	[dreg:$0x1] =	wrdreg $0xFFFFFFFF  }
0xcf: {  	_ =	task.clear_ibuf [dreg:s22], $0x2FFFF;
	_ =	strace $0x9FFFFFFF  }
0xd0: {  	(tm) =	ssettm $0x7FFFFFFF  }
0xd1: {  	_ =	shalt  }
tec
execute0_lowered:
.L_overlay_start_1:
0x0: {  	(tag) =	ssettag $0x1  }
0x1: {  	s0 =	srdreg.scid  }
0x2: {  	s5 =	rddreg [dreg:$0x0];
	s1 =	stileid.u32  }
0x3: {  	s2 =	simm.s32 $0x0;
	s10 =	simm.s32 $0x2880;
	s11 =	simm.s32 $0x80  }
0x4: {  	s12 =	simm.s32 $0x5100;
	s13 =	simm.s32 $0x1;
	s4 =	sand.u32 $0x1, s0  }
0x5: {  	s14 =	simm.s32 $0x6100;
	s15 =	simm.s32 $0x0;
	s3 =	sshll.u32 s4, $0x4  }
0x6: {  	s0 =	rddreg [dreg:$0x1];
	s7 =	smul.u32 $0xA2000, s4;
	s3 =	sor.u32 s1, s3  }
0x7: {  	[smem:$0x7FF] =	sst s2;
	s4 =	ssub.s32 $0x2, s4;
	s6 =	smul.u32 $0x2880, s3  }
0x8: {  	s9 =	smul.u32 $0xA200, s1;
	_ =	strace $0x80000050;
	s8 =	sshrl.u32 s4, $0x1  }
0x9: {  	s3 =	sadd.s32 $0x212A00, s5;
	s7 =	sadd.s32 s7, s5;
	s6 =	sshrl.u32 s6, $0x3  }
0xa: {  	s8 =	ssub.s32 s4, s8;
	s31 =	sadd.s32 s9, s7;
	s6 =	sadd.s32 s6, s5  }
0xb: {  	s9 =	simm.s32 $0x2;
	s7 =	sadd.s32 $0x1DC00, s31;
	s4 =	sadd.s32 $0x13A00, s6  }
0xc: {  	s5 =	sadd.s32 $0x9800, s6;
	s6 =	smax.u32 s8, $0x1;
	s8 =	sadd.s32 $0x2AFE00, s31  }
.LBB2_1:
0xd: {  	[tilespmem:s2], [sflag:$0x2] =	stream.linear.gather [hbm4b:s4+s2], $0x2880, $0x38;
	[tilespmem:$0x7100] =	vst v63  }
0xe: {  	_ =	swait.ge [sflag:s9], $0x2880  }
0xf: {  	[sflag:s9] =	ssyncset.done $0x0  }
0x10: {  	[sflag:s9] =	ssyncadd.s32 $0xFFFFD780  }
0x11: {  	[tilespmem:s10], [sflag:$0x2] =	stream.linear.gather [hbm4b:s5+s2], $0x2880, $0x38;
	[tilespmem:$0x7100] =	vst v63  }
0x12: {  	_ =	swait.ge [sflag:s9], $0x2880  }
0x13: {  	[sflag:s9] =	ssyncset.done $0x0  }
0x14: {  	s16 =	simm.s32 $0x0;
	[sflag:s9] =	ssyncadd.s32 $0xFFFFD780  }
0x15: {  	[tilespmem:s12], [sflag:$0x1] =	stream.indirect.gather [hbm4b:s3+s11], $0x20, s16, s11, $0xb8;
	[tilespmem:$0x7100] =	vst v63  }
0x16: {  	_ =	swait.ge [sflag:s13], $0x1000  }
0x17: {  	[sflag:s13] =	ssyncset.done $0x0  }
0x18: {  	s29 =	sadd.s32 $0x0, s8;
	[sflag:s13] =	ssyncadd.s32 $0xFFFFF000  }
0x19: {  	[hbm4b:s29+s2] =	stream.linear.scatter [tilespmem:s12], [sflag:$0x2], $0x1000, $0x38;
	[tilespmem:$0x7100] =	vst v63  }
0x1a: {  	_ =	swait.ge [sflag:s9], $0x1000  }
0x1b: {  	[sflag:s9] =	ssyncset.done $0x0  }
0x1c: {  	s30 =	simm.s32 $0x2880;
	[sflag:s9] =	ssyncadd.s32 $0xFFFFF000  }
0x1d: {  	[tilespmem:s14], [sflag:$0x1] =	stream.indirect.gather [hbm4b:s3+s11], $0x20, s30, s11, $0xb8;
	[tilespmem:$0x7100] =	vst v63  }
0x1e: {  	_ =	swait.ge [sflag:s13], $0x1000  }
0x1f: {  	[sflag:s13] =	ssyncset.done $0x0  }
0x20: {  	s31 =	sadd.s32 $0x0, s7;
	[sflag:s13] =	ssyncadd.s32 $0xFFFFF000  }
0x21: {  	[hbm4b:s31+s2] =	stream.linear.scatter [tilespmem:s14], [sflag:$0x2], $0x1000, $0x38;
	[tilespmem:$0x7100] =	vst v63  }
0x22: {  	_ =	swait.ge [sflag:s9], $0x1000  }
0x23: {  	s17 =	simm.s32 $0x400;
	s16 =	simm.s32 $0x200;
	[sflag:s9] =	ssyncset.done $0x0  }
.LBB2_2:
0x24: {  	s18 =	sshra.s32 s16, $0x2  }
0x25: {  	[sflag:s9] =	ssyncadd.s32 $0xFFFFF000;
	s19 =	smov.u32 s17;
	s20 =	sadd.s32 $0x200, s17  }
0x26: {  	[tilespmem:s12], [sflag:$0x1] =	stream.indirect.gather [hbm4b:s3+s11], $0x20, s18, s11, $0xb8;
	[tilespmem:$0x7100] =	vst v63  }
0x27: {  	p0 =	sne.s32 s17, $0xA000;
	_ =	swait.ge [sflag:s13], $0x1000  }
0x28: {  	[sflag:s13] =	ssyncset.done $0x0  }
0x29: {  	s17 =	sadd.s32 s16, s8;
	[sflag:s13] =	ssyncadd.s32 $0xFFFFF000  }
0x2a: {  	[hbm4b:s17+s2] =	stream.linear.scatter [tilespmem:s12], [sflag:$0x2], $0x1000, $0x38;
	[tilespmem:$0x7100] =	vst v63  }
0x2b: {  	_ =	swait.ge [sflag:s9], $0x1000  }
0x2c: {  	[sflag:s9] =	ssyncset.done $0x0  }
0x2d: {  	s17 =	sadd.s32 $0x2880, s18;
	[sflag:s9] =	ssyncadd.s32 $0xFFFFF000  }
0x2e: {  	[tilespmem:s14], [sflag:$0x1] =	stream.indirect.gather [hbm4b:s3+s11], $0x20, s17, s11, $0xb8;
	[tilespmem:$0x7100] =	vst v63  }
0x2f: {  	_ =	swait.ge [sflag:s13], $0x1000  }
.Ltmp0:
0x30: {  	[sflag:s13] =	ssyncset.done $0x0;
	(pc) =	sbr.rel @p0 .LBB2_2-.Ltmp0, $4  }
0x31: {  	s17 =	sadd.s32 s16, s7;
	s16 =	smov.u32 s19;
	[sflag:s13] =	ssyncadd.s32 $0xFFFFF000  }
0x32: {  	[hbm4b:s17+s2] =	stream.linear.scatter [tilespmem:s14], [sflag:$0x2], $0x1000, $0x38;
	[tilespmem:$0x7100] =	vst v63  }
0x33: {  	_ =	swait.ge [sflag:s9], $0x1000  }
0x34: {  	s17 =	smov.u32 s20;
	[sflag:s9] =	ssyncset.done $0x0  }
0x35: {  	s17 =	sshra.s32 s16, $0x2;
	[sflag:s9] =	ssyncadd.s32 $0xFFFFF000  }
0x36: {  	[tilespmem:s12], [sflag:$0x1] =	stream.indirect.gather [hbm4b:s3+s11], $0x20, s17, s11, $0xb8;
	[tilespmem:$0x7100] =	vst v63  }
0x37: {  	_ =	swait.ge [sflag:s13], $0x1000  }
0x38: {  	[sflag:s13] =	ssyncset.done $0x0  }
0x39: {  	s18 =	sadd.s32 s16, s8;
	[sflag:s13] =	ssyncadd.s32 $0xFFFFF000  }
0x3a: {  	[hbm4b:s18+s2] =	stream.linear.scatter [tilespmem:s12], [sflag:$0x2], $0x1000, $0x38;
	[tilespmem:$0x7100] =	vst v63  }
0x3b: {  	_ =	swait.ge [sflag:s9], $0x1000  }
0x3c: {  	[sflag:s9] =	ssyncset.done $0x0  }
0x3d: {  	s17 =	sadd.s32 $0x2880, s17;
	[sflag:s9] =	ssyncadd.s32 $0xFFFFF000  }
0x3e: {  	[tilespmem:s14], [sflag:$0x1] =	stream.indirect.gather [hbm4b:s3+s11], $0x20, s17, s11, $0xb8;
	[tilespmem:$0x7100] =	vst v63  }
0x3f: {  	s15 =	sadd.s32 $0x1, s15;
	_ =	swait.ge [sflag:s13], $0x1000  }
0x40: {  	p0 =	sne.s32 s15, s6;
	[sflag:s13] =	ssyncset.done $0x0  }
.Ltmp1:
0x41: {  	s31 =	sadd.s32 s16, s7;
	[sflag:s13] =	ssyncadd.s32 $0xFFFFF000;
	(pc) =	sbr.rel @p0 .LBB2_1-.Ltmp1, $4  }
0x42: {  	[hbm4b:s31+s2] =	stream.linear.scatter [tilespmem:s14], [sflag:$0x2], $0x1000, $0x38;
	[tilespmem:$0x7100] =	vst v63  }
0x43: {  	_ =	swait.ge [sflag:s9], $0x1000  }
0x44: {  	[sflag:s9] =	ssyncset.done $0x0  }
0x45: {  	[sflag:s9] =	ssyncadd.s32 $0xFFFFF000  }
0x46: {  	_ =	sfence.sel $0x180000  }
0x47: {  	[bflag:$0x0] =	sbarrier.arrive $0xFFFF  }
0x48: {  	p0 =	sne.s32 s1, $0x0;
	_ =	strace $0x90000050  }
0x49: {  	s0 =	sadd.s32 @!p0 $0x100000, s0;
	[bflag:$0x2] =	sbarrier.arrive $0xFFFF  }
0x4a: {  	[sflag:s0] =	ssyncadd.tile.s32 @!p0 $0x1;
	_ =	shalt  }
.Lfunc_end2:
_tile_overlayer_lowered:
.L_overlay_start_2:
0x4b: {  	(tag) =	ssettag $0x2  }
0x4c: {  	s0 =	rddreg [dreg:$0x0];
	s2 =	stileid.u32  }
0x4d: {  	s1 =	rddreg [dreg:$0x1];
	p0 =	sne.s32 s2, $0x0  }
0x4e: {  	s3 =	rddreg [dreg:$0x2];
	[bflag:$0x3] =	sbarrier.arrive $0xFFFF;
	s2 =	simm.s32 @!p0 $0x1C02  }
0x4f: {  	[timem:s3], [sflag:s2] =	dma.local @!p0 [hbm:s0], s1  }
0x50: {  	s0 =	simm.s32 @!p0 $0x2  }
0x51: {  	_ =	swait.ge @!p0 [sflag:s0], s1  }
0x52: {  	s1 =	ssub.s32 @!p0 $0x0, s1;
	[sflag:s0] =	ssyncset.done @!p0 $0x0  }
0x53: {  	[sflag:s0] =	ssyncadd.s32 @!p0 s1  }
0x54: {  	[bflag:$0x3] =	sbarrier.arrive $0xFFFF  }
0x55: {  	_ =	shalt  }

// kernel: kernel.49.cloned.1.call-start
scs
__scs_entry_jumppad:
0x0: {  	(pc) =	sbr.rel $0x88, $3  }
0x1: {  	(tag) =	ssettag $0x0;
	lr =	simm.s32 $0x1  }
0x2: {  	[smem:$0x3F89] =	sst lr;
	_ =	strace $0xD0000000  }
0x3: {  	_ = 	snop  }
0x4: {  	_ = 	snop  }
0x5: {  	_ = 	snop  }
0x6: {  	_ = 	snop  }
0x7: {  	_ = 	snop  }
__scs_overlays_trampoline_lowered:
0x8: {  	[smem:$0x3F98] =	sst s0  }
0x9: {  	[smem:$0x3F99] =	sst s1  }
0xa: {  	[smem:$0x3F9A] =	sst s2  }
0xb: {  	[smem:$0x3F9B] =	sst s3  }
0xc: {  	[smem:$0x3F9C] =	sst s4  }
0xd: {  	[smem:$0x3F9D] =	sst s5  }
0xe: {  	[smem:$0x3F9E] =	sst s6  }
0xf: {  	[smem:$0x3F9F] =	sst s7  }
0x10: {  	[smem:$0x3FA0] =	sst s8  }
0x11: {  	[smem:$0x3FA1] =	sst s9;
	s0 =	simm.s32 @!p0 $0x0  }
0x12: {  	s1 =	sld [smem:$0x3F87];
	s0 =	simm.s32 @p0 $0x1  }
0x13: {  	[smem:$0x3FA2] =	sst s0;
	s0 =	simm.s32 @!p1 $0x0  }
0x14: {  	s2 =	sld [smem:$0x3F86];
	s0 =	simm.s32 @p1 $0x1  }
0x15: {  	[smem:$0x3FA3] =	sst s0;
	s0 =	simm.s32 @!p2 $0x0  }
0x16: {  	s3 =	sld [smem:$0x3FDB];
	s0 =	simm.s32 @p2 $0x1  }
0x17: {  	s4 =	simm.s32 $0x1BF5;
	[smem:$0x3FA5] =	sst s0  }
0x18: {  	s0 =	sld [smem:$0x3F88];
	_ =	swait.ge [sflag:s4], $0x0  }
0x19: {  	s7 =	sld [smem:$0x3F89]  }
0x1a: {  	s8 =	sadd.s32 $0xFFFFE003, lr  }
0x1b: {  	s9 =	sadd.s32 $0xFFFFFEF7, lr;
	s5 =	simm.s32 $0xFFFFFFFF;
	p2 =	slt.u32 s8, $0xFFFFF086  }
0x1c: {  	p1 =	slt.u32 s9, $0xF7A;
	s5 =	simm.s32 @!p2 $0x0  }
0x1d: {  	s5 =	simm.s32 @p1 $0x1;
	p0 =	seq.s32 s7, s2  }
0x1e: {  	s7 =	smul.u32 @!p0 $0xF7A, s2;
	p2 =	seq.s32 @!p0 s5, $0x0  }
0x1f: {  	s9 =	smul.u32 $0xF7A, s1;
	s8 =	simm.s32 @!p0 $0x1BF5;
	p2 =	por !p2, p0  }
0x20: {  	[sflag:s8] =	ssyncset.s32 @!p0 $0xFFFFF086;
	s6 =	sadd.s32 @!p0 s3, s7;
	s7 =	simm.s32 @!p0 $0x108  }
0x21: {  	s3 =	sadd.s32 s3, s9;
	s6 =	sadd.s32 @!p0 $0x88, s6;
	s7 =	simm.s32 @p2 $0x1082  }
0x22: {  	[simem:s7], [sflag:s8] =	dma.local @!p0 [hbm:s6], $0xF7A  }
0x23: {  	s9 =	sor.u32 $0xD0000000, s2;
	s6 =	simm.s32 $0x108;
	_ =	swait.ge @!p0 [sflag:s8], $0x0  }
0x24: {  	s3 =	sadd.s32 $0x88, s3;
	s6 =	simm.s32 @!p1 $0x1082;
	[sflag:s4] =	ssyncset.s32 $0xFFFFF086  }
0x25: {  	[simem:s6], [sflag:s4] =	dma.local [hbm:s3], $0xF7A  }
0x26: {  	[smem:$0x3F89] =	sst s1;
	(tag) =	ssettag s2;
	_ =	strace s9  }
0x27: {  	s1 =	sld [smem:$0x3F99]  }
0x28: {  	s2 =	sld [smem:$0x3F9A]  }
0x29: {  	s4 =	sld [smem:$0x3F9C]  }
0x2a: {  	p0 =	seq.s32 s5, $0x0;
	s5 =	sld [smem:$0x3F9D]  }
0x2b: {  	s6 =	sld [smem:$0x3F9E]  }
0x2c: {  	s7 =	sld [smem:$0x3F9F]  }
0x2d: {  	s3 =	simm.s32 $0x108;
	s8 =	sld [smem:$0x3FA0]  }
0x2e: {  	s3 =	simm.s32 @!p0 $0x1082;
	s9 =	sld [smem:$0x3FA1]  }
0x2f: {  	lr =	sadd.s32 s0, s3;
	s0 =	sld [smem:$0x3F98]  }
0x30: {  	s3 =	sld [smem:$0x3F9B]  }
0x31: {  	[smem:$0x3FA4] =	sst s10  }
0x32: {  	s10 =	sld [smem:$0x3FA2];
	_ =	sdelay $0x3  }
0x33: {  	p0 =	seq.s32 s10, $0x1;
	s10 =	sld [smem:$0x3FA4];
	_ =	sdelay $0x3  }
0x34: {  	[smem:$0x3FA4] =	sst s10  }
0x35: {  	s10 =	sld [smem:$0x3FA3];
	_ =	sdelay $0x3  }
0x36: {  	p1 =	seq.s32 s10, $0x1;
	s10 =	sld [smem:$0x3FA4];
	_ =	sdelay $0x3  }
0x37: {  	[smem:$0x3FA4] =	sst s10  }
0x38: {  	s10 =	sld [smem:$0x3FA5]  }
0x39: {  	_ = 	snop;
	(pc) =	sbr.ind lr, $3  }
0x3a: {  	_ = 	snop  }
0x3b: {  	_ = 	snop  }
0x3c: {  	p2 =	seq.s32 s10, $0x1;
	s10 =	sld [smem:$0x3FA4]  }
0x3d: {  	_ =	shalt  }
0x3e: {  	_ =	shalt  }
0x3f: {  	_ =	shalt  }
0x40: {  	_ =	shalt  }
0x41: {  	_ =	shalt  }
0x42: {  	_ =	shalt  }
0x43: {  	_ =	shalt  }
0x44: {  	_ =	shalt  }
0x45: {  	_ =	shalt  }
0x46: {  	_ =	shalt  }
0x47: {  	_ =	shalt  }
0x48: {  	_ =	shalt  }
0x49: {  	_ =	shalt  }
0x4a: {  	_ =	shalt  }
0x4b: {  	_ =	shalt  }
0x4c: {  	_ =	shalt  }
0x4d: {  	_ =	shalt  }
0x4e: {  	_ =	shalt  }
0x4f: {  	_ =	shalt  }
0x50: {  	_ =	shalt  }
0x51: {  	_ =	shalt  }
0x52: {  	_ =	shalt  }
0x53: {  	_ =	shalt  }
0x54: {  	_ =	shalt  }
0x55: {  	_ =	shalt  }
0x56: {  	_ =	shalt  }
0x57: {  	_ =	shalt  }
0x58: {  	_ =	shalt  }
0x59: {  	_ =	shalt  }
0x5a: {  	_ =	shalt  }
0x5b: {  	_ =	shalt  }
0x5c: {  	_ =	shalt  }
0x5d: {  	_ =	shalt  }
0x5e: {  	_ =	shalt  }
0x5f: {  	_ =	shalt  }
0x60: {  	_ =	shalt  }
0x61: {  	_ =	shalt  }
0x62: {  	_ =	shalt  }
0x63: {  	_ =	shalt  }
0x64: {  	_ =	shalt  }
0x65: {  	_ =	shalt  }
0x66: {  	_ =	shalt  }
0x67: {  	_ =	shalt  }
0x68: {  	_ =	shalt  }
0x69: {  	_ =	shalt  }
0x6a: {  	_ =	shalt  }
0x6b: {  	_ =	shalt  }
0x6c: {  	_ =	shalt  }
0x6d: {  	_ =	shalt  }
0x6e: {  	_ =	shalt  }
0x6f: {  	_ =	shalt  }
0x70: {  	_ =	shalt  }
0x71: {  	_ =	shalt  }
0x72: {  	_ =	shalt  }
0x73: {  	_ =	shalt  }
0x74: {  	_ =	shalt  }
0x75: {  	_ =	shalt  }
0x76: {  	_ =	shalt  }
0x77: {  	_ =	shalt  }
0x78: {  	_ =	shalt  }
0x79: {  	_ =	shalt  }
0x7a: {  	_ =	shalt  }
0x7b: {  	_ =	shalt  }
0x7c: {  	_ =	shalt  }
0x7d: {  	_ =	shalt  }
0x7e: {  	_ =	shalt  }
0x7f: {  	_ =	shalt  }
0x80: {  	_ =	shalt  }
0x81: {  	_ =	shalt  }
0x82: {  	_ =	shalt  }
0x83: {  	_ =	shalt  }
0x84: {  	_ =	shalt  }
0x85: {  	_ =	shalt  }
0x86: {  	_ =	shalt  }
0x87: {  	_ =	shalt  }
.Lfunc_end0:
.L_simem_size_0:
called_computation.7_lowered:
.L_overlay_start_0:
0x88: {  	s2 =	sld [smem:$0x3FD9]  }
0x89: {  	s3 =	sld [smem:$0x3FFE];
	_ =	sdelay $0x1  }
0x8a: {  	s1 =	srdreg.scid  }
0x8b: {  	s0 =	sand.u32 $0x1, s1  }
0x8c: {  	s17 =	sshll.u32 s0, $0xA;
	s2 =	sadd.s32 s3, s2  }
0x8d: {  	s2 =	sadd.s32 s2, s17  }
0x8e: {  	[smem:$0x3FB0] =	sst s2  }
0x8f: {  	_ = 	snop  }
0x90: {  	(tm) =	ssettm $0x1  }
0x91: {  	s18 =	sld [smem:$0x3FFB];
	_ =	sdelay $0x3  }
0x92: {  	_ =	strace s18  }
0x93: {  	s2 =	sld [smem:$0x3FFC];
	_ =	sdelay $0x3  }
0x94: {  	_ =	strace s2  }
0x95: {  	s2 =	sld [smem:$0x3FFD];
	_ =	sdelay $0x3  }
0x96: {  	_ =	strace s2  }
0x97: {  	_ =	strace $0x8FFFFFFF  }
0x98: {  	s19 =	sld [smem:$0x3FDB];
	_ =	sdelay $0x1  }
0x99: {  	s20 =	simm.s32 $_scs_section_size  }
0x9a: {  	s4 =	simm.s32 $_size__tile_overlayer_lowered;
	s5 =	simm.s32 $_tile_overlayer_lowered  }
0x9b: {  	s6 =	simm.s32 $0x1BFF;
	s21 =	sshll.u32 s5, $0x1;
	s3 =	sadd.s32 s20, s19  }
0x9c: {  	s22 =	simm.s32 $0x0;
	s4 =	sshll.u32 s4, $0x1;
	s5 =	sadd.s32 s21, s3  }
0x9d: {  	[timem:s22], [sflag:s6] =	dma.local [hbm:s5], s4  }
0x9e: {  	_ =	swait.ge [sflag:s6], s4  }
0x9f: {  	s4 =	ssub.s32 $0x0, s4;
	[sflag:s6] =	ssyncset.done $0x0  }
0xa0: {  	[sflag:s6] =	ssyncadd.s32 s4;
	_ =	sdelay $0x1  }
0xa1: {  	s23 =	simm.s32 $0x1B8B  }
0xa2: {  	_ =	swait.ge [sflag:s23], $0x1  }
0xa3: {  	[sflag:s23] =	ssyncset.done $0x0  }
0xa4: {  	[sflag:s23] =	ssyncadd.s32 $0xFFFFFFFF  }
0xa5: {  	s4 =	sld [smem:$0x0]  }
0xa6: {  	s5 =	sand.u32 $0xFFFFFFFE, s1  }
0xa7: {  	p0 =	sne.s32 s1, s5  }
0xa8: {  	s5 =	sshll.u32 @p0 s5, $0xE  }
0xa9: {  	s5 =	sadd.s32 @p0 $0x11B8D, s5;
	s6 =	sshll.u32 @p0 s4, $0x11  }
0xaa: {  	s5 =	sor.u32 @p0 s6, s5  }
0xab: {  	[sflag:s5] =	ssyncadd.remote.s32 @p0 $0x1;
	_ =	sdelay $0x1  }
0xac: {  	s5 =	simm.s32 @p0 $0x1B8D  }
0xad: {  	_ =	swait.eq @p0 [sflag:s5], $0x1  }
0xae: {  	[sflag:s5] =	ssyncadd.s32 @p0 $0xFFFFFFFF  }
0xaf: {  	s6 =	sshll.u32 @!p0 s1, $0xE  }
0xb0: {  	s6 =	sor.u32 @!p0 $0x4000, s6;
	s5 =	simm.s32 @!p0 $0x1B8D  }
0xb1: {  	s4 =	sshll.u32 @!p0 s4, $0x11;
	s6 =	sadd.s32 @!p0 $0x11B8D, s6;
	_ =	swait.eq @!p0 [sflag:s5], $0x1  }
0xb2: {  	s4 =	sor.u32 @!p0 s4, s6;
	[sflag:s5] =	ssyncadd.s32 @!p0 $0xFFFFFFFF  }
0xb3: {  	s25 =	simm.s32 $0x1B8E;
	s24 =	sld [smem:$0x3FFE];
	[sflag:s4] =	ssyncadd.remote.s32 @!p0 $0x1  }
0xb4: {  	s26 =	simm.s32 $execute0_lowered;
	[smem:$0x3FD2] =	sst s25  }
0xb5: {  	s5 =	sshll.u32 s26, $0x1;
	_ =	strace $0x80000055;
	[dreg:$0x1] =	wrdreg $0xFFFFFFFF  }
0xb6: {  	s28 =	simm.s32 $_size_execute0_lowered;
	s3 =	sadd.s32 s3, s5;
	[dreg:$0x0] =	wrdreg $0x0  }
0xb7: {  	s5 =	sshll.u32 s28, $0x1;
	[dreg:$0x2] =	wrdreg s3  }
0xb8: {  	[dreg:$0x3] =	wrdreg s5  }
0xb9: {  	[dreg:$0x4] =	wrdreg $0xC0  }
0xba: {  	_ =	task [dreg:s22], $0x5FFFF  }
0xbb: {  	[dreg:$0x1] =	wrdreg $0xFFFFFFFF  }
0xbc: {  	[dreg:$0x0] =	wrdreg $0x60  }
0xbd: {  	[dreg:$0x2] =	wrdreg s24  }
0xbe: {  	[dreg:$0x3] =	wrdreg $0x69000  }
0xbf: {  	[dreg:$0x4] =	wrdreg $0xA  }
0xc0: {  	_ =	task.clear_ibuf [dreg:s22], $0x5FFFF;
	_ =	strace $0x90000055  }
0xc1: {  	s29 =	simm.s32 $0xA;
	_ =	strace $0x80000057  }
0xc2: {  	_ =	swait.ge [sflag:s29], $0x1  }
0xc3: {  	[sflag:s29] =	ssyncadd.s32 $0xFFFFFFFF  }
0xc4: {  	_ =	strace $0x90000057  }
0xc5: {  	_ =	sfence  }
0xc6: {  	s30 =	sld [smem:$0x0];
	_ =	sdelay $0x2  }
0xc7: {  	s31 =	sshll.u32 s1, $0xD;
	s1 =	sshrl.u32 s1, $0x2  }
0xc8: {  	s4 =	sand.u32 $0x4000, s31;
	s1 =	sadd.s32 s1, s30  }
0xc9: {  	s0 =	sor.u32 s4, s0;
	s1 =	sshll.u32 s1, $0x11  }
0xca: {  	s0 =	sor.u32 s1, s0  }
0xcb: {  	s0 =	sadd.s32 $0x8F2B, s0  }
0xcc: {  	[sflag:s0] =	ssyncadd.remote.s32 $0x1  }
0xcd: {  	_ =	sfence.sel $0xFFFF  }
0xce: {  	[dreg:$0x0] =	wrdreg $0xFFFFFFFF;
	(pc) =	sbr.abs _section_cstart, $3  }
0xcf: {  	[dreg:$0x1] =	wrdreg $0xFFFFFFFF  }
0xd0: {  	_ =	task.clear_ibuf [dreg:s22], $0x2FFFF;
	_ =	strace $0x9FFFFFFF  }
0xd1: {  	(tm) =	ssettm $0x7FFFFFFF  }
tec
execute0_lowered:
.L_overlay_start_1:
0x0: {  	(tag) =	ssettag $0x1  }
0x1: {  	s5 =	rddreg [dreg:$0x0]  }
0x2: {  	s1 =	rddreg [dreg:$0x1]  }
0x3: {  	s2 =	srdreg.scid;
	s0 =	rddreg [dreg:$0x2];
	s3 =	simm.s32 $0x0  }
0x4: {  	s13 =	simm.s32 $0x80;
	s14 =	simm.s32 $0x5100;
	s15 =	simm.s32 $0x1  }
0x5: {  	s6 =	sand.u32 $0x1, s2;
	s2 =	stileid.u32;
	[smem:$0x7FF] =	sst s3  }
0x6: {  	s4 =	sshll.u32 s6, $0x4;
	s8 =	smul.u32 $0x7680, s2;
	_ =	strace $0x80000056  }
0x7: {  	s9 =	smul.u32 $0xED00, s6;
	s6 =	ssub.s32 $0x2, s6;
	s31 =	sshll.u32 s2, $0x6  }
0x8: {  	s7 =	sor.u32 s2, s4;
	s4 =	sadd.s32 $0x1DC00, s5;
	s11 =	sshrl.u32 s6, $0x1  }
0x9: {  	s7 =	smul.u32 $0x510, s7;
	s16 =	sshrl.u32 s8, $0x3;
	s9 =	sadd.s32 s9, s5  }
0xa: {  	s11 =	ssub.s32 s6, s11;
	s12 =	sadd.s32 s8, s1;
	s30 =	sadd.s32 s16, s5  }
0xb: {  	s17 =	sadd.s32 $0x2AFE00, s9;
	s9 =	smax.u32 s11, $0x1;
	s11 =	simm.s32 $0x2  }
0xc: {  	s10 =	sadd.s32 s7, s5;
	s5 =	sadd.s32 $0x203C00, s30;
	s7 =	sor.u32 $0x1C02, s31  }
0xd: {  	s16 =	sadd.s32 s16, s17;
	s17 =	simm.s32 $0x0;
	s6 =	sadd.s32 $0x2A5C00, s10  }
0xe: {  	s8 =	sadd.s32 $0x9800, s10;
	s10 =	sshrl.u32 s12, $0x3;
	s12 =	simm.s32 $0x2880  }
.LBB2_1:
0xf: {  	[spmem:s10], [sflag:s7] =	dma.local [hbm:s5], $0xED0  }
0x10: {  	_ =	swait.ge [sflag:s11], $0xED0  }
0x11: {  	[sflag:s11] =	ssyncset.done $0x0  }
0x12: {  	[sflag:s11] =	ssyncadd.s32 $0xFFFFF130  }
0x13: {  	[tilespmem:s3], [sflag:$0x2] =	stream.linear.gather [hbm4b:s6+s3], $0x2880, $0x38;
	[tilespmem:$0xDF80] =	vst v63  }
0x14: {  	_ =	swait.ge [sflag:s11], $0x2880  }
0x15: {  	[sflag:s11] =	ssyncset.done $0x0  }
0x16: {  	[sflag:s11] =	ssyncadd.s32 $0xFFFFD780  }
0x17: {  	[tilespmem:s12], [sflag:$0x2] =	stream.linear.gather [hbm4b:s8+s3], $0x2880, $0x38;
	[tilespmem:$0xDF80] =	vst v63  }
0x18: {  	_ =	swait.ge [sflag:s11], $0x2880  }
0x19: {  	[sflag:s11] =	ssyncset.done $0x0  }
0x1a: {  	[sflag:s11] =	ssyncadd.s32 $0xFFFFD780  }
0x1b: {  	s18 =	simm.s32 $0x0;
	[bflag:$0x0] =	sbarrier.arrive $0xFFFF  }
0x1c: {  	[tilespmem:s14], [sflag:$0x1] =	stream.indirect.gather [hbm4b:s4+s13], $0x30, s18, s13, $0xb8;
	[tilespmem:$0xDF80] =	vst v63  }
0x1d: {  	_ =	swait.ge [sflag:s15], $0x1800  }
0x1e: {  	[sflag:s15] =	ssyncset.done $0x0  }
0x1f: {  	s31 =	simm.s32 $0x2880;
	[sflag:s15] =	ssyncadd.s32 $0xFFFFE800  }
0x20: {  	[spmem:s1] =	stream.indirect.scatter.add.f32 [tilespmem:s14], [sflag:$0x2], $0x30, s31, s13, $0xb8;
	[tilespmem:$0xDF80] =	vst v63  }
0x21: {  	_ =	swait.ge [sflag:s11], $0x1800  }
0x22: {  	s19 =	simm.s32 $0x400;
	s18 =	simm.s32 $0x200;
	[sflag:s11] =	ssyncset.done $0x0  }
.LBB2_2:
0x23: {  	s20 =	sshra.s32 s18, $0x2  }
0x24: {  	[sflag:s11] =	ssyncadd.s32 $0xFFFFE800;
	s18 =	smov.u32 s19;
	s21 =	sadd.s32 $0x200, s19  }
0x25: {  	[tilespmem:s14], [sflag:$0x1] =	stream.indirect.gather [hbm4b:s4+s13], $0x30, s20, s13, $0xb8;
	[tilespmem:$0xDF80] =	vst v63  }
0x26: {  	p0 =	sne.s32 s19, $0xA000;
	_ =	swait.ge [sflag:s15], $0x1800  }
.Ltmp0:
0x27: {  	[sflag:s15] =	ssyncset.done $0x0;
	(pc) =	sbr.rel @p0 .LBB2_2-.Ltmp0, $4  }
0x28: {  	s19 =	sadd.s32 $0x2880, s20;
	[sflag:s15] =	ssyncadd.s32 $0xFFFFE800  }
0x29: {  	[spmem:s1] =	stream.indirect.scatter.add.f32 [tilespmem:s14], [sflag:$0x2], $0x30, s19, s13, $0xb8;
	[tilespmem:$0xDF80] =	vst v63  }
0x2a: {  	_ =	swait.ge [sflag:s11], $0x1800  }
0x2b: {  	s19 =	smov.u32 s21;
	[sflag:s11] =	ssyncset.done $0x0  }
0x2c: {  	s18 =	sshra.s32 s18, $0x2;
	[sflag:s11] =	ssyncadd.s32 $0xFFFFE800  }
0x2d: {  	[tilespmem:s14], [sflag:$0x1] =	stream.indirect.gather [hbm4b:s4+s13], $0x30, s18, s13, $0xb8;
	[tilespmem:$0xDF80] =	vst v63  }
0x2e: {  	_ =	swait.ge [sflag:s15], $0x1800  }
0x2f: {  	[sflag:s15] =	ssyncset.done $0x0  }
0x30: {  	s18 =	sadd.s32 $0x2880, s18;
	[sflag:s15] =	ssyncadd.s32 $0xFFFFE800  }
0x31: {  	[spmem:s1] =	stream.indirect.scatter.add.f32 [tilespmem:s14], [sflag:$0x2], $0x30, s18, s13, $0xb8;
	[tilespmem:$0xDF80] =	vst v63  }
0x32: {  	_ =	swait.ge [sflag:s11], $0x1800  }
0x33: {  	s17 =	sadd.s32 $0x1, s17;
	[sflag:s11] =	ssyncset.done $0x0  }
0x34: {  	p0 =	sne.s32 s17, s9;
	[sflag:s11] =	ssyncadd.s32 $0xFFFFE800  }
.Ltmp1:
0x35: {  	[bflag:$0x0] =	sbarrier.arrive $0xFFFF;
	(pc) =	sbr.rel @p0 .LBB2_1-.Ltmp1, $4  }
0x36: {  	[hbm:s16], [sflag:s7] =	dma.local [spmem:s10], $0xED0  }
0x37: {  	_ =	swait.ge [sflag:s11], $0xED0  }
0x38: {  	[sflag:s11] =	ssyncset.done $0x0  }
0x39: {  	[sflag:s11] =	ssyncadd.s32 $0xFFFFF130  }
0x3a: {  	_ =	sfence.sel $0x180000  }
0x3b: {  	[bflag:$0x0] =	sbarrier.arrive $0xFFFF  }
0x3c: {  	p0 =	sne.s32 s2, $0x0;
	_ =	strace $0x90000056  }
0x3d: {  	s0 =	sadd.s32 @!p0 $0x100000, s0;
	[bflag:$0x2] =	sbarrier.arrive $0xFFFF  }
0x3e: {  	[sflag:s0] =	ssyncadd.tile.s32 @!p0 $0x1;
	_ =	shalt  }
.Lfunc_end2:
_tile_overlayer_lowered:
.L_overlay_start_2:
0x3f: {  	(tag) =	ssettag $0x2  }
0x40: {  	s0 =	rddreg [dreg:$0x0];
	s2 =	stileid.u32  }
0x41: {  	s1 =	rddreg [dreg:$0x1];
	p0 =	sne.s32 s2, $0x0  }
0x42: {  	s3 =	rddreg [dreg:$0x2];
	[bflag:$0x3] =	sbarrier.arrive $0xFFFF;
	s2 =	simm.s32 @!p0 $0x1C02  }
0x43: {  	[timem:s3], [sflag:s2] =	dma.local @!p0 [hbm:s0], s1  }
0x44: {  	s0 =	simm.s32 @!p0 $0x2  }
0x45: {  	_ =	swait.ge @!p0 [sflag:s0], s1  }
0x46: {  	s1 =	ssub.s32 @!p0 $0x0, s1;
	[sflag:s0] =	ssyncset.done @!p0 $0x0  }
0x47: {  	[sflag:s0] =	ssyncadd.s32 @!p0 s1  }
0x48: {  	[bflag:$0x3] =	sbarrier.arrive $0xFFFF  }
0x49: {  	_ =	shalt  }

// kernel: kernel.52.cloned.1.call-start
scs
__scs_entry_jumppad:
0x0: {  	(pc) =	sbr.rel $0x88, $3  }
0x1: {  	(tag) =	ssettag $0x0;
	lr =	simm.s32 $0x1  }
0x2: {  	[smem:$0x3F89] =	sst lr;
	_ =	strace $0xD0000000  }
0x3: {  	_ = 	snop  }
0x4: {  	_ = 	snop  }
0x5: {  	_ = 	snop  }
0x6: {  	_ = 	snop  }
0x7: {  	_ = 	snop  }
__scs_overlays_trampoline_lowered:
0x8: {  	[smem:$0x3F98] =	sst s0  }
0x9: {  	[smem:$0x3F99] =	sst s1  }
0xa: {  	[smem:$0x3F9A] =	sst s2  }
0xb: {  	[smem:$0x3F9B] =	sst s3  }
0xc: {  	[smem:$0x3F9C] =	sst s4  }
0xd: {  	[smem:$0x3F9D] =	sst s5  }
0xe: {  	[smem:$0x3F9E] =	sst s6  }
0xf: {  	[smem:$0x3F9F] =	sst s7  }
0x10: {  	[smem:$0x3FA0] =	sst s8  }
0x11: {  	[smem:$0x3FA1] =	sst s9;
	s0 =	simm.s32 @!p0 $0x0  }
0x12: {  	s1 =	sld [smem:$0x3F87];
	s0 =	simm.s32 @p0 $0x1  }
0x13: {  	[smem:$0x3FA2] =	sst s0;
	s0 =	simm.s32 @!p1 $0x0  }
0x14: {  	s2 =	sld [smem:$0x3F86];
	s0 =	simm.s32 @p1 $0x1  }
0x15: {  	[smem:$0x3FA3] =	sst s0;
	s0 =	simm.s32 @!p2 $0x0  }
0x16: {  	s3 =	sld [smem:$0x3FDB];
	s0 =	simm.s32 @p2 $0x1  }
0x17: {  	s4 =	simm.s32 $0x1BF5;
	[smem:$0x3FA5] =	sst s0  }
0x18: {  	s0 =	sld [smem:$0x3F88];
	_ =	swait.ge [sflag:s4], $0x0  }
0x19: {  	s7 =	sld [smem:$0x3F89]  }
0x1a: {  	s8 =	sadd.s32 $0xFFFFE003, lr  }
0x1b: {  	s9 =	sadd.s32 $0xFFFFFEF7, lr;
	s5 =	simm.s32 $0xFFFFFFFF;
	p2 =	slt.u32 s8, $0xFFFFF086  }
0x1c: {  	p1 =	slt.u32 s9, $0xF7A;
	s5 =	simm.s32 @!p2 $0x0  }
0x1d: {  	s5 =	simm.s32 @p1 $0x1;
	p0 =	seq.s32 s7, s2  }
0x1e: {  	s7 =	smul.u32 @!p0 $0xF7A, s2;
	p2 =	seq.s32 @!p0 s5, $0x0  }
0x1f: {  	s9 =	smul.u32 $0xF7A, s1;
	s8 =	simm.s32 @!p0 $0x1BF5;
	p2 =	por !p2, p0  }
0x20: {  	[sflag:s8] =	ssyncset.s32 @!p0 $0xFFFFF086;
	s6 =	sadd.s32 @!p0 s3, s7;
	s7 =	simm.s32 @!p0 $0x108  }
0x21: {  	s3 =	sadd.s32 s3, s9;
	s6 =	sadd.s32 @!p0 $0x88, s6;
	s7 =	simm.s32 @p2 $0x1082  }
0x22: {  	[simem:s7], [sflag:s8] =	dma.local @!p0 [hbm:s6], $0xF7A  }
0x23: {  	s9 =	sor.u32 $0xD0000000, s2;
	s6 =	simm.s32 $0x108;
	_ =	swait.ge @!p0 [sflag:s8], $0x0  }
0x24: {  	s3 =	sadd.s32 $0x88, s3;
	s6 =	simm.s32 @!p1 $0x1082;
	[sflag:s4] =	ssyncset.s32 $0xFFFFF086  }
0x25: {  	[simem:s6], [sflag:s4] =	dma.local [hbm:s3], $0xF7A  }
0x26: {  	[smem:$0x3F89] =	sst s1;
	(tag) =	ssettag s2;
	_ =	strace s9  }
0x27: {  	s1 =	sld [smem:$0x3F99]  }
0x28: {  	s2 =	sld [smem:$0x3F9A]  }
0x29: {  	s4 =	sld [smem:$0x3F9C]  }
0x2a: {  	p0 =	seq.s32 s5, $0x0;
	s5 =	sld [smem:$0x3F9D]  }
0x2b: {  	s6 =	sld [smem:$0x3F9E]  }
0x2c: {  	s7 =	sld [smem:$0x3F9F]  }
0x2d: {  	s3 =	simm.s32 $0x108;
	s8 =	sld [smem:$0x3FA0]  }
0x2e: {  	s3 =	simm.s32 @!p0 $0x1082;
	s9 =	sld [smem:$0x3FA1]  }
0x2f: {  	lr =	sadd.s32 s0, s3;
	s0 =	sld [smem:$0x3F98]  }
0x30: {  	s3 =	sld [smem:$0x3F9B]  }
0x31: {  	[smem:$0x3FA4] =	sst s10  }
0x32: {  	s10 =	sld [smem:$0x3FA2];
	_ =	sdelay $0x3  }
0x33: {  	p0 =	seq.s32 s10, $0x1;
	s10 =	sld [smem:$0x3FA4];
	_ =	sdelay $0x3  }
0x34: {  	[smem:$0x3FA4] =	sst s10  }
0x35: {  	s10 =	sld [smem:$0x3FA3];
	_ =	sdelay $0x3  }
0x36: {  	p1 =	seq.s32 s10, $0x1;
	s10 =	sld [smem:$0x3FA4];
	_ =	sdelay $0x3  }
0x37: {  	[smem:$0x3FA4] =	sst s10  }
0x38: {  	s10 =	sld [smem:$0x3FA5]  }
0x39: {  	_ = 	snop;
	(pc) =	sbr.ind lr, $3  }
0x3a: {  	_ = 	snop  }
0x3b: {  	_ = 	snop  }
0x3c: {  	p2 =	seq.s32 s10, $0x1;
	s10 =	sld [smem:$0x3FA4]  }
0x3d: {  	_ =	shalt  }
0x3e: {  	_ =	shalt  }
0x3f: {  	_ =	shalt  }
0x40: {  	_ =	shalt  }
0x41: {  	_ =	shalt  }
0x42: {  	_ =	shalt  }
0x43: {  	_ =	shalt  }
0x44: {  	_ =	shalt  }
0x45: {  	_ =	shalt  }
0x46: {  	_ =	shalt  }
0x47: {  	_ =	shalt  }
0x48: {  	_ =	shalt  }
0x49: {  	_ =	shalt  }
0x4a: {  	_ =	shalt  }
0x4b: {  	_ =	shalt  }
0x4c: {  	_ =	shalt  }
0x4d: {  	_ =	shalt  }
0x4e: {  	_ =	shalt  }
0x4f: {  	_ =	shalt  }
0x50: {  	_ =	shalt  }
0x51: {  	_ =	shalt  }
0x52: {  	_ =	shalt  }
0x53: {  	_ =	shalt  }
0x54: {  	_ =	shalt  }
0x55: {  	_ =	shalt  }
0x56: {  	_ =	shalt  }
0x57: {  	_ =	shalt  }
0x58: {  	_ =	shalt  }
0x59: {  	_ =	shalt  }
0x5a: {  	_ =	shalt  }
0x5b: {  	_ =	shalt  }
0x5c: {  	_ =	shalt  }
0x5d: {  	_ =	shalt  }
0x5e: {  	_ =	shalt  }
0x5f: {  	_ =	shalt  }
0x60: {  	_ =	shalt  }
0x61: {  	_ =	shalt  }
0x62: {  	_ =	shalt  }
0x63: {  	_ =	shalt  }
0x64: {  	_ =	shalt  }
0x65: {  	_ =	shalt  }
0x66: {  	_ =	shalt  }
0x67: {  	_ =	shalt  }
0x68: {  	_ =	shalt  }
0x69: {  	_ =	shalt  }
0x6a: {  	_ =	shalt  }
0x6b: {  	_ =	shalt  }
0x6c: {  	_ =	shalt  }
0x6d: {  	_ =	shalt  }
0x6e: {  	_ =	shalt  }
0x6f: {  	_ =	shalt  }
0x70: {  	_ =	shalt  }
0x71: {  	_ =	shalt  }
0x72: {  	_ =	shalt  }
0x73: {  	_ =	shalt  }
0x74: {  	_ =	shalt  }
0x75: {  	_ =	shalt  }
0x76: {  	_ =	shalt  }
0x77: {  	_ =	shalt  }
0x78: {  	_ =	shalt  }
0x79: {  	_ =	shalt  }
0x7a: {  	_ =	shalt  }
0x7b: {  	_ =	shalt  }
0x7c: {  	_ =	shalt  }
0x7d: {  	_ =	shalt  }
0x7e: {  	_ =	shalt  }
0x7f: {  	_ =	shalt  }
0x80: {  	_ =	shalt  }
0x81: {  	_ =	shalt  }
0x82: {  	_ =	shalt  }
0x83: {  	_ =	shalt  }
0x84: {  	_ =	shalt  }
0x85: {  	_ =	shalt  }
0x86: {  	_ =	shalt  }
0x87: {  	_ =	shalt  }
.Lfunc_end0:
.L_simem_size_0:
called_computation.8_lowered:
.L_overlay_start_0:
0x88: {  	s2 =	sld [smem:$0x3FD9]  }
0x89: {  	s3 =	sld [smem:$0x3FFE];
	_ =	sdelay $0x1  }
0x8a: {  	s1 =	srdreg.scid  }
0x8b: {  	s0 =	sand.u32 $0x1, s1  }
0x8c: {  	s17 =	sshll.u32 s0, $0xA;
	s2 =	sadd.s32 s3, s2  }
0x8d: {  	s2 =	sadd.s32 s2, s17  }
0x8e: {  	[smem:$0x3FB0] =	sst s2  }
0x8f: {  	_ = 	snop  }
0x90: {  	(tm) =	ssettm $0x1  }
0x91: {  	s18 =	sld [smem:$0x3FFB];
	_ =	sdelay $0x3  }
0x92: {  	_ =	strace s18  }
0x93: {  	s2 =	sld [smem:$0x3FFC];
	_ =	sdelay $0x3  }
0x94: {  	_ =	strace s2  }
0x95: {  	s2 =	sld [smem:$0x3FFD];
	_ =	sdelay $0x3  }
0x96: {  	_ =	strace s2  }
0x97: {  	_ =	strace $0x8FFFFFFF  }
0x98: {  	s19 =	sld [smem:$0x3FDB];
	_ =	sdelay $0x1  }
0x99: {  	s20 =	simm.s32 $_scs_section_size  }
0x9a: {  	s4 =	simm.s32 $_size__tile_overlayer_lowered;
	s5 =	simm.s32 $_tile_overlayer_lowered  }
0x9b: {  	s6 =	simm.s32 $0x1BFF;
	s21 =	sshll.u32 s5, $0x1;
	s3 =	sadd.s32 s20, s19  }
0x9c: {  	s22 =	simm.s32 $0x0;
	s4 =	sshll.u32 s4, $0x1;
	s5 =	sadd.s32 s21, s3  }
0x9d: {  	[timem:s22], [sflag:s6] =	dma.local [hbm:s5], s4  }
0x9e: {  	_ =	swait.ge [sflag:s6], s4  }
0x9f: {  	s4 =	ssub.s32 $0x0, s4;
	[sflag:s6] =	ssyncset.done $0x0  }
0xa0: {  	[sflag:s6] =	ssyncadd.s32 s4;
	_ =	sdelay $0x1  }
0xa1: {  	s23 =	simm.s32 $0x1B8B  }
0xa2: {  	_ =	swait.ge [sflag:s23], $0x1  }
0xa3: {  	[sflag:s23] =	ssyncset.done $0x0  }
0xa4: {  	[sflag:s23] =	ssyncadd.s32 $0xFFFFFFFF  }
0xa5: {  	s4 =	sld [smem:$0x0]  }
0xa6: {  	s5 =	sand.u32 $0xFFFFFFFE, s1  }
0xa7: {  	p0 =	sne.s32 s1, s5  }
0xa8: {  	s5 =	sshll.u32 @p0 s5, $0xE  }
0xa9: {  	s5 =	sadd.s32 @p0 $0x11B8D, s5;
	s6 =	sshll.u32 @p0 s4, $0x11  }
0xaa: {  	s5 =	sor.u32 @p0 s6, s5  }
0xab: {  	[sflag:s5] =	ssyncadd.remote.s32 @p0 $0x1;
	_ =	sdelay $0x1  }
0xac: {  	s5 =	simm.s32 @p0 $0x1B8D  }
0xad: {  	_ =	swait.eq @p0 [sflag:s5], $0x1  }
0xae: {  	[sflag:s5] =	ssyncadd.s32 @p0 $0xFFFFFFFF  }
0xaf: {  	s6 =	sshll.u32 @!p0 s1, $0xE  }
0xb0: {  	s6 =	sor.u32 @!p0 $0x4000, s6;
	s5 =	simm.s32 @!p0 $0x1B8D  }
0xb1: {  	s4 =	sshll.u32 @!p0 s4, $0x11;
	s6 =	sadd.s32 @!p0 $0x11B8D, s6;
	_ =	swait.eq @!p0 [sflag:s5], $0x1  }
0xb2: {  	s4 =	sor.u32 @!p0 s4, s6;
	[sflag:s5] =	ssyncadd.s32 @!p0 $0xFFFFFFFF  }
0xb3: {  	s25 =	simm.s32 $0x1B8E;
	s24 =	sld [smem:$0x3FFE];
	[sflag:s4] =	ssyncadd.remote.s32 @!p0 $0x1  }
0xb4: {  	s26 =	simm.s32 $execute0_lowered;
	[smem:$0x3FD2] =	sst s25  }
0xb5: {  	s5 =	sshll.u32 s26, $0x1;
	_ =	strace $0x8000005B;
	[dreg:$0x1] =	wrdreg $0xFFFFFFFF  }
0xb6: {  	s28 =	simm.s32 $_size_execute0_lowered;
	s3 =	sadd.s32 s3, s5;
	[dreg:$0x0] =	wrdreg $0x0  }
0xb7: {  	s5 =	sshll.u32 s28, $0x1;
	[dreg:$0x2] =	wrdreg s3  }
0xb8: {  	[dreg:$0x3] =	wrdreg s5  }
0xb9: {  	[dreg:$0x4] =	wrdreg $0xC0  }
0xba: {  	_ =	task [dreg:s22], $0x5FFFF  }
0xbb: {  	[dreg:$0x1] =	wrdreg $0xFFFFFFFF  }
0xbc: {  	[dreg:$0x0] =	wrdreg $0x60  }
0xbd: {  	[dreg:$0x2] =	wrdreg s24  }
0xbe: {  	[dreg:$0x3] =	wrdreg $0xA  }
0xbf: {  	_ =	task.clear_ibuf [dreg:s22], $0x4FFFF;
	_ =	strace $0x9000005B  }
0xc0: {  	s29 =	simm.s32 $0xA;
	_ =	strace $0x8000005D  }
0xc1: {  	_ =	swait.ge [sflag:s29], $0x1  }
0xc2: {  	[sflag:s29] =	ssyncadd.s32 $0xFFFFFFFF  }
0xc3: {  	_ =	strace $0x9000005D  }
0xc4: {  	_ =	sfence  }
0xc5: {  	s30 =	sld [smem:$0x0];
	_ =	sdelay $0x2  }
0xc6: {  	s31 =	sshll.u32 s1, $0xD;
	s1 =	sshrl.u32 s1, $0x2  }
0xc7: {  	s4 =	sand.u32 $0x4000, s31;
	s1 =	sadd.s32 s1, s30  }
0xc8: {  	s0 =	sor.u32 s4, s0;
	s1 =	sshll.u32 s1, $0x11  }
0xc9: {  	s0 =	sor.u32 s1, s0  }
0xca: {  	s0 =	sadd.s32 $0x8F2B, s0  }
0xcb: {  	[sflag:s0] =	ssyncadd.remote.s32 $0x1  }
0xcc: {  	_ =	sfence.sel $0xFFFF  }
0xcd: {  	[dreg:$0x0] =	wrdreg $0xFFFFFFFF;
	(pc) =	sbr.abs _section_cstart, $3  }
0xce: {  	[dreg:$0x1] =	wrdreg $0xFFFFFFFF  }
0xcf: {  	_ =	task.clear_ibuf [dreg:s22], $0x2FFFF;
	_ =	strace $0x9FFFFFFF  }
0xd0: {  	(tm) =	ssettm $0x7FFFFFFF  }
0xd1: {  	_ =	shalt  }
tec
execute0_lowered:
.L_overlay_start_1:
0x0: {  	(tag) =	ssettag $0x1  }
0x1: {  	s0 =	srdreg.scid  }
0x2: {  	s5 =	rddreg [dreg:$0x0];
	s1 =	stileid.u32  }
0x3: {  	s2 =	simm.s32 $0x0;
	s10 =	simm.s32 $0x2880;
	s11 =	simm.s32 $0x80  }
0x4: {  	s12 =	simm.s32 $0x5100;
	s13 =	simm.s32 $0x1;
	s4 =	sand.u32 $0x1, s0  }
0x5: {  	s14 =	simm.s32 $0x7100;
	s15 =	simm.s32 $0x0;
	s3 =	sshll.u32 s4, $0x4  }
0x6: {  	s0 =	rddreg [dreg:$0x1];
	s7 =	smul.u32 $0x144000, s4;
	s3 =	sor.u32 s1, s3  }
0x7: {  	[smem:$0x7FF] =	sst s2;
	s4 =	ssub.s32 $0x2, s4;
	s6 =	smul.u32 $0x2880, s3  }
0x8: {  	s9 =	smul.u32 $0x14400, s1;
	_ =	strace $0x8000005C;
	s8 =	sshrl.u32 s4, $0x1  }
0x9: {  	s3 =	sadd.s32 $0x24DA00, s5;
	s7 =	sadd.s32 s7, s5;
	s6 =	sshrl.u32 s6, $0x3  }
0xa: {  	s8 =	ssub.s32 s4, s8;
	s31 =	sadd.s32 s9, s7;
	s6 =	sadd.s32 s6, s5  }
0xb: {  	s9 =	simm.s32 $0x2;
	s7 =	sadd.s32 $0x2AFE00, s31;
	s4 =	sadd.s32 $0x13A00, s6  }
0xc: {  	s5 =	sadd.s32 $0x9800, s6;
	s6 =	smax.u32 s8, $0x1;
	s8 =	sadd.s32 $0x537E00, s31  }
.LBB2_1:
0xd: {  	[tilespmem:s2], [sflag:$0x2] =	stream.linear.gather [hbm4b:s4+s2], $0x2880, $0x38;
	[tilespmem:$0x9100] =	vst v63  }
0xe: {  	_ =	swait.ge [sflag:s9], $0x2880  }
0xf: {  	[sflag:s9] =	ssyncset.done $0x0  }
0x10: {  	[sflag:s9] =	ssyncadd.s32 $0xFFFFD780  }
0x11: {  	[tilespmem:s10], [sflag:$0x2] =	stream.linear.gather [hbm4b:s5+s2], $0x2880, $0x38;
	[tilespmem:$0x9100] =	vst v63  }
0x12: {  	_ =	swait.ge [sflag:s9], $0x2880  }
0x13: {  	[sflag:s9] =	ssyncset.done $0x0  }
0x14: {  	s16 =	simm.s32 $0x0;
	[sflag:s9] =	ssyncadd.s32 $0xFFFFD780  }
0x15: {  	[tilespmem:s12], [sflag:$0x1] =	stream.indirect.gather [hbm4b:s3+s11], $0x40, s16, s11, $0xb8;
	[tilespmem:$0x9100] =	vst v63  }
0x16: {  	_ =	swait.ge [sflag:s13], $0x2000  }
0x17: {  	[sflag:s13] =	ssyncset.done $0x0  }
0x18: {  	[sflag:s13] =	ssyncadd.s32 $0xFFFFE000  }
0x19: {  	[hbm4b:s8+s2] =	stream.linear.scatter [tilespmem:s12], [sflag:$0x2], $0x2000, $0x38;
	[tilespmem:$0x9100] =	vst v63  }
0x1a: {  	_ =	swait.ge [sflag:s9], $0x2000  }
0x1b: {  	[sflag:s9] =	ssyncset.done $0x0  }
0x1c: {  	s31 =	simm.s32 $0x2880;
	[sflag:s9] =	ssyncadd.s32 $0xFFFFE000  }
0x1d: {  	[tilespmem:s14], [sflag:$0x1] =	stream.indirect.gather [hbm4b:s3+s11], $0x40, s31, s11, $0xb8;
	[tilespmem:$0x9100] =	vst v63  }
0x1e: {  	_ =	swait.ge [sflag:s13], $0x2000  }
0x1f: {  	[sflag:s13] =	ssyncset.done $0x0  }
0x20: {  	[sflag:s13] =	ssyncadd.s32 $0xFFFFE000  }
0x21: {  	[hbm4b:s7+s2] =	stream.linear.scatter [tilespmem:s14], [sflag:$0x2], $0x2000, $0x38;
	[tilespmem:$0x9100] =	vst v63  }
0x22: {  	s18 =	simm.s32 $0x200;
	s19 =	simm.s32 $0x400;
	_ =	swait.ge [sflag:s9], $0x2000  }
0x23: {  	s17 =	sadd.s32 $0x400, s8;
	s16 =	sadd.s32 $0x400, s7;
	[sflag:s9] =	ssyncset.done $0x0  }
.LBB2_2:
0x24: {  	s20 =	sshra.s32 s18, $0x2  }
0x25: {  	[sflag:s9] =	ssyncadd.s32 $0xFFFFE000;
	s18 =	smov.u32 s19;
	s21 =	sadd.s32 $0x200, s19  }
0x26: {  	[tilespmem:s12], [sflag:$0x1] =	stream.indirect.gather [hbm4b:s3+s11], $0x40, s20, s11, $0xb8;
	[tilespmem:$0x9100] =	vst v63  }
0x27: {  	p0 =	sne.s32 s19, $0xA000;
	_ =	swait.ge [sflag:s13], $0x2000  }
0x28: {  	[sflag:s13] =	ssyncset.done $0x0  }
0x29: {  	[sflag:s13] =	ssyncadd.s32 $0xFFFFE000  }
0x2a: {  	[hbm4b:s17+s2] =	stream.linear.scatter [tilespmem:s12], [sflag:$0x2], $0x2000, $0x38;
	[tilespmem:$0x9100] =	vst v63  }
0x2b: {  	_ =	swait.ge [sflag:s9], $0x2000  }
0x2c: {  	[sflag:s9] =	ssyncset.done $0x0  }
0x2d: {  	s19 =	sadd.s32 $0x2880, s20;
	[sflag:s9] =	ssyncadd.s32 $0xFFFFE000  }
0x2e: {  	[tilespmem:s14], [sflag:$0x1] =	stream.indirect.gather [hbm4b:s3+s11], $0x40, s19, s11, $0xb8;
	[tilespmem:$0x9100] =	vst v63  }
0x2f: {  	_ =	swait.ge [sflag:s13], $0x2000  }
.Ltmp0:
0x30: {  	[sflag:s13] =	ssyncset.done $0x0;
	(pc) =	sbr.rel @p0 .LBB2_2-.Ltmp0, $4  }
0x31: {  	[sflag:s13] =	ssyncadd.s32 $0xFFFFE000  }
0x32: {  	[hbm4b:s16+s2] =	stream.linear.scatter [tilespmem:s14], [sflag:$0x2], $0x2000, $0x38;
	[tilespmem:$0x9100] =	vst v63  }
0x33: {  	s17 =	sadd.s32 $0x400, s17;
	_ =	swait.ge [sflag:s9], $0x2000  }
0x34: {  	s19 =	smov.u32 s21;
	s16 =	sadd.s32 $0x400, s16;
	[sflag:s9] =	ssyncset.done $0x0  }
0x35: {  	s18 =	sshra.s32 s18, $0x2;
	[sflag:s9] =	ssyncadd.s32 $0xFFFFE000  }
0x36: {  	[tilespmem:s12], [sflag:$0x1] =	stream.indirect.gather [hbm4b:s3+s11], $0x40, s18, s11, $0xb8;
	[tilespmem:$0x9100] =	vst v63  }
0x37: {  	_ =	swait.ge [sflag:s13], $0x2000  }
0x38: {  	[sflag:s13] =	ssyncset.done $0x0  }
0x39: {  	[sflag:s13] =	ssyncadd.s32 $0xFFFFE000  }
0x3a: {  	[hbm4b:s17+s2] =	stream.linear.scatter [tilespmem:s12], [sflag:$0x2], $0x2000, $0x38;
	[tilespmem:$0x9100] =	vst v63  }
0x3b: {  	_ =	swait.ge [sflag:s9], $0x2000  }
0x3c: {  	[sflag:s9] =	ssyncset.done $0x0  }
0x3d: {  	s31 =	sadd.s32 $0x2880, s18;
	[sflag:s9] =	ssyncadd.s32 $0xFFFFE000  }
0x3e: {  	[tilespmem:s14], [sflag:$0x1] =	stream.indirect.gather [hbm4b:s3+s11], $0x40, s31, s11, $0xb8;
	[tilespmem:$0x9100] =	vst v63  }
0x3f: {  	s15 =	sadd.s32 $0x1, s15;
	_ =	swait.ge [sflag:s13], $0x2000  }
0x40: {  	p0 =	sne.s32 s15, s6;
	[sflag:s13] =	ssyncset.done $0x0  }
.Ltmp1:
0x41: {  	[sflag:s13] =	ssyncadd.s32 $0xFFFFE000;
	(pc) =	sbr.rel @p0 .LBB2_1-.Ltmp1, $4  }
0x42: {  	[hbm4b:s16+s2] =	stream.linear.scatter [tilespmem:s14], [sflag:$0x2], $0x2000, $0x38;
	[tilespmem:$0x9100] =	vst v63  }
0x43: {  	_ =	swait.ge [sflag:s9], $0x2000  }
0x44: {  	[sflag:s9] =	ssyncset.done $0x0  }
0x45: {  	[sflag:s9] =	ssyncadd.s32 $0xFFFFE000  }
0x46: {  	_ =	sfence.sel $0x180000  }
0x47: {  	[bflag:$0x0] =	sbarrier.arrive $0xFFFF  }
0x48: {  	p0 =	sne.s32 s1, $0x0;
	_ =	strace $0x9000005C  }
0x49: {  	s0 =	sadd.s32 @!p0 $0x100000, s0;
	[bflag:$0x2] =	sbarrier.arrive $0xFFFF  }
0x4a: {  	[sflag:s0] =	ssyncadd.tile.s32 @!p0 $0x1;
	_ =	shalt  }
.Lfunc_end2:
_tile_overlayer_lowered:
.L_overlay_start_2:
0x4b: {  	(tag) =	ssettag $0x2  }
0x4c: {  	s0 =	rddreg [dreg:$0x0];
	s2 =	stileid.u32  }
0x4d: {  	s1 =	rddreg [dreg:$0x1];
	p0 =	sne.s32 s2, $0x0  }
0x4e: {  	s3 =	rddreg [dreg:$0x2];
	[bflag:$0x3] =	sbarrier.arrive $0xFFFF;
	s2 =	simm.s32 @!p0 $0x1C02  }
0x4f: {  	[timem:s3], [sflag:s2] =	dma.local @!p0 [hbm:s0], s1  }
0x50: {  	s0 =	simm.s32 @!p0 $0x2  }
0x51: {  	_ =	swait.ge @!p0 [sflag:s0], s1  }
0x52: {  	s1 =	ssub.s32 @!p0 $0x0, s1;
	[sflag:s0] =	ssyncset.done @!p0 $0x0  }
0x53: {  	[sflag:s0] =	ssyncadd.s32 @!p0 s1  }
0x54: {  	[bflag:$0x3] =	sbarrier.arrive $0xFFFF  }
0x55: {  	_ =	shalt  }

// kernel: kernel.55.cloned.1.call-start
scs
__scs_entry_jumppad:
0x0: {  	(pc) =	sbr.rel $0x88, $3  }
0x1: {  	(tag) =	ssettag $0x0;
	lr =	simm.s32 $0x1  }
0x2: {  	[smem:$0x3F89] =	sst lr;
	_ =	strace $0xD0000000  }
0x3: {  	_ = 	snop  }
0x4: {  	_ = 	snop  }
0x5: {  	_ = 	snop  }
0x6: {  	_ = 	snop  }
0x7: {  	_ = 	snop  }
__scs_overlays_trampoline_lowered:
0x8: {  	[smem:$0x3F98] =	sst s0  }
0x9: {  	[smem:$0x3F99] =	sst s1  }
0xa: {  	[smem:$0x3F9A] =	sst s2  }
0xb: {  	[smem:$0x3F9B] =	sst s3  }
0xc: {  	[smem:$0x3F9C] =	sst s4  }
0xd: {  	[smem:$0x3F9D] =	sst s5  }
0xe: {  	[smem:$0x3F9E] =	sst s6  }
0xf: {  	[smem:$0x3F9F] =	sst s7  }
0x10: {  	[smem:$0x3FA0] =	sst s8  }
0x11: {  	[smem:$0x3FA1] =	sst s9;
	s0 =	simm.s32 @!p0 $0x0  }
0x12: {  	s1 =	sld [smem:$0x3F87];
	s0 =	simm.s32 @p0 $0x1  }
0x13: {  	[smem:$0x3FA2] =	sst s0;
	s0 =	simm.s32 @!p1 $0x0  }
0x14: {  	s2 =	sld [smem:$0x3F86];
	s0 =	simm.s32 @p1 $0x1  }
0x15: {  	[smem:$0x3FA3] =	sst s0;
	s0 =	simm.s32 @!p2 $0x0  }
0x16: {  	s3 =	sld [smem:$0x3FDB];
	s0 =	simm.s32 @p2 $0x1  }
0x17: {  	s4 =	simm.s32 $0x1BF5;
	[smem:$0x3FA5] =	sst s0  }
0x18: {  	s0 =	sld [smem:$0x3F88];
	_ =	swait.ge [sflag:s4], $0x0  }
0x19: {  	s7 =	sld [smem:$0x3F89]  }
0x1a: {  	s8 =	sadd.s32 $0xFFFFE003, lr  }
0x1b: {  	s9 =	sadd.s32 $0xFFFFFEF7, lr;
	s5 =	simm.s32 $0xFFFFFFFF;
	p2 =	slt.u32 s8, $0xFFFFF086  }
0x1c: {  	p1 =	slt.u32 s9, $0xF7A;
	s5 =	simm.s32 @!p2 $0x0  }
0x1d: {  	s5 =	simm.s32 @p1 $0x1;
	p0 =	seq.s32 s7, s2  }
0x1e: {  	s7 =	smul.u32 @!p0 $0xF7A, s2;
	p2 =	seq.s32 @!p0 s5, $0x0  }
0x1f: {  	s9 =	smul.u32 $0xF7A, s1;
	s8 =	simm.s32 @!p0 $0x1BF5;
	p2 =	por !p2, p0  }
0x20: {  	[sflag:s8] =	ssyncset.s32 @!p0 $0xFFFFF086;
	s6 =	sadd.s32 @!p0 s3, s7;
	s7 =	simm.s32 @!p0 $0x108  }
0x21: {  	s3 =	sadd.s32 s3, s9;
	s6 =	sadd.s32 @!p0 $0x88, s6;
	s7 =	simm.s32 @p2 $0x1082  }
0x22: {  	[simem:s7], [sflag:s8] =	dma.local @!p0 [hbm:s6], $0xF7A  }
0x23: {  	s9 =	sor.u32 $0xD0000000, s2;
	s6 =	simm.s32 $0x108;
	_ =	swait.ge @!p0 [sflag:s8], $0x0  }
0x24: {  	s3 =	sadd.s32 $0x88, s3;
	s6 =	simm.s32 @!p1 $0x1082;
	[sflag:s4] =	ssyncset.s32 $0xFFFFF086  }
0x25: {  	[simem:s6], [sflag:s4] =	dma.local [hbm:s3], $0xF7A  }
0x26: {  	[smem:$0x3F89] =	sst s1;
	(tag) =	ssettag s2;
	_ =	strace s9  }
0x27: {  	s1 =	sld [smem:$0x3F99]  }
0x28: {  	s2 =	sld [smem:$0x3F9A]  }
0x29: {  	s4 =	sld [smem:$0x3F9C]  }
0x2a: {  	p0 =	seq.s32 s5, $0x0;
	s5 =	sld [smem:$0x3F9D]  }
0x2b: {  	s6 =	sld [smem:$0x3F9E]  }
0x2c: {  	s7 =	sld [smem:$0x3F9F]  }
0x2d: {  	s3 =	simm.s32 $0x108;
	s8 =	sld [smem:$0x3FA0]  }
0x2e: {  	s3 =	simm.s32 @!p0 $0x1082;
	s9 =	sld [smem:$0x3FA1]  }
0x2f: {  	lr =	sadd.s32 s0, s3;
	s0 =	sld [smem:$0x3F98]  }
0x30: {  	s3 =	sld [smem:$0x3F9B]  }
0x31: {  	[smem:$0x3FA4] =	sst s10  }
0x32: {  	s10 =	sld [smem:$0x3FA2];
	_ =	sdelay $0x3  }
0x33: {  	p0 =	seq.s32 s10, $0x1;
	s10 =	sld [smem:$0x3FA4];
	_ =	sdelay $0x3  }
0x34: {  	[smem:$0x3FA4] =	sst s10  }
0x35: {  	s10 =	sld [smem:$0x3FA3];
	_ =	sdelay $0x3  }
0x36: {  	p1 =	seq.s32 s10, $0x1;
	s10 =	sld [smem:$0x3FA4];
	_ =	sdelay $0x3  }
0x37: {  	[smem:$0x3FA4] =	sst s10  }
0x38: {  	s10 =	sld [smem:$0x3FA5]  }
0x39: {  	_ = 	snop;
	(pc) =	sbr.ind lr, $3  }
0x3a: {  	_ = 	snop  }
0x3b: {  	_ = 	snop  }
0x3c: {  	p2 =	seq.s32 s10, $0x1;
	s10 =	sld [smem:$0x3FA4]  }
0x3d: {  	_ =	shalt  }
0x3e: {  	_ =	shalt  }
0x3f: {  	_ =	shalt  }
0x40: {  	_ =	shalt  }
0x41: {  	_ =	shalt  }
0x42: {  	_ =	shalt  }
0x43: {  	_ =	shalt  }
0x44: {  	_ =	shalt  }
0x45: {  	_ =	shalt  }
0x46: {  	_ =	shalt  }
0x47: {  	_ =	shalt  }
0x48: {  	_ =	shalt  }
0x49: {  	_ =	shalt  }
0x4a: {  	_ =	shalt  }
0x4b: {  	_ =	shalt  }
0x4c: {  	_ =	shalt  }
0x4d: {  	_ =	shalt  }
0x4e: {  	_ =	shalt  }
0x4f: {  	_ =	shalt  }
0x50: {  	_ =	shalt  }
0x51: {  	_ =	shalt  }
0x52: {  	_ =	shalt  }
0x53: {  	_ =	shalt  }
0x54: {  	_ =	shalt  }
0x55: {  	_ =	shalt  }
0x56: {  	_ =	shalt  }
0x57: {  	_ =	shalt  }
0x58: {  	_ =	shalt  }
0x59: {  	_ =	shalt  }
0x5a: {  	_ =	shalt  }
0x5b: {  	_ =	shalt  }
0x5c: {  	_ =	shalt  }
0x5d: {  	_ =	shalt  }
0x5e: {  	_ =	shalt  }
0x5f: {  	_ =	shalt  }
0x60: {  	_ =	shalt  }
0x61: {  	_ =	shalt  }
0x62: {  	_ =	shalt  }
0x63: {  	_ =	shalt  }
0x64: {  	_ =	shalt  }
0x65: {  	_ =	shalt  }
0x66: {  	_ =	shalt  }
0x67: {  	_ =	shalt  }
0x68: {  	_ =	shalt  }
0x69: {  	_ =	shalt  }
0x6a: {  	_ =	shalt  }
0x6b: {  	_ =	shalt  }
0x6c: {  	_ =	shalt  }
0x6d: {  	_ =	shalt  }
0x6e: {  	_ =	shalt  }
0x6f: {  	_ =	shalt  }
0x70: {  	_ =	shalt  }
0x71: {  	_ =	shalt  }
0x72: {  	_ =	shalt  }
0x73: {  	_ =	shalt  }
0x74: {  	_ =	shalt  }
0x75: {  	_ =	shalt  }
0x76: {  	_ =	shalt  }
0x77: {  	_ =	shalt  }
0x78: {  	_ =	shalt  }
0x79: {  	_ =	shalt  }
0x7a: {  	_ =	shalt  }
0x7b: {  	_ =	shalt  }
0x7c: {  	_ =	shalt  }
0x7d: {  	_ =	shalt  }
0x7e: {  	_ =	shalt  }
0x7f: {  	_ =	shalt  }
0x80: {  	_ =	shalt  }
0x81: {  	_ =	shalt  }
0x82: {  	_ =	shalt  }
0x83: {  	_ =	shalt  }
0x84: {  	_ =	shalt  }
0x85: {  	_ =	shalt  }
0x86: {  	_ =	shalt  }
0x87: {  	_ =	shalt  }
.Lfunc_end0:
.L_simem_size_0:
called_computation.9_lowered:
.L_overlay_start_0:
0x88: {  	s2 =	sld [smem:$0x3FD9]  }
0x89: {  	s3 =	sld [smem:$0x3FFE];
	_ =	sdelay $0x1  }
0x8a: {  	s1 =	srdreg.scid  }
0x8b: {  	s0 =	sand.u32 $0x1, s1  }
0x8c: {  	s17 =	sshll.u32 s0, $0xA;
	s2 =	sadd.s32 s3, s2  }
0x8d: {  	s2 =	sadd.s32 s2, s17  }
0x8e: {  	[smem:$0x3FB0] =	sst s2  }
0x8f: {  	_ = 	snop  }
0x90: {  	(tm) =	ssettm $0x1  }
0x91: {  	s18 =	sld [smem:$0x3FFB];
	_ =	sdelay $0x3  }
0x92: {  	_ =	strace s18  }
0x93: {  	s2 =	sld [smem:$0x3FFC];
	_ =	sdelay $0x3  }
0x94: {  	_ =	strace s2  }
0x95: {  	s2 =	sld [smem:$0x3FFD];
	_ =	sdelay $0x3  }
0x96: {  	_ =	strace s2  }
0x97: {  	_ =	strace $0x8FFFFFFF  }
0x98: {  	s19 =	sld [smem:$0x3FDB];
	_ =	sdelay $0x1  }
0x99: {  	s20 =	simm.s32 $_scs_section_size  }
0x9a: {  	s4 =	simm.s32 $_size__tile_overlayer_lowered;
	s5 =	simm.s32 $_tile_overlayer_lowered  }
0x9b: {  	s6 =	simm.s32 $0x1BFF;
	s21 =	sshll.u32 s5, $0x1;
	s3 =	sadd.s32 s20, s19  }
0x9c: {  	s22 =	simm.s32 $0x0;
	s4 =	sshll.u32 s4, $0x1;
	s5 =	sadd.s32 s21, s3  }
0x9d: {  	[timem:s22], [sflag:s6] =	dma.local [hbm:s5], s4  }
0x9e: {  	_ =	swait.ge [sflag:s6], s4  }
0x9f: {  	s4 =	ssub.s32 $0x0, s4;
	[sflag:s6] =	ssyncset.done $0x0  }
0xa0: {  	[sflag:s6] =	ssyncadd.s32 s4;
	_ =	sdelay $0x1  }
0xa1: {  	s23 =	simm.s32 $0x1B8B  }
0xa2: {  	_ =	swait.ge [sflag:s23], $0x1  }
0xa3: {  	[sflag:s23] =	ssyncset.done $0x0  }
0xa4: {  	[sflag:s23] =	ssyncadd.s32 $0xFFFFFFFF  }
0xa5: {  	s4 =	sld [smem:$0x0]  }
0xa6: {  	s5 =	sand.u32 $0xFFFFFFFE, s1  }
0xa7: {  	p0 =	sne.s32 s1, s5  }
0xa8: {  	s5 =	sshll.u32 @p0 s5, $0xE  }
0xa9: {  	s5 =	sadd.s32 @p0 $0x11B8D, s5;
	s6 =	sshll.u32 @p0 s4, $0x11  }
0xaa: {  	s5 =	sor.u32 @p0 s6, s5  }
0xab: {  	[sflag:s5] =	ssyncadd.remote.s32 @p0 $0x1;
	_ =	sdelay $0x1  }
0xac: {  	s5 =	simm.s32 @p0 $0x1B8D  }
0xad: {  	_ =	swait.eq @p0 [sflag:s5], $0x1  }
0xae: {  	[sflag:s5] =	ssyncadd.s32 @p0 $0xFFFFFFFF  }
0xaf: {  	s6 =	sshll.u32 @!p0 s1, $0xE  }
0xb0: {  	s6 =	sor.u32 @!p0 $0x4000, s6;
	s5 =	simm.s32 @!p0 $0x1B8D  }
0xb1: {  	s4 =	sshll.u32 @!p0 s4, $0x11;
	s6 =	sadd.s32 @!p0 $0x11B8D, s6;
	_ =	swait.eq @!p0 [sflag:s5], $0x1  }
0xb2: {  	s4 =	sor.u32 @!p0 s4, s6;
	[sflag:s5] =	ssyncadd.s32 @!p0 $0xFFFFFFFF  }
0xb3: {  	s25 =	simm.s32 $0x1B8E;
	s24 =	sld [smem:$0x3FFE];
	[sflag:s4] =	ssyncadd.remote.s32 @!p0 $0x1  }
0xb4: {  	s26 =	simm.s32 $execute0_lowered;
	[smem:$0x3FD2] =	sst s25  }
0xb5: {  	s5 =	sshll.u32 s26, $0x1;
	_ =	strace $0x80000061;
	[dreg:$0x1] =	wrdreg $0xFFFFFFFF  }
0xb6: {  	s28 =	simm.s32 $_size_execute0_lowered;
	s3 =	sadd.s32 s3, s5;
	[dreg:$0x0] =	wrdreg $0x0  }
0xb7: {  	s5 =	sshll.u32 s28, $0x1;
	[dreg:$0x2] =	wrdreg s3  }
0xb8: {  	[dreg:$0x3] =	wrdreg s5  }
0xb9: {  	[dreg:$0x4] =	wrdreg $0xC0  }
0xba: {  	_ =	task [dreg:s22], $0x5FFFF  }
0xbb: {  	[dreg:$0x1] =	wrdreg $0xFFFFFFFF  }
0xbc: {  	[dreg:$0x0] =	wrdreg $0x60  }
0xbd: {  	[dreg:$0x2] =	wrdreg s24  }
0xbe: {  	[dreg:$0x3] =	wrdreg $0x79000  }
0xbf: {  	[dreg:$0x4] =	wrdreg $0xA  }
0xc0: {  	_ =	task.clear_ibuf [dreg:s22], $0x5FFFF;
	_ =	strace $0x90000061  }
0xc1: {  	s29 =	simm.s32 $0xA;
	_ =	strace $0x80000063  }
0xc2: {  	_ =	swait.ge [sflag:s29], $0x1  }
0xc3: {  	[sflag:s29] =	ssyncadd.s32 $0xFFFFFFFF  }
0xc4: {  	_ =	strace $0x90000063  }
0xc5: {  	_ =	sfence  }
0xc6: {  	s30 =	sld [smem:$0x0];
	_ =	sdelay $0x2  }
0xc7: {  	s31 =	sshll.u32 s1, $0xD;
	s1 =	sshrl.u32 s1, $0x2  }
0xc8: {  	s4 =	sand.u32 $0x4000, s31;
	s1 =	sadd.s32 s1, s30  }
0xc9: {  	s0 =	sor.u32 s4, s0;
	s1 =	sshll.u32 s1, $0x11  }
0xca: {  	s0 =	sor.u32 s1, s0  }
0xcb: {  	s0 =	sadd.s32 $0x8F2B, s0  }
0xcc: {  	[sflag:s0] =	ssyncadd.remote.s32 $0x1  }
0xcd: {  	_ =	sfence.sel $0xFFFF  }
0xce: {  	[dreg:$0x0] =	wrdreg $0xFFFFFFFF;
	(pc) =	sbr.abs _section_cstart, $3  }
0xcf: {  	[dreg:$0x1] =	wrdreg $0xFFFFFFFF  }
0xd0: {  	_ =	task.clear_ibuf [dreg:s22], $0x2FFFF;
	_ =	strace $0x9FFFFFFF  }
0xd1: {  	(tm) =	ssettm $0x7FFFFFFF  }
tec
execute0_lowered:
.L_overlay_start_1:
0x0: {  	(tag) =	ssettag $0x1  }
0x1: {  	s5 =	rddreg [dreg:$0x0]  }
0x2: {  	s1 =	rddreg [dreg:$0x1]  }
0x3: {  	s2 =	srdreg.scid;
	s0 =	rddreg [dreg:$0x2];
	s3 =	simm.s32 $0x0  }
0x4: {  	s13 =	simm.s32 $0x80;
	s14 =	simm.s32 $0x5100;
	s15 =	simm.s32 $0x1  }
0x5: {  	s6 =	sand.u32 $0x1, s2;
	[smem:$0x7FF] =	sst s3;
	s2 =	stileid.u32  }
0x6: {  	s4 =	sshll.u32 s6, $0x4;
	_ =	strace $0x80000062;
	s8 =	smul.u32 $0xC580, s2  }
0x7: {  	s9 =	smul.u32 $0x18B00, s6;
	s6 =	ssub.s32 $0x2, s6;
	s31 =	sshll.u32 s2, $0x6  }
0x8: {  	s7 =	sor.u32 s2, s4;
	s4 =	sadd.s32 $0x7BFE00, s5;
	s11 =	sshrl.u32 s6, $0x1  }
0x9: {  	s7 =	smul.u32 $0x510, s7;
	s16 =	sshrl.u32 s8, $0x3;
	s9 =	sadd.s32 s9, s5  }
0xa: {  	s11 =	ssub.s32 s6, s11;
	s12 =	sadd.s32 s8, s1;
	s6 =	sor.u32 $0x1C02, s31  }
0xb: {  	s30 =	sadd.s32 s16, s5;
	s17 =	sadd.s32 $0x94400, s9;
	s9 =	smax.u32 s11, $0x1  }
0xc: {  	s11 =	simm.s32 $0x2;
	s10 =	sadd.s32 s7, s5;
	s5 =	sadd.s32 $0x288600, s30  }
0xd: {  	s16 =	sadd.s32 s16, s17;
	s17 =	simm.s32 $0x0;
	s7 =	sadd.s32 $0x2A5C00, s10  }
0xe: {  	s8 =	sadd.s32 $0x9800, s10;
	s10 =	sshrl.u32 s12, $0x3;
	s12 =	simm.s32 $0x2880  }
.LBB2_1:
0xf: {  	[spmem:s10], [sflag:s6] =	dma.local [hbm:s5], $0x18B0  }
0x10: {  	_ =	swait.ge [sflag:s11], $0x18B0  }
0x11: {  	[sflag:s11] =	ssyncset.done $0x0  }
0x12: {  	[sflag:s11] =	ssyncadd.s32 $0xFFFFE750  }
0x13: {  	[tilespmem:s3], [sflag:$0x2] =	stream.linear.gather [hbm4b:s7+s3], $0x2880, $0x38;
	[tilespmem:$0x13E80] =	vst v63  }
0x14: {  	_ =	swait.ge [sflag:s11], $0x2880  }
0x15: {  	[sflag:s11] =	ssyncset.done $0x0  }
0x16: {  	[sflag:s11] =	ssyncadd.s32 $0xFFFFD780  }
0x17: {  	[tilespmem:s12], [sflag:$0x2] =	stream.linear.gather [hbm4b:s8+s3], $0x2880, $0x38;
	[tilespmem:$0x13E80] =	vst v63  }
0x18: {  	_ =	swait.ge [sflag:s11], $0x2880  }
0x19: {  	[sflag:s11] =	ssyncset.done $0x0  }
0x1a: {  	[sflag:s11] =	ssyncadd.s32 $0xFFFFD780  }
0x1b: {  	s18 =	simm.s32 $0x0;
	[bflag:$0x0] =	sbarrier.arrive $0xFFFF  }
0x1c: {  	[tilespmem:s14], [sflag:$0x1] =	stream.indirect.gather [hbm4b:s4+s13], $0x50, s18, s13, $0xb8;
	[tilespmem:$0x13E80] =	vst v63  }
0x1d: {  	_ =	swait.ge [sflag:s15], $0x2800  }
0x1e: {  	[sflag:s15] =	ssyncset.done $0x0  }
0x1f: {  	s31 =	simm.s32 $0x2880;
	[sflag:s15] =	ssyncadd.s32 $0xFFFFD800  }
0x20: {  	[spmem:s1] =	stream.indirect.scatter.add.f32 [tilespmem:s14], [sflag:$0x2], $0x50, s31, s13, $0xb8;
	[tilespmem:$0x13E80] =	vst v63  }
0x21: {  	_ =	swait.ge [sflag:s11], $0x2800  }
0x22: {  	s19 =	simm.s32 $0x400;
	s18 =	simm.s32 $0x200;
	[sflag:s11] =	ssyncset.done $0x0  }
.LBB2_2:
0x23: {  	s20 =	sshra.s32 s18, $0x2  }
0x24: {  	[sflag:s11] =	ssyncadd.s32 $0xFFFFD800;
	s18 =	smov.u32 s19;
	s21 =	sadd.s32 $0x200, s19  }
0x25: {  	[tilespmem:s14], [sflag:$0x1] =	stream.indirect.gather [hbm4b:s4+s13], $0x50, s20, s13, $0xb8;
	[tilespmem:$0x13E80] =	vst v63  }
0x26: {  	p0 =	sne.s32 s19, $0xA000;
	_ =	swait.ge [sflag:s15], $0x2800  }
.Ltmp0:
0x27: {  	[sflag:s15] =	ssyncset.done $0x0;
	(pc) =	sbr.rel @p0 .LBB2_2-.Ltmp0, $4  }
0x28: {  	s19 =	sadd.s32 $0x2880, s20;
	[sflag:s15] =	ssyncadd.s32 $0xFFFFD800  }
0x29: {  	[spmem:s1] =	stream.indirect.scatter.add.f32 [tilespmem:s14], [sflag:$0x2], $0x50, s19, s13, $0xb8;
	[tilespmem:$0x13E80] =	vst v63  }
0x2a: {  	_ =	swait.ge [sflag:s11], $0x2800  }
0x2b: {  	s19 =	smov.u32 s21;
	[sflag:s11] =	ssyncset.done $0x0  }
0x2c: {  	s18 =	sshra.s32 s18, $0x2;
	[sflag:s11] =	ssyncadd.s32 $0xFFFFD800  }
0x2d: {  	[tilespmem:s14], [sflag:$0x1] =	stream.indirect.gather [hbm4b:s4+s13], $0x50, s18, s13, $0xb8;
	[tilespmem:$0x13E80] =	vst v63  }
0x2e: {  	_ =	swait.ge [sflag:s15], $0x2800  }
0x2f: {  	[sflag:s15] =	ssyncset.done $0x0  }
0x30: {  	s18 =	sadd.s32 $0x2880, s18;
	[sflag:s15] =	ssyncadd.s32 $0xFFFFD800  }
0x31: {  	[spmem:s1] =	stream.indirect.scatter.add.f32 [tilespmem:s14], [sflag:$0x2], $0x50, s18, s13, $0xb8;
	[tilespmem:$0x13E80] =	vst v63  }
0x32: {  	_ =	swait.ge [sflag:s11], $0x2800  }
0x33: {  	s17 =	sadd.s32 $0x1, s17;
	[sflag:s11] =	ssyncset.done $0x0  }
0x34: {  	p0 =	sne.s32 s17, s9;
	[sflag:s11] =	ssyncadd.s32 $0xFFFFD800  }
.Ltmp1:
0x35: {  	[bflag:$0x0] =	sbarrier.arrive $0xFFFF;
	(pc) =	sbr.rel @p0 .LBB2_1-.Ltmp1, $4  }
0x36: {  	[hbm:s16], [sflag:s6] =	dma.local [spmem:s10], $0x18B0  }
0x37: {  	_ =	swait.ge [sflag:s11], $0x18B0  }
0x38: {  	[sflag:s11] =	ssyncset.done $0x0  }
0x39: {  	[sflag:s11] =	ssyncadd.s32 $0xFFFFE750  }
0x3a: {  	_ =	sfence.sel $0x180000  }
0x3b: {  	[bflag:$0x0] =	sbarrier.arrive $0xFFFF  }
0x3c: {  	p0 =	sne.s32 s2, $0x0;
	_ =	strace $0x90000062  }
0x3d: {  	s0 =	sadd.s32 @!p0 $0x100000, s0;
	[bflag:$0x2] =	sbarrier.arrive $0xFFFF  }
0x3e: {  	[sflag:s0] =	ssyncadd.tile.s32 @!p0 $0x1;
	_ =	shalt  }
.Lfunc_end2:
_tile_overlayer_lowered:
.L_overlay_start_2:
0x3f: {  	(tag) =	ssettag $0x2  }
0x40: {  	s0 =	rddreg [dreg:$0x0];
	s2 =	stileid.u32  }
0x41: {  	s1 =	rddreg [dreg:$0x1];
	p0 =	sne.s32 s2, $0x0  }
0x42: {  	s3 =	rddreg [dreg:$0x2];
	[bflag:$0x3] =	sbarrier.arrive $0xFFFF;
	s2 =	simm.s32 @!p0 $0x1C02  }
0x43: {  	[timem:s3], [sflag:s2] =	dma.local @!p0 [hbm:s0], s1  }
0x44: {  	s0 =	simm.s32 @!p0 $0x2  }
0x45: {  	_ =	swait.ge @!p0 [sflag:s0], s1  }
0x46: {  	s1 =	ssub.s32 @!p0 $0x0, s1;
	[sflag:s0] =	ssyncset.done @!p0 $0x0  }
0x47: {  	[sflag:s0] =	ssyncadd.s32 @!p0 s1  }
0x48: {  	[bflag:$0x3] =	sbarrier.arrive $0xFFFF  }
0x49: {  	_ =	shalt  }

</sc_bundles>
